<compile_context>
chip_gen: v7x
topology: tpu7x:2x2x1
jax: 0.10.2.dev20260603
libtpu: 0.0.44.dev20260713+nightly
codegen_flags: <defaults>
</compile_context>

<pallas_src>
import jax
import jax.numpy as jnp
from jax import lax
from jax.experimental import pallas as pl
from jax.experimental.pallas import tpu as pltpu
from jax.experimental.pallas import tpu_sc as plsc

IN_SIZE = 65536
OUT_SIZE = 65536
J = 16
B = 16
L = 16
NC = 2
NS = 16
NW = NC * NS
O_PER_W = OUT_SIZE // NW
GC = 64
NGC = O_PER_W // GC
OC = 128
HALF = O_PER_W // 2
NPAD = 2048
SENT = IN_SIZE


def _body(codes_hbm, xt_hbm, w_hbm, out_hbm,
          winner, cbuf, xtg, wg, out_buf, sems):
    cid = lax.axis_index("c")
    sid = lax.axis_index("s")
    wid = sid * NC + cid
    lo = wid * O_PER_W
    iota = lax.iota(jnp.int32, L)

    for half in range(2):
        pltpu.sync_copy(
            codes_hbm.at[:, pl.ds(lo + half * HALF, HALF)], cbuf)

        @pl.loop(0, HALF // L, unroll=4)
        def _conv(t):
            o0 = t * L
            for j in range(J):
                c = cbuf[j, pl.ds(o0, L)]
                idx = c.astype(jnp.int32) - 1
                sent = SENT + ((wid * 64 + o0 + iota + j) & (NPAD - 1))
                idx = jnp.where(c == 0.0, sent, idx)
                base = (half * HALF + o0 + iota) * J + j
                plsc.store_scatter(winner, [base], idx)

    def start(c, buf):
        off = c * GC * J
        idx = winner.at[pl.ds(off, GC * J)]
        pltpu.async_copy(xt_hbm.at[idx], xtg.at[buf], sems.at[buf, 0])
        pltpu.async_copy(w_hbm.at[idx], wg.at[buf], sems.at[buf, 1])

    def wait(c, buf):
        off = c * GC * J
        idx = winner.at[pl.ds(off, GC * J)]
        pltpu.make_async_copy(xt_hbm.at[idx], xtg.at[buf],
                              sems.at[buf, 0]).wait()
        pltpu.make_async_copy(w_hbm.at[idx], wg.at[buf],
                              sems.at[buf, 1]).wait()

    start(0, 0)

    @pl.loop(0, NGC // 2)
    def _opair(t):
        for phase in range(2):
            c = t * 2 + phase
            buf = phase
            wait(c, buf)

            @pl.when(c + 1 < NGC)
            def _prefetch():
                start(c + 1, 1 - buf)

            @pl.loop(0, GC)
            def _out(oo):
                row0 = oo * J
                acc = jnp.zeros((L,), jnp.float32)
                for j in range(J):
                    acc = acc + wg[buf, row0 + j][j] * xtg[buf, row0 + j]
                col = jnp.full((L,), phase * GC + oo, jnp.int32)
                plsc.store_scatter(out_buf, [iota, col], acc)

        pltpu.sync_copy(out_buf, out_hbm.at[:, pl.ds(lo + t * OC, OC)])


@jax.jit
def _densparse_sc(codes3, xt_pad, w_pad):
    mesh = plsc.VectorSubcoreMesh(core_axis_name="c", subcore_axis_name="s",
                                  num_cores=NC, num_subcores=NS)
    return pl.kernel(
        _body,
        out_type=jax.ShapeDtypeStruct((B, OUT_SIZE), jnp.float32),
        mesh=mesh,
        compiler_params=pltpu.CompilerParams(needs_layout_passes=False,
                                             use_tc_tiling_on_sc=False),
        scratch_types=[
            pltpu.VMEM((O_PER_W * J,), jnp.int32),
            pltpu.VMEM((J, HALF), jnp.float32),
            pltpu.VMEM((2, GC * J, B), jnp.float32),
            pltpu.VMEM((2, GC * J, J), jnp.float32),
            pltpu.VMEM((B, OC), jnp.float32),
            pltpu.SemaphoreType.DMA((2, 2)),
        ],
    )(codes3, xt_pad, w_pad)


def kernel(x, forward_weights, input_mapping):
    enc = jnp.broadcast_to(
        (jnp.arange(IN_SIZE, dtype=jnp.float32) + 1.0)[:, None, None],
        (IN_SIZE, J, B))
    working = jnp.zeros((max(IN_SIZE, OUT_SIZE), J, B), dtype=jnp.float32)
    idx0 = input_mapping[:, :, None]
    idx1 = jnp.arange(J, dtype=input_mapping.dtype)[None, :, None]
    idx2 = jnp.arange(B, dtype=input_mapping.dtype)[None, None, :]
    working = working.at[idx0, idx1, idx2].set(enc)
    codes3 = jnp.transpose(working[:OUT_SIZE], (1, 2, 0))
    codes_b0 = codes3[:, 0, :]

    xt = jnp.transpose(x)
    xt_pad = jnp.concatenate(
        [xt, jnp.zeros((NPAD, B), jnp.float32)], axis=0)
    w_pad = jnp.concatenate(
        [forward_weights, jnp.zeros((NPAD, J), jnp.float32)], axis=0)
    return _densparse_sc(codes_b0, xt_pad, w_pad)

# --- scband reference (transcript-rebuilt; emitter-appended) ---
"""Pipeline reference for scband-den-sparse-matrix-80049600463346 (READ-ONLY COPY).

The authoritative reference and input builder live on the scoring server;
editing this copy changes nothing except your own understanding.
"""

import jax, jax.numpy as jnp
import numpy as np

INPUT_SIZE = 65536
OUTPUT_SIZE = 65536
MAPPING_WIDTH = 16
BATCH = 16


def setup_inputs(seed: int = 0) -> dict:
    key = jax.random.key(seed)
    k1, k2, k3 = jax.random.split(key, 3)
    x = jax.random.normal(k1, (BATCH, INPUT_SIZE), dtype=jnp.float32)
    forward_weights = jax.random.normal(k2, (INPUT_SIZE, MAPPING_WIDTH), dtype=jnp.float32) * 0.02
    input_mapping = jax.random.randint(k3, (INPUT_SIZE, MAPPING_WIDTH), 0, OUTPUT_SIZE, dtype=jnp.int64)
    return {"x": x, "forward_weights": forward_weights, "input_mapping": input_mapping}


def reference(x, forward_weights, input_mapping):
    # Faithful translation of DenSparseMatrix._multiply_matrix (batch > 1 path).
    B = x.shape[0]
    in_size, width = forward_weights.shape
    out_size = OUTPUT_SIZE
    max_size = max(in_size, out_size)
    # working[:in, :, :B] = W.unsqueeze(2) * x.t().unsqueeze(1)
    vals = forward_weights[:, :, None] * jnp.transpose(x)[:, None, :]  # (in_size, width, B)
    # scatter-overwrite along dim 0 into a zeroed working region
    working = jnp.zeros((max_size, width, B), dtype=x.dtype)
    idx0 = input_mapping[:, :, None]
    idx1 = jnp.arange(width, dtype=input_mapping.dtype)[None, :, None]
    idx2 = jnp.arange(B, dtype=input_mapping.dtype)[None, None, :]
    working = working.at[idx0, idx1, idx2].set(vals)
    # result = working[:out_size].sum(dim=1) -> (out_size, B), then transpose
    result = working[:out_size].sum(axis=1)
    return jnp.transpose(result)  # (B, out_size)

if __name__ == "__main__":
    import jax
    _d = setup_inputs()
    print(jax.jit(kernel)(*tuple(_d.values())))

</pallas_src>

<mosaic_0001>
#map = affine_map<(d0, d1) -> (0, 0)>
module attributes {stable_mosaic.version = 14 : i64} {
  func.func @_body(%arg0: i32, %arg1: i32, %arg2: memref<16x65536xf32, #tpu.memory_space<hbm>>, %arg3: memref<67584x16xf32, #tpu.memory_space<hbm>>, %arg4: memref<67584x16xf32, #tpu.memory_space<hbm>>, %arg5: memref<16x65536xf32, #tpu.memory_space<hbm>>, %arg6: memref<32768xi32, #tpu.memory_space<vmem>>, %arg7: memref<16x1024xf32, #tpu.memory_space<vmem>>, %arg8: memref<2x1024x16xf32, #tpu.memory_space<vmem>>, %arg9: memref<2x1024x16xf32, #tpu.memory_space<vmem>>, %arg10: memref<16x128xf32, #tpu.memory_space<vmem>>, %arg11: memref<2x2x!tpu.dma_semaphore, #tpu.memory_space<semaphore_mem>>) attributes {dimension_semantics = [#tpu.dimension_semantics<core_parallel>, #tpu.dimension_semantics<subcore_parallel>], iteration_bounds = array<i64: 2, 16>, scalar_prefetch = 0 : i64, scratch_operands = 6 : i64, tpu.core_type = #tpu.core_type<sc_vector_subcore>, window_params = [{transform_indices = #map}, {transform_indices = #map}, {transform_indices = #map}, {transform_indices = #map}]} {
    %mul3A = arith.constant 2 : i32
    %mul3A_0 = arith.muli %arg1, %mul3A : i32
    %add3A = arith.addi %mul3A_0, %arg0 : i32
    %mul3A_1 = arith.constant 2048 : i32
    %mul3A_2 = arith.muli %add3A, %mul3A_1 : i32
    %iota3A = tpu.iota {dimensions = array<i32: 0>} : vector<16xi32>
    %add3A_3 = arith.constant 0 : i32
    %add3A_4 = arith.addi %mul3A_2, %add3A_3 : i32
    "tpu.region"() ({
      %run_scoped3A = tpu.sem_alloc : memref<!tpu.dma_semaphore, #tpu.memory_space<semaphore_mem>>
      %dma_start3A_48 = arith.constant 0 : i32
      %dma_start3A_49 = tpu.memref_slice %arg2[%dma_start3A_48, %add3A_4] : memref<16x65536xf32, #tpu.memory_space<hbm>> -> memref<16x1024xf32, #tpu.memory_space<hbm>>
      %dma_start3A_50 = arith.constant 0 : i32
      %dma_start3A_51 = tpu.memref_slice %arg2[%dma_start3A_50, %add3A_4] : memref<16x65536xf32, #tpu.memory_space<hbm>> -> memref<16x1024xf32, #tpu.memory_space<hbm>>
      tpu.enqueue_dma source(%dma_start3A_51 : memref<16x1024xf32, #tpu.memory_space<hbm>>) target(%arg7 : memref<16x1024xf32, #tpu.memory_space<vmem>>) target_semaphore(%run_scoped3A : memref<!tpu.dma_semaphore, #tpu.memory_space<semaphore_mem>>)
      %dma_wait3A = arith.constant 0 : i32
      %dma_wait3A_52 = tpu.memref_slice %arg2[%dma_wait3A, %add3A_4] : memref<16x65536xf32, #tpu.memory_space<hbm>> -> memref<16x1024xf32, #tpu.memory_space<hbm>>
      %dma_wait3A_53 = arith.constant 0 : i32
      %dma_wait3A_54 = tpu.memref_slice %arg2[%dma_wait3A_53, %add3A_4] : memref<16x65536xf32, #tpu.memory_space<hbm>> -> memref<16x1024xf32, #tpu.memory_space<hbm>>
      tpu.wait_dma2 semaphore(%run_scoped3A : memref<!tpu.dma_semaphore, #tpu.memory_space<semaphore_mem>>) src(%dma_wait3A_54 : memref<16x1024xf32, #tpu.memory_space<hbm>>) dst(%arg7 : memref<16x1024xf32, #tpu.memory_space<vmem>>)
      tpu.yield
    }) : () -> ()
    %scan3A = arith.constant 0 : i32
    %scan3A_5 = arith.constant 64 : i32
    %scan3A_6 = arith.addi %scan3A, %scan3A_5 : i32
    %scan3A_7 = arith.constant 4 : i32
    scf.for %scan3A_48 = %scan3A to %scan3A_6 step %scan3A_7  : i32 {
      %mul3A_49 = arith.constant 1 : i32
      %mul3A_50 = arith.muli %scan3A_48, %mul3A_49 : i32
      %add3A_51 = arith.constant 0 : i32
      %add3A_52 = arith.addi %add3A_51, %mul3A_50 : i32
      %mul3A_53 = arith.constant 16 : i32
      %mul3A_54 = arith.muli %add3A_52, %mul3A_53 : i32
      %get3A = arith.constant 0 : i32
      %get3A_55 = arith.index_cast %get3A : i32 to index
      %get3A_56 = arith.index_cast %mul3A_54 : i32 to index
      %get3A_57 = tpu.vector_load %arg7[%get3A_55, %get3A_56] {strides = array<i32>} : memref<16x1024xf32, #tpu.memory_space<vmem>>, vector<16xf32>,
      %convert_element_type3A = arith.fptosi %get3A_57 : vector<16xf32> to vector<16xi32>
      %sub3A = arith.constant 1 : i32
      %sub3A_58 = vector.broadcast %sub3A : i32 to vector<16xi32>
      %sub3A_59 = arith.subi %convert_element_type3A, %sub3A_58 : vector<16xi32>
      %mul3A_60 = arith.constant 64 : i32
      %mul3A_61 = arith.muli %add3A, %mul3A_60 : i32
      %add3A_62 = arith.addi %mul3A_61, %mul3A_54 : i32
      %add3A_63 = vector.broadcast %add3A_62 : i32 to vector<16xi32>
      %add3A_64 = arith.addi %add3A_63, %iota3A : vector<16xi32>
      %add3A_65 = arith.constant 0 : i32
      %add3A_66 = vector.broadcast %add3A_65 : i32 to vector<16xi32>
      %add3A_67 = arith.addi %add3A_64, %add3A_66 : vector<16xi32>
      %and3A = arith.constant 2047 : i32
      %and3A_68 = vector.broadcast %and3A : i32 to vector<16xi32>
      %and3A_69 = arith.andi %add3A_67, %and3A_68 : vector<16xi32>
      %add3A_70 = arith.constant 65536 : i32
      %add3A_71 = vector.broadcast %add3A_70 : i32 to vector<16xi32>
      %add3A_72 = arith.addi %add3A_71, %and3A_69 : vector<16xi32>
      %eq3A = arith.constant 0.000000e+00 : f32
      %eq3A_73 = vector.broadcast %eq3A : f32 to vector<16xf32>
      %eq3A_74 = arith.cmpf oeq, %get3A_57, %eq3A_73 : vector<16xf32>
      %select_n3A = arith.select %eq3A_74, %add3A_72, %sub3A_59 : vector<16xi1>, vector<16xi32>
      %add3A_75 = arith.constant 0 : i32
      %add3A_76 = arith.addi %add3A_75, %mul3A_54 : i32
      %add3A_77 = vector.broadcast %add3A_76 : i32 to vector<16xi32>
      %add3A_78 = arith.addi %add3A_77, %iota3A : vector<16xi32>
      %mul3A_79 = arith.constant 16 : i32
      %mul3A_80 = vector.broadcast %mul3A_79 : i32 to vector<16xi32>
      %mul3A_81 = arith.muli %add3A_78, %mul3A_80 : vector<16xi32>
      %add3A_82 = arith.constant 0 : i32
      %add3A_83 = vector.broadcast %add3A_82 : i32 to vector<16xi32>
      %add3A_84 = arith.addi %mul3A_81, %add3A_83 : vector<16xi32>
      tpu.vector_store_idx %arg6[%add3A_84], %select_n3A : memref<32768xi32, #tpu.memory_space<vmem>>[vector<16xi32>], vector<16xi32>,
      %get3A_85 = arith.constant 1 : i32
      %get3A_86 = arith.index_cast %get3A_85 : i32 to index
      %get3A_87 = arith.index_cast %mul3A_54 : i32 to index
      %get3A_88 = tpu.vector_load %arg7[%get3A_86, %get3A_87] {strides = array<i32>} : memref<16x1024xf32, #tpu.memory_space<vmem>>, vector<16xf32>,
      %convert_element_type3A_89 = arith.fptosi %get3A_88 : vector<16xf32> to vector<16xi32>
      %sub3A_90 = arith.constant 1 : i32
      %sub3A_91 = vector.broadcast %sub3A_90 : i32 to vector<16xi32>
      %sub3A_92 = arith.subi %convert_element_type3A_89, %sub3A_91 : vector<16xi32>
      %mul3A_93 = arith.constant 64 : i32
      %mul3A_94 = arith.muli %add3A, %mul3A_93 : i32
      %add3A_95 = arith.addi %mul3A_94, %mul3A_54 : i32
      %add3A_96 = vector.broadcast %add3A_95 : i32 to vector<16xi32>
      %add3A_97 = arith.addi %add3A_96, %iota3A : vector<16xi32>
      %add3A_98 = arith.constant 1 : i32
      %add3A_99 = vector.broadcast %add3A_98 : i32 to vector<16xi32>
      %add3A_100 = arith.addi %add3A_97, %add3A_99 : vector<16xi32>
      %and3A_101 = arith.constant 2047 : i32
      %and3A_102 = vector.broadcast %and3A_101 : i32 to vector<16xi32>
      %and3A_103 = arith.andi %add3A_100, %and3A_102 : vector<16xi32>
      %add3A_104 = arith.constant 65536 : i32
      %add3A_105 = vector.broadcast %add3A_104 : i32 to vector<16xi32>
      %add3A_106 = arith.addi %add3A_105, %and3A_103 : vector<16xi32>
      %eq3A_107 = arith.constant 0.000000e+00 : f32
      %eq3A_108 = vector.broadcast %eq3A_107 : f32 to vector<16xf32>
      %eq3A_109 = arith.cmpf oeq, %get3A_88, %eq3A_108 : vector<16xf32>
      %select_n3A_110 = arith.select %eq3A_109, %add3A_106, %sub3A_92 : vector<16xi1>, vector<16xi32>
      %add3A_111 = arith.constant 0 : i32
      %add3A_112 = arith.addi %add3A_111, %mul3A_54 : i32
      %add3A_113 = vector.broadcast %add3A_112 : i32 to vector<16xi32>
      %add3A_114 = arith.addi %add3A_113, %iota3A : vector<16xi32>
      %mul3A_115 = arith.constant 16 : i32
      %mul3A_116 = vector.broadcast %mul3A_115 : i32 to vector<16xi32>
      %mul3A_117 = arith.muli %add3A_114, %mul3A_116 : vector<16xi32>
      %add3A_118 = arith.constant 1 : i32
      %add3A_119 = vector.broadcast %add3A_118 : i32 to vector<16xi32>
      %add3A_120 = arith.addi %mul3A_117, %add3A_119 : vector<16xi32>
      tpu.vector_store_idx %arg6[%add3A_120], %select_n3A_110 : memref<32768xi32, #tpu.memory_space<vmem>>[vector<16xi32>], vector<16xi32>,
      %get3A_121 = arith.constant 2 : i32
      %get3A_122 = arith.index_cast %get3A_121 : i32 to index
      %get3A_123 = arith.index_cast %mul3A_54 : i32 to index
      %get3A_124 = tpu.vector_load %arg7[%get3A_122, %get3A_123] {strides = array<i32>} : memref<16x1024xf32, #tpu.memory_space<vmem>>, vector<16xf32>,
      %convert_element_type3A_125 = arith.fptosi %get3A_124 : vector<16xf32> to vector<16xi32>
      %sub3A_126 = arith.constant 1 : i32
      %sub3A_127 = vector.broadcast %sub3A_126 : i32 to vector<16xi32>
      %sub3A_128 = arith.subi %convert_element_type3A_125, %sub3A_127 : vector<16xi32>
      %mul3A_129 = arith.constant 64 : i32
      %mul3A_130 = arith.muli %add3A, %mul3A_129 : i32
      %add3A_131 = arith.addi %mul3A_130, %mul3A_54 : i32
      %add3A_132 = vector.broadcast %add3A_131 : i32 to vector<16xi32>
      %add3A_133 = arith.addi %add3A_132, %iota3A : vector<16xi32>
      %add3A_134 = arith.constant 2 : i32
      %add3A_135 = vector.broadcast %add3A_134 : i32 to vector<16xi32>
      %add3A_136 = arith.addi %add3A_133, %add3A_135 : vector<16xi32>
      %and3A_137 = arith.constant 2047 : i32
      %and3A_138 = vector.broadcast %and3A_137 : i32 to vector<16xi32>
      %and3A_139 = arith.andi %add3A_136, %and3A_138 : vector<16xi32>
      %add3A_140 = arith.constant 65536 : i32
      %add3A_141 = vector.broadcast %add3A_140 : i32 to vector<16xi32>
      %add3A_142 = arith.addi %add3A_141, %and3A_139 : vector<16xi32>
      %eq3A_143 = arith.constant 0.000000e+00 : f32
      %eq3A_144 = vector.broadcast %eq3A_143 : f32 to vector<16xf32>
      %eq3A_145 = arith.cmpf oeq, %get3A_124, %eq3A_144 : vector<16xf32>
      %select_n3A_146 = arith.select %eq3A_145, %add3A_142, %sub3A_128 : vector<16xi1>, vector<16xi32>
      %add3A_147 = arith.constant 0 : i32
      %add3A_148 = arith.addi %add3A_147, %mul3A_54 : i32
      %add3A_149 = vector.broadcast %add3A_148 : i32 to vector<16xi32>
      %add3A_150 = arith.addi %add3A_149, %iota3A : vector<16xi32>
      %mul3A_151 = arith.constant 16 : i32
      %mul3A_152 = vector.broadcast %mul3A_151 : i32 to vector<16xi32>
      %mul3A_153 = arith.muli %add3A_150, %mul3A_152 : vector<16xi32>
      %add3A_154 = arith.constant 2 : i32
      %add3A_155 = vector.broadcast %add3A_154 : i32 to vector<16xi32>
      %add3A_156 = arith.addi %mul3A_153, %add3A_155 : vector<16xi32>
      tpu.vector_store_idx %arg6[%add3A_156], %select_n3A_146 : memref<32768xi32, #tpu.memory_space<vmem>>[vector<16xi32>], vector<16xi32>,
      %get3A_157 = arith.constant 3 : i32
      %get3A_158 = arith.index_cast %get3A_157 : i32 to index
      %get3A_159 = arith.index_cast %mul3A_54 : i32 to index
      %get3A_160 = tpu.vector_load %arg7[%get3A_158, %get3A_159] {strides = array<i32>} : memref<16x1024xf32, #tpu.memory_space<vmem>>, vector<16xf32>,
      %convert_element_type3A_161 = arith.fptosi %get3A_160 : vector<16xf32> to vector<16xi32>
      %sub3A_162 = arith.constant 1 : i32
      %sub3A_163 = vector.broadcast %sub3A_162 : i32 to vector<16xi32>
      %sub3A_164 = arith.subi %convert_element_type3A_161, %sub3A_163 : vector<16xi32>
      %mul3A_165 = arith.constant 64 : i32
      %mul3A_166 = arith.muli %add3A, %mul3A_165 : i32
      %add3A_167 = arith.addi %mul3A_166, %mul3A_54 : i32
      %add3A_168 = vector.broadcast %add3A_167 : i32 to vector<16xi32>
      %add3A_169 = arith.addi %add3A_168, %iota3A : vector<16xi32>
      %add3A_170 = arith.constant 3 : i32
      %add3A_171 = vector.broadcast %add3A_170 : i32 to vector<16xi32>
      %add3A_172 = arith.addi %add3A_169, %add3A_171 : vector<16xi32>
      %and3A_173 = arith.constant 2047 : i32
      %and3A_174 = vector.broadcast %and3A_173 : i32 to vector<16xi32>
      %and3A_175 = arith.andi %add3A_172, %and3A_174 : vector<16xi32>
      %add3A_176 = arith.constant 65536 : i32
      %add3A_177 = vector.broadcast %add3A_176 : i32 to vector<16xi32>
      %add3A_178 = arith.addi %add3A_177, %and3A_175 : vector<16xi32>
      %eq3A_179 = arith.constant 0.000000e+00 : f32
      %eq3A_180 = vector.broadcast %eq3A_179 : f32 to vector<16xf32>
      %eq3A_181 = arith.cmpf oeq, %get3A_160, %eq3A_180 : vector<16xf32>
      %select_n3A_182 = arith.select %eq3A_181, %add3A_178, %sub3A_164 : vector<16xi1>, vector<16xi32>
      %add3A_183 = arith.constant 0 : i32
      %add3A_184 = arith.addi %add3A_183, %mul3A_54 : i32
      %add3A_185 = vector.broadcast %add3A_184 : i32 to vector<16xi32>
      %add3A_186 = arith.addi %add3A_185, %iota3A : vector<16xi32>
      %mul3A_187 = arith.constant 16 : i32
      %mul3A_188 = vector.broadcast %mul3A_187 : i32 to vector<16xi32>
      %mul3A_189 = arith.muli %add3A_186, %mul3A_188 : vector<16xi32>
      %add3A_190 = arith.constant 3 : i32
      %add3A_191 = vector.broadcast %add3A_190 : i32 to vector<16xi32>
      %add3A_192 = arith.addi %mul3A_189, %add3A_191 : vector<16xi32>
      tpu.vector_store_idx %arg6[%add3A_192], %select_n3A_182 : memref<32768xi32, #tpu.memory_space<vmem>>[vector<16xi32>], vector<16xi32>,
      %get3A_193 = arith.constant 4 : i32
      %get3A_194 = arith.index_cast %get3A_193 : i32 to index
      %get3A_195 = arith.index_cast %mul3A_54 : i32 to index
      %get3A_196 = tpu.vector_load %arg7[%get3A_194, %get3A_195] {strides = array<i32>} : memref<16x1024xf32, #tpu.memory_space<vmem>>, vector<16xf32>,
      %convert_element_type3A_197 = arith.fptosi %get3A_196 : vector<16xf32> to vector<16xi32>
      %sub3A_198 = arith.constant 1 : i32
      %sub3A_199 = vector.broadcast %sub3A_198 : i32 to vector<16xi32>
      %sub3A_200 = arith.subi %convert_element_type3A_197, %sub3A_199 : vector<16xi32>
      %mul3A_201 = arith.constant 64 : i32
      %mul3A_202 = arith.muli %add3A, %mul3A_201 : i32
      %add3A_203 = arith.addi %mul3A_202, %mul3A_54 : i32
      %add3A_204 = vector.broadcast %add3A_203 : i32 to vector<16xi32>
      %add3A_205 = arith.addi %add3A_204, %iota3A : vector<16xi32>
      %add3A_206 = arith.constant 4 : i32
      %add3A_207 = vector.broadcast %add3A_206 : i32 to vector<16xi32>
      %add3A_208 = arith.addi %add3A_205, %add3A_207 : vector<16xi32>
      %and3A_209 = arith.constant 2047 : i32
      %and3A_210 = vector.broadcast %and3A_209 : i32 to vector<16xi32>
      %and3A_211 = arith.andi %add3A_208, %and3A_210 : vector<16xi32>
      %add3A_212 = arith.constant 65536 : i32
      %add3A_213 = vector.broadcast %add3A_212 : i32 to vector<16xi32>
      %add3A_214 = arith.addi %add3A_213, %and3A_211 : vector<16xi32>
      %eq3A_215 = arith.constant 0.000000e+00 : f32
      %eq3A_216 = vector.broadcast %eq3A_215 : f32 to vector<16xf32>
      %eq3A_217 = arith.cmpf oeq, %get3A_196, %eq3A_216 : vector<16xf32>
      %select_n3A_218 = arith.select %eq3A_217, %add3A_214, %sub3A_200 : vector<16xi1>, vector<16xi32>
      %add3A_219 = arith.constant 0 : i32
      %add3A_220 = arith.addi %add3A_219, %mul3A_54 : i32
      %add3A_221 = vector.broadcast %add3A_220 : i32 to vector<16xi32>
      %add3A_222 = arith.addi %add3A_221, %iota3A : vector<16xi32>
      %mul3A_223 = arith.constant 16 : i32
      %mul3A_224 = vector.broadcast %mul3A_223 : i32 to vector<16xi32>
      %mul3A_225 = arith.muli %add3A_222, %mul3A_224 : vector<16xi32>
      %add3A_226 = arith.constant 4 : i32
      %add3A_227 = vector.broadcast %add3A_226 : i32 to vector<16xi32>
      %add3A_228 = arith.addi %mul3A_225, %add3A_227 : vector<16xi32>
      tpu.vector_store_idx %arg6[%add3A_228], %select_n3A_218 : memref<32768xi32, #tpu.memory_space<vmem>>[vector<16xi32>], vector<16xi32>,
      %get3A_229 = arith.constant 5 : i32
      %get3A_230 = arith.index_cast %get3A_229 : i32 to index
      %get3A_231 = arith.index_cast %mul3A_54 : i32 to index
      %get3A_232 = tpu.vector_load %arg7[%get3A_230, %get3A_231] {strides = array<i32>} : memref<16x1024xf32, #tpu.memory_space<vmem>>, vector<16xf32>,
      %convert_element_type3A_233 = arith.fptosi %get3A_232 : vector<16xf32> to vector<16xi32>
      %sub3A_234 = arith.constant 1 : i32
      %sub3A_235 = vector.broadcast %sub3A_234 : i32 to vector<16xi32>
      %sub3A_236 = arith.subi %convert_element_type3A_233, %sub3A_235 : vector<16xi32>
      %mul3A_237 = arith.constant 64 : i32
      %mul3A_238 = arith.muli %add3A, %mul3A_237 : i32
      %add3A_239 = arith.addi %mul3A_238, %mul3A_54 : i32
      %add3A_240 = vector.broadcast %add3A_239 : i32 to vector<16xi32>
      %add3A_241 = arith.addi %add3A_240, %iota3A : vector<16xi32>
      %add3A_242 = arith.constant 5 : i32
      %add3A_243 = vector.broadcast %add3A_242 : i32 to vector<16xi32>
      %add3A_244 = arith.addi %add3A_241, %add3A_243 : vector<16xi32>
      %and3A_245 = arith.constant 2047 : i32
      %and3A_246 = vector.broadcast %and3A_245 : i32 to vector<16xi32>
      %and3A_247 = arith.andi %add3A_244, %and3A_246 : vector<16xi32>
      %add3A_248 = arith.constant 65536 : i32
      %add3A_249 = vector.broadcast %add3A_248 : i32 to vector<16xi32>
      %add3A_250 = arith.addi %add3A_249, %and3A_247 : vector<16xi32>
      %eq3A_251 = arith.constant 0.000000e+00 : f32
      %eq3A_252 = vector.broadcast %eq3A_251 : f32 to vector<16xf32>
      %eq3A_253 = arith.cmpf oeq, %get3A_232, %eq3A_252 : vector<16xf32>
      %select_n3A_254 = arith.select %eq3A_253, %add3A_250, %sub3A_236 : vector<16xi1>, vector<16xi32>
      %add3A_255 = arith.constant 0 : i32
      %add3A_256 = arith.addi %add3A_255, %mul3A_54 : i32
      %add3A_257 = vector.broadcast %add3A_256 : i32 to vector<16xi32>
      %add3A_258 = arith.addi %add3A_257, %iota3A : vector<16xi32>
      %mul3A_259 = arith.constant 16 : i32
      %mul3A_260 = vector.broadcast %mul3A_259 : i32 to vector<16xi32>
      %mul3A_261 = arith.muli %add3A_258, %mul3A_260 : vector<16xi32>
      %add3A_262 = arith.constant 5 : i32
      %add3A_263 = vector.broadcast %add3A_262 : i32 to vector<16xi32>
      %add3A_264 = arith.addi %mul3A_261, %add3A_263 : vector<16xi32>
      tpu.vector_store_idx %arg6[%add3A_264], %select_n3A_254 : memref<32768xi32, #tpu.memory_space<vmem>>[vector<16xi32>], vector<16xi32>,
      %get3A_265 = arith.constant 6 : i32
      %get3A_266 = arith.index_cast %get3A_265 : i32 to index
      %get3A_267 = arith.index_cast %mul3A_54 : i32 to index
      %get3A_268 = tpu.vector_load %arg7[%get3A_266, %get3A_267] {strides = array<i32>} : memref<16x1024xf32, #tpu.memory_space<vmem>>, vector<16xf32>,
      %convert_element_type3A_269 = arith.fptosi %get3A_268 : vector<16xf32> to vector<16xi32>
      %sub3A_270 = arith.constant 1 : i32
      %sub3A_271 = vector.broadcast %sub3A_270 : i32 to vector<16xi32>
      %sub3A_272 = arith.subi %convert_element_type3A_269, %sub3A_271 : vector<16xi32>
      %mul3A_273 = arith.constant 64 : i32
      %mul3A_274 = arith.muli %add3A, %mul3A_273 : i32
      %add3A_275 = arith.addi %mul3A_274, %mul3A_54 : i32
      %add3A_276 = vector.broadcast %add3A_275 : i32 to vector<16xi32>
      %add3A_277 = arith.addi %add3A_276, %iota3A : vector<16xi32>
      %add3A_278 = arith.constant 6 : i32
      %add3A_279 = vector.broadcast %add3A_278 : i32 to vector<16xi32>
      %add3A_280 = arith.addi %add3A_277, %add3A_279 : vector<16xi32>
      %and3A_281 = arith.constant 2047 : i32
      %and3A_282 = vector.broadcast %and3A_281 : i32 to vector<16xi32>
      %and3A_283 = arith.andi %add3A_280, %and3A_282 : vector<16xi32>
      %add3A_284 = arith.constant 65536 : i32
      %add3A_285 = vector.broadcast %add3A_284 : i32 to vector<16xi32>
      %add3A_286 = arith.addi %add3A_285, %and3A_283 : vector<16xi32>
      %eq3A_287 = arith.constant 0.000000e+00 : f32
      %eq3A_288 = vector.broadcast %eq3A_287 : f32 to vector<16xf32>
      %eq3A_289 = arith.cmpf oeq, %get3A_268, %eq3A_288 : vector<16xf32>
      %select_n3A_290 = arith.select %eq3A_289, %add3A_286, %sub3A_272 : vector<16xi1>, vector<16xi32>
      %add3A_291 = arith.constant 0 : i32
      %add3A_292 = arith.addi %add3A_291, %mul3A_54 : i32
      %add3A_293 = vector.broadcast %add3A_292 : i32 to vector<16xi32>
      %add3A_294 = arith.addi %add3A_293, %iota3A : vector<16xi32>
      %mul3A_295 = arith.constant 16 : i32
      %mul3A_296 = vector.broadcast %mul3A_295 : i32 to vector<16xi32>
      %mul3A_297 = arith.muli %add3A_294, %mul3A_296 : vector<16xi32>
      %add3A_298 = arith.constant 6 : i32
      %add3A_299 = vector.broadcast %add3A_298 : i32 to vector<16xi32>
      %add3A_300 = arith.addi %mul3A_297, %add3A_299 : vector<16xi32>
      tpu.vector_store_idx %arg6[%add3A_300], %select_n3A_290 : memref<32768xi32, #tpu.memory_space<vmem>>[vector<16xi32>], vector<16xi32>,
      %get3A_301 = arith.constant 7 : i32
      %get3A_302 = arith.index_cast %get3A_301 : i32 to index
      %get3A_303 = arith.index_cast %mul3A_54 : i32 to index
      %get3A_304 = tpu.vector_load %arg7[%get3A_302, %get3A_303] {strides = array<i32>} : memref<16x1024xf32, #tpu.memory_space<vmem>>, vector<16xf32>,
      %convert_element_type3A_305 = arith.fptosi %get3A_304 : vector<16xf32> to vector<16xi32>
      %sub3A_306 = arith.constant 1 : i32
      %sub3A_307 = vector.broadcast %sub3A_306 : i32 to vector<16xi32>
      %sub3A_308 = arith.subi %convert_element_type3A_305, %sub3A_307 : vector<16xi32>
      %mul3A_309 = arith.constant 64 : i32
      %mul3A_310 = arith.muli %add3A, %mul3A_309 : i32
      %add3A_311 = arith.addi %mul3A_310, %mul3A_54 : i32
      %add3A_312 = vector.broadcast %add3A_311 : i32 to vector<16xi32>
      %add3A_313 = arith.addi %add3A_312, %iota3A : vector<16xi32>
      %add3A_314 = arith.constant 7 : i32
      %add3A_315 = vector.broadcast %add3A_314 : i32 to vector<16xi32>
      %add3A_316 = arith.addi %add3A_313, %add3A_315 : vector<16xi32>
      %and3A_317 = arith.constant 2047 : i32
      %and3A_318 = vector.broadcast %and3A_317 : i32 to vector<16xi32>
      %and3A_319 = arith.andi %add3A_316, %and3A_318 : vector<16xi32>
      %add3A_320 = arith.constant 65536 : i32
      %add3A_321 = vector.broadcast %add3A_320 : i32 to vector<16xi32>
      %add3A_322 = arith.addi %add3A_321, %and3A_319 : vector<16xi32>
      %eq3A_323 = arith.constant 0.000000e+00 : f32
      %eq3A_324 = vector.broadcast %eq3A_323 : f32 to vector<16xf32>
      %eq3A_325 = arith.cmpf oeq, %get3A_304, %eq3A_324 : vector<16xf32>
      %select_n3A_326 = arith.select %eq3A_325, %add3A_322, %sub3A_308 : vector<16xi1>, vector<16xi32>
      %add3A_327 = arith.constant 0 : i32
      %add3A_328 = arith.addi %add3A_327, %mul3A_54 : i32
      %add3A_329 = vector.broadcast %add3A_328 : i32 to vector<16xi32>
      %add3A_330 = arith.addi %add3A_329, %iota3A : vector<16xi32>
      %mul3A_331 = arith.constant 16 : i32
      %mul3A_332 = vector.broadcast %mul3A_331 : i32 to vector<16xi32>
      %mul3A_333 = arith.muli %add3A_330, %mul3A_332 : vector<16xi32>
      %add3A_334 = arith.constant 7 : i32
      %add3A_335 = vector.broadcast %add3A_334 : i32 to vector<16xi32>
      %add3A_336 = arith.addi %mul3A_333, %add3A_335 : vector<16xi32>
      tpu.vector_store_idx %arg6[%add3A_336], %select_n3A_326 : memref<32768xi32, #tpu.memory_space<vmem>>[vector<16xi32>], vector<16xi32>,
      %get3A_337 = arith.constant 8 : i32
      %get3A_338 = arith.index_cast %get3A_337 : i32 to index
      %get3A_339 = arith.index_cast %mul3A_54 : i32 to index
      %get3A_340 = tpu.vector_load %arg7[%get3A_338, %get3A_339] {strides = array<i32>} : memref<16x1024xf32, #tpu.memory_space<vmem>>, vector<16xf32>,
      %convert_element_type3A_341 = arith.fptosi %get3A_340 : vector<16xf32> to vector<16xi32>
      %sub3A_342 = arith.constant 1 : i32
      %sub3A_343 = vector.broadcast %sub3A_342 : i32 to vector<16xi32>
      %sub3A_344 = arith.subi %convert_element_type3A_341, %sub3A_343 : vector<16xi32>
      %mul3A_345 = arith.constant 64 : i32
      %mul3A_346 = arith.muli %add3A, %mul3A_345 : i32
      %add3A_347 = arith.addi %mul3A_346, %mul3A_54 : i32
      %add3A_348 = vector.broadcast %add3A_347 : i32 to vector<16xi32>
      %add3A_349 = arith.addi %add3A_348, %iota3A : vector<16xi32>
      %add3A_350 = arith.constant 8 : i32
      %add3A_351 = vector.broadcast %add3A_350 : i32 to vector<16xi32>
      %add3A_352 = arith.addi %add3A_349, %add3A_351 : vector<16xi32>
      %and3A_353 = arith.constant 2047 : i32
      %and3A_354 = vector.broadcast %and3A_353 : i32 to vector<16xi32>
      %and3A_355 = arith.andi %add3A_352, %and3A_354 : vector<16xi32>
      %add3A_356 = arith.constant 65536 : i32
      %add3A_357 = vector.broadcast %add3A_356 : i32 to vector<16xi32>
      %add3A_358 = arith.addi %add3A_357, %and3A_355 : vector<16xi32>
      %eq3A_359 = arith.constant 0.000000e+00 : f32
      %eq3A_360 = vector.broadcast %eq3A_359 : f32 to vector<16xf32>
      %eq3A_361 = arith.cmpf oeq, %get3A_340, %eq3A_360 : vector<16xf32>
      %select_n3A_362 = arith.select %eq3A_361, %add3A_358, %sub3A_344 : vector<16xi1>, vector<16xi32>
      %add3A_363 = arith.constant 0 : i32
      %add3A_364 = arith.addi %add3A_363, %mul3A_54 : i32
      %add3A_365 = vector.broadcast %add3A_364 : i32 to vector<16xi32>
      %add3A_366 = arith.addi %add3A_365, %iota3A : vector<16xi32>
      %mul3A_367 = arith.constant 16 : i32
      %mul3A_368 = vector.broadcast %mul3A_367 : i32 to vector<16xi32>
      %mul3A_369 = arith.muli %add3A_366, %mul3A_368 : vector<16xi32>
      %add3A_370 = arith.constant 8 : i32
      %add3A_371 = vector.broadcast %add3A_370 : i32 to vector<16xi32>
      %add3A_372 = arith.addi %mul3A_369, %add3A_371 : vector<16xi32>
      tpu.vector_store_idx %arg6[%add3A_372], %select_n3A_362 : memref<32768xi32, #tpu.memory_space<vmem>>[vector<16xi32>], vector<16xi32>,
      %get3A_373 = arith.constant 9 : i32
      %get3A_374 = arith.index_cast %get3A_373 : i32 to index
      %get3A_375 = arith.index_cast %mul3A_54 : i32 to index
      %get3A_376 = tpu.vector_load %arg7[%get3A_374, %get3A_375] {strides = array<i32>} : memref<16x1024xf32, #tpu.memory_space<vmem>>, vector<16xf32>,
      %convert_element_type3A_377 = arith.fptosi %get3A_376 : vector<16xf32> to vector<16xi32>
      %sub3A_378 = arith.constant 1 : i32
      %sub3A_379 = vector.broadcast %sub3A_378 : i32 to vector<16xi32>
      %sub3A_380 = arith.subi %convert_element_type3A_377, %sub3A_379 : vector<16xi32>
      %mul3A_381 = arith.constant 64 : i32
      %mul3A_382 = arith.muli %add3A, %mul3A_381 : i32
      %add3A_383 = arith.addi %mul3A_382, %mul3A_54 : i32
      %add3A_384 = vector.broadcast %add3A_383 : i32 to vector<16xi32>
      %add3A_385 = arith.addi %add3A_384, %iota3A : vector<16xi32>
      %add3A_386 = arith.constant 9 : i32
      %add3A_387 = vector.broadcast %add3A_386 : i32 to vector<16xi32>
      %add3A_388 = arith.addi %add3A_385, %add3A_387 : vector<16xi32>
      %and3A_389 = arith.constant 2047 : i32
      %and3A_390 = vector.broadcast %and3A_389 : i32 to vector<16xi32>
      %and3A_391 = arith.andi %add3A_388, %and3A_390 : vector<16xi32>
      %add3A_392 = arith.constant 65536 : i32
      %add3A_393 = vector.broadcast %add3A_392 : i32 to vector<16xi32>
      %add3A_394 = arith.addi %add3A_393, %and3A_391 : vector<16xi32>
      %eq3A_395 = arith.constant 0.000000e+00 : f32
      %eq3A_396 = vector.broadcast %eq3A_395 : f32 to vector<16xf32>
      %eq3A_397 = arith.cmpf oeq, %get3A_376, %eq3A_396 : vector<16xf32>
      %select_n3A_398 = arith.select %eq3A_397, %add3A_394, %sub3A_380 : vector<16xi1>, vector<16xi32>
      %add3A_399 = arith.constant 0 : i32
      %add3A_400 = arith.addi %add3A_399, %mul3A_54 : i32
      %add3A_401 = vector.broadcast %add3A_400 : i32 to vector<16xi32>
      %add3A_402 = arith.addi %add3A_401, %iota3A : vector<16xi32>
      %mul3A_403 = arith.constant 16 : i32
      %mul3A_404 = vector.broadcast %mul3A_403 : i32 to vector<16xi32>
      %mul3A_405 = arith.muli %add3A_402, %mul3A_404 : vector<16xi32>
      %add3A_406 = arith.constant 9 : i32
      %add3A_407 = vector.broadcast %add3A_406 : i32 to vector<16xi32>
      %add3A_408 = arith.addi %mul3A_405, %add3A_407 : vector<16xi32>
      tpu.vector_store_idx %arg6[%add3A_408], %select_n3A_398 : memref<32768xi32, #tpu.memory_space<vmem>>[vector<16xi32>], vector<16xi32>,
      %get3A_409 = arith.constant 10 : i32
      %get3A_410 = arith.index_cast %get3A_409 : i32 to index
      %get3A_411 = arith.index_cast %mul3A_54 : i32 to index
      %get3A_412 = tpu.vector_load %arg7[%get3A_410, %get3A_411] {strides = array<i32>} : memref<16x1024xf32, #tpu.memory_space<vmem>>, vector<16xf32>,
      %convert_element_type3A_413 = arith.fptosi %get3A_412 : vector<16xf32> to vector<16xi32>
      %sub3A_414 = arith.constant 1 : i32
      %sub3A_415 = vector.broadcast %sub3A_414 : i32 to vector<16xi32>
      %sub3A_416 = arith.subi %convert_element_type3A_413, %sub3A_415 : vector<16xi32>
      %mul3A_417 = arith.constant 64 : i32
      %mul3A_418 = arith.muli %add3A, %mul3A_417 : i32
      %add3A_419 = arith.addi %mul3A_418, %mul3A_54 : i32
      %add3A_420 = vector.broadcast %add3A_419 : i32 to vector<16xi32>
      %add3A_421 = arith.addi %add3A_420, %iota3A : vector<16xi32>
      %add3A_422 = arith.constant 10 : i32
      %add3A_423 = vector.broadcast %add3A_422 : i32 to vector<16xi32>
      %add3A_424 = arith.addi %add3A_421, %add3A_423 : vector<16xi32>
      %and3A_425 = arith.constant 2047 : i32
      %and3A_426 = vector.broadcast %and3A_425 : i32 to vector<16xi32>
      %and3A_427 = arith.andi %add3A_424, %and3A_426 : vector<16xi32>
      %add3A_428 = arith.constant 65536 : i32
      %add3A_429 = vector.broadcast %add3A_428 : i32 to vector<16xi32>
      %add3A_430 = arith.addi %add3A_429, %and3A_427 : vector<16xi32>
      %eq3A_431 = arith.constant 0.000000e+00 : f32
      %eq3A_432 = vector.broadcast %eq3A_431 : f32 to vector<16xf32>
      %eq3A_433 = arith.cmpf oeq, %get3A_412, %eq3A_432 : vector<16xf32>
      %select_n3A_434 = arith.select %eq3A_433, %add3A_430, %sub3A_416 : vector<16xi1>, vector<16xi32>
      %add3A_435 = arith.constant 0 : i32
      %add3A_436 = arith.addi %add3A_435, %mul3A_54 : i32
      %add3A_437 = vector.broadcast %add3A_436 : i32 to vector<16xi32>
      %add3A_438 = arith.addi %add3A_437, %iota3A : vector<16xi32>
      %mul3A_439 = arith.constant 16 : i32
      %mul3A_440 = vector.broadcast %mul3A_439 : i32 to vector<16xi32>
      %mul3A_441 = arith.muli %add3A_438, %mul3A_440 : vector<16xi32>
      %add3A_442 = arith.constant 10 : i32
      %add3A_443 = vector.broadcast %add3A_442 : i32 to vector<16xi32>
      %add3A_444 = arith.addi %mul3A_441, %add3A_443 : vector<16xi32>
      tpu.vector_store_idx %arg6[%add3A_444], %select_n3A_434 : memref<32768xi32, #tpu.memory_space<vmem>>[vector<16xi32>], vector<16xi32>,
      %get3A_445 = arith.constant 11 : i32
      %get3A_446 = arith.index_cast %get3A_445 : i32 to index
      %get3A_447 = arith.index_cast %mul3A_54 : i32 to index
      %get3A_448 = tpu.vector_load %arg7[%get3A_446, %get3A_447] {strides = array<i32>} : memref<16x1024xf32, #tpu.memory_space<vmem>>, vector<16xf32>,
      %convert_element_type3A_449 = arith.fptosi %get3A_448 : vector<16xf32> to vector<16xi32>
      %sub3A_450 = arith.constant 1 : i32
      %sub3A_451 = vector.broadcast %sub3A_450 : i32 to vector<16xi32>
      %sub3A_452 = arith.subi %convert_element_type3A_449, %sub3A_451 : vector<16xi32>
      %mul3A_453 = arith.constant 64 : i32
      %mul3A_454 = arith.muli %add3A, %mul3A_453 : i32
      %add3A_455 = arith.addi %mul3A_454, %mul3A_54 : i32
      %add3A_456 = vector.broadcast %add3A_455 : i32 to vector<16xi32>
      %add3A_457 = arith.addi %add3A_456, %iota3A : vector<16xi32>
      %add3A_458 = arith.constant 11 : i32
      %add3A_459 = vector.broadcast %add3A_458 : i32 to vector<16xi32>
      %add3A_460 = arith.addi %add3A_457, %add3A_459 : vector<16xi32>
      %and3A_461 = arith.constant 2047 : i32
      %and3A_462 = vector.broadcast %and3A_461 : i32 to vector<16xi32>
      %and3A_463 = arith.andi %add3A_460, %and3A_462 : vector<16xi32>
      %add3A_464 = arith.constant 65536 : i32
      %add3A_465 = vector.broadcast %add3A_464 : i32 to vector<16xi32>
      %add3A_466 = arith.addi %add3A_465, %and3A_463 : vector<16xi32>
      %eq3A_467 = arith.constant 0.000000e+00 : f32
      %eq3A_468 = vector.broadcast %eq3A_467 : f32 to vector<16xf32>
      %eq3A_469 = arith.cmpf oeq, %get3A_448, %eq3A_468 : vector<16xf32>
      %select_n3A_470 = arith.select %eq3A_469, %add3A_466, %sub3A_452 : vector<16xi1>, vector<16xi32>
      %add3A_471 = arith.constant 0 : i32
      %add3A_472 = arith.addi %add3A_471, %mul3A_54 : i32
      %add3A_473 = vector.broadcast %add3A_472 : i32 to vector<16xi32>
      %add3A_474 = arith.addi %add3A_473, %iota3A : vector<16xi32>
      %mul3A_475 = arith.constant 16 : i32
      %mul3A_476 = vector.broadcast %mul3A_475 : i32 to vector<16xi32>
      %mul3A_477 = arith.muli %add3A_474, %mul3A_476 : vector<16xi32>
      %add3A_478 = arith.constant 11 : i32
      %add3A_479 = vector.broadcast %add3A_478 : i32 to vector<16xi32>
      %add3A_480 = arith.addi %mul3A_477, %add3A_479 : vector<16xi32>
      tpu.vector_store_idx %arg6[%add3A_480], %select_n3A_470 : memref<32768xi32, #tpu.memory_space<vmem>>[vector<16xi32>], vector<16xi32>,
      %get3A_481 = arith.constant 12 : i32
      %get3A_482 = arith.index_cast %get3A_481 : i32 to index
      %get3A_483 = arith.index_cast %mul3A_54 : i32 to index
      %get3A_484 = tpu.vector_load %arg7[%get3A_482, %get3A_483] {strides = array<i32>} : memref<16x1024xf32, #tpu.memory_space<vmem>>, vector<16xf32>,
      %convert_element_type3A_485 = arith.fptosi %get3A_484 : vector<16xf32> to vector<16xi32>
      %sub3A_486 = arith.constant 1 : i32
      %sub3A_487 = vector.broadcast %sub3A_486 : i32 to vector<16xi32>
      %sub3A_488 = arith.subi %convert_element_type3A_485, %sub3A_487 : vector<16xi32>
      %mul3A_489 = arith.constant 64 : i32
      %mul3A_490 = arith.muli %add3A, %mul3A_489 : i32
      %add3A_491 = arith.addi %mul3A_490, %mul3A_54 : i32
      %add3A_492 = vector.broadcast %add3A_491 : i32 to vector<16xi32>
      %add3A_493 = arith.addi %add3A_492, %iota3A : vector<16xi32>
      %add3A_494 = arith.constant 12 : i32
      %add3A_495 = vector.broadcast %add3A_494 : i32 to vector<16xi32>
      %add3A_496 = arith.addi %add3A_493, %add3A_495 : vector<16xi32>
      %and3A_497 = arith.constant 2047 : i32
      %and3A_498 = vector.broadcast %and3A_497 : i32 to vector<16xi32>
      %and3A_499 = arith.andi %add3A_496, %and3A_498 : vector<16xi32>
      %add3A_500 = arith.constant 65536 : i32
      %add3A_501 = vector.broadcast %add3A_500 : i32 to vector<16xi32>
      %add3A_502 = arith.addi %add3A_501, %and3A_499 : vector<16xi32>
      %eq3A_503 = arith.constant 0.000000e+00 : f32
      %eq3A_504 = vector.broadcast %eq3A_503 : f32 to vector<16xf32>
      %eq3A_505 = arith.cmpf oeq, %get3A_484, %eq3A_504 : vector<16xf32>
      %select_n3A_506 = arith.select %eq3A_505, %add3A_502, %sub3A_488 : vector<16xi1>, vector<16xi32>
      %add3A_507 = arith.constant 0 : i32
      %add3A_508 = arith.addi %add3A_507, %mul3A_54 : i32
      %add3A_509 = vector.broadcast %add3A_508 : i32 to vector<16xi32>
      %add3A_510 = arith.addi %add3A_509, %iota3A : vector<16xi32>
      %mul3A_511 = arith.constant 16 : i32
      %mul3A_512 = vector.broadcast %mul3A_511 : i32 to vector<16xi32>
      %mul3A_513 = arith.muli %add3A_510, %mul3A_512 : vector<16xi32>
      %add3A_514 = arith.constant 12 : i32
      %add3A_515 = vector.broadcast %add3A_514 : i32 to vector<16xi32>
      %add3A_516 = arith.addi %mul3A_513, %add3A_515 : vector<16xi32>
      tpu.vector_store_idx %arg6[%add3A_516], %select_n3A_506 : memref<32768xi32, #tpu.memory_space<vmem>>[vector<16xi32>], vector<16xi32>,
      %get3A_517 = arith.constant 13 : i32
      %get3A_518 = arith.index_cast %get3A_517 : i32 to index
      %get3A_519 = arith.index_cast %mul3A_54 : i32 to index
      %get3A_520 = tpu.vector_load %arg7[%get3A_518, %get3A_519] {strides = array<i32>} : memref<16x1024xf32, #tpu.memory_space<vmem>>, vector<16xf32>,
      %convert_element_type3A_521 = arith.fptosi %get3A_520 : vector<16xf32> to vector<16xi32>
      %sub3A_522 = arith.constant 1 : i32
      %sub3A_523 = vector.broadcast %sub3A_522 : i32 to vector<16xi32>
      %sub3A_524 = arith.subi %convert_element_type3A_521, %sub3A_523 : vector<16xi32>
      %mul3A_525 = arith.constant 64 : i32
      %mul3A_526 = arith.muli %add3A, %mul3A_525 : i32
      %add3A_527 = arith.addi %mul3A_526, %mul3A_54 : i32
      %add3A_528 = vector.broadcast %add3A_527 : i32 to vector<16xi32>
      %add3A_529 = arith.addi %add3A_528, %iota3A : vector<16xi32>
      %add3A_530 = arith.constant 13 : i32
      %add3A_531 = vector.broadcast %add3A_530 : i32 to vector<16xi32>
      %add3A_532 = arith.addi %add3A_529, %add3A_531 : vector<16xi32>
      %and3A_533 = arith.constant 2047 : i32
      %and3A_534 = vector.broadcast %and3A_533 : i32 to vector<16xi32>
      %and3A_535 = arith.andi %add3A_532, %and3A_534 : vector<16xi32>
      %add3A_536 = arith.constant 65536 : i32
      %add3A_537 = vector.broadcast %add3A_536 : i32 to vector<16xi32>
      %add3A_538 = arith.addi %add3A_537, %and3A_535 : vector<16xi32>
      %eq3A_539 = arith.constant 0.000000e+00 : f32
      %eq3A_540 = vector.broadcast %eq3A_539 : f32 to vector<16xf32>
      %eq3A_541 = arith.cmpf oeq, %get3A_520, %eq3A_540 : vector<16xf32>
      %select_n3A_542 = arith.select %eq3A_541, %add3A_538, %sub3A_524 : vector<16xi1>, vector<16xi32>
      %add3A_543 = arith.constant 0 : i32
      %add3A_544 = arith.addi %add3A_543, %mul3A_54 : i32
      %add3A_545 = vector.broadcast %add3A_544 : i32 to vector<16xi32>
      %add3A_546 = arith.addi %add3A_545, %iota3A : vector<16xi32>
      %mul3A_547 = arith.constant 16 : i32
      %mul3A_548 = vector.broadcast %mul3A_547 : i32 to vector<16xi32>
      %mul3A_549 = arith.muli %add3A_546, %mul3A_548 : vector<16xi32>
      %add3A_550 = arith.constant 13 : i32
      %add3A_551 = vector.broadcast %add3A_550 : i32 to vector<16xi32>
      %add3A_552 = arith.addi %mul3A_549, %add3A_551 : vector<16xi32>
      tpu.vector_store_idx %arg6[%add3A_552], %select_n3A_542 : memref<32768xi32, #tpu.memory_space<vmem>>[vector<16xi32>], vector<16xi32>,
      %get3A_553 = arith.constant 14 : i32
      %get3A_554 = arith.index_cast %get3A_553 : i32 to index
      %get3A_555 = arith.index_cast %mul3A_54 : i32 to index
      %get3A_556 = tpu.vector_load %arg7[%get3A_554, %get3A_555] {strides = array<i32>} : memref<16x1024xf32, #tpu.memory_space<vmem>>, vector<16xf32>,
      %convert_element_type3A_557 = arith.fptosi %get3A_556 : vector<16xf32> to vector<16xi32>
      %sub3A_558 = arith.constant 1 : i32
      %sub3A_559 = vector.broadcast %sub3A_558 : i32 to vector<16xi32>
      %sub3A_560 = arith.subi %convert_element_type3A_557, %sub3A_559 : vector<16xi32>
      %mul3A_561 = arith.constant 64 : i32
      %mul3A_562 = arith.muli %add3A, %mul3A_561 : i32
      %add3A_563 = arith.addi %mul3A_562, %mul3A_54 : i32
      %add3A_564 = vector.broadcast %add3A_563 : i32 to vector<16xi32>
      %add3A_565 = arith.addi %add3A_564, %iota3A : vector<16xi32>
      %add3A_566 = arith.constant 14 : i32
      %add3A_567 = vector.broadcast %add3A_566 : i32 to vector<16xi32>
      %add3A_568 = arith.addi %add3A_565, %add3A_567 : vector<16xi32>
      %and3A_569 = arith.constant 2047 : i32
      %and3A_570 = vector.broadcast %and3A_569 : i32 to vector<16xi32>
      %and3A_571 = arith.andi %add3A_568, %and3A_570 : vector<16xi32>
      %add3A_572 = arith.constant 65536 : i32
      %add3A_573 = vector.broadcast %add3A_572 : i32 to vector<16xi32>
      %add3A_574 = arith.addi %add3A_573, %and3A_571 : vector<16xi32>
      %eq3A_575 = arith.constant 0.000000e+00 : f32
      %eq3A_576 = vector.broadcast %eq3A_575 : f32 to vector<16xf32>
      %eq3A_577 = arith.cmpf oeq, %get3A_556, %eq3A_576 : vector<16xf32>
      %select_n3A_578 = arith.select %eq3A_577, %add3A_574, %sub3A_560 : vector<16xi1>, vector<16xi32>
      %add3A_579 = arith.constant 0 : i32
      %add3A_580 = arith.addi %add3A_579, %mul3A_54 : i32
      %add3A_581 = vector.broadcast %add3A_580 : i32 to vector<16xi32>
      %add3A_582 = arith.addi %add3A_581, %iota3A : vector<16xi32>
      %mul3A_583 = arith.constant 16 : i32
      %mul3A_584 = vector.broadcast %mul3A_583 : i32 to vector<16xi32>
      %mul3A_585 = arith.muli %add3A_582, %mul3A_584 : vector<16xi32>
      %add3A_586 = arith.constant 14 : i32
      %add3A_587 = vector.broadcast %add3A_586 : i32 to vector<16xi32>
      %add3A_588 = arith.addi %mul3A_585, %add3A_587 : vector<16xi32>
      tpu.vector_store_idx %arg6[%add3A_588], %select_n3A_578 : memref<32768xi32, #tpu.memory_space<vmem>>[vector<16xi32>], vector<16xi32>,
      %get3A_589 = arith.constant 15 : i32
      %get3A_590 = arith.index_cast %get3A_589 : i32 to index
      %get3A_591 = arith.index_cast %mul3A_54 : i32 to index
      %get3A_592 = tpu.vector_load %arg7[%get3A_590, %get3A_591] {strides = array<i32>} : memref<16x1024xf32, #tpu.memory_space<vmem>>, vector<16xf32>,
      %convert_element_type3A_593 = arith.fptosi %get3A_592 : vector<16xf32> to vector<16xi32>
      %sub3A_594 = arith.constant 1 : i32
      %sub3A_595 = vector.broadcast %sub3A_594 : i32 to vector<16xi32>
      %sub3A_596 = arith.subi %convert_element_type3A_593, %sub3A_595 : vector<16xi32>
      %mul3A_597 = arith.constant 64 : i32
      %mul3A_598 = arith.muli %add3A, %mul3A_597 : i32
      %add3A_599 = arith.addi %mul3A_598, %mul3A_54 : i32
      %add3A_600 = vector.broadcast %add3A_599 : i32 to vector<16xi32>
      %add3A_601 = arith.addi %add3A_600, %iota3A : vector<16xi32>
      %add3A_602 = arith.constant 15 : i32
      %add3A_603 = vector.broadcast %add3A_602 : i32 to vector<16xi32>
      %add3A_604 = arith.addi %add3A_601, %add3A_603 : vector<16xi32>
      %and3A_605 = arith.constant 2047 : i32
      %and3A_606 = vector.broadcast %and3A_605 : i32 to vector<16xi32>
      %and3A_607 = arith.andi %add3A_604, %and3A_606 : vector<16xi32>
      %add3A_608 = arith.constant 65536 : i32
      %add3A_609 = vector.broadcast %add3A_608 : i32 to vector<16xi32>
      %add3A_610 = arith.addi %add3A_609, %and3A_607 : vector<16xi32>
      %eq3A_611 = arith.constant 0.000000e+00 : f32
      %eq3A_612 = vector.broadcast %eq3A_611 : f32 to vector<16xf32>
      %eq3A_613 = arith.cmpf oeq, %get3A_592, %eq3A_612 : vector<16xf32>
      %select_n3A_614 = arith.select %eq3A_613, %add3A_610, %sub3A_596 : vector<16xi1>, vector<16xi32>
      %add3A_615 = arith.constant 0 : i32
      %add3A_616 = arith.addi %add3A_615, %mul3A_54 : i32
      %add3A_617 = vector.broadcast %add3A_616 : i32 to vector<16xi32>
      %add3A_618 = arith.addi %add3A_617, %iota3A : vector<16xi32>
      %mul3A_619 = arith.constant 16 : i32
      %mul3A_620 = vector.broadcast %mul3A_619 : i32 to vector<16xi32>
      %mul3A_621 = arith.muli %add3A_618, %mul3A_620 : vector<16xi32>
      %add3A_622 = arith.constant 15 : i32
      %add3A_623 = vector.broadcast %add3A_622 : i32 to vector<16xi32>
      %add3A_624 = arith.addi %mul3A_621, %add3A_623 : vector<16xi32>
      tpu.vector_store_idx %arg6[%add3A_624], %select_n3A_614 : memref<32768xi32, #tpu.memory_space<vmem>>[vector<16xi32>], vector<16xi32>,
      %scan3A_625 = arith.constant 1 : i32
      %scan3A_626 = arith.addi %scan3A_48, %scan3A_625 : i32
      %mul3A_627 = arith.constant 1 : i32
      %mul3A_628 = arith.muli %scan3A_626, %mul3A_627 : i32
      %add3A_629 = arith.constant 0 : i32
      %add3A_630 = arith.addi %add3A_629, %mul3A_628 : i32
      %mul3A_631 = arith.constant 16 : i32
      %mul3A_632 = arith.muli %add3A_630, %mul3A_631 : i32
      %get3A_633 = arith.constant 0 : i32
      %get3A_634 = arith.index_cast %get3A_633 : i32 to index
      %get3A_635 = arith.index_cast %mul3A_632 : i32 to index
      %get3A_636 = tpu.vector_load %arg7[%get3A_634, %get3A_635] {strides = array<i32>} : memref<16x1024xf32, #tpu.memory_space<vmem>>, vector<16xf32>,
      %convert_element_type3A_637 = arith.fptosi %get3A_636 : vector<16xf32> to vector<16xi32>
      %sub3A_638 = arith.constant 1 : i32
      %sub3A_639 = vector.broadcast %sub3A_638 : i32 to vector<16xi32>
      %sub3A_640 = arith.subi %convert_element_type3A_637, %sub3A_639 : vector<16xi32>
      %mul3A_641 = arith.constant 64 : i32
      %mul3A_642 = arith.muli %add3A, %mul3A_641 : i32
      %add3A_643 = arith.addi %mul3A_642, %mul3A_632 : i32
      %add3A_644 = vector.broadcast %add3A_643 : i32 to vector<16xi32>
      %add3A_645 = arith.addi %add3A_644, %iota3A : vector<16xi32>
      %add3A_646 = arith.constant 0 : i32
      %add3A_647 = vector.broadcast %add3A_646 : i32 to vector<16xi32>
      %add3A_648 = arith.addi %add3A_645, %add3A_647 : vector<16xi32>
      %and3A_649 = arith.constant 2047 : i32
      %and3A_650 = vector.broadcast %and3A_649 : i32 to vector<16xi32>
      %and3A_651 = arith.andi %add3A_648, %and3A_650 : vector<16xi32>
      %add3A_652 = arith.constant 65536 : i32
      %add3A_653 = vector.broadcast %add3A_652 : i32 to vector<16xi32>
      %add3A_654 = arith.addi %add3A_653, %and3A_651 : vector<16xi32>
      %eq3A_655 = arith.constant 0.000000e+00 : f32
      %eq3A_656 = vector.broadcast %eq3A_655 : f32 to vector<16xf32>
      %eq3A_657 = arith.cmpf oeq, %get3A_636, %eq3A_656 : vector<16xf32>
      %select_n3A_658 = arith.select %eq3A_657, %add3A_654, %sub3A_640 : vector<16xi1>, vector<16xi32>
      %add3A_659 = arith.constant 0 : i32
      %add3A_660 = arith.addi %add3A_659, %mul3A_632 : i32
      %add3A_661 = vector.broadcast %add3A_660 : i32 to vector<16xi32>
      %add3A_662 = arith.addi %add3A_661, %iota3A : vector<16xi32>
      %mul3A_663 = arith.constant 16 : i32
      %mul3A_664 = vector.broadcast %mul3A_663 : i32 to vector<16xi32>
      %mul3A_665 = arith.muli %add3A_662, %mul3A_664 : vector<16xi32>
      %add3A_666 = arith.constant 0 : i32
      %add3A_667 = vector.broadcast %add3A_666 : i32 to vector<16xi32>
      %add3A_668 = arith.addi %mul3A_665, %add3A_667 : vector<16xi32>
      tpu.vector_store_idx %arg6[%add3A_668], %select_n3A_658 : memref<32768xi32, #tpu.memory_space<vmem>>[vector<16xi32>], vector<16xi32>,
      %get3A_669 = arith.constant 1 : i32
      %get3A_670 = arith.index_cast %get3A_669 : i32 to index
      %get3A_671 = arith.index_cast %mul3A_632 : i32 to index
      %get3A_672 = tpu.vector_load %arg7[%get3A_670, %get3A_671] {strides = array<i32>} : memref<16x1024xf32, #tpu.memory_space<vmem>>, vector<16xf32>,
      %convert_element_type3A_673 = arith.fptosi %get3A_672 : vector<16xf32> to vector<16xi32>
      %sub3A_674 = arith.constant 1 : i32
      %sub3A_675 = vector.broadcast %sub3A_674 : i32 to vector<16xi32>
      %sub3A_676 = arith.subi %convert_element_type3A_673, %sub3A_675 : vector<16xi32>
      %mul3A_677 = arith.constant 64 : i32
      %mul3A_678 = arith.muli %add3A, %mul3A_677 : i32
      %add3A_679 = arith.addi %mul3A_678, %mul3A_632 : i32
      %add3A_680 = vector.broadcast %add3A_679 : i32 to vector<16xi32>
      %add3A_681 = arith.addi %add3A_680, %iota3A : vector<16xi32>
      %add3A_682 = arith.constant 1 : i32
      %add3A_683 = vector.broadcast %add3A_682 : i32 to vector<16xi32>
      %add3A_684 = arith.addi %add3A_681, %add3A_683 : vector<16xi32>
      %and3A_685 = arith.constant 2047 : i32
      %and3A_686 = vector.broadcast %and3A_685 : i32 to vector<16xi32>
      %and3A_687 = arith.andi %add3A_684, %and3A_686 : vector<16xi32>
      %add3A_688 = arith.constant 65536 : i32
      %add3A_689 = vector.broadcast %add3A_688 : i32 to vector<16xi32>
      %add3A_690 = arith.addi %add3A_689, %and3A_687 : vector<16xi32>
      %eq3A_691 = arith.constant 0.000000e+00 : f32
      %eq3A_692 = vector.broadcast %eq3A_691 : f32 to vector<16xf32>
      %eq3A_693 = arith.cmpf oeq, %get3A_672, %eq3A_692 : vector<16xf32>
      %select_n3A_694 = arith.select %eq3A_693, %add3A_690, %sub3A_676 : vector<16xi1>, vector<16xi32>
      %add3A_695 = arith.constant 0 : i32
      %add3A_696 = arith.addi %add3A_695, %mul3A_632 : i32
      %add3A_697 = vector.broadcast %add3A_696 : i32 to vector<16xi32>
      %add3A_698 = arith.addi %add3A_697, %iota3A : vector<16xi32>
      %mul3A_699 = arith.constant 16 : i32
      %mul3A_700 = vector.broadcast %mul3A_699 : i32 to vector<16xi32>
      %mul3A_701 = arith.muli %add3A_698, %mul3A_700 : vector<16xi32>
      %add3A_702 = arith.constant 1 : i32
      %add3A_703 = vector.broadcast %add3A_702 : i32 to vector<16xi32>
      %add3A_704 = arith.addi %mul3A_701, %add3A_703 : vector<16xi32>
      tpu.vector_store_idx %arg6[%add3A_704], %select_n3A_694 : memref<32768xi32, #tpu.memory_space<vmem>>[vector<16xi32>], vector<16xi32>,
      %get3A_705 = arith.constant 2 : i32
      %get3A_706 = arith.index_cast %get3A_705 : i32 to index
      %get3A_707 = arith.index_cast %mul3A_632 : i32 to index
      %get3A_708 = tpu.vector_load %arg7[%get3A_706, %get3A_707] {strides = array<i32>} : memref<16x1024xf32, #tpu.memory_space<vmem>>, vector<16xf32>,
      %convert_element_type3A_709 = arith.fptosi %get3A_708 : vector<16xf32> to vector<16xi32>
      %sub3A_710 = arith.constant 1 : i32
      %sub3A_711 = vector.broadcast %sub3A_710 : i32 to vector<16xi32>
      %sub3A_712 = arith.subi %convert_element_type3A_709, %sub3A_711 : vector<16xi32>
      %mul3A_713 = arith.constant 64 : i32
      %mul3A_714 = arith.muli %add3A, %mul3A_713 : i32
      %add3A_715 = arith.addi %mul3A_714, %mul3A_632 : i32
      %add3A_716 = vector.broadcast %add3A_715 : i32 to vector<16xi32>
      %add3A_717 = arith.addi %add3A_716, %iota3A : vector<16xi32>
      %add3A_718 = arith.constant 2 : i32
      %add3A_719 = vector.broadcast %add3A_718 : i32 to vector<16xi32>
      %add3A_720 = arith.addi %add3A_717, %add3A_719 : vector<16xi32>
      %and3A_721 = arith.constant 2047 : i32
      %and3A_722 = vector.broadcast %and3A_721 : i32 to vector<16xi32>
      %and3A_723 = arith.andi %add3A_720, %and3A_722 : vector<16xi32>
      %add3A_724 = arith.constant 65536 : i32
      %add3A_725 = vector.broadcast %add3A_724 : i32 to vector<16xi32>
      %add3A_726 = arith.addi %add3A_725, %and3A_723 : vector<16xi32>
      %eq3A_727 = arith.constant 0.000000e+00 : f32
      %eq3A_728 = vector.broadcast %eq3A_727 : f32 to vector<16xf32>
      %eq3A_729 = arith.cmpf oeq, %get3A_708, %eq3A_728 : vector<16xf32>
      %select_n3A_730 = arith.select %eq3A_729, %add3A_726, %sub3A_712 : vector<16xi1>, vector<16xi32>
      %add3A_731 = arith.constant 0 : i32
      %add3A_732 = arith.addi %add3A_731, %mul3A_632 : i32
      %add3A_733 = vector.broadcast %add3A_732 : i32 to vector<16xi32>
      %add3A_734 = arith.addi %add3A_733, %iota3A : vector<16xi32>
      %mul3A_735 = arith.constant 16 : i32
      %mul3A_736 = vector.broadcast %mul3A_735 : i32 to vector<16xi32>
      %mul3A_737 = arith.muli %add3A_734, %mul3A_736 : vector<16xi32>
      %add3A_738 = arith.constant 2 : i32
      %add3A_739 = vector.broadcast %add3A_738 : i32 to vector<16xi32>
      %add3A_740 = arith.addi %mul3A_737, %add3A_739 : vector<16xi32>
      tpu.vector_store_idx %arg6[%add3A_740], %select_n3A_730 : memref<32768xi32, #tpu.memory_space<vmem>>[vector<16xi32>], vector<16xi32>,
      %get3A_741 = arith.constant 3 : i32
      %get3A_742 = arith.index_cast %get3A_741 : i32 to index
      %get3A_743 = arith.index_cast %mul3A_632 : i32 to index
      %get3A_744 = tpu.vector_load %arg7[%get3A_742, %get3A_743] {strides = array<i32>} : memref<16x1024xf32, #tpu.memory_space<vmem>>, vector<16xf32>,
      %convert_element_type3A_745 = arith.fptosi %get3A_744 : vector<16xf32> to vector<16xi32>
      %sub3A_746 = arith.constant 1 : i32
      %sub3A_747 = vector.broadcast %sub3A_746 : i32 to vector<16xi32>
      %sub3A_748 = arith.subi %convert_element_type3A_745, %sub3A_747 : vector<16xi32>
      %mul3A_749 = arith.constant 64 : i32
      %mul3A_750 = arith.muli %add3A, %mul3A_749 : i32
      %add3A_751 = arith.addi %mul3A_750, %mul3A_632 : i32
      %add3A_752 = vector.broadcast %add3A_751 : i32 to vector<16xi32>
      %add3A_753 = arith.addi %add3A_752, %iota3A : vector<16xi32>
      %add3A_754 = arith.constant 3 : i32
      %add3A_755 = vector.broadcast %add3A_754 : i32 to vector<16xi32>
      %add3A_756 = arith.addi %add3A_753, %add3A_755 : vector<16xi32>
      %and3A_757 = arith.constant 2047 : i32
      %and3A_758 = vector.broadcast %and3A_757 : i32 to vector<16xi32>
      %and3A_759 = arith.andi %add3A_756, %and3A_758 : vector<16xi32>
      %add3A_760 = arith.constant 65536 : i32
      %add3A_761 = vector.broadcast %add3A_760 : i32 to vector<16xi32>
      %add3A_762 = arith.addi %add3A_761, %and3A_759 : vector<16xi32>
      %eq3A_763 = arith.constant 0.000000e+00 : f32
      %eq3A_764 = vector.broadcast %eq3A_763 : f32 to vector<16xf32>
      %eq3A_765 = arith.cmpf oeq, %get3A_744, %eq3A_764 : vector<16xf32>
      %select_n3A_766 = arith.select %eq3A_765, %add3A_762, %sub3A_748 : vector<16xi1>, vector<16xi32>
      %add3A_767 = arith.constant 0 : i32
      %add3A_768 = arith.addi %add3A_767, %mul3A_632 : i32
      %add3A_769 = vector.broadcast %add3A_768 : i32 to vector<16xi32>
      %add3A_770 = arith.addi %add3A_769, %iota3A : vector<16xi32>
      %mul3A_771 = arith.constant 16 : i32
      %mul3A_772 = vector.broadcast %mul3A_771 : i32 to vector<16xi32>
      %mul3A_773 = arith.muli %add3A_770, %mul3A_772 : vector<16xi32>
      %add3A_774 = arith.constant 3 : i32
      %add3A_775 = vector.broadcast %add3A_774 : i32 to vector<16xi32>
      %add3A_776 = arith.addi %mul3A_773, %add3A_775 : vector<16xi32>
      tpu.vector_store_idx %arg6[%add3A_776], %select_n3A_766 : memref<32768xi32, #tpu.memory_space<vmem>>[vector<16xi32>], vector<16xi32>,
      %get3A_777 = arith.constant 4 : i32
      %get3A_778 = arith.index_cast %get3A_777 : i32 to index
      %get3A_779 = arith.index_cast %mul3A_632 : i32 to index
      %get3A_780 = tpu.vector_load %arg7[%get3A_778, %get3A_779] {strides = array<i32>} : memref<16x1024xf32, #tpu.memory_space<vmem>>, vector<16xf32>,
      %convert_element_type3A_781 = arith.fptosi %get3A_780 : vector<16xf32> to vector<16xi32>
      %sub3A_782 = arith.constant 1 : i32
      %sub3A_783 = vector.broadcast %sub3A_782 : i32 to vector<16xi32>
      %sub3A_784 = arith.subi %convert_element_type3A_781, %sub3A_783 : vector<16xi32>
      %mul3A_785 = arith.constant 64 : i32
      %mul3A_786 = arith.muli %add3A, %mul3A_785 : i32
      %add3A_787 = arith.addi %mul3A_786, %mul3A_632 : i32
      %add3A_788 = vector.broadcast %add3A_787 : i32 to vector<16xi32>
      %add3A_789 = arith.addi %add3A_788, %iota3A : vector<16xi32>
      %add3A_790 = arith.constant 4 : i32
      %add3A_791 = vector.broadcast %add3A_790 : i32 to vector<16xi32>
      %add3A_792 = arith.addi %add3A_789, %add3A_791 : vector<16xi32>
      %and3A_793 = arith.constant 2047 : i32
      %and3A_794 = vector.broadcast %and3A_793 : i32 to vector<16xi32>
      %and3A_795 = arith.andi %add3A_792, %and3A_794 : vector<16xi32>
      %add3A_796 = arith.constant 65536 : i32
      %add3A_797 = vector.broadcast %add3A_796 : i32 to vector<16xi32>
      %add3A_798 = arith.addi %add3A_797, %and3A_795 : vector<16xi32>
      %eq3A_799 = arith.constant 0.000000e+00 : f32
      %eq3A_800 = vector.broadcast %eq3A_799 : f32 to vector<16xf32>
      %eq3A_801 = arith.cmpf oeq, %get3A_780, %eq3A_800 : vector<16xf32>
      %select_n3A_802 = arith.select %eq3A_801, %add3A_798, %sub3A_784 : vector<16xi1>, vector<16xi32>
      %add3A_803 = arith.constant 0 : i32
      %add3A_804 = arith.addi %add3A_803, %mul3A_632 : i32
      %add3A_805 = vector.broadcast %add3A_804 : i32 to vector<16xi32>
      %add3A_806 = arith.addi %add3A_805, %iota3A : vector<16xi32>
      %mul3A_807 = arith.constant 16 : i32
      %mul3A_808 = vector.broadcast %mul3A_807 : i32 to vector<16xi32>
      %mul3A_809 = arith.muli %add3A_806, %mul3A_808 : vector<16xi32>
      %add3A_810 = arith.constant 4 : i32
      %add3A_811 = vector.broadcast %add3A_810 : i32 to vector<16xi32>
      %add3A_812 = arith.addi %mul3A_809, %add3A_811 : vector<16xi32>
      tpu.vector_store_idx %arg6[%add3A_812], %select_n3A_802 : memref<32768xi32, #tpu.memory_space<vmem>>[vector<16xi32>], vector<16xi32>,
      %get3A_813 = arith.constant 5 : i32
      %get3A_814 = arith.index_cast %get3A_813 : i32 to index
      %get3A_815 = arith.index_cast %mul3A_632 : i32 to index
      %get3A_816 = tpu.vector_load %arg7[%get3A_814, %get3A_815] {strides = array<i32>} : memref<16x1024xf32, #tpu.memory_space<vmem>>, vector<16xf32>,
      %convert_element_type3A_817 = arith.fptosi %get3A_816 : vector<16xf32> to vector<16xi32>
      %sub3A_818 = arith.constant 1 : i32
      %sub3A_819 = vector.broadcast %sub3A_818 : i32 to vector<16xi32>
      %sub3A_820 = arith.subi %convert_element_type3A_817, %sub3A_819 : vector<16xi32>
      %mul3A_821 = arith.constant 64 : i32
      %mul3A_822 = arith.muli %add3A, %mul3A_821 : i32
      %add3A_823 = arith.addi %mul3A_822, %mul3A_632 : i32
      %add3A_824 = vector.broadcast %add3A_823 : i32 to vector<16xi32>
      %add3A_825 = arith.addi %add3A_824, %iota3A : vector<16xi32>
      %add3A_826 = arith.constant 5 : i32
      %add3A_827 = vector.broadcast %add3A_826 : i32 to vector<16xi32>
      %add3A_828 = arith.addi %add3A_825, %add3A_827 : vector<16xi32>
      %and3A_829 = arith.constant 2047 : i32
      %and3A_830 = vector.broadcast %and3A_829 : i32 to vector<16xi32>
      %and3A_831 = arith.andi %add3A_828, %and3A_830 : vector<16xi32>
      %add3A_832 = arith.constant 65536 : i32
      %add3A_833 = vector.broadcast %add3A_832 : i32 to vector<16xi32>
      %add3A_834 = arith.addi %add3A_833, %and3A_831 : vector<16xi32>
      %eq3A_835 = arith.constant 0.000000e+00 : f32
      %eq3A_836 = vector.broadcast %eq3A_835 : f32 to vector<16xf32>
      %eq3A_837 = arith.cmpf oeq, %get3A_816, %eq3A_836 : vector<16xf32>
      %select_n3A_838 = arith.select %eq3A_837, %add3A_834, %sub3A_820 : vector<16xi1>, vector<16xi32>
      %add3A_839 = arith.constant 0 : i32
      %add3A_840 = arith.addi %add3A_839, %mul3A_632 : i32
      %add3A_841 = vector.broadcast %add3A_840 : i32 to vector<16xi32>
      %add3A_842 = arith.addi %add3A_841, %iota3A : vector<16xi32>
      %mul3A_843 = arith.constant 16 : i32
      %mul3A_844 = vector.broadcast %mul3A_843 : i32 to vector<16xi32>
      %mul3A_845 = arith.muli %add3A_842, %mul3A_844 : vector<16xi32>
      %add3A_846 = arith.constant 5 : i32
      %add3A_847 = vector.broadcast %add3A_846 : i32 to vector<16xi32>
      %add3A_848 = arith.addi %mul3A_845, %add3A_847 : vector<16xi32>
      tpu.vector_store_idx %arg6[%add3A_848], %select_n3A_838 : memref<32768xi32, #tpu.memory_space<vmem>>[vector<16xi32>], vector<16xi32>,
      %get3A_849 = arith.constant 6 : i32
      %get3A_850 = arith.index_cast %get3A_849 : i32 to index
      %get3A_851 = arith.index_cast %mul3A_632 : i32 to index
      %get3A_852 = tpu.vector_load %arg7[%get3A_850, %get3A_851] {strides = array<i32>} : memref<16x1024xf32, #tpu.memory_space<vmem>>, vector<16xf32>,
      %convert_element_type3A_853 = arith.fptosi %get3A_852 : vector<16xf32> to vector<16xi32>
      %sub3A_854 = arith.constant 1 : i32
      %sub3A_855 = vector.broadcast %sub3A_854 : i32 to vector<16xi32>
      %sub3A_856 = arith.subi %convert_element_type3A_853, %sub3A_855 : vector<16xi32>
      %mul3A_857 = arith.constant 64 : i32
      %mul3A_858 = arith.muli %add3A, %mul3A_857 : i32
      %add3A_859 = arith.addi %mul3A_858, %mul3A_632 : i32
      %add3A_860 = vector.broadcast %add3A_859 : i32 to vector<16xi32>
      %add3A_861 = arith.addi %add3A_860, %iota3A : vector<16xi32>
      %add3A_862 = arith.constant 6 : i32
      %add3A_863 = vector.broadcast %add3A_862 : i32 to vector<16xi32>
      %add3A_864 = arith.addi %add3A_861, %add3A_863 : vector<16xi32>
      %and3A_865 = arith.constant 2047 : i32
      %and3A_866 = vector.broadcast %and3A_865 : i32 to vector<16xi32>
      %and3A_867 = arith.andi %add3A_864, %and3A_866 : vector<16xi32>
      %add3A_868 = arith.constant 65536 : i32
      %add3A_869 = vector.broadcast %add3A_868 : i32 to vector<16xi32>
      %add3A_870 = arith.addi %add3A_869, %and3A_867 : vector<16xi32>
      %eq3A_871 = arith.constant 0.000000e+00 : f32
      %eq3A_872 = vector.broadcast %eq3A_871 : f32 to vector<16xf32>
      %eq3A_873 = arith.cmpf oeq, %get3A_852, %eq3A_872 : vector<16xf32>
      %select_n3A_874 = arith.select %eq3A_873, %add3A_870, %sub3A_856 : vector<16xi1>, vector<16xi32>
      %add3A_875 = arith.constant 0 : i32
      %add3A_876 = arith.addi %add3A_875, %mul3A_632 : i32
      %add3A_877 = vector.broadcast %add3A_876 : i32 to vector<16xi32>
      %add3A_878 = arith.addi %add3A_877, %iota3A : vector<16xi32>
      %mul3A_879 = arith.constant 16 : i32
      %mul3A_880 = vector.broadcast %mul3A_879 : i32 to vector<16xi32>
      %mul3A_881 = arith.muli %add3A_878, %mul3A_880 : vector<16xi32>
      %add3A_882 = arith.constant 6 : i32
      %add3A_883 = vector.broadcast %add3A_882 : i32 to vector<16xi32>
      %add3A_884 = arith.addi %mul3A_881, %add3A_883 : vector<16xi32>
      tpu.vector_store_idx %arg6[%add3A_884], %select_n3A_874 : memref<32768xi32, #tpu.memory_space<vmem>>[vector<16xi32>], vector<16xi32>,
      %get3A_885 = arith.constant 7 : i32
      %get3A_886 = arith.index_cast %get3A_885 : i32 to index
      %get3A_887 = arith.index_cast %mul3A_632 : i32 to index
      %get3A_888 = tpu.vector_load %arg7[%get3A_886, %get3A_887] {strides = array<i32>} : memref<16x1024xf32, #tpu.memory_space<vmem>>, vector<16xf32>,
      %convert_element_type3A_889 = arith.fptosi %get3A_888 : vector<16xf32> to vector<16xi32>
      %sub3A_890 = arith.constant 1 : i32
      %sub3A_891 = vector.broadcast %sub3A_890 : i32 to vector<16xi32>
      %sub3A_892 = arith.subi %convert_element_type3A_889, %sub3A_891 : vector<16xi32>
      %mul3A_893 = arith.constant 64 : i32
      %mul3A_894 = arith.muli %add3A, %mul3A_893 : i32
      %add3A_895 = arith.addi %mul3A_894, %mul3A_632 : i32
      %add3A_896 = vector.broadcast %add3A_895 : i32 to vector<16xi32>
      %add3A_897 = arith.addi %add3A_896, %iota3A : vector<16xi32>
      %add3A_898 = arith.constant 7 : i32
      %add3A_899 = vector.broadcast %add3A_898 : i32 to vector<16xi32>
      %add3A_900 = arith.addi %add3A_897, %add3A_899 : vector<16xi32>
      %and3A_901 = arith.constant 2047 : i32
      %and3A_902 = vector.broadcast %and3A_901 : i32 to vector<16xi32>
      %and3A_903 = arith.andi %add3A_900, %and3A_902 : vector<16xi32>
      %add3A_904 = arith.constant 65536 : i32
      %add3A_905 = vector.broadcast %add3A_904 : i32 to vector<16xi32>
      %add3A_906 = arith.addi %add3A_905, %and3A_903 : vector<16xi32>
      %eq3A_907 = arith.constant 0.000000e+00 : f32
      %eq3A_908 = vector.broadcast %eq3A_907 : f32 to vector<16xf32>
      %eq3A_909 = arith.cmpf oeq, %get3A_888, %eq3A_908 : vector<16xf32>
      %select_n3A_910 = arith.select %eq3A_909, %add3A_906, %sub3A_892 : vector<16xi1>, vector<16xi32>
      %add3A_911 = arith.constant 0 : i32
      %add3A_912 = arith.addi %add3A_911, %mul3A_632 : i32
      %add3A_913 = vector.broadcast %add3A_912 : i32 to vector<16xi32>
      %add3A_914 = arith.addi %add3A_913, %iota3A : vector<16xi32>
      %mul3A_915 = arith.constant 16 : i32
      %mul3A_916 = vector.broadcast %mul3A_915 : i32 to vector<16xi32>
      %mul3A_917 = arith.muli %add3A_914, %mul3A_916 : vector<16xi32>
      %add3A_918 = arith.constant 7 : i32
      %add3A_919 = vector.broadcast %add3A_918 : i32 to vector<16xi32>
      %add3A_920 = arith.addi %mul3A_917, %add3A_919 : vector<16xi32>
      tpu.vector_store_idx %arg6[%add3A_920], %select_n3A_910 : memref<32768xi32, #tpu.memory_space<vmem>>[vector<16xi32>], vector<16xi32>,
      %get3A_921 = arith.constant 8 : i32
      %get3A_922 = arith.index_cast %get3A_921 : i32 to index
      %get3A_923 = arith.index_cast %mul3A_632 : i32 to index
      %get3A_924 = tpu.vector_load %arg7[%get3A_922, %get3A_923] {strides = array<i32>} : memref<16x1024xf32, #tpu.memory_space<vmem>>, vector<16xf32>,
      %convert_element_type3A_925 = arith.fptosi %get3A_924 : vector<16xf32> to vector<16xi32>
      %sub3A_926 = arith.constant 1 : i32
      %sub3A_927 = vector.broadcast %sub3A_926 : i32 to vector<16xi32>
      %sub3A_928 = arith.subi %convert_element_type3A_925, %sub3A_927 : vector<16xi32>
      %mul3A_929 = arith.constant 64 : i32
      %mul3A_930 = arith.muli %add3A, %mul3A_929 : i32
      %add3A_931 = arith.addi %mul3A_930, %mul3A_632 : i32
      %add3A_932 = vector.broadcast %add3A_931 : i32 to vector<16xi32>
      %add3A_933 = arith.addi %add3A_932, %iota3A : vector<16xi32>
      %add3A_934 = arith.constant 8 : i32
      %add3A_935 = vector.broadcast %add3A_934 : i32 to vector<16xi32>
      %add3A_936 = arith.addi %add3A_933, %add3A_935 : vector<16xi32>
      %and3A_937 = arith.constant 2047 : i32
      %and3A_938 = vector.broadcast %and3A_937 : i32 to vector<16xi32>
      %and3A_939 = arith.andi %add3A_936, %and3A_938 : vector<16xi32>
      %add3A_940 = arith.constant 65536 : i32
      %add3A_941 = vector.broadcast %add3A_940 : i32 to vector<16xi32>
      %add3A_942 = arith.addi %add3A_941, %and3A_939 : vector<16xi32>
      %eq3A_943 = arith.constant 0.000000e+00 : f32
      %eq3A_944 = vector.broadcast %eq3A_943 : f32 to vector<16xf32>
      %eq3A_945 = arith.cmpf oeq, %get3A_924, %eq3A_944 : vector<16xf32>
      %select_n3A_946 = arith.select %eq3A_945, %add3A_942, %sub3A_928 : vector<16xi1>, vector<16xi32>
      %add3A_947 = arith.constant 0 : i32
      %add3A_948 = arith.addi %add3A_947, %mul3A_632 : i32
      %add3A_949 = vector.broadcast %add3A_948 : i32 to vector<16xi32>
      %add3A_950 = arith.addi %add3A_949, %iota3A : vector<16xi32>
      %mul3A_951 = arith.constant 16 : i32
      %mul3A_952 = vector.broadcast %mul3A_951 : i32 to vector<16xi32>
      %mul3A_953 = arith.muli %add3A_950, %mul3A_952 : vector<16xi32>
      %add3A_954 = arith.constant 8 : i32
      %add3A_955 = vector.broadcast %add3A_954 : i32 to vector<16xi32>
      %add3A_956 = arith.addi %mul3A_953, %add3A_955 : vector<16xi32>
      tpu.vector_store_idx %arg6[%add3A_956], %select_n3A_946 : memref<32768xi32, #tpu.memory_space<vmem>>[vector<16xi32>], vector<16xi32>,
      %get3A_957 = arith.constant 9 : i32
      %get3A_958 = arith.index_cast %get3A_957 : i32 to index
      %get3A_959 = arith.index_cast %mul3A_632 : i32 to index
      %get3A_960 = tpu.vector_load %arg7[%get3A_958, %get3A_959] {strides = array<i32>} : memref<16x1024xf32, #tpu.memory_space<vmem>>, vector<16xf32>,
      %convert_element_type3A_961 = arith.fptosi %get3A_960 : vector<16xf32> to vector<16xi32>
      %sub3A_962 = arith.constant 1 : i32
      %sub3A_963 = vector.broadcast %sub3A_962 : i32 to vector<16xi32>
      %sub3A_964 = arith.subi %convert_element_type3A_961, %sub3A_963 : vector<16xi32>
      %mul3A_965 = arith.constant 64 : i32
      %mul3A_966 = arith.muli %add3A, %mul3A_965 : i32
      %add3A_967 = arith.addi %mul3A_966, %mul3A_632 : i32
      %add3A_968 = vector.broadcast %add3A_967 : i32 to vector<16xi32>
      %add3A_969 = arith.addi %add3A_968, %iota3A : vector<16xi32>
      %add3A_970 = arith.constant 9 : i32
      %add3A_971 = vector.broadcast %add3A_970 : i32 to vector<16xi32>
      %add3A_972 = arith.addi %add3A_969, %add3A_971 : vector<16xi32>
      %and3A_973 = arith.constant 2047 : i32
      %and3A_974 = vector.broadcast %and3A_973 : i32 to vector<16xi32>
      %and3A_975 = arith.andi %add3A_972, %and3A_974 : vector<16xi32>
      %add3A_976 = arith.constant 65536 : i32
      %add3A_977 = vector.broadcast %add3A_976 : i32 to vector<16xi32>
      %add3A_978 = arith.addi %add3A_977, %and3A_975 : vector<16xi32>
      %eq3A_979 = arith.constant 0.000000e+00 : f32
      %eq3A_980 = vector.broadcast %eq3A_979 : f32 to vector<16xf32>
      %eq3A_981 = arith.cmpf oeq, %get3A_960, %eq3A_980 : vector<16xf32>
      %select_n3A_982 = arith.select %eq3A_981, %add3A_978, %sub3A_964 : vector<16xi1>, vector<16xi32>
      %add3A_983 = arith.constant 0 : i32
      %add3A_984 = arith.addi %add3A_983, %mul3A_632 : i32
      %add3A_985 = vector.broadcast %add3A_984 : i32 to vector<16xi32>
      %add3A_986 = arith.addi %add3A_985, %iota3A : vector<16xi32>
      %mul3A_987 = arith.constant 16 : i32
      %mul3A_988 = vector.broadcast %mul3A_987 : i32 to vector<16xi32>
      %mul3A_989 = arith.muli %add3A_986, %mul3A_988 : vector<16xi32>
      %add3A_990 = arith.constant 9 : i32
      %add3A_991 = vector.broadcast %add3A_990 : i32 to vector<16xi32>
      %add3A_992 = arith.addi %mul3A_989, %add3A_991 : vector<16xi32>
      tpu.vector_store_idx %arg6[%add3A_992], %select_n3A_982 : memref<32768xi32, #tpu.memory_space<vmem>>[vector<16xi32>], vector<16xi32>,
      %get3A_993 = arith.constant 10 : i32
      %get3A_994 = arith.index_cast %get3A_993 : i32 to index
      %get3A_995 = arith.index_cast %mul3A_632 : i32 to index
      %get3A_996 = tpu.vector_load %arg7[%get3A_994, %get3A_995] {strides = array<i32>} : memref<16x1024xf32, #tpu.memory_space<vmem>>, vector<16xf32>,
      %convert_element_type3A_997 = arith.fptosi %get3A_996 : vector<16xf32> to vector<16xi32>
      %sub3A_998 = arith.constant 1 : i32
      %sub3A_999 = vector.broadcast %sub3A_998 : i32 to vector<16xi32>
      %sub3A_1000 = arith.subi %convert_element_type3A_997, %sub3A_999 : vector<16xi32>
      %mul3A_1001 = arith.constant 64 : i32
      %mul3A_1002 = arith.muli %add3A, %mul3A_1001 : i32
      %add3A_1003 = arith.addi %mul3A_1002, %mul3A_632 : i32
      %add3A_1004 = vector.broadcast %add3A_1003 : i32 to vector<16xi32>
      %add3A_1005 = arith.addi %add3A_1004, %iota3A : vector<16xi32>
      %add3A_1006 = arith.constant 10 : i32
      %add3A_1007 = vector.broadcast %add3A_1006 : i32 to vector<16xi32>
      %add3A_1008 = arith.addi %add3A_1005, %add3A_1007 : vector<16xi32>
      %and3A_1009 = arith.constant 2047 : i32
      %and3A_1010 = vector.broadcast %and3A_1009 : i32 to vector<16xi32>
      %and3A_1011 = arith.andi %add3A_1008, %and3A_1010 : vector<16xi32>
      %add3A_1012 = arith.constant 65536 : i32
      %add3A_1013 = vector.broadcast %add3A_1012 : i32 to vector<16xi32>
      %add3A_1014 = arith.addi %add3A_1013, %and3A_1011 : vector<16xi32>
      %eq3A_1015 = arith.constant 0.000000e+00 : f32
      %eq3A_1016 = vector.broadcast %eq3A_1015 : f32 to vector<16xf32>
      %eq3A_1017 = arith.cmpf oeq, %get3A_996, %eq3A_1016 : vector<16xf32>
      %select_n3A_1018 = arith.select %eq3A_1017, %add3A_1014, %sub3A_1000 : vector<16xi1>, vector<16xi32>
      %add3A_1019 = arith.constant 0 : i32
      %add3A_1020 = arith.addi %add3A_1019, %mul3A_632 : i32
      %add3A_1021 = vector.broadcast %add3A_1020 : i32 to vector<16xi32>
      %add3A_1022 = arith.addi %add3A_1021, %iota3A : vector<16xi32>
      %mul3A_1023 = arith.constant 16 : i32
      %mul3A_1024 = vector.broadcast %mul3A_1023 : i32 to vector<16xi32>
      %mul3A_1025 = arith.muli %add3A_1022, %mul3A_1024 : vector<16xi32>
      %add3A_1026 = arith.constant 10 : i32
      %add3A_1027 = vector.broadcast %add3A_1026 : i32 to vector<16xi32>
      %add3A_1028 = arith.addi %mul3A_1025, %add3A_1027 : vector<16xi32>
      tpu.vector_store_idx %arg6[%add3A_1028], %select_n3A_1018 : memref<32768xi32, #tpu.memory_space<vmem>>[vector<16xi32>], vector<16xi32>,
      %get3A_1029 = arith.constant 11 : i32
      %get3A_1030 = arith.index_cast %get3A_1029 : i32 to index
      %get3A_1031 = arith.index_cast %mul3A_632 : i32 to index
      %get3A_1032 = tpu.vector_load %arg7[%get3A_1030, %get3A_1031] {strides = array<i32>} : memref<16x1024xf32, #tpu.memory_space<vmem>>, vector<16xf32>,
      %convert_element_type3A_1033 = arith.fptosi %get3A_1032 : vector<16xf32> to vector<16xi32>
      %sub3A_1034 = arith.constant 1 : i32
      %sub3A_1035 = vector.broadcast %sub3A_1034 : i32 to vector<16xi32>
      %sub3A_1036 = arith.subi %convert_element_type3A_1033, %sub3A_1035 : vector<16xi32>
      %mul3A_1037 = arith.constant 64 : i32
      %mul3A_1038 = arith.muli %add3A, %mul3A_1037 : i32
      %add3A_1039 = arith.addi %mul3A_1038, %mul3A_632 : i32
      %add3A_1040 = vector.broadcast %add3A_1039 : i32 to vector<16xi32>
      %add3A_1041 = arith.addi %add3A_1040, %iota3A : vector<16xi32>
      %add3A_1042 = arith.constant 11 : i32
      %add3A_1043 = vector.broadcast %add3A_1042 : i32 to vector<16xi32>
      %add3A_1044 = arith.addi %add3A_1041, %add3A_1043 : vector<16xi32>
      %and3A_1045 = arith.constant 2047 : i32
      %and3A_1046 = vector.broadcast %and3A_1045 : i32 to vector<16xi32>
      %and3A_1047 = arith.andi %add3A_1044, %and3A_1046 : vector<16xi32>
      %add3A_1048 = arith.constant 65536 : i32
      %add3A_1049 = vector.broadcast %add3A_1048 : i32 to vector<16xi32>
      %add3A_1050 = arith.addi %add3A_1049, %and3A_1047 : vector<16xi32>
      %eq3A_1051 = arith.constant 0.000000e+00 : f32
      %eq3A_1052 = vector.broadcast %eq3A_1051 : f32 to vector<16xf32>
      %eq3A_1053 = arith.cmpf oeq, %get3A_1032, %eq3A_1052 : vector<16xf32>
      %select_n3A_1054 = arith.select %eq3A_1053, %add3A_1050, %sub3A_1036 : vector<16xi1>, vector<16xi32>
      %add3A_1055 = arith.constant 0 : i32
      %add3A_1056 = arith.addi %add3A_1055, %mul3A_632 : i32
      %add3A_1057 = vector.broadcast %add3A_1056 : i32 to vector<16xi32>
      %add3A_1058 = arith.addi %add3A_1057, %iota3A : vector<16xi32>
      %mul3A_1059 = arith.constant 16 : i32
      %mul3A_1060 = vector.broadcast %mul3A_1059 : i32 to vector<16xi32>
      %mul3A_1061 = arith.muli %add3A_1058, %mul3A_1060 : vector<16xi32>
      %add3A_1062 = arith.constant 11 : i32
      %add3A_1063 = vector.broadcast %add3A_1062 : i32 to vector<16xi32>
      %add3A_1064 = arith.addi %mul3A_1061, %add3A_1063 : vector<16xi32>
      tpu.vector_store_idx %arg6[%add3A_1064], %select_n3A_1054 : memref<32768xi32, #tpu.memory_space<vmem>>[vector<16xi32>], vector<16xi32>,
      %get3A_1065 = arith.constant 12 : i32
      %get3A_1066 = arith.index_cast %get3A_1065 : i32 to index
      %get3A_1067 = arith.index_cast %mul3A_632 : i32 to index
      %get3A_1068 = tpu.vector_load %arg7[%get3A_1066, %get3A_1067] {strides = array<i32>} : memref<16x1024xf32, #tpu.memory_space<vmem>>, vector<16xf32>,
      %convert_element_type3A_1069 = arith.fptosi %get3A_1068 : vector<16xf32> to vector<16xi32>
      %sub3A_1070 = arith.constant 1 : i32
      %sub3A_1071 = vector.broadcast %sub3A_1070 : i32 to vector<16xi32>
      %sub3A_1072 = arith.subi %convert_element_type3A_1069, %sub3A_1071 : vector<16xi32>
      %mul3A_1073 = arith.constant 64 : i32
      %mul3A_1074 = arith.muli %add3A, %mul3A_1073 : i32
      %add3A_1075 = arith.addi %mul3A_1074, %mul3A_632 : i32
      %add3A_1076 = vector.broadcast %add3A_1075 : i32 to vector<16xi32>
      %add3A_1077 = arith.addi %add3A_1076, %iota3A : vector<16xi32>
      %add3A_1078 = arith.constant 12 : i32
      %add3A_1079 = vector.broadcast %add3A_1078 : i32 to vector<16xi32>
      %add3A_1080 = arith.addi %add3A_1077, %add3A_1079 : vector<16xi32>
      %and3A_1081 = arith.constant 2047 : i32
      %and3A_1082 = vector.broadcast %and3A_1081 : i32 to vector<16xi32>
      %and3A_1083 = arith.andi %add3A_1080, %and3A_1082 : vector<16xi32>
      %add3A_1084 = arith.constant 65536 : i32
      %add3A_1085 = vector.broadcast %add3A_1084 : i32 to vector<16xi32>
      %add3A_1086 = arith.addi %add3A_1085, %and3A_1083 : vector<16xi32>
      %eq3A_1087 = arith.constant 0.000000e+00 : f32
      %eq3A_1088 = vector.broadcast %eq3A_1087 : f32 to vector<16xf32>
      %eq3A_1089 = arith.cmpf oeq, %get3A_1068, %eq3A_1088 : vector<16xf32>
      %select_n3A_1090 = arith.select %eq3A_1089, %add3A_1086, %sub3A_1072 : vector<16xi1>, vector<16xi32>
      %add3A_1091 = arith.constant 0 : i32
      %add3A_1092 = arith.addi %add3A_1091, %mul3A_632 : i32
      %add3A_1093 = vector.broadcast %add3A_1092 : i32 to vector<16xi32>
      %add3A_1094 = arith.addi %add3A_1093, %iota3A : vector<16xi32>
      %mul3A_1095 = arith.constant 16 : i32
      %mul3A_1096 = vector.broadcast %mul3A_1095 : i32 to vector<16xi32>
      %mul3A_1097 = arith.muli %add3A_1094, %mul3A_1096 : vector<16xi32>
      %add3A_1098 = arith.constant 12 : i32
      %add3A_1099 = vector.broadcast %add3A_1098 : i32 to vector<16xi32>
      %add3A_1100 = arith.addi %mul3A_1097, %add3A_1099 : vector<16xi32>
      tpu.vector_store_idx %arg6[%add3A_1100], %select_n3A_1090 : memref<32768xi32, #tpu.memory_space<vmem>>[vector<16xi32>], vector<16xi32>,
      %get3A_1101 = arith.constant 13 : i32
      %get3A_1102 = arith.index_cast %get3A_1101 : i32 to index
      %get3A_1103 = arith.index_cast %mul3A_632 : i32 to index
      %get3A_1104 = tpu.vector_load %arg7[%get3A_1102, %get3A_1103] {strides = array<i32>} : memref<16x1024xf32, #tpu.memory_space<vmem>>, vector<16xf32>,
      %convert_element_type3A_1105 = arith.fptosi %get3A_1104 : vector<16xf32> to vector<16xi32>
      %sub3A_1106 = arith.constant 1 : i32
      %sub3A_1107 = vector.broadcast %sub3A_1106 : i32 to vector<16xi32>
      %sub3A_1108 = arith.subi %convert_element_type3A_1105, %sub3A_1107 : vector<16xi32>
      %mul3A_1109 = arith.constant 64 : i32
      %mul3A_1110 = arith.muli %add3A, %mul3A_1109 : i32
      %add3A_1111 = arith.addi %mul3A_1110, %mul3A_632 : i32
      %add3A_1112 = vector.broadcast %add3A_1111 : i32 to vector<16xi32>
      %add3A_1113 = arith.addi %add3A_1112, %iota3A : vector<16xi32>
      %add3A_1114 = arith.constant 13 : i32
      %add3A_1115 = vector.broadcast %add3A_1114 : i32 to vector<16xi32>
      %add3A_1116 = arith.addi %add3A_1113, %add3A_1115 : vector<16xi32>
      %and3A_1117 = arith.constant 2047 : i32
      %and3A_1118 = vector.broadcast %and3A_1117 : i32 to vector<16xi32>
      %and3A_1119 = arith.andi %add3A_1116, %and3A_1118 : vector<16xi32>
      %add3A_1120 = arith.constant 65536 : i32
      %add3A_1121 = vector.broadcast %add3A_1120 : i32 to vector<16xi32>
      %add3A_1122 = arith.addi %add3A_1121, %and3A_1119 : vector<16xi32>
      %eq3A_1123 = arith.constant 0.000000e+00 : f32
      %eq3A_1124 = vector.broadcast %eq3A_1123 : f32 to vector<16xf32>
      %eq3A_1125 = arith.cmpf oeq, %get3A_1104, %eq3A_1124 : vector<16xf32>
      %select_n3A_1126 = arith.select %eq3A_1125, %add3A_1122, %sub3A_1108 : vector<16xi1>, vector<16xi32>
      %add3A_1127 = arith.constant 0 : i32
      %add3A_1128 = arith.addi %add3A_1127, %mul3A_632 : i32
      %add3A_1129 = vector.broadcast %add3A_1128 : i32 to vector<16xi32>
      %add3A_1130 = arith.addi %add3A_1129, %iota3A : vector<16xi32>
      %mul3A_1131 = arith.constant 16 : i32
      %mul3A_1132 = vector.broadcast %mul3A_1131 : i32 to vector<16xi32>
      %mul3A_1133 = arith.muli %add3A_1130, %mul3A_1132 : vector<16xi32>
      %add3A_1134 = arith.constant 13 : i32
      %add3A_1135 = vector.broadcast %add3A_1134 : i32 to vector<16xi32>
      %add3A_1136 = arith.addi %mul3A_1133, %add3A_1135 : vector<16xi32>
      tpu.vector_store_idx %arg6[%add3A_1136], %select_n3A_1126 : memref<32768xi32, #tpu.memory_space<vmem>>[vector<16xi32>], vector<16xi32>,
      %get3A_1137 = arith.constant 14 : i32
      %get3A_1138 = arith.index_cast %get3A_1137 : i32 to index
      %get3A_1139 = arith.index_cast %mul3A_632 : i32 to index
      %get3A_1140 = tpu.vector_load %arg7[%get3A_1138, %get3A_1139] {strides = array<i32>} : memref<16x1024xf32, #tpu.memory_space<vmem>>, vector<16xf32>,
      %convert_element_type3A_1141 = arith.fptosi %get3A_1140 : vector<16xf32> to vector<16xi32>
      %sub3A_1142 = arith.constant 1 : i32
      %sub3A_1143 = vector.broadcast %sub3A_1142 : i32 to vector<16xi32>
      %sub3A_1144 = arith.subi %convert_element_type3A_1141, %sub3A_1143 : vector<16xi32>
      %mul3A_1145 = arith.constant 64 : i32
      %mul3A_1146 = arith.muli %add3A, %mul3A_1145 : i32
      %add3A_1147 = arith.addi %mul3A_1146, %mul3A_632 : i32
      %add3A_1148 = vector.broadcast %add3A_1147 : i32 to vector<16xi32>
      %add3A_1149 = arith.addi %add3A_1148, %iota3A : vector<16xi32>
      %add3A_1150 = arith.constant 14 : i32
      %add3A_1151 = vector.broadcast %add3A_1150 : i32 to vector<16xi32>
      %add3A_1152 = arith.addi %add3A_1149, %add3A_1151 : vector<16xi32>
      %and3A_1153 = arith.constant 2047 : i32
      %and3A_1154 = vector.broadcast %and3A_1153 : i32 to vector<16xi32>
      %and3A_1155 = arith.andi %add3A_1152, %and3A_1154 : vector<16xi32>
      %add3A_1156 = arith.constant 65536 : i32
      %add3A_1157 = vector.broadcast %add3A_1156 : i32 to vector<16xi32>
      %add3A_1158 = arith.addi %add3A_1157, %and3A_1155 : vector<16xi32>
      %eq3A_1159 = arith.constant 0.000000e+00 : f32
      %eq3A_1160 = vector.broadcast %eq3A_1159 : f32 to vector<16xf32>
      %eq3A_1161 = arith.cmpf oeq, %get3A_1140, %eq3A_1160 : vector<16xf32>
      %select_n3A_1162 = arith.select %eq3A_1161, %add3A_1158, %sub3A_1144 : vector<16xi1>, vector<16xi32>
      %add3A_1163 = arith.constant 0 : i32
      %add3A_1164 = arith.addi %add3A_1163, %mul3A_632 : i32
      %add3A_1165 = vector.broadcast %add3A_1164 : i32 to vector<16xi32>
      %add3A_1166 = arith.addi %add3A_1165, %iota3A : vector<16xi32>
      %mul3A_1167 = arith.constant 16 : i32
      %mul3A_1168 = vector.broadcast %mul3A_1167 : i32 to vector<16xi32>
      %mul3A_1169 = arith.muli %add3A_1166, %mul3A_1168 : vector<16xi32>
      %add3A_1170 = arith.constant 14 : i32
      %add3A_1171 = vector.broadcast %add3A_1170 : i32 to vector<16xi32>
      %add3A_1172 = arith.addi %mul3A_1169, %add3A_1171 : vector<16xi32>
      tpu.vector_store_idx %arg6[%add3A_1172], %select_n3A_1162 : memref<32768xi32, #tpu.memory_space<vmem>>[vector<16xi32>], vector<16xi32>,
      %get3A_1173 = arith.constant 15 : i32
      %get3A_1174 = arith.index_cast %get3A_1173 : i32 to index
      %get3A_1175 = arith.index_cast %mul3A_632 : i32 to index
      %get3A_1176 = tpu.vector_load %arg7[%get3A_1174, %get3A_1175] {strides = array<i32>} : memref<16x1024xf32, #tpu.memory_space<vmem>>, vector<16xf32>,
      %convert_element_type3A_1177 = arith.fptosi %get3A_1176 : vector<16xf32> to vector<16xi32>
      %sub3A_1178 = arith.constant 1 : i32
      %sub3A_1179 = vector.broadcast %sub3A_1178 : i32 to vector<16xi32>
      %sub3A_1180 = arith.subi %convert_element_type3A_1177, %sub3A_1179 : vector<16xi32>
      %mul3A_1181 = arith.constant 64 : i32
      %mul3A_1182 = arith.muli %add3A, %mul3A_1181 : i32
      %add3A_1183 = arith.addi %mul3A_1182, %mul3A_632 : i32
      %add3A_1184 = vector.broadcast %add3A_1183 : i32 to vector<16xi32>
      %add3A_1185 = arith.addi %add3A_1184, %iota3A : vector<16xi32>
      %add3A_1186 = arith.constant 15 : i32
      %add3A_1187 = vector.broadcast %add3A_1186 : i32 to vector<16xi32>
      %add3A_1188 = arith.addi %add3A_1185, %add3A_1187 : vector<16xi32>
      %and3A_1189 = arith.constant 2047 : i32
      %and3A_1190 = vector.broadcast %and3A_1189 : i32 to vector<16xi32>
      %and3A_1191 = arith.andi %add3A_1188, %and3A_1190 : vector<16xi32>
      %add3A_1192 = arith.constant 65536 : i32
      %add3A_1193 = vector.broadcast %add3A_1192 : i32 to vector<16xi32>
      %add3A_1194 = arith.addi %add3A_1193, %and3A_1191 : vector<16xi32>
      %eq3A_1195 = arith.constant 0.000000e+00 : f32
      %eq3A_1196 = vector.broadcast %eq3A_1195 : f32 to vector<16xf32>
      %eq3A_1197 = arith.cmpf oeq, %get3A_1176, %eq3A_1196 : vector<16xf32>
      %select_n3A_1198 = arith.select %eq3A_1197, %add3A_1194, %sub3A_1180 : vector<16xi1>, vector<16xi32>
      %add3A_1199 = arith.constant 0 : i32
      %add3A_1200 = arith.addi %add3A_1199, %mul3A_632 : i32
      %add3A_1201 = vector.broadcast %add3A_1200 : i32 to vector<16xi32>
      %add3A_1202 = arith.addi %add3A_1201, %iota3A : vector<16xi32>
      %mul3A_1203 = arith.constant 16 : i32
      %mul3A_1204 = vector.broadcast %mul3A_1203 : i32 to vector<16xi32>
      %mul3A_1205 = arith.muli %add3A_1202, %mul3A_1204 : vector<16xi32>
      %add3A_1206 = arith.constant 15 : i32
      %add3A_1207 = vector.broadcast %add3A_1206 : i32 to vector<16xi32>
      %add3A_1208 = arith.addi %mul3A_1205, %add3A_1207 : vector<16xi32>
      tpu.vector_store_idx %arg6[%add3A_1208], %select_n3A_1198 : memref<32768xi32, #tpu.memory_space<vmem>>[vector<16xi32>], vector<16xi32>,
      %scan3A_1209 = arith.constant 2 : i32
      %scan3A_1210 = arith.addi %scan3A_48, %scan3A_1209 : i32
      %mul3A_1211 = arith.constant 1 : i32
      %mul3A_1212 = arith.muli %scan3A_1210, %mul3A_1211 : i32
      %add3A_1213 = arith.constant 0 : i32
      %add3A_1214 = arith.addi %add3A_1213, %mul3A_1212 : i32
      %mul3A_1215 = arith.constant 16 : i32
      %mul3A_1216 = arith.muli %add3A_1214, %mul3A_1215 : i32
      %get3A_1217 = arith.constant 0 : i32
      %get3A_1218 = arith.index_cast %get3A_1217 : i32 to index
      %get3A_1219 = arith.index_cast %mul3A_1216 : i32 to index
      %get3A_1220 = tpu.vector_load %arg7[%get3A_1218, %get3A_1219] {strides = array<i32>} : memref<16x1024xf32, #tpu.memory_space<vmem>>, vector<16xf32>,
      %convert_element_type3A_1221 = arith.fptosi %get3A_1220 : vector<16xf32> to vector<16xi32>
      %sub3A_1222 = arith.constant 1 : i32
      %sub3A_1223 = vector.broadcast %sub3A_1222 : i32 to vector<16xi32>
      %sub3A_1224 = arith.subi %convert_element_type3A_1221, %sub3A_1223 : vector<16xi32>
      %mul3A_1225 = arith.constant 64 : i32
      %mul3A_1226 = arith.muli %add3A, %mul3A_1225 : i32
      %add3A_1227 = arith.addi %mul3A_1226, %mul3A_1216 : i32
      %add3A_1228 = vector.broadcast %add3A_1227 : i32 to vector<16xi32>
      %add3A_1229 = arith.addi %add3A_1228, %iota3A : vector<16xi32>
      %add3A_1230 = arith.constant 0 : i32
      %add3A_1231 = vector.broadcast %add3A_1230 : i32 to vector<16xi32>
      %add3A_1232 = arith.addi %add3A_1229, %add3A_1231 : vector<16xi32>
      %and3A_1233 = arith.constant 2047 : i32
      %and3A_1234 = vector.broadcast %and3A_1233 : i32 to vector<16xi32>
      %and3A_1235 = arith.andi %add3A_1232, %and3A_1234 : vector<16xi32>
      %add3A_1236 = arith.constant 65536 : i32
      %add3A_1237 = vector.broadcast %add3A_1236 : i32 to vector<16xi32>
      %add3A_1238 = arith.addi %add3A_1237, %and3A_1235 : vector<16xi32>
      %eq3A_1239 = arith.constant 0.000000e+00 : f32
      %eq3A_1240 = vector.broadcast %eq3A_1239 : f32 to vector<16xf32>
      %eq3A_1241 = arith.cmpf oeq, %get3A_1220, %eq3A_1240 : vector<16xf32>
      %select_n3A_1242 = arith.select %eq3A_1241, %add3A_1238, %sub3A_1224 : vector<16xi1>, vector<16xi32>
      %add3A_1243 = arith.constant 0 : i32
      %add3A_1244 = arith.addi %add3A_1243, %mul3A_1216 : i32
      %add3A_1245 = vector.broadcast %add3A_1244 : i32 to vector<16xi32>
      %add3A_1246 = arith.addi %add3A_1245, %iota3A : vector<16xi32>
      %mul3A_1247 = arith.constant 16 : i32
      %mul3A_1248 = vector.broadcast %mul3A_1247 : i32 to vector<16xi32>
      %mul3A_1249 = arith.muli %add3A_1246, %mul3A_1248 : vector<16xi32>
      %add3A_1250 = arith.constant 0 : i32
      %add3A_1251 = vector.broadcast %add3A_1250 : i32 to vector<16xi32>
      %add3A_1252 = arith.addi %mul3A_1249, %add3A_1251 : vector<16xi32>
      tpu.vector_store_idx %arg6[%add3A_1252], %select_n3A_1242 : memref<32768xi32, #tpu.memory_space<vmem>>[vector<16xi32>], vector<16xi32>,
      %get3A_1253 = arith.constant 1 : i32
      %get3A_1254 = arith.index_cast %get3A_1253 : i32 to index
      %get3A_1255 = arith.index_cast %mul3A_1216 : i32 to index
      %get3A_1256 = tpu.vector_load %arg7[%get3A_1254, %get3A_1255] {strides = array<i32>} : memref<16x1024xf32, #tpu.memory_space<vmem>>, vector<16xf32>,
      %convert_element_type3A_1257 = arith.fptosi %get3A_1256 : vector<16xf32> to vector<16xi32>
      %sub3A_1258 = arith.constant 1 : i32
      %sub3A_1259 = vector.broadcast %sub3A_1258 : i32 to vector<16xi32>
      %sub3A_1260 = arith.subi %convert_element_type3A_1257, %sub3A_1259 : vector<16xi32>
      %mul3A_1261 = arith.constant 64 : i32
      %mul3A_1262 = arith.muli %add3A, %mul3A_1261 : i32
      %add3A_1263 = arith.addi %mul3A_1262, %mul3A_1216 : i32
      %add3A_1264 = vector.broadcast %add3A_1263 : i32 to vector<16xi32>
      %add3A_1265 = arith.addi %add3A_1264, %iota3A : vector<16xi32>
      %add3A_1266 = arith.constant 1 : i32
      %add3A_1267 = vector.broadcast %add3A_1266 : i32 to vector<16xi32>
      %add3A_1268 = arith.addi %add3A_1265, %add3A_1267 : vector<16xi32>
      %and3A_1269 = arith.constant 2047 : i32
      %and3A_1270 = vector.broadcast %and3A_1269 : i32 to vector<16xi32>
      %and3A_1271 = arith.andi %add3A_1268, %and3A_1270 : vector<16xi32>
      %add3A_1272 = arith.constant 65536 : i32
      %add3A_1273 = vector.broadcast %add3A_1272 : i32 to vector<16xi32>
      %add3A_1274 = arith.addi %add3A_1273, %and3A_1271 : vector<16xi32>
      %eq3A_1275 = arith.constant 0.000000e+00 : f32
      %eq3A_1276 = vector.broadcast %eq3A_1275 : f32 to vector<16xf32>
      %eq3A_1277 = arith.cmpf oeq, %get3A_1256, %eq3A_1276 : vector<16xf32>
      %select_n3A_1278 = arith.select %eq3A_1277, %add3A_1274, %sub3A_1260 : vector<16xi1>, vector<16xi32>
      %add3A_1279 = arith.constant 0 : i32
      %add3A_1280 = arith.addi %add3A_1279, %mul3A_1216 : i32
      %add3A_1281 = vector.broadcast %add3A_1280 : i32 to vector<16xi32>
      %add3A_1282 = arith.addi %add3A_1281, %iota3A : vector<16xi32>
      %mul3A_1283 = arith.constant 16 : i32
      %mul3A_1284 = vector.broadcast %mul3A_1283 : i32 to vector<16xi32>
      %mul3A_1285 = arith.muli %add3A_1282, %mul3A_1284 : vector<16xi32>
      %add3A_1286 = arith.constant 1 : i32
      %add3A_1287 = vector.broadcast %add3A_1286 : i32 to vector<16xi32>
      %add3A_1288 = arith.addi %mul3A_1285, %add3A_1287 : vector<16xi32>
      tpu.vector_store_idx %arg6[%add3A_1288], %select_n3A_1278 : memref<32768xi32, #tpu.memory_space<vmem>>[vector<16xi32>], vector<16xi32>,
      %get3A_1289 = arith.constant 2 : i32
      %get3A_1290 = arith.index_cast %get3A_1289 : i32 to index
      %get3A_1291 = arith.index_cast %mul3A_1216 : i32 to index
      %get3A_1292 = tpu.vector_load %arg7[%get3A_1290, %get3A_1291] {strides = array<i32>} : memref<16x1024xf32, #tpu.memory_space<vmem>>, vector<16xf32>,
      %convert_element_type3A_1293 = arith.fptosi %get3A_1292 : vector<16xf32> to vector<16xi32>
      %sub3A_1294 = arith.constant 1 : i32
      %sub3A_1295 = vector.broadcast %sub3A_1294 : i32 to vector<16xi32>
      %sub3A_1296 = arith.subi %convert_element_type3A_1293, %sub3A_1295 : vector<16xi32>
      %mul3A_1297 = arith.constant 64 : i32
      %mul3A_1298 = arith.muli %add3A, %mul3A_1297 : i32
      %add3A_1299 = arith.addi %mul3A_1298, %mul3A_1216 : i32
      %add3A_1300 = vector.broadcast %add3A_1299 : i32 to vector<16xi32>
      %add3A_1301 = arith.addi %add3A_1300, %iota3A : vector<16xi32>
      %add3A_1302 = arith.constant 2 : i32
      %add3A_1303 = vector.broadcast %add3A_1302 : i32 to vector<16xi32>
      %add3A_1304 = arith.addi %add3A_1301, %add3A_1303 : vector<16xi32>
      %and3A_1305 = arith.constant 2047 : i32
      %and3A_1306 = vector.broadcast %and3A_1305 : i32 to vector<16xi32>
      %and3A_1307 = arith.andi %add3A_1304, %and3A_1306 : vector<16xi32>
      %add3A_1308 = arith.constant 65536 : i32
      %add3A_1309 = vector.broadcast %add3A_1308 : i32 to vector<16xi32>
      %add3A_1310 = arith.addi %add3A_1309, %and3A_1307 : vector<16xi32>
      %eq3A_1311 = arith.constant 0.000000e+00 : f32
      %eq3A_1312 = vector.broadcast %eq3A_1311 : f32 to vector<16xf32>
      %eq3A_1313 = arith.cmpf oeq, %get3A_1292, %eq3A_1312 : vector<16xf32>
      %select_n3A_1314 = arith.select %eq3A_1313, %add3A_1310, %sub3A_1296 : vector<16xi1>, vector<16xi32>
      %add3A_1315 = arith.constant 0 : i32
      %add3A_1316 = arith.addi %add3A_1315, %mul3A_1216 : i32
      %add3A_1317 = vector.broadcast %add3A_1316 : i32 to vector<16xi32>
      %add3A_1318 = arith.addi %add3A_1317, %iota3A : vector<16xi32>
      %mul3A_1319 = arith.constant 16 : i32
      %mul3A_1320 = vector.broadcast %mul3A_1319 : i32 to vector<16xi32>
      %mul3A_1321 = arith.muli %add3A_1318, %mul3A_1320 : vector<16xi32>
      %add3A_1322 = arith.constant 2 : i32
      %add3A_1323 = vector.broadcast %add3A_1322 : i32 to vector<16xi32>
      %add3A_1324 = arith.addi %mul3A_1321, %add3A_1323 : vector<16xi32>
      tpu.vector_store_idx %arg6[%add3A_1324], %select_n3A_1314 : memref<32768xi32, #tpu.memory_space<vmem>>[vector<16xi32>], vector<16xi32>,
      %get3A_1325 = arith.constant 3 : i32
      %get3A_1326 = arith.index_cast %get3A_1325 : i32 to index
      %get3A_1327 = arith.index_cast %mul3A_1216 : i32 to index
      %get3A_1328 = tpu.vector_load %arg7[%get3A_1326, %get3A_1327] {strides = array<i32>} : memref<16x1024xf32, #tpu.memory_space<vmem>>, vector<16xf32>,
      %convert_element_type3A_1329 = arith.fptosi %get3A_1328 : vector<16xf32> to vector<16xi32>
      %sub3A_1330 = arith.constant 1 : i32
      %sub3A_1331 = vector.broadcast %sub3A_1330 : i32 to vector<16xi32>
      %sub3A_1332 = arith.subi %convert_element_type3A_1329, %sub3A_1331 : vector<16xi32>
      %mul3A_1333 = arith.constant 64 : i32
      %mul3A_1334 = arith.muli %add3A, %mul3A_1333 : i32
      %add3A_1335 = arith.addi %mul3A_1334, %mul3A_1216 : i32
      %add3A_1336 = vector.broadcast %add3A_1335 : i32 to vector<16xi32>
      %add3A_1337 = arith.addi %add3A_1336, %iota3A : vector<16xi32>
      %add3A_1338 = arith.constant 3 : i32
      %add3A_1339 = vector.broadcast %add3A_1338 : i32 to vector<16xi32>
      %add3A_1340 = arith.addi %add3A_1337, %add3A_1339 : vector<16xi32>
      %and3A_1341 = arith.constant 2047 : i32
      %and3A_1342 = vector.broadcast %and3A_1341 : i32 to vector<16xi32>
      %and3A_1343 = arith.andi %add3A_1340, %and3A_1342 : vector<16xi32>
      %add3A_1344 = arith.constant 65536 : i32
      %add3A_1345 = vector.broadcast %add3A_1344 : i32 to vector<16xi32>
      %add3A_1346 = arith.addi %add3A_1345, %and3A_1343 : vector<16xi32>
      %eq3A_1347 = arith.constant 0.000000e+00 : f32
      %eq3A_1348 = vector.broadcast %eq3A_1347 : f32 to vector<16xf32>
      %eq3A_1349 = arith.cmpf oeq, %get3A_1328, %eq3A_1348 : vector<16xf32>
      %select_n3A_1350 = arith.select %eq3A_1349, %add3A_1346, %sub3A_1332 : vector<16xi1>, vector<16xi32>
      %add3A_1351 = arith.constant 0 : i32
      %add3A_1352 = arith.addi %add3A_1351, %mul3A_1216 : i32
      %add3A_1353 = vector.broadcast %add3A_1352 : i32 to vector<16xi32>
      %add3A_1354 = arith.addi %add3A_1353, %iota3A : vector<16xi32>
      %mul3A_1355 = arith.constant 16 : i32
      %mul3A_1356 = vector.broadcast %mul3A_1355 : i32 to vector<16xi32>
      %mul3A_1357 = arith.muli %add3A_1354, %mul3A_1356 : vector<16xi32>
      %add3A_1358 = arith.constant 3 : i32
      %add3A_1359 = vector.broadcast %add3A_1358 : i32 to vector<16xi32>
      %add3A_1360 = arith.addi %mul3A_1357, %add3A_1359 : vector<16xi32>
      tpu.vector_store_idx %arg6[%add3A_1360], %select_n3A_1350 : memref<32768xi32, #tpu.memory_space<vmem>>[vector<16xi32>], vector<16xi32>,
      %get3A_1361 = arith.constant 4 : i32
      %get3A_1362 = arith.index_cast %get3A_1361 : i32 to index
      %get3A_1363 = arith.index_cast %mul3A_1216 : i32 to index
      %get3A_1364 = tpu.vector_load %arg7[%get3A_1362, %get3A_1363] {strides = array<i32>} : memref<16x1024xf32, #tpu.memory_space<vmem>>, vector<16xf32>,
      %convert_element_type3A_1365 = arith.fptosi %get3A_1364 : vector<16xf32> to vector<16xi32>
      %sub3A_1366 = arith.constant 1 : i32
      %sub3A_1367 = vector.broadcast %sub3A_1366 : i32 to vector<16xi32>
      %sub3A_1368 = arith.subi %convert_element_type3A_1365, %sub3A_1367 : vector<16xi32>
      %mul3A_1369 = arith.constant 64 : i32
      %mul3A_1370 = arith.muli %add3A, %mul3A_1369 : i32
      %add3A_1371 = arith.addi %mul3A_1370, %mul3A_1216 : i32
      %add3A_1372 = vector.broadcast %add3A_1371 : i32 to vector<16xi32>
      %add3A_1373 = arith.addi %add3A_1372, %iota3A : vector<16xi32>
      %add3A_1374 = arith.constant 4 : i32
      %add3A_1375 = vector.broadcast %add3A_1374 : i32 to vector<16xi32>
      %add3A_1376 = arith.addi %add3A_1373, %add3A_1375 : vector<16xi32>
      %and3A_1377 = arith.constant 2047 : i32
      %and3A_1378 = vector.broadcast %and3A_1377 : i32 to vector<16xi32>
      %and3A_1379 = arith.andi %add3A_1376, %and3A_1378 : vector<16xi32>
      %add3A_1380 = arith.constant 65536 : i32
      %add3A_1381 = vector.broadcast %add3A_1380 : i32 to vector<16xi32>
      %add3A_1382 = arith.addi %add3A_1381, %and3A_1379 : vector<16xi32>
      %eq3A_1383 = arith.constant 0.000000e+00 : f32
      %eq3A_1384 = vector.broadcast %eq3A_1383 : f32 to vector<16xf32>
      %eq3A_1385 = arith.cmpf oeq, %get3A_1364, %eq3A_1384 : vector<16xf32>
      %select_n3A_1386 = arith.select %eq3A_1385, %add3A_1382, %sub3A_1368 : vector<16xi1>, vector<16xi32>
      %add3A_1387 = arith.constant 0 : i32
      %add3A_1388 = arith.addi %add3A_1387, %mul3A_1216 : i32
      %add3A_1389 = vector.broadcast %add3A_1388 : i32 to vector<16xi32>
      %add3A_1390 = arith.addi %add3A_1389, %iota3A : vector<16xi32>
      %mul3A_1391 = arith.constant 16 : i32
      %mul3A_1392 = vector.broadcast %mul3A_1391 : i32 to vector<16xi32>
      %mul3A_1393 = arith.muli %add3A_1390, %mul3A_1392 : vector<16xi32>
      %add3A_1394 = arith.constant 4 : i32
      %add3A_1395 = vector.broadcast %add3A_1394 : i32 to vector<16xi32>
      %add3A_1396 = arith.addi %mul3A_1393, %add3A_1395 : vector<16xi32>
      tpu.vector_store_idx %arg6[%add3A_1396], %select_n3A_1386 : memref<32768xi32, #tpu.memory_space<vmem>>[vector<16xi32>], vector<16xi32>,
      %get3A_1397 = arith.constant 5 : i32
      %get3A_1398 = arith.index_cast %get3A_1397 : i32 to index
      %get3A_1399 = arith.index_cast %mul3A_1216 : i32 to index
      %get3A_1400 = tpu.vector_load %arg7[%get3A_1398, %get3A_1399] {strides = array<i32>} : memref<16x1024xf32, #tpu.memory_space<vmem>>, vector<16xf32>,
      %convert_element_type3A_1401 = arith.fptosi %get3A_1400 : vector<16xf32> to vector<16xi32>
      %sub3A_1402 = arith.constant 1 : i32
      %sub3A_1403 = vector.broadcast %sub3A_1402 : i32 to vector<16xi32>
      %sub3A_1404 = arith.subi %convert_element_type3A_1401, %sub3A_1403 : vector<16xi32>
      %mul3A_1405 = arith.constant 64 : i32
      %mul3A_1406 = arith.muli %add3A, %mul3A_1405 : i32
      %add3A_1407 = arith.addi %mul3A_1406, %mul3A_1216 : i32
      %add3A_1408 = vector.broadcast %add3A_1407 : i32 to vector<16xi32>
      %add3A_1409 = arith.addi %add3A_1408, %iota3A : vector<16xi32>
      %add3A_1410 = arith.constant 5 : i32
      %add3A_1411 = vector.broadcast %add3A_1410 : i32 to vector<16xi32>
      %add3A_1412 = arith.addi %add3A_1409, %add3A_1411 : vector<16xi32>
      %and3A_1413 = arith.constant 2047 : i32
      %and3A_1414 = vector.broadcast %and3A_1413 : i32 to vector<16xi32>
      %and3A_1415 = arith.andi %add3A_1412, %and3A_1414 : vector<16xi32>
      %add3A_1416 = arith.constant 65536 : i32
      %add3A_1417 = vector.broadcast %add3A_1416 : i32 to vector<16xi32>
      %add3A_1418 = arith.addi %add3A_1417, %and3A_1415 : vector<16xi32>
      %eq3A_1419 = arith.constant 0.000000e+00 : f32
      %eq3A_1420 = vector.broadcast %eq3A_1419 : f32 to vector<16xf32>
      %eq3A_1421 = arith.cmpf oeq, %get3A_1400, %eq3A_1420 : vector<16xf32>
      %select_n3A_1422 = arith.select %eq3A_1421, %add3A_1418, %sub3A_1404 : vector<16xi1>, vector<16xi32>
      %add3A_1423 = arith.constant 0 : i32
      %add3A_1424 = arith.addi %add3A_1423, %mul3A_1216 : i32
      %add3A_1425 = vector.broadcast %add3A_1424 : i32 to vector<16xi32>
      %add3A_1426 = arith.addi %add3A_1425, %iota3A : vector<16xi32>
      %mul3A_1427 = arith.constant 16 : i32
      %mul3A_1428 = vector.broadcast %mul3A_1427 : i32 to vector<16xi32>
      %mul3A_1429 = arith.muli %add3A_1426, %mul3A_1428 : vector<16xi32>
      %add3A_1430 = arith.constant 5 : i32
      %add3A_1431 = vector.broadcast %add3A_1430 : i32 to vector<16xi32>
      %add3A_1432 = arith.addi %mul3A_1429, %add3A_1431 : vector<16xi32>
      tpu.vector_store_idx %arg6[%add3A_1432], %select_n3A_1422 : memref<32768xi32, #tpu.memory_space<vmem>>[vector<16xi32>], vector<16xi32>,
      %get3A_1433 = arith.constant 6 : i32
      %get3A_1434 = arith.index_cast %get3A_1433 : i32 to index
      %get3A_1435 = arith.index_cast %mul3A_1216 : i32 to index
      %get3A_1436 = tpu.vector_load %arg7[%get3A_1434, %get3A_1435] {strides = array<i32>} : memref<16x1024xf32, #tpu.memory_space<vmem>>, vector<16xf32>,
      %convert_element_type3A_1437 = arith.fptosi %get3A_1436 : vector<16xf32> to vector<16xi32>
      %sub3A_1438 = arith.constant 1 : i32
      %sub3A_1439 = vector.broadcast %sub3A_1438 : i32 to vector<16xi32>
      %sub3A_1440 = arith.subi %convert_element_type3A_1437, %sub3A_1439 : vector<16xi32>
      %mul3A_1441 = arith.constant 64 : i32
      %mul3A_1442 = arith.muli %add3A, %mul3A_1441 : i32
      %add3A_1443 = arith.addi %mul3A_1442, %mul3A_1216 : i32
      %add3A_1444 = vector.broadcast %add3A_1443 : i32 to vector<16xi32>
      %add3A_1445 = arith.addi %add3A_1444, %iota3A : vector<16xi32>
      %add3A_1446 = arith.constant 6 : i32
      %add3A_1447 = vector.broadcast %add3A_1446 : i32 to vector<16xi32>
      %add3A_1448 = arith.addi %add3A_1445, %add3A_1447 : vector<16xi32>
      %and3A_1449 = arith.constant 2047 : i32
      %and3A_1450 = vector.broadcast %and3A_1449 : i32 to vector<16xi32>
      %and3A_1451 = arith.andi %add3A_1448, %and3A_1450 : vector<16xi32>
      %add3A_1452 = arith.constant 65536 : i32
      %add3A_1453 = vector.broadcast %add3A_1452 : i32 to vector<16xi32>
      %add3A_1454 = arith.addi %add3A_1453, %and3A_1451 : vector<16xi32>
      %eq3A_1455 = arith.constant 0.000000e+00 : f32
      %eq3A_1456 = vector.broadcast %eq3A_1455 : f32 to vector<16xf32>
      %eq3A_1457 = arith.cmpf oeq, %get3A_1436, %eq3A_1456 : vector<16xf32>
      %select_n3A_1458 = arith.select %eq3A_1457, %add3A_1454, %sub3A_1440 : vector<16xi1>, vector<16xi32>
      %add3A_1459 = arith.constant 0 : i32
      %add3A_1460 = arith.addi %add3A_1459, %mul3A_1216 : i32
      %add3A_1461 = vector.broadcast %add3A_1460 : i32 to vector<16xi32>
      %add3A_1462 = arith.addi %add3A_1461, %iota3A : vector<16xi32>
      %mul3A_1463 = arith.constant 16 : i32
      %mul3A_1464 = vector.broadcast %mul3A_1463 : i32 to vector<16xi32>
      %mul3A_1465 = arith.muli %add3A_1462, %mul3A_1464 : vector<16xi32>
      %add3A_1466 = arith.constant 6 : i32
      %add3A_1467 = vector.broadcast %add3A_1466 : i32 to vector<16xi32>
      %add3A_1468 = arith.addi %mul3A_1465, %add3A_1467 : vector<16xi32>
      tpu.vector_store_idx %arg6[%add3A_1468], %select_n3A_1458 : memref<32768xi32, #tpu.memory_space<vmem>>[vector<16xi32>], vector<16xi32>,
      %get3A_1469 = arith.constant 7 : i32
      %get3A_1470 = arith.index_cast %get3A_1469 : i32 to index
      %get3A_1471 = arith.index_cast %mul3A_1216 : i32 to index
      %get3A_1472 = tpu.vector_load %arg7[%get3A_1470, %get3A_1471] {strides = array<i32>} : memref<16x1024xf32, #tpu.memory_space<vmem>>, vector<16xf32>,
      %convert_element_type3A_1473 = arith.fptosi %get3A_1472 : vector<16xf32> to vector<16xi32>
      %sub3A_1474 = arith.constant 1 : i32
      %sub3A_1475 = vector.broadcast %sub3A_1474 : i32 to vector<16xi32>
      %sub3A_1476 = arith.subi %convert_element_type3A_1473, %sub3A_1475 : vector<16xi32>
      %mul3A_1477 = arith.constant 64 : i32
      %mul3A_1478 = arith.muli %add3A, %mul3A_1477 : i32
      %add3A_1479 = arith.addi %mul3A_1478, %mul3A_1216 : i32
      %add3A_1480 = vector.broadcast %add3A_1479 : i32 to vector<16xi32>
      %add3A_1481 = arith.addi %add3A_1480, %iota3A : vector<16xi32>
      %add3A_1482 = arith.constant 7 : i32
      %add3A_1483 = vector.broadcast %add3A_1482 : i32 to vector<16xi32>
      %add3A_1484 = arith.addi %add3A_1481, %add3A_1483 : vector<16xi32>
      %and3A_1485 = arith.constant 2047 : i32
      %and3A_1486 = vector.broadcast %and3A_1485 : i32 to vector<16xi32>
      %and3A_1487 = arith.andi %add3A_1484, %and3A_1486 : vector<16xi32>
      %add3A_1488 = arith.constant 65536 : i32
      %add3A_1489 = vector.broadcast %add3A_1488 : i32 to vector<16xi32>
      %add3A_1490 = arith.addi %add3A_1489, %and3A_1487 : vector<16xi32>
      %eq3A_1491 = arith.constant 0.000000e+00 : f32
      %eq3A_1492 = vector.broadcast %eq3A_1491 : f32 to vector<16xf32>
      %eq3A_1493 = arith.cmpf oeq, %get3A_1472, %eq3A_1492 : vector<16xf32>
      %select_n3A_1494 = arith.select %eq3A_1493, %add3A_1490, %sub3A_1476 : vector<16xi1>, vector<16xi32>
      %add3A_1495 = arith.constant 0 : i32
      %add3A_1496 = arith.addi %add3A_1495, %mul3A_1216 : i32
      %add3A_1497 = vector.broadcast %add3A_1496 : i32 to vector<16xi32>
      %add3A_1498 = arith.addi %add3A_1497, %iota3A : vector<16xi32>
      %mul3A_1499 = arith.constant 16 : i32
      %mul3A_1500 = vector.broadcast %mul3A_1499 : i32 to vector<16xi32>
      %mul3A_1501 = arith.muli %add3A_1498, %mul3A_1500 : vector<16xi32>
      %add3A_1502 = arith.constant 7 : i32
      %add3A_1503 = vector.broadcast %add3A_1502 : i32 to vector<16xi32>
      %add3A_1504 = arith.addi %mul3A_1501, %add3A_1503 : vector<16xi32>
      tpu.vector_store_idx %arg6[%add3A_1504], %select_n3A_1494 : memref<32768xi32, #tpu.memory_space<vmem>>[vector<16xi32>], vector<16xi32>,
      %get3A_1505 = arith.constant 8 : i32
      %get3A_1506 = arith.index_cast %get3A_1505 : i32 to index
      %get3A_1507 = arith.index_cast %mul3A_1216 : i32 to index
      %get3A_1508 = tpu.vector_load %arg7[%get3A_1506, %get3A_1507] {strides = array<i32>} : memref<16x1024xf32, #tpu.memory_space<vmem>>, vector<16xf32>,
      %convert_element_type3A_1509 = arith.fptosi %get3A_1508 : vector<16xf32> to vector<16xi32>
      %sub3A_1510 = arith.constant 1 : i32
      %sub3A_1511 = vector.broadcast %sub3A_1510 : i32 to vector<16xi32>
      %sub3A_1512 = arith.subi %convert_element_type3A_1509, %sub3A_1511 : vector<16xi32>
      %mul3A_1513 = arith.constant 64 : i32
      %mul3A_1514 = arith.muli %add3A, %mul3A_1513 : i32
      %add3A_1515 = arith.addi %mul3A_1514, %mul3A_1216 : i32
      %add3A_1516 = vector.broadcast %add3A_1515 : i32 to vector<16xi32>
      %add3A_1517 = arith.addi %add3A_1516, %iota3A : vector<16xi32>
      %add3A_1518 = arith.constant 8 : i32
      %add3A_1519 = vector.broadcast %add3A_1518 : i32 to vector<16xi32>
      %add3A_1520 = arith.addi %add3A_1517, %add3A_1519 : vector<16xi32>
      %and3A_1521 = arith.constant 2047 : i32
      %and3A_1522 = vector.broadcast %and3A_1521 : i32 to vector<16xi32>
      %and3A_1523 = arith.andi %add3A_1520, %and3A_1522 : vector<16xi32>
      %add3A_1524 = arith.constant 65536 : i32
      %add3A_1525 = vector.broadcast %add3A_1524 : i32 to vector<16xi32>
      %add3A_1526 = arith.addi %add3A_1525, %and3A_1523 : vector<16xi32>
      %eq3A_1527 = arith.constant 0.000000e+00 : f32
      %eq3A_1528 = vector.broadcast %eq3A_1527 : f32 to vector<16xf32>
      %eq3A_1529 = arith.cmpf oeq, %get3A_1508, %eq3A_1528 : vector<16xf32>
      %select_n3A_1530 = arith.select %eq3A_1529, %add3A_1526, %sub3A_1512 : vector<16xi1>, vector<16xi32>
      %add3A_1531 = arith.constant 0 : i32
      %add3A_1532 = arith.addi %add3A_1531, %mul3A_1216 : i32
      %add3A_1533 = vector.broadcast %add3A_1532 : i32 to vector<16xi32>
      %add3A_1534 = arith.addi %add3A_1533, %iota3A : vector<16xi32>
      %mul3A_1535 = arith.constant 16 : i32
      %mul3A_1536 = vector.broadcast %mul3A_1535 : i32 to vector<16xi32>
      %mul3A_1537 = arith.muli %add3A_1534, %mul3A_1536 : vector<16xi32>
      %add3A_1538 = arith.constant 8 : i32
      %add3A_1539 = vector.broadcast %add3A_1538 : i32 to vector<16xi32>
      %add3A_1540 = arith.addi %mul3A_1537, %add3A_1539 : vector<16xi32>
      tpu.vector_store_idx %arg6[%add3A_1540], %select_n3A_1530 : memref<32768xi32, #tpu.memory_space<vmem>>[vector<16xi32>], vector<16xi32>,
      %get3A_1541 = arith.constant 9 : i32
      %get3A_1542 = arith.index_cast %get3A_1541 : i32 to index
      %get3A_1543 = arith.index_cast %mul3A_1216 : i32 to index
      %get3A_1544 = tpu.vector_load %arg7[%get3A_1542, %get3A_1543] {strides = array<i32>} : memref<16x1024xf32, #tpu.memory_space<vmem>>, vector<16xf32>,
      %convert_element_type3A_1545 = arith.fptosi %get3A_1544 : vector<16xf32> to vector<16xi32>
      %sub3A_1546 = arith.constant 1 : i32
      %sub3A_1547 = vector.broadcast %sub3A_1546 : i32 to vector<16xi32>
      %sub3A_1548 = arith.subi %convert_element_type3A_1545, %sub3A_1547 : vector<16xi32>
      %mul3A_1549 = arith.constant 64 : i32
      %mul3A_1550 = arith.muli %add3A, %mul3A_1549 : i32
      %add3A_1551 = arith.addi %mul3A_1550, %mul3A_1216 : i32
      %add3A_1552 = vector.broadcast %add3A_1551 : i32 to vector<16xi32>
      %add3A_1553 = arith.addi %add3A_1552, %iota3A : vector<16xi32>
      %add3A_1554 = arith.constant 9 : i32
      %add3A_1555 = vector.broadcast %add3A_1554 : i32 to vector<16xi32>
      %add3A_1556 = arith.addi %add3A_1553, %add3A_1555 : vector<16xi32>
      %and3A_1557 = arith.constant 2047 : i32
      %and3A_1558 = vector.broadcast %and3A_1557 : i32 to vector<16xi32>
      %and3A_1559 = arith.andi %add3A_1556, %and3A_1558 : vector<16xi32>
      %add3A_1560 = arith.constant 65536 : i32
      %add3A_1561 = vector.broadcast %add3A_1560 : i32 to vector<16xi32>
      %add3A_1562 = arith.addi %add3A_1561, %and3A_1559 : vector<16xi32>
      %eq3A_1563 = arith.constant 0.000000e+00 : f32
      %eq3A_1564 = vector.broadcast %eq3A_1563 : f32 to vector<16xf32>
      %eq3A_1565 = arith.cmpf oeq, %get3A_1544, %eq3A_1564 : vector<16xf32>
      %select_n3A_1566 = arith.select %eq3A_1565, %add3A_1562, %sub3A_1548 : vector<16xi1>, vector<16xi32>
      %add3A_1567 = arith.constant 0 : i32
      %add3A_1568 = arith.addi %add3A_1567, %mul3A_1216 : i32
      %add3A_1569 = vector.broadcast %add3A_1568 : i32 to vector<16xi32>
      %add3A_1570 = arith.addi %add3A_1569, %iota3A : vector<16xi32>
      %mul3A_1571 = arith.constant 16 : i32
      %mul3A_1572 = vector.broadcast %mul3A_1571 : i32 to vector<16xi32>
      %mul3A_1573 = arith.muli %add3A_1570, %mul3A_1572 : vector<16xi32>
      %add3A_1574 = arith.constant 9 : i32
      %add3A_1575 = vector.broadcast %add3A_1574 : i32 to vector<16xi32>
      %add3A_1576 = arith.addi %mul3A_1573, %add3A_1575 : vector<16xi32>
      tpu.vector_store_idx %arg6[%add3A_1576], %select_n3A_1566 : memref<32768xi32, #tpu.memory_space<vmem>>[vector<16xi32>], vector<16xi32>,
      %get3A_1577 = arith.constant 10 : i32
      %get3A_1578 = arith.index_cast %get3A_1577 : i32 to index
      %get3A_1579 = arith.index_cast %mul3A_1216 : i32 to index
      %get3A_1580 = tpu.vector_load %arg7[%get3A_1578, %get3A_1579] {strides = array<i32>} : memref<16x1024xf32, #tpu.memory_space<vmem>>, vector<16xf32>,
      %convert_element_type3A_1581 = arith.fptosi %get3A_1580 : vector<16xf32> to vector<16xi32>
      %sub3A_1582 = arith.constant 1 : i32
      %sub3A_1583 = vector.broadcast %sub3A_1582 : i32 to vector<16xi32>
      %sub3A_1584 = arith.subi %convert_element_type3A_1581, %sub3A_1583 : vector<16xi32>
      %mul3A_1585 = arith.constant 64 : i32
      %mul3A_1586 = arith.muli %add3A, %mul3A_1585 : i32
      %add3A_1587 = arith.addi %mul3A_1586, %mul3A_1216 : i32
      %add3A_1588 = vector.broadcast %add3A_1587 : i32 to vector<16xi32>
      %add3A_1589 = arith.addi %add3A_1588, %iota3A : vector<16xi32>
      %add3A_1590 = arith.constant 10 : i32
      %add3A_1591 = vector.broadcast %add3A_1590 : i32 to vector<16xi32>
      %add3A_1592 = arith.addi %add3A_1589, %add3A_1591 : vector<16xi32>
      %and3A_1593 = arith.constant 2047 : i32
      %and3A_1594 = vector.broadcast %and3A_1593 : i32 to vector<16xi32>
      %and3A_1595 = arith.andi %add3A_1592, %and3A_1594 : vector<16xi32>
      %add3A_1596 = arith.constant 65536 : i32
      %add3A_1597 = vector.broadcast %add3A_1596 : i32 to vector<16xi32>
      %add3A_1598 = arith.addi %add3A_1597, %and3A_1595 : vector<16xi32>
      %eq3A_1599 = arith.constant 0.000000e+00 : f32
      %eq3A_1600 = vector.broadcast %eq3A_1599 : f32 to vector<16xf32>
      %eq3A_1601 = arith.cmpf oeq, %get3A_1580, %eq3A_1600 : vector<16xf32>
      %select_n3A_1602 = arith.select %eq3A_1601, %add3A_1598, %sub3A_1584 : vector<16xi1>, vector<16xi32>
      %add3A_1603 = arith.constant 0 : i32
      %add3A_1604 = arith.addi %add3A_1603, %mul3A_1216 : i32
      %add3A_1605 = vector.broadcast %add3A_1604 : i32 to vector<16xi32>
      %add3A_1606 = arith.addi %add3A_1605, %iota3A : vector<16xi32>
      %mul3A_1607 = arith.constant 16 : i32
      %mul3A_1608 = vector.broadcast %mul3A_1607 : i32 to vector<16xi32>
      %mul3A_1609 = arith.muli %add3A_1606, %mul3A_1608 : vector<16xi32>
      %add3A_1610 = arith.constant 10 : i32
      %add3A_1611 = vector.broadcast %add3A_1610 : i32 to vector<16xi32>
      %add3A_1612 = arith.addi %mul3A_1609, %add3A_1611 : vector<16xi32>
      tpu.vector_store_idx %arg6[%add3A_1612], %select_n3A_1602 : memref<32768xi32, #tpu.memory_space<vmem>>[vector<16xi32>], vector<16xi32>,
      %get3A_1613 = arith.constant 11 : i32
      %get3A_1614 = arith.index_cast %get3A_1613 : i32 to index
      %get3A_1615 = arith.index_cast %mul3A_1216 : i32 to index
      %get3A_1616 = tpu.vector_load %arg7[%get3A_1614, %get3A_1615] {strides = array<i32>} : memref<16x1024xf32, #tpu.memory_space<vmem>>, vector<16xf32>,
      %convert_element_type3A_1617 = arith.fptosi %get3A_1616 : vector<16xf32> to vector<16xi32>
      %sub3A_1618 = arith.constant 1 : i32
      %sub3A_1619 = vector.broadcast %sub3A_1618 : i32 to vector<16xi32>
      %sub3A_1620 = arith.subi %convert_element_type3A_1617, %sub3A_1619 : vector<16xi32>
      %mul3A_1621 = arith.constant 64 : i32
      %mul3A_1622 = arith.muli %add3A, %mul3A_1621 : i32
      %add3A_1623 = arith.addi %mul3A_1622, %mul3A_1216 : i32
      %add3A_1624 = vector.broadcast %add3A_1623 : i32 to vector<16xi32>
      %add3A_1625 = arith.addi %add3A_1624, %iota3A : vector<16xi32>
      %add3A_1626 = arith.constant 11 : i32
      %add3A_1627 = vector.broadcast %add3A_1626 : i32 to vector<16xi32>
      %add3A_1628 = arith.addi %add3A_1625, %add3A_1627 : vector<16xi32>
      %and3A_1629 = arith.constant 2047 : i32
      %and3A_1630 = vector.broadcast %and3A_1629 : i32 to vector<16xi32>
      %and3A_1631 = arith.andi %add3A_1628, %and3A_1630 : vector<16xi32>
      %add3A_1632 = arith.constant 65536 : i32
      %add3A_1633 = vector.broadcast %add3A_1632 : i32 to vector<16xi32>
      %add3A_1634 = arith.addi %add3A_1633, %and3A_1631 : vector<16xi32>
      %eq3A_1635 = arith.constant 0.000000e+00 : f32
      %eq3A_1636 = vector.broadcast %eq3A_1635 : f32 to vector<16xf32>
      %eq3A_1637 = arith.cmpf oeq, %get3A_1616, %eq3A_1636 : vector<16xf32>
      %select_n3A_1638 = arith.select %eq3A_1637, %add3A_1634, %sub3A_1620 : vector<16xi1>, vector<16xi32>
      %add3A_1639 = arith.constant 0 : i32
      %add3A_1640 = arith.addi %add3A_1639, %mul3A_1216 : i32
      %add3A_1641 = vector.broadcast %add3A_1640 : i32 to vector<16xi32>
      %add3A_1642 = arith.addi %add3A_1641, %iota3A : vector<16xi32>
      %mul3A_1643 = arith.constant 16 : i32
      %mul3A_1644 = vector.broadcast %mul3A_1643 : i32 to vector<16xi32>
      %mul3A_1645 = arith.muli %add3A_1642, %mul3A_1644 : vector<16xi32>
      %add3A_1646 = arith.constant 11 : i32
      %add3A_1647 = vector.broadcast %add3A_1646 : i32 to vector<16xi32>
      %add3A_1648 = arith.addi %mul3A_1645, %add3A_1647 : vector<16xi32>
      tpu.vector_store_idx %arg6[%add3A_1648], %select_n3A_1638 : memref<32768xi32, #tpu.memory_space<vmem>>[vector<16xi32>], vector<16xi32>,
      %get3A_1649 = arith.constant 12 : i32
      %get3A_1650 = arith.index_cast %get3A_1649 : i32 to index
      %get3A_1651 = arith.index_cast %mul3A_1216 : i32 to index
      %get3A_1652 = tpu.vector_load %arg7[%get3A_1650, %get3A_1651] {strides = array<i32>} : memref<16x1024xf32, #tpu.memory_space<vmem>>, vector<16xf32>,
      %convert_element_type3A_1653 = arith.fptosi %get3A_1652 : vector<16xf32> to vector<16xi32>
      %sub3A_1654 = arith.constant 1 : i32
      %sub3A_1655 = vector.broadcast %sub3A_1654 : i32 to vector<16xi32>
      %sub3A_1656 = arith.subi %convert_element_type3A_1653, %sub3A_1655 : vector<16xi32>
      %mul3A_1657 = arith.constant 64 : i32
      %mul3A_1658 = arith.muli %add3A, %mul3A_1657 : i32
      %add3A_1659 = arith.addi %mul3A_1658, %mul3A_1216 : i32
      %add3A_1660 = vector.broadcast %add3A_1659 : i32 to vector<16xi32>
      %add3A_1661 = arith.addi %add3A_1660, %iota3A : vector<16xi32>
      %add3A_1662 = arith.constant 12 : i32
      %add3A_1663 = vector.broadcast %add3A_1662 : i32 to vector<16xi32>
      %add3A_1664 = arith.addi %add3A_1661, %add3A_1663 : vector<16xi32>
      %and3A_1665 = arith.constant 2047 : i32
      %and3A_1666 = vector.broadcast %and3A_1665 : i32 to vector<16xi32>
      %and3A_1667 = arith.andi %add3A_1664, %and3A_1666 : vector<16xi32>
      %add3A_1668 = arith.constant 65536 : i32
      %add3A_1669 = vector.broadcast %add3A_1668 : i32 to vector<16xi32>
      %add3A_1670 = arith.addi %add3A_1669, %and3A_1667 : vector<16xi32>
      %eq3A_1671 = arith.constant 0.000000e+00 : f32
      %eq3A_1672 = vector.broadcast %eq3A_1671 : f32 to vector<16xf32>
      %eq3A_1673 = arith.cmpf oeq, %get3A_1652, %eq3A_1672 : vector<16xf32>
      %select_n3A_1674 = arith.select %eq3A_1673, %add3A_1670, %sub3A_1656 : vector<16xi1>, vector<16xi32>
      %add3A_1675 = arith.constant 0 : i32
      %add3A_1676 = arith.addi %add3A_1675, %mul3A_1216 : i32
      %add3A_1677 = vector.broadcast %add3A_1676 : i32 to vector<16xi32>
      %add3A_1678 = arith.addi %add3A_1677, %iota3A : vector<16xi32>
      %mul3A_1679 = arith.constant 16 : i32
      %mul3A_1680 = vector.broadcast %mul3A_1679 : i32 to vector<16xi32>
      %mul3A_1681 = arith.muli %add3A_1678, %mul3A_1680 : vector<16xi32>
      %add3A_1682 = arith.constant 12 : i32
      %add3A_1683 = vector.broadcast %add3A_1682 : i32 to vector<16xi32>
      %add3A_1684 = arith.addi %mul3A_1681, %add3A_1683 : vector<16xi32>
      tpu.vector_store_idx %arg6[%add3A_1684], %select_n3A_1674 : memref<32768xi32, #tpu.memory_space<vmem>>[vector<16xi32>], vector<16xi32>,
      %get3A_1685 = arith.constant 13 : i32
      %get3A_1686 = arith.index_cast %get3A_1685 : i32 to index
      %get3A_1687 = arith.index_cast %mul3A_1216 : i32 to index
      %get3A_1688 = tpu.vector_load %arg7[%get3A_1686, %get3A_1687] {strides = array<i32>} : memref<16x1024xf32, #tpu.memory_space<vmem>>, vector<16xf32>,
      %convert_element_type3A_1689 = arith.fptosi %get3A_1688 : vector<16xf32> to vector<16xi32>
      %sub3A_1690 = arith.constant 1 : i32
      %sub3A_1691 = vector.broadcast %sub3A_1690 : i32 to vector<16xi32>
      %sub3A_1692 = arith.subi %convert_element_type3A_1689, %sub3A_1691 : vector<16xi32>
      %mul3A_1693 = arith.constant 64 : i32
      %mul3A_1694 = arith.muli %add3A, %mul3A_1693 : i32
      %add3A_1695 = arith.addi %mul3A_1694, %mul3A_1216 : i32
      %add3A_1696 = vector.broadcast %add3A_1695 : i32 to vector<16xi32>
      %add3A_1697 = arith.addi %add3A_1696, %iota3A : vector<16xi32>
      %add3A_1698 = arith.constant 13 : i32
      %add3A_1699 = vector.broadcast %add3A_1698 : i32 to vector<16xi32>
      %add3A_1700 = arith.addi %add3A_1697, %add3A_1699 : vector<16xi32>
      %and3A_1701 = arith.constant 2047 : i32
      %and3A_1702 = vector.broadcast %and3A_1701 : i32 to vector<16xi32>
      %and3A_1703 = arith.andi %add3A_1700, %and3A_1702 : vector<16xi32>
      %add3A_1704 = arith.constant 65536 : i32
      %add3A_1705 = vector.broadcast %add3A_1704 : i32 to vector<16xi32>
      %add3A_1706 = arith.addi %add3A_1705, %and3A_1703 : vector<16xi32>
      %eq3A_1707 = arith.constant 0.000000e+00 : f32
      %eq3A_1708 = vector.broadcast %eq3A_1707 : f32 to vector<16xf32>
      %eq3A_1709 = arith.cmpf oeq, %get3A_1688, %eq3A_1708 : vector<16xf32>
      %select_n3A_1710 = arith.select %eq3A_1709, %add3A_1706, %sub3A_1692 : vector<16xi1>, vector<16xi32>
      %add3A_1711 = arith.constant 0 : i32
      %add3A_1712 = arith.addi %add3A_1711, %mul3A_1216 : i32
      %add3A_1713 = vector.broadcast %add3A_1712 : i32 to vector<16xi32>
      %add3A_1714 = arith.addi %add3A_1713, %iota3A : vector<16xi32>
      %mul3A_1715 = arith.constant 16 : i32
      %mul3A_1716 = vector.broadcast %mul3A_1715 : i32 to vector<16xi32>
      %mul3A_1717 = arith.muli %add3A_1714, %mul3A_1716 : vector<16xi32>
      %add3A_1718 = arith.constant 13 : i32
      %add3A_1719 = vector.broadcast %add3A_1718 : i32 to vector<16xi32>
      %add3A_1720 = arith.addi %mul3A_1717, %add3A_1719 : vector<16xi32>
      tpu.vector_store_idx %arg6[%add3A_1720], %select_n3A_1710 : memref<32768xi32, #tpu.memory_space<vmem>>[vector<16xi32>], vector<16xi32>,
      %get3A_1721 = arith.constant 14 : i32
      %get3A_1722 = arith.index_cast %get3A_1721 : i32 to index
      %get3A_1723 = arith.index_cast %mul3A_1216 : i32 to index
      %get3A_1724 = tpu.vector_load %arg7[%get3A_1722, %get3A_1723] {strides = array<i32>} : memref<16x1024xf32, #tpu.memory_space<vmem>>, vector<16xf32>,
      %convert_element_type3A_1725 = arith.fptosi %get3A_1724 : vector<16xf32> to vector<16xi32>
      %sub3A_1726 = arith.constant 1 : i32
      %sub3A_1727 = vector.broadcast %sub3A_1726 : i32 to vector<16xi32>
      %sub3A_1728 = arith.subi %convert_element_type3A_1725, %sub3A_1727 : vector<16xi32>
      %mul3A_1729 = arith.constant 64 : i32
      %mul3A_1730 = arith.muli %add3A, %mul3A_1729 : i32
      %add3A_1731 = arith.addi %mul3A_1730, %mul3A_1216 : i32
      %add3A_1732 = vector.broadcast %add3A_1731 : i32 to vector<16xi32>
      %add3A_1733 = arith.addi %add3A_1732, %iota3A : vector<16xi32>
      %add3A_1734 = arith.constant 14 : i32
      %add3A_1735 = vector.broadcast %add3A_1734 : i32 to vector<16xi32>
      %add3A_1736 = arith.addi %add3A_1733, %add3A_1735 : vector<16xi32>
      %and3A_1737 = arith.constant 2047 : i32
      %and3A_1738 = vector.broadcast %and3A_1737 : i32 to vector<16xi32>
      %and3A_1739 = arith.andi %add3A_1736, %and3A_1738 : vector<16xi32>
      %add3A_1740 = arith.constant 65536 : i32
      %add3A_1741 = vector.broadcast %add3A_1740 : i32 to vector<16xi32>
      %add3A_1742 = arith.addi %add3A_1741, %and3A_1739 : vector<16xi32>
      %eq3A_1743 = arith.constant 0.000000e+00 : f32
      %eq3A_1744 = vector.broadcast %eq3A_1743 : f32 to vector<16xf32>
      %eq3A_1745 = arith.cmpf oeq, %get3A_1724, %eq3A_1744 : vector<16xf32>
      %select_n3A_1746 = arith.select %eq3A_1745, %add3A_1742, %sub3A_1728 : vector<16xi1>, vector<16xi32>
      %add3A_1747 = arith.constant 0 : i32
      %add3A_1748 = arith.addi %add3A_1747, %mul3A_1216 : i32
      %add3A_1749 = vector.broadcast %add3A_1748 : i32 to vector<16xi32>
      %add3A_1750 = arith.addi %add3A_1749, %iota3A : vector<16xi32>
      %mul3A_1751 = arith.constant 16 : i32
      %mul3A_1752 = vector.broadcast %mul3A_1751 : i32 to vector<16xi32>
      %mul3A_1753 = arith.muli %add3A_1750, %mul3A_1752 : vector<16xi32>
      %add3A_1754 = arith.constant 14 : i32
      %add3A_1755 = vector.broadcast %add3A_1754 : i32 to vector<16xi32>
      %add3A_1756 = arith.addi %mul3A_1753, %add3A_1755 : vector<16xi32>
      tpu.vector_store_idx %arg6[%add3A_1756], %select_n3A_1746 : memref<32768xi32, #tpu.memory_space<vmem>>[vector<16xi32>], vector<16xi32>,
      %get3A_1757 = arith.constant 15 : i32
      %get3A_1758 = arith.index_cast %get3A_1757 : i32 to index
      %get3A_1759 = arith.index_cast %mul3A_1216 : i32 to index
      %get3A_1760 = tpu.vector_load %arg7[%get3A_1758, %get3A_1759] {strides = array<i32>} : memref<16x1024xf32, #tpu.memory_space<vmem>>, vector<16xf32>,
      %convert_element_type3A_1761 = arith.fptosi %get3A_1760 : vector<16xf32> to vector<16xi32>
      %sub3A_1762 = arith.constant 1 : i32
      %sub3A_1763 = vector.broadcast %sub3A_1762 : i32 to vector<16xi32>
      %sub3A_1764 = arith.subi %convert_element_type3A_1761, %sub3A_1763 : vector<16xi32>
      %mul3A_1765 = arith.constant 64 : i32
      %mul3A_1766 = arith.muli %add3A, %mul3A_1765 : i32
      %add3A_1767 = arith.addi %mul3A_1766, %mul3A_1216 : i32
      %add3A_1768 = vector.broadcast %add3A_1767 : i32 to vector<16xi32>
      %add3A_1769 = arith.addi %add3A_1768, %iota3A : vector<16xi32>
      %add3A_1770 = arith.constant 15 : i32
      %add3A_1771 = vector.broadcast %add3A_1770 : i32 to vector<16xi32>
      %add3A_1772 = arith.addi %add3A_1769, %add3A_1771 : vector<16xi32>
      %and3A_1773 = arith.constant 2047 : i32
      %and3A_1774 = vector.broadcast %and3A_1773 : i32 to vector<16xi32>
      %and3A_1775 = arith.andi %add3A_1772, %and3A_1774 : vector<16xi32>
      %add3A_1776 = arith.constant 65536 : i32
      %add3A_1777 = vector.broadcast %add3A_1776 : i32 to vector<16xi32>
      %add3A_1778 = arith.addi %add3A_1777, %and3A_1775 : vector<16xi32>
      %eq3A_1779 = arith.constant 0.000000e+00 : f32
      %eq3A_1780 = vector.broadcast %eq3A_1779 : f32 to vector<16xf32>
      %eq3A_1781 = arith.cmpf oeq, %get3A_1760, %eq3A_1780 : vector<16xf32>
      %select_n3A_1782 = arith.select %eq3A_1781, %add3A_1778, %sub3A_1764 : vector<16xi1>, vector<16xi32>
      %add3A_1783 = arith.constant 0 : i32
      %add3A_1784 = arith.addi %add3A_1783, %mul3A_1216 : i32
      %add3A_1785 = vector.broadcast %add3A_1784 : i32 to vector<16xi32>
      %add3A_1786 = arith.addi %add3A_1785, %iota3A : vector<16xi32>
      %mul3A_1787 = arith.constant 16 : i32
      %mul3A_1788 = vector.broadcast %mul3A_1787 : i32 to vector<16xi32>
      %mul3A_1789 = arith.muli %add3A_1786, %mul3A_1788 : vector<16xi32>
      %add3A_1790 = arith.constant 15 : i32
      %add3A_1791 = vector.broadcast %add3A_1790 : i32 to vector<16xi32>
      %add3A_1792 = arith.addi %mul3A_1789, %add3A_1791 : vector<16xi32>
      tpu.vector_store_idx %arg6[%add3A_1792], %select_n3A_1782 : memref<32768xi32, #tpu.memory_space<vmem>>[vector<16xi32>], vector<16xi32>,
      %scan3A_1793 = arith.constant 3 : i32
      %scan3A_1794 = arith.addi %scan3A_48, %scan3A_1793 : i32
      %mul3A_1795 = arith.constant 1 : i32
      %mul3A_1796 = arith.muli %scan3A_1794, %mul3A_1795 : i32
      %add3A_1797 = arith.constant 0 : i32
      %add3A_1798 = arith.addi %add3A_1797, %mul3A_1796 : i32
      %mul3A_1799 = arith.constant 16 : i32
      %mul3A_1800 = arith.muli %add3A_1798, %mul3A_1799 : i32
      %get3A_1801 = arith.constant 0 : i32
      %get3A_1802 = arith.index_cast %get3A_1801 : i32 to index
      %get3A_1803 = arith.index_cast %mul3A_1800 : i32 to index
      %get3A_1804 = tpu.vector_load %arg7[%get3A_1802, %get3A_1803] {strides = array<i32>} : memref<16x1024xf32, #tpu.memory_space<vmem>>, vector<16xf32>,
      %convert_element_type3A_1805 = arith.fptosi %get3A_1804 : vector<16xf32> to vector<16xi32>
      %sub3A_1806 = arith.constant 1 : i32
      %sub3A_1807 = vector.broadcast %sub3A_1806 : i32 to vector<16xi32>
      %sub3A_1808 = arith.subi %convert_element_type3A_1805, %sub3A_1807 : vector<16xi32>
      %mul3A_1809 = arith.constant 64 : i32
      %mul3A_1810 = arith.muli %add3A, %mul3A_1809 : i32
      %add3A_1811 = arith.addi %mul3A_1810, %mul3A_1800 : i32
      %add3A_1812 = vector.broadcast %add3A_1811 : i32 to vector<16xi32>
      %add3A_1813 = arith.addi %add3A_1812, %iota3A : vector<16xi32>
      %add3A_1814 = arith.constant 0 : i32
      %add3A_1815 = vector.broadcast %add3A_1814 : i32 to vector<16xi32>
      %add3A_1816 = arith.addi %add3A_1813, %add3A_1815 : vector<16xi32>
      %and3A_1817 = arith.constant 2047 : i32
      %and3A_1818 = vector.broadcast %and3A_1817 : i32 to vector<16xi32>
      %and3A_1819 = arith.andi %add3A_1816, %and3A_1818 : vector<16xi32>
      %add3A_1820 = arith.constant 65536 : i32
      %add3A_1821 = vector.broadcast %add3A_1820 : i32 to vector<16xi32>
      %add3A_1822 = arith.addi %add3A_1821, %and3A_1819 : vector<16xi32>
      %eq3A_1823 = arith.constant 0.000000e+00 : f32
      %eq3A_1824 = vector.broadcast %eq3A_1823 : f32 to vector<16xf32>
      %eq3A_1825 = arith.cmpf oeq, %get3A_1804, %eq3A_1824 : vector<16xf32>
      %select_n3A_1826 = arith.select %eq3A_1825, %add3A_1822, %sub3A_1808 : vector<16xi1>, vector<16xi32>
      %add3A_1827 = arith.constant 0 : i32
      %add3A_1828 = arith.addi %add3A_1827, %mul3A_1800 : i32
      %add3A_1829 = vector.broadcast %add3A_1828 : i32 to vector<16xi32>
      %add3A_1830 = arith.addi %add3A_1829, %iota3A : vector<16xi32>
      %mul3A_1831 = arith.constant 16 : i32
      %mul3A_1832 = vector.broadcast %mul3A_1831 : i32 to vector<16xi32>
      %mul3A_1833 = arith.muli %add3A_1830, %mul3A_1832 : vector<16xi32>
      %add3A_1834 = arith.constant 0 : i32
      %add3A_1835 = vector.broadcast %add3A_1834 : i32 to vector<16xi32>
      %add3A_1836 = arith.addi %mul3A_1833, %add3A_1835 : vector<16xi32>
      tpu.vector_store_idx %arg6[%add3A_1836], %select_n3A_1826 : memref<32768xi32, #tpu.memory_space<vmem>>[vector<16xi32>], vector<16xi32>,
      %get3A_1837 = arith.constant 1 : i32
      %get3A_1838 = arith.index_cast %get3A_1837 : i32 to index
      %get3A_1839 = arith.index_cast %mul3A_1800 : i32 to index
      %get3A_1840 = tpu.vector_load %arg7[%get3A_1838, %get3A_1839] {strides = array<i32>} : memref<16x1024xf32, #tpu.memory_space<vmem>>, vector<16xf32>,
      %convert_element_type3A_1841 = arith.fptosi %get3A_1840 : vector<16xf32> to vector<16xi32>
      %sub3A_1842 = arith.constant 1 : i32
      %sub3A_1843 = vector.broadcast %sub3A_1842 : i32 to vector<16xi32>
      %sub3A_1844 = arith.subi %convert_element_type3A_1841, %sub3A_1843 : vector<16xi32>
      %mul3A_1845 = arith.constant 64 : i32
      %mul3A_1846 = arith.muli %add3A, %mul3A_1845 : i32
      %add3A_1847 = arith.addi %mul3A_1846, %mul3A_1800 : i32
      %add3A_1848 = vector.broadcast %add3A_1847 : i32 to vector<16xi32>
      %add3A_1849 = arith.addi %add3A_1848, %iota3A : vector<16xi32>
      %add3A_1850 = arith.constant 1 : i32
      %add3A_1851 = vector.broadcast %add3A_1850 : i32 to vector<16xi32>
      %add3A_1852 = arith.addi %add3A_1849, %add3A_1851 : vector<16xi32>
      %and3A_1853 = arith.constant 2047 : i32
      %and3A_1854 = vector.broadcast %and3A_1853 : i32 to vector<16xi32>
      %and3A_1855 = arith.andi %add3A_1852, %and3A_1854 : vector<16xi32>
      %add3A_1856 = arith.constant 65536 : i32
      %add3A_1857 = vector.broadcast %add3A_1856 : i32 to vector<16xi32>
      %add3A_1858 = arith.addi %add3A_1857, %and3A_1855 : vector<16xi32>
      %eq3A_1859 = arith.constant 0.000000e+00 : f32
      %eq3A_1860 = vector.broadcast %eq3A_1859 : f32 to vector<16xf32>
      %eq3A_1861 = arith.cmpf oeq, %get3A_1840, %eq3A_1860 : vector<16xf32>
      %select_n3A_1862 = arith.select %eq3A_1861, %add3A_1858, %sub3A_1844 : vector<16xi1>, vector<16xi32>
      %add3A_1863 = arith.constant 0 : i32
      %add3A_1864 = arith.addi %add3A_1863, %mul3A_1800 : i32
      %add3A_1865 = vector.broadcast %add3A_1864 : i32 to vector<16xi32>
      %add3A_1866 = arith.addi %add3A_1865, %iota3A : vector<16xi32>
      %mul3A_1867 = arith.constant 16 : i32
      %mul3A_1868 = vector.broadcast %mul3A_1867 : i32 to vector<16xi32>
      %mul3A_1869 = arith.muli %add3A_1866, %mul3A_1868 : vector<16xi32>
      %add3A_1870 = arith.constant 1 : i32
      %add3A_1871 = vector.broadcast %add3A_1870 : i32 to vector<16xi32>
      %add3A_1872 = arith.addi %mul3A_1869, %add3A_1871 : vector<16xi32>
      tpu.vector_store_idx %arg6[%add3A_1872], %select_n3A_1862 : memref<32768xi32, #tpu.memory_space<vmem>>[vector<16xi32>], vector<16xi32>,
      %get3A_1873 = arith.constant 2 : i32
      %get3A_1874 = arith.index_cast %get3A_1873 : i32 to index
      %get3A_1875 = arith.index_cast %mul3A_1800 : i32 to index
      %get3A_1876 = tpu.vector_load %arg7[%get3A_1874, %get3A_1875] {strides = array<i32>} : memref<16x1024xf32, #tpu.memory_space<vmem>>, vector<16xf32>,
      %convert_element_type3A_1877 = arith.fptosi %get3A_1876 : vector<16xf32> to vector<16xi32>
      %sub3A_1878 = arith.constant 1 : i32
      %sub3A_1879 = vector.broadcast %sub3A_1878 : i32 to vector<16xi32>
      %sub3A_1880 = arith.subi %convert_element_type3A_1877, %sub3A_1879 : vector<16xi32>
      %mul3A_1881 = arith.constant 64 : i32
      %mul3A_1882 = arith.muli %add3A, %mul3A_1881 : i32
      %add3A_1883 = arith.addi %mul3A_1882, %mul3A_1800 : i32
      %add3A_1884 = vector.broadcast %add3A_1883 : i32 to vector<16xi32>
      %add3A_1885 = arith.addi %add3A_1884, %iota3A : vector<16xi32>
      %add3A_1886 = arith.constant 2 : i32
      %add3A_1887 = vector.broadcast %add3A_1886 : i32 to vector<16xi32>
      %add3A_1888 = arith.addi %add3A_1885, %add3A_1887 : vector<16xi32>
      %and3A_1889 = arith.constant 2047 : i32
      %and3A_1890 = vector.broadcast %and3A_1889 : i32 to vector<16xi32>
      %and3A_1891 = arith.andi %add3A_1888, %and3A_1890 : vector<16xi32>
      %add3A_1892 = arith.constant 65536 : i32
      %add3A_1893 = vector.broadcast %add3A_1892 : i32 to vector<16xi32>
      %add3A_1894 = arith.addi %add3A_1893, %and3A_1891 : vector<16xi32>
      %eq3A_1895 = arith.constant 0.000000e+00 : f32
      %eq3A_1896 = vector.broadcast %eq3A_1895 : f32 to vector<16xf32>
      %eq3A_1897 = arith.cmpf oeq, %get3A_1876, %eq3A_1896 : vector<16xf32>
      %select_n3A_1898 = arith.select %eq3A_1897, %add3A_1894, %sub3A_1880 : vector<16xi1>, vector<16xi32>
      %add3A_1899 = arith.constant 0 : i32
      %add3A_1900 = arith.addi %add3A_1899, %mul3A_1800 : i32
      %add3A_1901 = vector.broadcast %add3A_1900 : i32 to vector<16xi32>
      %add3A_1902 = arith.addi %add3A_1901, %iota3A : vector<16xi32>
      %mul3A_1903 = arith.constant 16 : i32
      %mul3A_1904 = vector.broadcast %mul3A_1903 : i32 to vector<16xi32>
      %mul3A_1905 = arith.muli %add3A_1902, %mul3A_1904 : vector<16xi32>
      %add3A_1906 = arith.constant 2 : i32
      %add3A_1907 = vector.broadcast %add3A_1906 : i32 to vector<16xi32>
      %add3A_1908 = arith.addi %mul3A_1905, %add3A_1907 : vector<16xi32>
      tpu.vector_store_idx %arg6[%add3A_1908], %select_n3A_1898 : memref<32768xi32, #tpu.memory_space<vmem>>[vector<16xi32>], vector<16xi32>,
      %get3A_1909 = arith.constant 3 : i32
      %get3A_1910 = arith.index_cast %get3A_1909 : i32 to index
      %get3A_1911 = arith.index_cast %mul3A_1800 : i32 to index
      %get3A_1912 = tpu.vector_load %arg7[%get3A_1910, %get3A_1911] {strides = array<i32>} : memref<16x1024xf32, #tpu.memory_space<vmem>>, vector<16xf32>,
      %convert_element_type3A_1913 = arith.fptosi %get3A_1912 : vector<16xf32> to vector<16xi32>
      %sub3A_1914 = arith.constant 1 : i32
      %sub3A_1915 = vector.broadcast %sub3A_1914 : i32 to vector<16xi32>
      %sub3A_1916 = arith.subi %convert_element_type3A_1913, %sub3A_1915 : vector<16xi32>
      %mul3A_1917 = arith.constant 64 : i32
      %mul3A_1918 = arith.muli %add3A, %mul3A_1917 : i32
      %add3A_1919 = arith.addi %mul3A_1918, %mul3A_1800 : i32
      %add3A_1920 = vector.broadcast %add3A_1919 : i32 to vector<16xi32>
      %add3A_1921 = arith.addi %add3A_1920, %iota3A : vector<16xi32>
      %add3A_1922 = arith.constant 3 : i32
      %add3A_1923 = vector.broadcast %add3A_1922 : i32 to vector<16xi32>
      %add3A_1924 = arith.addi %add3A_1921, %add3A_1923 : vector<16xi32>
      %and3A_1925 = arith.constant 2047 : i32
      %and3A_1926 = vector.broadcast %and3A_1925 : i32 to vector<16xi32>
      %and3A_1927 = arith.andi %add3A_1924, %and3A_1926 : vector<16xi32>
      %add3A_1928 = arith.constant 65536 : i32
      %add3A_1929 = vector.broadcast %add3A_1928 : i32 to vector<16xi32>
      %add3A_1930 = arith.addi %add3A_1929, %and3A_1927 : vector<16xi32>
      %eq3A_1931 = arith.constant 0.000000e+00 : f32
      %eq3A_1932 = vector.broadcast %eq3A_1931 : f32 to vector<16xf32>
      %eq3A_1933 = arith.cmpf oeq, %get3A_1912, %eq3A_1932 : vector<16xf32>
      %select_n3A_1934 = arith.select %eq3A_1933, %add3A_1930, %sub3A_1916 : vector<16xi1>, vector<16xi32>
      %add3A_1935 = arith.constant 0 : i32
      %add3A_1936 = arith.addi %add3A_1935, %mul3A_1800 : i32
      %add3A_1937 = vector.broadcast %add3A_1936 : i32 to vector<16xi32>
      %add3A_1938 = arith.addi %add3A_1937, %iota3A : vector<16xi32>
      %mul3A_1939 = arith.constant 16 : i32
      %mul3A_1940 = vector.broadcast %mul3A_1939 : i32 to vector<16xi32>
      %mul3A_1941 = arith.muli %add3A_1938, %mul3A_1940 : vector<16xi32>
      %add3A_1942 = arith.constant 3 : i32
      %add3A_1943 = vector.broadcast %add3A_1942 : i32 to vector<16xi32>
      %add3A_1944 = arith.addi %mul3A_1941, %add3A_1943 : vector<16xi32>
      tpu.vector_store_idx %arg6[%add3A_1944], %select_n3A_1934 : memref<32768xi32, #tpu.memory_space<vmem>>[vector<16xi32>], vector<16xi32>,
      %get3A_1945 = arith.constant 4 : i32
      %get3A_1946 = arith.index_cast %get3A_1945 : i32 to index
      %get3A_1947 = arith.index_cast %mul3A_1800 : i32 to index
      %get3A_1948 = tpu.vector_load %arg7[%get3A_1946, %get3A_1947] {strides = array<i32>} : memref<16x1024xf32, #tpu.memory_space<vmem>>, vector<16xf32>,
      %convert_element_type3A_1949 = arith.fptosi %get3A_1948 : vector<16xf32> to vector<16xi32>
      %sub3A_1950 = arith.constant 1 : i32
      %sub3A_1951 = vector.broadcast %sub3A_1950 : i32 to vector<16xi32>
      %sub3A_1952 = arith.subi %convert_element_type3A_1949, %sub3A_1951 : vector<16xi32>
      %mul3A_1953 = arith.constant 64 : i32
      %mul3A_1954 = arith.muli %add3A, %mul3A_1953 : i32
      %add3A_1955 = arith.addi %mul3A_1954, %mul3A_1800 : i32
      %add3A_1956 = vector.broadcast %add3A_1955 : i32 to vector<16xi32>
      %add3A_1957 = arith.addi %add3A_1956, %iota3A : vector<16xi32>
      %add3A_1958 = arith.constant 4 : i32
      %add3A_1959 = vector.broadcast %add3A_1958 : i32 to vector<16xi32>
      %add3A_1960 = arith.addi %add3A_1957, %add3A_1959 : vector<16xi32>
      %and3A_1961 = arith.constant 2047 : i32
      %and3A_1962 = vector.broadcast %and3A_1961 : i32 to vector<16xi32>
      %and3A_1963 = arith.andi %add3A_1960, %and3A_1962 : vector<16xi32>
      %add3A_1964 = arith.constant 65536 : i32
      %add3A_1965 = vector.broadcast %add3A_1964 : i32 to vector<16xi32>
      %add3A_1966 = arith.addi %add3A_1965, %and3A_1963 : vector<16xi32>
      %eq3A_1967 = arith.constant 0.000000e+00 : f32
      %eq3A_1968 = vector.broadcast %eq3A_1967 : f32 to vector<16xf32>
      %eq3A_1969 = arith.cmpf oeq, %get3A_1948, %eq3A_1968 : vector<16xf32>
      %select_n3A_1970 = arith.select %eq3A_1969, %add3A_1966, %sub3A_1952 : vector<16xi1>, vector<16xi32>
      %add3A_1971 = arith.constant 0 : i32
      %add3A_1972 = arith.addi %add3A_1971, %mul3A_1800 : i32
      %add3A_1973 = vector.broadcast %add3A_1972 : i32 to vector<16xi32>
      %add3A_1974 = arith.addi %add3A_1973, %iota3A : vector<16xi32>
      %mul3A_1975 = arith.constant 16 : i32
      %mul3A_1976 = vector.broadcast %mul3A_1975 : i32 to vector<16xi32>
      %mul3A_1977 = arith.muli %add3A_1974, %mul3A_1976 : vector<16xi32>
      %add3A_1978 = arith.constant 4 : i32
      %add3A_1979 = vector.broadcast %add3A_1978 : i32 to vector<16xi32>
      %add3A_1980 = arith.addi %mul3A_1977, %add3A_1979 : vector<16xi32>
      tpu.vector_store_idx %arg6[%add3A_1980], %select_n3A_1970 : memref<32768xi32, #tpu.memory_space<vmem>>[vector<16xi32>], vector<16xi32>,
      %get3A_1981 = arith.constant 5 : i32
      %get3A_1982 = arith.index_cast %get3A_1981 : i32 to index
      %get3A_1983 = arith.index_cast %mul3A_1800 : i32 to index
      %get3A_1984 = tpu.vector_load %arg7[%get3A_1982, %get3A_1983] {strides = array<i32>} : memref<16x1024xf32, #tpu.memory_space<vmem>>, vector<16xf32>,
      %convert_element_type3A_1985 = arith.fptosi %get3A_1984 : vector<16xf32> to vector<16xi32>
      %sub3A_1986 = arith.constant 1 : i32
      %sub3A_1987 = vector.broadcast %sub3A_1986 : i32 to vector<16xi32>
      %sub3A_1988 = arith.subi %convert_element_type3A_1985, %sub3A_1987 : vector<16xi32>
      %mul3A_1989 = arith.constant 64 : i32
      %mul3A_1990 = arith.muli %add3A, %mul3A_1989 : i32
      %add3A_1991 = arith.addi %mul3A_1990, %mul3A_1800 : i32
      %add3A_1992 = vector.broadcast %add3A_1991 : i32 to vector<16xi32>
      %add3A_1993 = arith.addi %add3A_1992, %iota3A : vector<16xi32>
      %add3A_1994 = arith.constant 5 : i32
      %add3A_1995 = vector.broadcast %add3A_1994 : i32 to vector<16xi32>
      %add3A_1996 = arith.addi %add3A_1993, %add3A_1995 : vector<16xi32>
      %and3A_1997 = arith.constant 2047 : i32
      %and3A_1998 = vector.broadcast %and3A_1997 : i32 to vector<16xi32>
      %and3A_1999 = arith.andi %add3A_1996, %and3A_1998 : vector<16xi32>
      %add3A_2000 = arith.constant 65536 : i32
      %add3A_2001 = vector.broadcast %add3A_2000 : i32 to vector<16xi32>
      %add3A_2002 = arith.addi %add3A_2001, %and3A_1999 : vector<16xi32>
      %eq3A_2003 = arith.constant 0.000000e+00 : f32
      %eq3A_2004 = vector.broadcast %eq3A_2003 : f32 to vector<16xf32>
      %eq3A_2005 = arith.cmpf oeq, %get3A_1984, %eq3A_2004 : vector<16xf32>
      %select_n3A_2006 = arith.select %eq3A_2005, %add3A_2002, %sub3A_1988 : vector<16xi1>, vector<16xi32>
      %add3A_2007 = arith.constant 0 : i32
      %add3A_2008 = arith.addi %add3A_2007, %mul3A_1800 : i32
      %add3A_2009 = vector.broadcast %add3A_2008 : i32 to vector<16xi32>
      %add3A_2010 = arith.addi %add3A_2009, %iota3A : vector<16xi32>
      %mul3A_2011 = arith.constant 16 : i32
      %mul3A_2012 = vector.broadcast %mul3A_2011 : i32 to vector<16xi32>
      %mul3A_2013 = arith.muli %add3A_2010, %mul3A_2012 : vector<16xi32>
      %add3A_2014 = arith.constant 5 : i32
      %add3A_2015 = vector.broadcast %add3A_2014 : i32 to vector<16xi32>
      %add3A_2016 = arith.addi %mul3A_2013, %add3A_2015 : vector<16xi32>
      tpu.vector_store_idx %arg6[%add3A_2016], %select_n3A_2006 : memref<32768xi32, #tpu.memory_space<vmem>>[vector<16xi32>], vector<16xi32>,
      %get3A_2017 = arith.constant 6 : i32
      %get3A_2018 = arith.index_cast %get3A_2017 : i32 to index
      %get3A_2019 = arith.index_cast %mul3A_1800 : i32 to index
      %get3A_2020 = tpu.vector_load %arg7[%get3A_2018, %get3A_2019] {strides = array<i32>} : memref<16x1024xf32, #tpu.memory_space<vmem>>, vector<16xf32>,
      %convert_element_type3A_2021 = arith.fptosi %get3A_2020 : vector<16xf32> to vector<16xi32>
      %sub3A_2022 = arith.constant 1 : i32
      %sub3A_2023 = vector.broadcast %sub3A_2022 : i32 to vector<16xi32>
      %sub3A_2024 = arith.subi %convert_element_type3A_2021, %sub3A_2023 : vector<16xi32>
      %mul3A_2025 = arith.constant 64 : i32
      %mul3A_2026 = arith.muli %add3A, %mul3A_2025 : i32
      %add3A_2027 = arith.addi %mul3A_2026, %mul3A_1800 : i32
      %add3A_2028 = vector.broadcast %add3A_2027 : i32 to vector<16xi32>
      %add3A_2029 = arith.addi %add3A_2028, %iota3A : vector<16xi32>
      %add3A_2030 = arith.constant 6 : i32
      %add3A_2031 = vector.broadcast %add3A_2030 : i32 to vector<16xi32>
      %add3A_2032 = arith.addi %add3A_2029, %add3A_2031 : vector<16xi32>
      %and3A_2033 = arith.constant 2047 : i32
      %and3A_2034 = vector.broadcast %and3A_2033 : i32 to vector<16xi32>
      %and3A_2035 = arith.andi %add3A_2032, %and3A_2034 : vector<16xi32>
      %add3A_2036 = arith.constant 65536 : i32
      %add3A_2037 = vector.broadcast %add3A_2036 : i32 to vector<16xi32>
      %add3A_2038 = arith.addi %add3A_2037, %and3A_2035 : vector<16xi32>
      %eq3A_2039 = arith.constant 0.000000e+00 : f32
      %eq3A_2040 = vector.broadcast %eq3A_2039 : f32 to vector<16xf32>
      %eq3A_2041 = arith.cmpf oeq, %get3A_2020, %eq3A_2040 : vector<16xf32>
      %select_n3A_2042 = arith.select %eq3A_2041, %add3A_2038, %sub3A_2024 : vector<16xi1>, vector<16xi32>
      %add3A_2043 = arith.constant 0 : i32
      %add3A_2044 = arith.addi %add3A_2043, %mul3A_1800 : i32
      %add3A_2045 = vector.broadcast %add3A_2044 : i32 to vector<16xi32>
      %add3A_2046 = arith.addi %add3A_2045, %iota3A : vector<16xi32>
      %mul3A_2047 = arith.constant 16 : i32
      %mul3A_2048 = vector.broadcast %mul3A_2047 : i32 to vector<16xi32>
      %mul3A_2049 = arith.muli %add3A_2046, %mul3A_2048 : vector<16xi32>
      %add3A_2050 = arith.constant 6 : i32
      %add3A_2051 = vector.broadcast %add3A_2050 : i32 to vector<16xi32>
      %add3A_2052 = arith.addi %mul3A_2049, %add3A_2051 : vector<16xi32>
      tpu.vector_store_idx %arg6[%add3A_2052], %select_n3A_2042 : memref<32768xi32, #tpu.memory_space<vmem>>[vector<16xi32>], vector<16xi32>,
      %get3A_2053 = arith.constant 7 : i32
      %get3A_2054 = arith.index_cast %get3A_2053 : i32 to index
      %get3A_2055 = arith.index_cast %mul3A_1800 : i32 to index
      %get3A_2056 = tpu.vector_load %arg7[%get3A_2054, %get3A_2055] {strides = array<i32>} : memref<16x1024xf32, #tpu.memory_space<vmem>>, vector<16xf32>,
      %convert_element_type3A_2057 = arith.fptosi %get3A_2056 : vector<16xf32> to vector<16xi32>
      %sub3A_2058 = arith.constant 1 : i32
      %sub3A_2059 = vector.broadcast %sub3A_2058 : i32 to vector<16xi32>
      %sub3A_2060 = arith.subi %convert_element_type3A_2057, %sub3A_2059 : vector<16xi32>
      %mul3A_2061 = arith.constant 64 : i32
      %mul3A_2062 = arith.muli %add3A, %mul3A_2061 : i32
      %add3A_2063 = arith.addi %mul3A_2062, %mul3A_1800 : i32
      %add3A_2064 = vector.broadcast %add3A_2063 : i32 to vector<16xi32>
      %add3A_2065 = arith.addi %add3A_2064, %iota3A : vector<16xi32>
      %add3A_2066 = arith.constant 7 : i32
      %add3A_2067 = vector.broadcast %add3A_2066 : i32 to vector<16xi32>
      %add3A_2068 = arith.addi %add3A_2065, %add3A_2067 : vector<16xi32>
      %and3A_2069 = arith.constant 2047 : i32
      %and3A_2070 = vector.broadcast %and3A_2069 : i32 to vector<16xi32>
      %and3A_2071 = arith.andi %add3A_2068, %and3A_2070 : vector<16xi32>
      %add3A_2072 = arith.constant 65536 : i32
      %add3A_2073 = vector.broadcast %add3A_2072 : i32 to vector<16xi32>
      %add3A_2074 = arith.addi %add3A_2073, %and3A_2071 : vector<16xi32>
      %eq3A_2075 = arith.constant 0.000000e+00 : f32
      %eq3A_2076 = vector.broadcast %eq3A_2075 : f32 to vector<16xf32>
      %eq3A_2077 = arith.cmpf oeq, %get3A_2056, %eq3A_2076 : vector<16xf32>
      %select_n3A_2078 = arith.select %eq3A_2077, %add3A_2074, %sub3A_2060 : vector<16xi1>, vector<16xi32>
      %add3A_2079 = arith.constant 0 : i32
      %add3A_2080 = arith.addi %add3A_2079, %mul3A_1800 : i32
      %add3A_2081 = vector.broadcast %add3A_2080 : i32 to vector<16xi32>
      %add3A_2082 = arith.addi %add3A_2081, %iota3A : vector<16xi32>
      %mul3A_2083 = arith.constant 16 : i32
      %mul3A_2084 = vector.broadcast %mul3A_2083 : i32 to vector<16xi32>
      %mul3A_2085 = arith.muli %add3A_2082, %mul3A_2084 : vector<16xi32>
      %add3A_2086 = arith.constant 7 : i32
      %add3A_2087 = vector.broadcast %add3A_2086 : i32 to vector<16xi32>
      %add3A_2088 = arith.addi %mul3A_2085, %add3A_2087 : vector<16xi32>
      tpu.vector_store_idx %arg6[%add3A_2088], %select_n3A_2078 : memref<32768xi32, #tpu.memory_space<vmem>>[vector<16xi32>], vector<16xi32>,
      %get3A_2089 = arith.constant 8 : i32
      %get3A_2090 = arith.index_cast %get3A_2089 : i32 to index
      %get3A_2091 = arith.index_cast %mul3A_1800 : i32 to index
      %get3A_2092 = tpu.vector_load %arg7[%get3A_2090, %get3A_2091] {strides = array<i32>} : memref<16x1024xf32, #tpu.memory_space<vmem>>, vector<16xf32>,
      %convert_element_type3A_2093 = arith.fptosi %get3A_2092 : vector<16xf32> to vector<16xi32>
      %sub3A_2094 = arith.constant 1 : i32
      %sub3A_2095 = vector.broadcast %sub3A_2094 : i32 to vector<16xi32>
      %sub3A_2096 = arith.subi %convert_element_type3A_2093, %sub3A_2095 : vector<16xi32>
      %mul3A_2097 = arith.constant 64 : i32
      %mul3A_2098 = arith.muli %add3A, %mul3A_2097 : i32
      %add3A_2099 = arith.addi %mul3A_2098, %mul3A_1800 : i32
      %add3A_2100 = vector.broadcast %add3A_2099 : i32 to vector<16xi32>
      %add3A_2101 = arith.addi %add3A_2100, %iota3A : vector<16xi32>
      %add3A_2102 = arith.constant 8 : i32
      %add3A_2103 = vector.broadcast %add3A_2102 : i32 to vector<16xi32>
      %add3A_2104 = arith.addi %add3A_2101, %add3A_2103 : vector<16xi32>
      %and3A_2105 = arith.constant 2047 : i32
      %and3A_2106 = vector.broadcast %and3A_2105 : i32 to vector<16xi32>
      %and3A_2107 = arith.andi %add3A_2104, %and3A_2106 : vector<16xi32>
      %add3A_2108 = arith.constant 65536 : i32
      %add3A_2109 = vector.broadcast %add3A_2108 : i32 to vector<16xi32>
      %add3A_2110 = arith.addi %add3A_2109, %and3A_2107 : vector<16xi32>
      %eq3A_2111 = arith.constant 0.000000e+00 : f32
      %eq3A_2112 = vector.broadcast %eq3A_2111 : f32 to vector<16xf32>
      %eq3A_2113 = arith.cmpf oeq, %get3A_2092, %eq3A_2112 : vector<16xf32>
      %select_n3A_2114 = arith.select %eq3A_2113, %add3A_2110, %sub3A_2096 : vector<16xi1>, vector<16xi32>
      %add3A_2115 = arith.constant 0 : i32
      %add3A_2116 = arith.addi %add3A_2115, %mul3A_1800 : i32
      %add3A_2117 = vector.broadcast %add3A_2116 : i32 to vector<16xi32>
      %add3A_2118 = arith.addi %add3A_2117, %iota3A : vector<16xi32>
      %mul3A_2119 = arith.constant 16 : i32
      %mul3A_2120 = vector.broadcast %mul3A_2119 : i32 to vector<16xi32>
      %mul3A_2121 = arith.muli %add3A_2118, %mul3A_2120 : vector<16xi32>
      %add3A_2122 = arith.constant 8 : i32
      %add3A_2123 = vector.broadcast %add3A_2122 : i32 to vector<16xi32>
      %add3A_2124 = arith.addi %mul3A_2121, %add3A_2123 : vector<16xi32>
      tpu.vector_store_idx %arg6[%add3A_2124], %select_n3A_2114 : memref<32768xi32, #tpu.memory_space<vmem>>[vector<16xi32>], vector<16xi32>,
      %get3A_2125 = arith.constant 9 : i32
      %get3A_2126 = arith.index_cast %get3A_2125 : i32 to index
      %get3A_2127 = arith.index_cast %mul3A_1800 : i32 to index
      %get3A_2128 = tpu.vector_load %arg7[%get3A_2126, %get3A_2127] {strides = array<i32>} : memref<16x1024xf32, #tpu.memory_space<vmem>>, vector<16xf32>,
      %convert_element_type3A_2129 = arith.fptosi %get3A_2128 : vector<16xf32> to vector<16xi32>
      %sub3A_2130 = arith.constant 1 : i32
      %sub3A_2131 = vector.broadcast %sub3A_2130 : i32 to vector<16xi32>
      %sub3A_2132 = arith.subi %convert_element_type3A_2129, %sub3A_2131 : vector<16xi32>
      %mul3A_2133 = arith.constant 64 : i32
      %mul3A_2134 = arith.muli %add3A, %mul3A_2133 : i32
      %add3A_2135 = arith.addi %mul3A_2134, %mul3A_1800 : i32
      %add3A_2136 = vector.broadcast %add3A_2135 : i32 to vector<16xi32>
      %add3A_2137 = arith.addi %add3A_2136, %iota3A : vector<16xi32>
      %add3A_2138 = arith.constant 9 : i32
      %add3A_2139 = vector.broadcast %add3A_2138 : i32 to vector<16xi32>
      %add3A_2140 = arith.addi %add3A_2137, %add3A_2139 : vector<16xi32>
      %and3A_2141 = arith.constant 2047 : i32
      %and3A_2142 = vector.broadcast %and3A_2141 : i32 to vector<16xi32>
      %and3A_2143 = arith.andi %add3A_2140, %and3A_2142 : vector<16xi32>
      %add3A_2144 = arith.constant 65536 : i32
      %add3A_2145 = vector.broadcast %add3A_2144 : i32 to vector<16xi32>
      %add3A_2146 = arith.addi %add3A_2145, %and3A_2143 : vector<16xi32>
      %eq3A_2147 = arith.constant 0.000000e+00 : f32
      %eq3A_2148 = vector.broadcast %eq3A_2147 : f32 to vector<16xf32>
      %eq3A_2149 = arith.cmpf oeq, %get3A_2128, %eq3A_2148 : vector<16xf32>
      %select_n3A_2150 = arith.select %eq3A_2149, %add3A_2146, %sub3A_2132 : vector<16xi1>, vector<16xi32>
      %add3A_2151 = arith.constant 0 : i32
      %add3A_2152 = arith.addi %add3A_2151, %mul3A_1800 : i32
      %add3A_2153 = vector.broadcast %add3A_2152 : i32 to vector<16xi32>
      %add3A_2154 = arith.addi %add3A_2153, %iota3A : vector<16xi32>
      %mul3A_2155 = arith.constant 16 : i32
      %mul3A_2156 = vector.broadcast %mul3A_2155 : i32 to vector<16xi32>
      %mul3A_2157 = arith.muli %add3A_2154, %mul3A_2156 : vector<16xi32>
      %add3A_2158 = arith.constant 9 : i32
      %add3A_2159 = vector.broadcast %add3A_2158 : i32 to vector<16xi32>
      %add3A_2160 = arith.addi %mul3A_2157, %add3A_2159 : vector<16xi32>
      tpu.vector_store_idx %arg6[%add3A_2160], %select_n3A_2150 : memref<32768xi32, #tpu.memory_space<vmem>>[vector<16xi32>], vector<16xi32>,
      %get3A_2161 = arith.constant 10 : i32
      %get3A_2162 = arith.index_cast %get3A_2161 : i32 to index
      %get3A_2163 = arith.index_cast %mul3A_1800 : i32 to index
      %get3A_2164 = tpu.vector_load %arg7[%get3A_2162, %get3A_2163] {strides = array<i32>} : memref<16x1024xf32, #tpu.memory_space<vmem>>, vector<16xf32>,
      %convert_element_type3A_2165 = arith.fptosi %get3A_2164 : vector<16xf32> to vector<16xi32>
      %sub3A_2166 = arith.constant 1 : i32
      %sub3A_2167 = vector.broadcast %sub3A_2166 : i32 to vector<16xi32>
      %sub3A_2168 = arith.subi %convert_element_type3A_2165, %sub3A_2167 : vector<16xi32>
      %mul3A_2169 = arith.constant 64 : i32
      %mul3A_2170 = arith.muli %add3A, %mul3A_2169 : i32
      %add3A_2171 = arith.addi %mul3A_2170, %mul3A_1800 : i32
      %add3A_2172 = vector.broadcast %add3A_2171 : i32 to vector<16xi32>
      %add3A_2173 = arith.addi %add3A_2172, %iota3A : vector<16xi32>
      %add3A_2174 = arith.constant 10 : i32
      %add3A_2175 = vector.broadcast %add3A_2174 : i32 to vector<16xi32>
      %add3A_2176 = arith.addi %add3A_2173, %add3A_2175 : vector<16xi32>
      %and3A_2177 = arith.constant 2047 : i32
      %and3A_2178 = vector.broadcast %and3A_2177 : i32 to vector<16xi32>
      %and3A_2179 = arith.andi %add3A_2176, %and3A_2178 : vector<16xi32>
      %add3A_2180 = arith.constant 65536 : i32
      %add3A_2181 = vector.broadcast %add3A_2180 : i32 to vector<16xi32>
      %add3A_2182 = arith.addi %add3A_2181, %and3A_2179 : vector<16xi32>
      %eq3A_2183 = arith.constant 0.000000e+00 : f32
      %eq3A_2184 = vector.broadcast %eq3A_2183 : f32 to vector<16xf32>
      %eq3A_2185 = arith.cmpf oeq, %get3A_2164, %eq3A_2184 : vector<16xf32>
      %select_n3A_2186 = arith.select %eq3A_2185, %add3A_2182, %sub3A_2168 : vector<16xi1>, vector<16xi32>
      %add3A_2187 = arith.constant 0 : i32
      %add3A_2188 = arith.addi %add3A_2187, %mul3A_1800 : i32
      %add3A_2189 = vector.broadcast %add3A_2188 : i32 to vector<16xi32>
      %add3A_2190 = arith.addi %add3A_2189, %iota3A : vector<16xi32>
      %mul3A_2191 = arith.constant 16 : i32
      %mul3A_2192 = vector.broadcast %mul3A_2191 : i32 to vector<16xi32>
      %mul3A_2193 = arith.muli %add3A_2190, %mul3A_2192 : vector<16xi32>
      %add3A_2194 = arith.constant 10 : i32
      %add3A_2195 = vector.broadcast %add3A_2194 : i32 to vector<16xi32>
      %add3A_2196 = arith.addi %mul3A_2193, %add3A_2195 : vector<16xi32>
      tpu.vector_store_idx %arg6[%add3A_2196], %select_n3A_2186 : memref<32768xi32, #tpu.memory_space<vmem>>[vector<16xi32>], vector<16xi32>,
      %get3A_2197 = arith.constant 11 : i32
      %get3A_2198 = arith.index_cast %get3A_2197 : i32 to index
      %get3A_2199 = arith.index_cast %mul3A_1800 : i32 to index
      %get3A_2200 = tpu.vector_load %arg7[%get3A_2198, %get3A_2199] {strides = array<i32>} : memref<16x1024xf32, #tpu.memory_space<vmem>>, vector<16xf32>,
      %convert_element_type3A_2201 = arith.fptosi %get3A_2200 : vector<16xf32> to vector<16xi32>
      %sub3A_2202 = arith.constant 1 : i32
      %sub3A_2203 = vector.broadcast %sub3A_2202 : i32 to vector<16xi32>
      %sub3A_2204 = arith.subi %convert_element_type3A_2201, %sub3A_2203 : vector<16xi32>
      %mul3A_2205 = arith.constant 64 : i32
      %mul3A_2206 = arith.muli %add3A, %mul3A_2205 : i32
      %add3A_2207 = arith.addi %mul3A_2206, %mul3A_1800 : i32
      %add3A_2208 = vector.broadcast %add3A_2207 : i32 to vector<16xi32>
      %add3A_2209 = arith.addi %add3A_2208, %iota3A : vector<16xi32>
      %add3A_2210 = arith.constant 11 : i32
      %add3A_2211 = vector.broadcast %add3A_2210 : i32 to vector<16xi32>
      %add3A_2212 = arith.addi %add3A_2209, %add3A_2211 : vector<16xi32>
      %and3A_2213 = arith.constant 2047 : i32
      %and3A_2214 = vector.broadcast %and3A_2213 : i32 to vector<16xi32>
      %and3A_2215 = arith.andi %add3A_2212, %and3A_2214 : vector<16xi32>
      %add3A_2216 = arith.constant 65536 : i32
      %add3A_2217 = vector.broadcast %add3A_2216 : i32 to vector<16xi32>
      %add3A_2218 = arith.addi %add3A_2217, %and3A_2215 : vector<16xi32>
      %eq3A_2219 = arith.constant 0.000000e+00 : f32
      %eq3A_2220 = vector.broadcast %eq3A_2219 : f32 to vector<16xf32>
      %eq3A_2221 = arith.cmpf oeq, %get3A_2200, %eq3A_2220 : vector<16xf32>
      %select_n3A_2222 = arith.select %eq3A_2221, %add3A_2218, %sub3A_2204 : vector<16xi1>, vector<16xi32>
      %add3A_2223 = arith.constant 0 : i32
      %add3A_2224 = arith.addi %add3A_2223, %mul3A_1800 : i32
      %add3A_2225 = vector.broadcast %add3A_2224 : i32 to vector<16xi32>
      %add3A_2226 = arith.addi %add3A_2225, %iota3A : vector<16xi32>
      %mul3A_2227 = arith.constant 16 : i32
      %mul3A_2228 = vector.broadcast %mul3A_2227 : i32 to vector<16xi32>
      %mul3A_2229 = arith.muli %add3A_2226, %mul3A_2228 : vector<16xi32>
      %add3A_2230 = arith.constant 11 : i32
      %add3A_2231 = vector.broadcast %add3A_2230 : i32 to vector<16xi32>
      %add3A_2232 = arith.addi %mul3A_2229, %add3A_2231 : vector<16xi32>
      tpu.vector_store_idx %arg6[%add3A_2232], %select_n3A_2222 : memref<32768xi32, #tpu.memory_space<vmem>>[vector<16xi32>], vector<16xi32>,
      %get3A_2233 = arith.constant 12 : i32
      %get3A_2234 = arith.index_cast %get3A_2233 : i32 to index
      %get3A_2235 = arith.index_cast %mul3A_1800 : i32 to index
      %get3A_2236 = tpu.vector_load %arg7[%get3A_2234, %get3A_2235] {strides = array<i32>} : memref<16x1024xf32, #tpu.memory_space<vmem>>, vector<16xf32>,
      %convert_element_type3A_2237 = arith.fptosi %get3A_2236 : vector<16xf32> to vector<16xi32>
      %sub3A_2238 = arith.constant 1 : i32
      %sub3A_2239 = vector.broadcast %sub3A_2238 : i32 to vector<16xi32>
      %sub3A_2240 = arith.subi %convert_element_type3A_2237, %sub3A_2239 : vector<16xi32>
      %mul3A_2241 = arith.constant 64 : i32
      %mul3A_2242 = arith.muli %add3A, %mul3A_2241 : i32
      %add3A_2243 = arith.addi %mul3A_2242, %mul3A_1800 : i32
      %add3A_2244 = vector.broadcast %add3A_2243 : i32 to vector<16xi32>
      %add3A_2245 = arith.addi %add3A_2244, %iota3A : vector<16xi32>
      %add3A_2246 = arith.constant 12 : i32
      %add3A_2247 = vector.broadcast %add3A_2246 : i32 to vector<16xi32>
      %add3A_2248 = arith.addi %add3A_2245, %add3A_2247 : vector<16xi32>
      %and3A_2249 = arith.constant 2047 : i32
      %and3A_2250 = vector.broadcast %and3A_2249 : i32 to vector<16xi32>
      %and3A_2251 = arith.andi %add3A_2248, %and3A_2250 : vector<16xi32>
      %add3A_2252 = arith.constant 65536 : i32
      %add3A_2253 = vector.broadcast %add3A_2252 : i32 to vector<16xi32>
      %add3A_2254 = arith.addi %add3A_2253, %and3A_2251 : vector<16xi32>
      %eq3A_2255 = arith.constant 0.000000e+00 : f32
      %eq3A_2256 = vector.broadcast %eq3A_2255 : f32 to vector<16xf32>
      %eq3A_2257 = arith.cmpf oeq, %get3A_2236, %eq3A_2256 : vector<16xf32>
      %select_n3A_2258 = arith.select %eq3A_2257, %add3A_2254, %sub3A_2240 : vector<16xi1>, vector<16xi32>
      %add3A_2259 = arith.constant 0 : i32
      %add3A_2260 = arith.addi %add3A_2259, %mul3A_1800 : i32
      %add3A_2261 = vector.broadcast %add3A_2260 : i32 to vector<16xi32>
      %add3A_2262 = arith.addi %add3A_2261, %iota3A : vector<16xi32>
      %mul3A_2263 = arith.constant 16 : i32
      %mul3A_2264 = vector.broadcast %mul3A_2263 : i32 to vector<16xi32>
      %mul3A_2265 = arith.muli %add3A_2262, %mul3A_2264 : vector<16xi32>
      %add3A_2266 = arith.constant 12 : i32
      %add3A_2267 = vector.broadcast %add3A_2266 : i32 to vector<16xi32>
      %add3A_2268 = arith.addi %mul3A_2265, %add3A_2267 : vector<16xi32>
      tpu.vector_store_idx %arg6[%add3A_2268], %select_n3A_2258 : memref<32768xi32, #tpu.memory_space<vmem>>[vector<16xi32>], vector<16xi32>,
      %get3A_2269 = arith.constant 13 : i32
      %get3A_2270 = arith.index_cast %get3A_2269 : i32 to index
      %get3A_2271 = arith.index_cast %mul3A_1800 : i32 to index
      %get3A_2272 = tpu.vector_load %arg7[%get3A_2270, %get3A_2271] {strides = array<i32>} : memref<16x1024xf32, #tpu.memory_space<vmem>>, vector<16xf32>,
      %convert_element_type3A_2273 = arith.fptosi %get3A_2272 : vector<16xf32> to vector<16xi32>
      %sub3A_2274 = arith.constant 1 : i32
      %sub3A_2275 = vector.broadcast %sub3A_2274 : i32 to vector<16xi32>
      %sub3A_2276 = arith.subi %convert_element_type3A_2273, %sub3A_2275 : vector<16xi32>
      %mul3A_2277 = arith.constant 64 : i32
      %mul3A_2278 = arith.muli %add3A, %mul3A_2277 : i32
      %add3A_2279 = arith.addi %mul3A_2278, %mul3A_1800 : i32
      %add3A_2280 = vector.broadcast %add3A_2279 : i32 to vector<16xi32>
      %add3A_2281 = arith.addi %add3A_2280, %iota3A : vector<16xi32>
      %add3A_2282 = arith.constant 13 : i32
      %add3A_2283 = vector.broadcast %add3A_2282 : i32 to vector<16xi32>
      %add3A_2284 = arith.addi %add3A_2281, %add3A_2283 : vector<16xi32>
      %and3A_2285 = arith.constant 2047 : i32
      %and3A_2286 = vector.broadcast %and3A_2285 : i32 to vector<16xi32>
      %and3A_2287 = arith.andi %add3A_2284, %and3A_2286 : vector<16xi32>
      %add3A_2288 = arith.constant 65536 : i32
      %add3A_2289 = vector.broadcast %add3A_2288 : i32 to vector<16xi32>
      %add3A_2290 = arith.addi %add3A_2289, %and3A_2287 : vector<16xi32>
      %eq3A_2291 = arith.constant 0.000000e+00 : f32
      %eq3A_2292 = vector.broadcast %eq3A_2291 : f32 to vector<16xf32>
      %eq3A_2293 = arith.cmpf oeq, %get3A_2272, %eq3A_2292 : vector<16xf32>
      %select_n3A_2294 = arith.select %eq3A_2293, %add3A_2290, %sub3A_2276 : vector<16xi1>, vector<16xi32>
      %add3A_2295 = arith.constant 0 : i32
      %add3A_2296 = arith.addi %add3A_2295, %mul3A_1800 : i32
      %add3A_2297 = vector.broadcast %add3A_2296 : i32 to vector<16xi32>
      %add3A_2298 = arith.addi %add3A_2297, %iota3A : vector<16xi32>
      %mul3A_2299 = arith.constant 16 : i32
      %mul3A_2300 = vector.broadcast %mul3A_2299 : i32 to vector<16xi32>
      %mul3A_2301 = arith.muli %add3A_2298, %mul3A_2300 : vector<16xi32>
      %add3A_2302 = arith.constant 13 : i32
      %add3A_2303 = vector.broadcast %add3A_2302 : i32 to vector<16xi32>
      %add3A_2304 = arith.addi %mul3A_2301, %add3A_2303 : vector<16xi32>
      tpu.vector_store_idx %arg6[%add3A_2304], %select_n3A_2294 : memref<32768xi32, #tpu.memory_space<vmem>>[vector<16xi32>], vector<16xi32>,
      %get3A_2305 = arith.constant 14 : i32
      %get3A_2306 = arith.index_cast %get3A_2305 : i32 to index
      %get3A_2307 = arith.index_cast %mul3A_1800 : i32 to index
      %get3A_2308 = tpu.vector_load %arg7[%get3A_2306, %get3A_2307] {strides = array<i32>} : memref<16x1024xf32, #tpu.memory_space<vmem>>, vector<16xf32>,
      %convert_element_type3A_2309 = arith.fptosi %get3A_2308 : vector<16xf32> to vector<16xi32>
      %sub3A_2310 = arith.constant 1 : i32
      %sub3A_2311 = vector.broadcast %sub3A_2310 : i32 to vector<16xi32>
      %sub3A_2312 = arith.subi %convert_element_type3A_2309, %sub3A_2311 : vector<16xi32>
      %mul3A_2313 = arith.constant 64 : i32
      %mul3A_2314 = arith.muli %add3A, %mul3A_2313 : i32
      %add3A_2315 = arith.addi %mul3A_2314, %mul3A_1800 : i32
      %add3A_2316 = vector.broadcast %add3A_2315 : i32 to vector<16xi32>
      %add3A_2317 = arith.addi %add3A_2316, %iota3A : vector<16xi32>
      %add3A_2318 = arith.constant 14 : i32
      %add3A_2319 = vector.broadcast %add3A_2318 : i32 to vector<16xi32>
      %add3A_2320 = arith.addi %add3A_2317, %add3A_2319 : vector<16xi32>
      %and3A_2321 = arith.constant 2047 : i32
      %and3A_2322 = vector.broadcast %and3A_2321 : i32 to vector<16xi32>
      %and3A_2323 = arith.andi %add3A_2320, %and3A_2322 : vector<16xi32>
      %add3A_2324 = arith.constant 65536 : i32
      %add3A_2325 = vector.broadcast %add3A_2324 : i32 to vector<16xi32>
      %add3A_2326 = arith.addi %add3A_2325, %and3A_2323 : vector<16xi32>
      %eq3A_2327 = arith.constant 0.000000e+00 : f32
      %eq3A_2328 = vector.broadcast %eq3A_2327 : f32 to vector<16xf32>
      %eq3A_2329 = arith.cmpf oeq, %get3A_2308, %eq3A_2328 : vector<16xf32>
      %select_n3A_2330 = arith.select %eq3A_2329, %add3A_2326, %sub3A_2312 : vector<16xi1>, vector<16xi32>
      %add3A_2331 = arith.constant 0 : i32
      %add3A_2332 = arith.addi %add3A_2331, %mul3A_1800 : i32
      %add3A_2333 = vector.broadcast %add3A_2332 : i32 to vector<16xi32>
      %add3A_2334 = arith.addi %add3A_2333, %iota3A : vector<16xi32>
      %mul3A_2335 = arith.constant 16 : i32
      %mul3A_2336 = vector.broadcast %mul3A_2335 : i32 to vector<16xi32>
      %mul3A_2337 = arith.muli %add3A_2334, %mul3A_2336 : vector<16xi32>
      %add3A_2338 = arith.constant 14 : i32
      %add3A_2339 = vector.broadcast %add3A_2338 : i32 to vector<16xi32>
      %add3A_2340 = arith.addi %mul3A_2337, %add3A_2339 : vector<16xi32>
      tpu.vector_store_idx %arg6[%add3A_2340], %select_n3A_2330 : memref<32768xi32, #tpu.memory_space<vmem>>[vector<16xi32>], vector<16xi32>,
      %get3A_2341 = arith.constant 15 : i32
      %get3A_2342 = arith.index_cast %get3A_2341 : i32 to index
      %get3A_2343 = arith.index_cast %mul3A_1800 : i32 to index
      %get3A_2344 = tpu.vector_load %arg7[%get3A_2342, %get3A_2343] {strides = array<i32>} : memref<16x1024xf32, #tpu.memory_space<vmem>>, vector<16xf32>,
      %convert_element_type3A_2345 = arith.fptosi %get3A_2344 : vector<16xf32> to vector<16xi32>
      %sub3A_2346 = arith.constant 1 : i32
      %sub3A_2347 = vector.broadcast %sub3A_2346 : i32 to vector<16xi32>
      %sub3A_2348 = arith.subi %convert_element_type3A_2345, %sub3A_2347 : vector<16xi32>
      %mul3A_2349 = arith.constant 64 : i32
      %mul3A_2350 = arith.muli %add3A, %mul3A_2349 : i32
      %add3A_2351 = arith.addi %mul3A_2350, %mul3A_1800 : i32
      %add3A_2352 = vector.broadcast %add3A_2351 : i32 to vector<16xi32>
      %add3A_2353 = arith.addi %add3A_2352, %iota3A : vector<16xi32>
      %add3A_2354 = arith.constant 15 : i32
      %add3A_2355 = vector.broadcast %add3A_2354 : i32 to vector<16xi32>
      %add3A_2356 = arith.addi %add3A_2353, %add3A_2355 : vector<16xi32>
      %and3A_2357 = arith.constant 2047 : i32
      %and3A_2358 = vector.broadcast %and3A_2357 : i32 to vector<16xi32>
      %and3A_2359 = arith.andi %add3A_2356, %and3A_2358 : vector<16xi32>
      %add3A_2360 = arith.constant 65536 : i32
      %add3A_2361 = vector.broadcast %add3A_2360 : i32 to vector<16xi32>
      %add3A_2362 = arith.addi %add3A_2361, %and3A_2359 : vector<16xi32>
      %eq3A_2363 = arith.constant 0.000000e+00 : f32
      %eq3A_2364 = vector.broadcast %eq3A_2363 : f32 to vector<16xf32>
      %eq3A_2365 = arith.cmpf oeq, %get3A_2344, %eq3A_2364 : vector<16xf32>
      %select_n3A_2366 = arith.select %eq3A_2365, %add3A_2362, %sub3A_2348 : vector<16xi1>, vector<16xi32>
      %add3A_2367 = arith.constant 0 : i32
      %add3A_2368 = arith.addi %add3A_2367, %mul3A_1800 : i32
      %add3A_2369 = vector.broadcast %add3A_2368 : i32 to vector<16xi32>
      %add3A_2370 = arith.addi %add3A_2369, %iota3A : vector<16xi32>
      %mul3A_2371 = arith.constant 16 : i32
      %mul3A_2372 = vector.broadcast %mul3A_2371 : i32 to vector<16xi32>
      %mul3A_2373 = arith.muli %add3A_2370, %mul3A_2372 : vector<16xi32>
      %add3A_2374 = arith.constant 15 : i32
      %add3A_2375 = vector.broadcast %add3A_2374 : i32 to vector<16xi32>
      %add3A_2376 = arith.addi %mul3A_2373, %add3A_2375 : vector<16xi32>
      tpu.vector_store_idx %arg6[%add3A_2376], %select_n3A_2366 : memref<32768xi32, #tpu.memory_space<vmem>>[vector<16xi32>], vector<16xi32>,
    }
    %scan3A_8 = arith.constant 64 : i32
    %add3A_9 = arith.constant 1024 : i32
    %add3A_10 = arith.addi %mul3A_2, %add3A_9 : i32
    "tpu.region"() ({
      %run_scoped3A = tpu.sem_alloc : memref<!tpu.dma_semaphore, #tpu.memory_space<semaphore_mem>>
      %dma_start3A_48 = arith.constant 0 : i32
      %dma_start3A_49 = tpu.memref_slice %arg2[%dma_start3A_48, %add3A_10] : memref<16x65536xf32, #tpu.memory_space<hbm>> -> memref<16x1024xf32, #tpu.memory_space<hbm>>
      %dma_start3A_50 = arith.constant 0 : i32
      %dma_start3A_51 = tpu.memref_slice %arg2[%dma_start3A_50, %add3A_10] : memref<16x65536xf32, #tpu.memory_space<hbm>> -> memref<16x1024xf32, #tpu.memory_space<hbm>>
      tpu.enqueue_dma source(%dma_start3A_51 : memref<16x1024xf32, #tpu.memory_space<hbm>>) target(%arg7 : memref<16x1024xf32, #tpu.memory_space<vmem>>) target_semaphore(%run_scoped3A : memref<!tpu.dma_semaphore, #tpu.memory_space<semaphore_mem>>)
      %dma_wait3A = arith.constant 0 : i32
      %dma_wait3A_52 = tpu.memref_slice %arg2[%dma_wait3A, %add3A_10] : memref<16x65536xf32, #tpu.memory_space<hbm>> -> memref<16x1024xf32, #tpu.memory_space<hbm>>
      %dma_wait3A_53 = arith.constant 0 : i32
      %dma_wait3A_54 = tpu.memref_slice %arg2[%dma_wait3A_53, %add3A_10] : memref<16x65536xf32, #tpu.memory_space<hbm>> -> memref<16x1024xf32, #tpu.memory_space<hbm>>
      tpu.wait_dma2 semaphore(%run_scoped3A : memref<!tpu.dma_semaphore, #tpu.memory_space<semaphore_mem>>) src(%dma_wait3A_54 : memref<16x1024xf32, #tpu.memory_space<hbm>>) dst(%arg7 : memref<16x1024xf32, #tpu.memory_space<vmem>>)
      tpu.yield
    }) : () -> ()
    %scan3A_11 = arith.constant 0 : i32
    %scan3A_12 = arith.constant 64 : i32
    %scan3A_13 = arith.addi %scan3A_11, %scan3A_12 : i32
    %scan3A_14 = arith.constant 4 : i32
    scf.for %scan3A_48 = %scan3A_11 to %scan3A_13 step %scan3A_14  : i32 {
      %mul3A_49 = arith.constant 1 : i32
      %mul3A_50 = arith.muli %scan3A_48, %mul3A_49 : i32
      %add3A_51 = arith.constant 0 : i32
      %add3A_52 = arith.addi %add3A_51, %mul3A_50 : i32
      %mul3A_53 = arith.constant 16 : i32
      %mul3A_54 = arith.muli %add3A_52, %mul3A_53 : i32
      %get3A = arith.constant 0 : i32
      %get3A_55 = arith.index_cast %get3A : i32 to index
      %get3A_56 = arith.index_cast %mul3A_54 : i32 to index
      %get3A_57 = tpu.vector_load %arg7[%get3A_55, %get3A_56] {strides = array<i32>} : memref<16x1024xf32, #tpu.memory_space<vmem>>, vector<16xf32>,
      %convert_element_type3A = arith.fptosi %get3A_57 : vector<16xf32> to vector<16xi32>
      %sub3A = arith.constant 1 : i32
      %sub3A_58 = vector.broadcast %sub3A : i32 to vector<16xi32>
      %sub3A_59 = arith.subi %convert_element_type3A, %sub3A_58 : vector<16xi32>
      %mul3A_60 = arith.constant 64 : i32
      %mul3A_61 = arith.muli %add3A, %mul3A_60 : i32
      %add3A_62 = arith.addi %mul3A_61, %mul3A_54 : i32
      %add3A_63 = vector.broadcast %add3A_62 : i32 to vector<16xi32>
      %add3A_64 = arith.addi %add3A_63, %iota3A : vector<16xi32>
      %add3A_65 = arith.constant 0 : i32
      %add3A_66 = vector.broadcast %add3A_65 : i32 to vector<16xi32>
      %add3A_67 = arith.addi %add3A_64, %add3A_66 : vector<16xi32>
      %and3A = arith.constant 2047 : i32
      %and3A_68 = vector.broadcast %and3A : i32 to vector<16xi32>
      %and3A_69 = arith.andi %add3A_67, %and3A_68 : vector<16xi32>
      %add3A_70 = arith.constant 65536 : i32
      %add3A_71 = vector.broadcast %add3A_70 : i32 to vector<16xi32>
      %add3A_72 = arith.addi %add3A_71, %and3A_69 : vector<16xi32>
      %eq3A = arith.constant 0.000000e+00 : f32
      %eq3A_73 = vector.broadcast %eq3A : f32 to vector<16xf32>
      %eq3A_74 = arith.cmpf oeq, %get3A_57, %eq3A_73 : vector<16xf32>
      %select_n3A = arith.select %eq3A_74, %add3A_72, %sub3A_59 : vector<16xi1>, vector<16xi32>
      %add3A_75 = arith.constant 1024 : i32
      %add3A_76 = arith.addi %add3A_75, %mul3A_54 : i32
      %add3A_77 = vector.broadcast %add3A_76 : i32 to vector<16xi32>
      %add3A_78 = arith.addi %add3A_77, %iota3A : vector<16xi32>
      %mul3A_79 = arith.constant 16 : i32
      %mul3A_80 = vector.broadcast %mul3A_79 : i32 to vector<16xi32>
      %mul3A_81 = arith.muli %add3A_78, %mul3A_80 : vector<16xi32>
      %add3A_82 = arith.constant 0 : i32
      %add3A_83 = vector.broadcast %add3A_82 : i32 to vector<16xi32>
      %add3A_84 = arith.addi %mul3A_81, %add3A_83 : vector<16xi32>
      tpu.vector_store_idx %arg6[%add3A_84], %select_n3A : memref<32768xi32, #tpu.memory_space<vmem>>[vector<16xi32>], vector<16xi32>,
      %get3A_85 = arith.constant 1 : i32
      %get3A_86 = arith.index_cast %get3A_85 : i32 to index
      %get3A_87 = arith.index_cast %mul3A_54 : i32 to index
      %get3A_88 = tpu.vector_load %arg7[%get3A_86, %get3A_87] {strides = array<i32>} : memref<16x1024xf32, #tpu.memory_space<vmem>>, vector<16xf32>,
      %convert_element_type3A_89 = arith.fptosi %get3A_88 : vector<16xf32> to vector<16xi32>
      %sub3A_90 = arith.constant 1 : i32
      %sub3A_91 = vector.broadcast %sub3A_90 : i32 to vector<16xi32>
      %sub3A_92 = arith.subi %convert_element_type3A_89, %sub3A_91 : vector<16xi32>
      %mul3A_93 = arith.constant 64 : i32
      %mul3A_94 = arith.muli %add3A, %mul3A_93 : i32
      %add3A_95 = arith.addi %mul3A_94, %mul3A_54 : i32
      %add3A_96 = vector.broadcast %add3A_95 : i32 to vector<16xi32>
      %add3A_97 = arith.addi %add3A_96, %iota3A : vector<16xi32>
      %add3A_98 = arith.constant 1 : i32
      %add3A_99 = vector.broadcast %add3A_98 : i32 to vector<16xi32>
      %add3A_100 = arith.addi %add3A_97, %add3A_99 : vector<16xi32>
      %and3A_101 = arith.constant 2047 : i32
      %and3A_102 = vector.broadcast %and3A_101 : i32 to vector<16xi32>
      %and3A_103 = arith.andi %add3A_100, %and3A_102 : vector<16xi32>
      %add3A_104 = arith.constant 65536 : i32
      %add3A_105 = vector.broadcast %add3A_104 : i32 to vector<16xi32>
      %add3A_106 = arith.addi %add3A_105, %and3A_103 : vector<16xi32>
      %eq3A_107 = arith.constant 0.000000e+00 : f32
      %eq3A_108 = vector.broadcast %eq3A_107 : f32 to vector<16xf32>
      %eq3A_109 = arith.cmpf oeq, %get3A_88, %eq3A_108 : vector<16xf32>
      %select_n3A_110 = arith.select %eq3A_109, %add3A_106, %sub3A_92 : vector<16xi1>, vector<16xi32>
      %add3A_111 = arith.constant 1024 : i32
      %add3A_112 = arith.addi %add3A_111, %mul3A_54 : i32
      %add3A_113 = vector.broadcast %add3A_112 : i32 to vector<16xi32>
      %add3A_114 = arith.addi %add3A_113, %iota3A : vector<16xi32>
      %mul3A_115 = arith.constant 16 : i32
      %mul3A_116 = vector.broadcast %mul3A_115 : i32 to vector<16xi32>
      %mul3A_117 = arith.muli %add3A_114, %mul3A_116 : vector<16xi32>
      %add3A_118 = arith.constant 1 : i32
      %add3A_119 = vector.broadcast %add3A_118 : i32 to vector<16xi32>
      %add3A_120 = arith.addi %mul3A_117, %add3A_119 : vector<16xi32>
      tpu.vector_store_idx %arg6[%add3A_120], %select_n3A_110 : memref<32768xi32, #tpu.memory_space<vmem>>[vector<16xi32>], vector<16xi32>,
      %get3A_121 = arith.constant 2 : i32
      %get3A_122 = arith.index_cast %get3A_121 : i32 to index
      %get3A_123 = arith.index_cast %mul3A_54 : i32 to index
      %get3A_124 = tpu.vector_load %arg7[%get3A_122, %get3A_123] {strides = array<i32>} : memref<16x1024xf32, #tpu.memory_space<vmem>>, vector<16xf32>,
      %convert_element_type3A_125 = arith.fptosi %get3A_124 : vector<16xf32> to vector<16xi32>
      %sub3A_126 = arith.constant 1 : i32
      %sub3A_127 = vector.broadcast %sub3A_126 : i32 to vector<16xi32>
      %sub3A_128 = arith.subi %convert_element_type3A_125, %sub3A_127 : vector<16xi32>
      %mul3A_129 = arith.constant 64 : i32
      %mul3A_130 = arith.muli %add3A, %mul3A_129 : i32
      %add3A_131 = arith.addi %mul3A_130, %mul3A_54 : i32
      %add3A_132 = vector.broadcast %add3A_131 : i32 to vector<16xi32>
      %add3A_133 = arith.addi %add3A_132, %iota3A : vector<16xi32>
      %add3A_134 = arith.constant 2 : i32
      %add3A_135 = vector.broadcast %add3A_134 : i32 to vector<16xi32>
      %add3A_136 = arith.addi %add3A_133, %add3A_135 : vector<16xi32>
      %and3A_137 = arith.constant 2047 : i32
      %and3A_138 = vector.broadcast %and3A_137 : i32 to vector<16xi32>
      %and3A_139 = arith.andi %add3A_136, %and3A_138 : vector<16xi32>
      %add3A_140 = arith.constant 65536 : i32
      %add3A_141 = vector.broadcast %add3A_140 : i32 to vector<16xi32>
      %add3A_142 = arith.addi %add3A_141, %and3A_139 : vector<16xi32>
      %eq3A_143 = arith.constant 0.000000e+00 : f32
      %eq3A_144 = vector.broadcast %eq3A_143 : f32 to vector<16xf32>
      %eq3A_145 = arith.cmpf oeq, %get3A_124, %eq3A_144 : vector<16xf32>
      %select_n3A_146 = arith.select %eq3A_145, %add3A_142, %sub3A_128 : vector<16xi1>, vector<16xi32>
      %add3A_147 = arith.constant 1024 : i32
      %add3A_148 = arith.addi %add3A_147, %mul3A_54 : i32
      %add3A_149 = vector.broadcast %add3A_148 : i32 to vector<16xi32>
      %add3A_150 = arith.addi %add3A_149, %iota3A : vector<16xi32>
      %mul3A_151 = arith.constant 16 : i32
      %mul3A_152 = vector.broadcast %mul3A_151 : i32 to vector<16xi32>
      %mul3A_153 = arith.muli %add3A_150, %mul3A_152 : vector<16xi32>
      %add3A_154 = arith.constant 2 : i32
      %add3A_155 = vector.broadcast %add3A_154 : i32 to vector<16xi32>
      %add3A_156 = arith.addi %mul3A_153, %add3A_155 : vector<16xi32>
      tpu.vector_store_idx %arg6[%add3A_156], %select_n3A_146 : memref<32768xi32, #tpu.memory_space<vmem>>[vector<16xi32>], vector<16xi32>,
      %get3A_157 = arith.constant 3 : i32
      %get3A_158 = arith.index_cast %get3A_157 : i32 to index
      %get3A_159 = arith.index_cast %mul3A_54 : i32 to index
      %get3A_160 = tpu.vector_load %arg7[%get3A_158, %get3A_159] {strides = array<i32>} : memref<16x1024xf32, #tpu.memory_space<vmem>>, vector<16xf32>,
      %convert_element_type3A_161 = arith.fptosi %get3A_160 : vector<16xf32> to vector<16xi32>
      %sub3A_162 = arith.constant 1 : i32
      %sub3A_163 = vector.broadcast %sub3A_162 : i32 to vector<16xi32>
      %sub3A_164 = arith.subi %convert_element_type3A_161, %sub3A_163 : vector<16xi32>
      %mul3A_165 = arith.constant 64 : i32
      %mul3A_166 = arith.muli %add3A, %mul3A_165 : i32
      %add3A_167 = arith.addi %mul3A_166, %mul3A_54 : i32
      %add3A_168 = vector.broadcast %add3A_167 : i32 to vector<16xi32>
      %add3A_169 = arith.addi %add3A_168, %iota3A : vector<16xi32>
      %add3A_170 = arith.constant 3 : i32
      %add3A_171 = vector.broadcast %add3A_170 : i32 to vector<16xi32>
      %add3A_172 = arith.addi %add3A_169, %add3A_171 : vector<16xi32>
      %and3A_173 = arith.constant 2047 : i32
      %and3A_174 = vector.broadcast %and3A_173 : i32 to vector<16xi32>
      %and3A_175 = arith.andi %add3A_172, %and3A_174 : vector<16xi32>
      %add3A_176 = arith.constant 65536 : i32
      %add3A_177 = vector.broadcast %add3A_176 : i32 to vector<16xi32>
      %add3A_178 = arith.addi %add3A_177, %and3A_175 : vector<16xi32>
      %eq3A_179 = arith.constant 0.000000e+00 : f32
      %eq3A_180 = vector.broadcast %eq3A_179 : f32 to vector<16xf32>
      %eq3A_181 = arith.cmpf oeq, %get3A_160, %eq3A_180 : vector<16xf32>
      %select_n3A_182 = arith.select %eq3A_181, %add3A_178, %sub3A_164 : vector<16xi1>, vector<16xi32>
      %add3A_183 = arith.constant 1024 : i32
      %add3A_184 = arith.addi %add3A_183, %mul3A_54 : i32
      %add3A_185 = vector.broadcast %add3A_184 : i32 to vector<16xi32>
      %add3A_186 = arith.addi %add3A_185, %iota3A : vector<16xi32>
      %mul3A_187 = arith.constant 16 : i32
      %mul3A_188 = vector.broadcast %mul3A_187 : i32 to vector<16xi32>
      %mul3A_189 = arith.muli %add3A_186, %mul3A_188 : vector<16xi32>
      %add3A_190 = arith.constant 3 : i32
      %add3A_191 = vector.broadcast %add3A_190 : i32 to vector<16xi32>
      %add3A_192 = arith.addi %mul3A_189, %add3A_191 : vector<16xi32>
      tpu.vector_store_idx %arg6[%add3A_192], %select_n3A_182 : memref<32768xi32, #tpu.memory_space<vmem>>[vector<16xi32>], vector<16xi32>,
      %get3A_193 = arith.constant 4 : i32
      %get3A_194 = arith.index_cast %get3A_193 : i32 to index
      %get3A_195 = arith.index_cast %mul3A_54 : i32 to index
      %get3A_196 = tpu.vector_load %arg7[%get3A_194, %get3A_195] {strides = array<i32>} : memref<16x1024xf32, #tpu.memory_space<vmem>>, vector<16xf32>,
      %convert_element_type3A_197 = arith.fptosi %get3A_196 : vector<16xf32> to vector<16xi32>
      %sub3A_198 = arith.constant 1 : i32
      %sub3A_199 = vector.broadcast %sub3A_198 : i32 to vector<16xi32>
      %sub3A_200 = arith.subi %convert_element_type3A_197, %sub3A_199 : vector<16xi32>
      %mul3A_201 = arith.constant 64 : i32
      %mul3A_202 = arith.muli %add3A, %mul3A_201 : i32
      %add3A_203 = arith.addi %mul3A_202, %mul3A_54 : i32
      %add3A_204 = vector.broadcast %add3A_203 : i32 to vector<16xi32>
      %add3A_205 = arith.addi %add3A_204, %iota3A : vector<16xi32>
      %add3A_206 = arith.constant 4 : i32
      %add3A_207 = vector.broadcast %add3A_206 : i32 to vector<16xi32>
      %add3A_208 = arith.addi %add3A_205, %add3A_207 : vector<16xi32>
      %and3A_209 = arith.constant 2047 : i32
      %and3A_210 = vector.broadcast %and3A_209 : i32 to vector<16xi32>
      %and3A_211 = arith.andi %add3A_208, %and3A_210 : vector<16xi32>
      %add3A_212 = arith.constant 65536 : i32
      %add3A_213 = vector.broadcast %add3A_212 : i32 to vector<16xi32>
      %add3A_214 = arith.addi %add3A_213, %and3A_211 : vector<16xi32>
      %eq3A_215 = arith.constant 0.000000e+00 : f32
      %eq3A_216 = vector.broadcast %eq3A_215 : f32 to vector<16xf32>
      %eq3A_217 = arith.cmpf oeq, %get3A_196, %eq3A_216 : vector<16xf32>
      %select_n3A_218 = arith.select %eq3A_217, %add3A_214, %sub3A_200 : vector<16xi1>, vector<16xi32>
      %add3A_219 = arith.constant 1024 : i32
      %add3A_220 = arith.addi %add3A_219, %mul3A_54 : i32
      %add3A_221 = vector.broadcast %add3A_220 : i32 to vector<16xi32>
      %add3A_222 = arith.addi %add3A_221, %iota3A : vector<16xi32>
      %mul3A_223 = arith.constant 16 : i32
      %mul3A_224 = vector.broadcast %mul3A_223 : i32 to vector<16xi32>
      %mul3A_225 = arith.muli %add3A_222, %mul3A_224 : vector<16xi32>
      %add3A_226 = arith.constant 4 : i32
      %add3A_227 = vector.broadcast %add3A_226 : i32 to vector<16xi32>
      %add3A_228 = arith.addi %mul3A_225, %add3A_227 : vector<16xi32>
      tpu.vector_store_idx %arg6[%add3A_228], %select_n3A_218 : memref<32768xi32, #tpu.memory_space<vmem>>[vector<16xi32>], vector<16xi32>,
      %get3A_229 = arith.constant 5 : i32
      %get3A_230 = arith.index_cast %get3A_229 : i32 to index
      %get3A_231 = arith.index_cast %mul3A_54 : i32 to index
      %get3A_232 = tpu.vector_load %arg7[%get3A_230, %get3A_231] {strides = array<i32>} : memref<16x1024xf32, #tpu.memory_space<vmem>>, vector<16xf32>,
      %convert_element_type3A_233 = arith.fptosi %get3A_232 : vector<16xf32> to vector<16xi32>
      %sub3A_234 = arith.constant 1 : i32
      %sub3A_235 = vector.broadcast %sub3A_234 : i32 to vector<16xi32>
      %sub3A_236 = arith.subi %convert_element_type3A_233, %sub3A_235 : vector<16xi32>
      %mul3A_237 = arith.constant 64 : i32
      %mul3A_238 = arith.muli %add3A, %mul3A_237 : i32
      %add3A_239 = arith.addi %mul3A_238, %mul3A_54 : i32
      %add3A_240 = vector.broadcast %add3A_239 : i32 to vector<16xi32>
      %add3A_241 = arith.addi %add3A_240, %iota3A : vector<16xi32>
      %add3A_242 = arith.constant 5 : i32
      %add3A_243 = vector.broadcast %add3A_242 : i32 to vector<16xi32>
      %add3A_244 = arith.addi %add3A_241, %add3A_243 : vector<16xi32>
      %and3A_245 = arith.constant 2047 : i32
      %and3A_246 = vector.broadcast %and3A_245 : i32 to vector<16xi32>
      %and3A_247 = arith.andi %add3A_244, %and3A_246 : vector<16xi32>
      %add3A_248 = arith.constant 65536 : i32
      %add3A_249 = vector.broadcast %add3A_248 : i32 to vector<16xi32>
      %add3A_250 = arith.addi %add3A_249, %and3A_247 : vector<16xi32>
      %eq3A_251 = arith.constant 0.000000e+00 : f32
      %eq3A_252 = vector.broadcast %eq3A_251 : f32 to vector<16xf32>
      %eq3A_253 = arith.cmpf oeq, %get3A_232, %eq3A_252 : vector<16xf32>
      %select_n3A_254 = arith.select %eq3A_253, %add3A_250, %sub3A_236 : vector<16xi1>, vector<16xi32>
      %add3A_255 = arith.constant 1024 : i32
      %add3A_256 = arith.addi %add3A_255, %mul3A_54 : i32
      %add3A_257 = vector.broadcast %add3A_256 : i32 to vector<16xi32>
      %add3A_258 = arith.addi %add3A_257, %iota3A : vector<16xi32>
      %mul3A_259 = arith.constant 16 : i32
      %mul3A_260 = vector.broadcast %mul3A_259 : i32 to vector<16xi32>
      %mul3A_261 = arith.muli %add3A_258, %mul3A_260 : vector<16xi32>
      %add3A_262 = arith.constant 5 : i32
      %add3A_263 = vector.broadcast %add3A_262 : i32 to vector<16xi32>
      %add3A_264 = arith.addi %mul3A_261, %add3A_263 : vector<16xi32>
      tpu.vector_store_idx %arg6[%add3A_264], %select_n3A_254 : memref<32768xi32, #tpu.memory_space<vmem>>[vector<16xi32>], vector<16xi32>,
      %get3A_265 = arith.constant 6 : i32
      %get3A_266 = arith.index_cast %get3A_265 : i32 to index
      %get3A_267 = arith.index_cast %mul3A_54 : i32 to index
      %get3A_268 = tpu.vector_load %arg7[%get3A_266, %get3A_267] {strides = array<i32>} : memref<16x1024xf32, #tpu.memory_space<vmem>>, vector<16xf32>,
      %convert_element_type3A_269 = arith.fptosi %get3A_268 : vector<16xf32> to vector<16xi32>
      %sub3A_270 = arith.constant 1 : i32
      %sub3A_271 = vector.broadcast %sub3A_270 : i32 to vector<16xi32>
      %sub3A_272 = arith.subi %convert_element_type3A_269, %sub3A_271 : vector<16xi32>
      %mul3A_273 = arith.constant 64 : i32
      %mul3A_274 = arith.muli %add3A, %mul3A_273 : i32
      %add3A_275 = arith.addi %mul3A_274, %mul3A_54 : i32
      %add3A_276 = vector.broadcast %add3A_275 : i32 to vector<16xi32>
      %add3A_277 = arith.addi %add3A_276, %iota3A : vector<16xi32>
      %add3A_278 = arith.constant 6 : i32
      %add3A_279 = vector.broadcast %add3A_278 : i32 to vector<16xi32>
      %add3A_280 = arith.addi %add3A_277, %add3A_279 : vector<16xi32>
      %and3A_281 = arith.constant 2047 : i32
      %and3A_282 = vector.broadcast %and3A_281 : i32 to vector<16xi32>
      %and3A_283 = arith.andi %add3A_280, %and3A_282 : vector<16xi32>
      %add3A_284 = arith.constant 65536 : i32
      %add3A_285 = vector.broadcast %add3A_284 : i32 to vector<16xi32>
      %add3A_286 = arith.addi %add3A_285, %and3A_283 : vector<16xi32>
      %eq3A_287 = arith.constant 0.000000e+00 : f32
      %eq3A_288 = vector.broadcast %eq3A_287 : f32 to vector<16xf32>
      %eq3A_289 = arith.cmpf oeq, %get3A_268, %eq3A_288 : vector<16xf32>
      %select_n3A_290 = arith.select %eq3A_289, %add3A_286, %sub3A_272 : vector<16xi1>, vector<16xi32>
      %add3A_291 = arith.constant 1024 : i32
      %add3A_292 = arith.addi %add3A_291, %mul3A_54 : i32
      %add3A_293 = vector.broadcast %add3A_292 : i32 to vector<16xi32>
      %add3A_294 = arith.addi %add3A_293, %iota3A : vector<16xi32>
      %mul3A_295 = arith.constant 16 : i32
      %mul3A_296 = vector.broadcast %mul3A_295 : i32 to vector<16xi32>
      %mul3A_297 = arith.muli %add3A_294, %mul3A_296 : vector<16xi32>
      %add3A_298 = arith.constant 6 : i32
      %add3A_299 = vector.broadcast %add3A_298 : i32 to vector<16xi32>
      %add3A_300 = arith.addi %mul3A_297, %add3A_299 : vector<16xi32>
      tpu.vector_store_idx %arg6[%add3A_300], %select_n3A_290 : memref<32768xi32, #tpu.memory_space<vmem>>[vector<16xi32>], vector<16xi32>,
      %get3A_301 = arith.constant 7 : i32
      %get3A_302 = arith.index_cast %get3A_301 : i32 to index
      %get3A_303 = arith.index_cast %mul3A_54 : i32 to index
      %get3A_304 = tpu.vector_load %arg7[%get3A_302, %get3A_303] {strides = array<i32>} : memref<16x1024xf32, #tpu.memory_space<vmem>>, vector<16xf32>,
      %convert_element_type3A_305 = arith.fptosi %get3A_304 : vector<16xf32> to vector<16xi32>
      %sub3A_306 = arith.constant 1 : i32
      %sub3A_307 = vector.broadcast %sub3A_306 : i32 to vector<16xi32>
      %sub3A_308 = arith.subi %convert_element_type3A_305, %sub3A_307 : vector<16xi32>
      %mul3A_309 = arith.constant 64 : i32
      %mul3A_310 = arith.muli %add3A, %mul3A_309 : i32
      %add3A_311 = arith.addi %mul3A_310, %mul3A_54 : i32
      %add3A_312 = vector.broadcast %add3A_311 : i32 to vector<16xi32>
      %add3A_313 = arith.addi %add3A_312, %iota3A : vector<16xi32>
      %add3A_314 = arith.constant 7 : i32
      %add3A_315 = vector.broadcast %add3A_314 : i32 to vector<16xi32>
      %add3A_316 = arith.addi %add3A_313, %add3A_315 : vector<16xi32>
      %and3A_317 = arith.constant 2047 : i32
      %and3A_318 = vector.broadcast %and3A_317 : i32 to vector<16xi32>
      %and3A_319 = arith.andi %add3A_316, %and3A_318 : vector<16xi32>
      %add3A_320 = arith.constant 65536 : i32
      %add3A_321 = vector.broadcast %add3A_320 : i32 to vector<16xi32>
      %add3A_322 = arith.addi %add3A_321, %and3A_319 : vector<16xi32>
      %eq3A_323 = arith.constant 0.000000e+00 : f32
      %eq3A_324 = vector.broadcast %eq3A_323 : f32 to vector<16xf32>
      %eq3A_325 = arith.cmpf oeq, %get3A_304, %eq3A_324 : vector<16xf32>
      %select_n3A_326 = arith.select %eq3A_325, %add3A_322, %sub3A_308 : vector<16xi1>, vector<16xi32>
      %add3A_327 = arith.constant 1024 : i32
      %add3A_328 = arith.addi %add3A_327, %mul3A_54 : i32
      %add3A_329 = vector.broadcast %add3A_328 : i32 to vector<16xi32>
      %add3A_330 = arith.addi %add3A_329, %iota3A : vector<16xi32>
      %mul3A_331 = arith.constant 16 : i32
      %mul3A_332 = vector.broadcast %mul3A_331 : i32 to vector<16xi32>
      %mul3A_333 = arith.muli %add3A_330, %mul3A_332 : vector<16xi32>
      %add3A_334 = arith.constant 7 : i32
      %add3A_335 = vector.broadcast %add3A_334 : i32 to vector<16xi32>
      %add3A_336 = arith.addi %mul3A_333, %add3A_335 : vector<16xi32>
      tpu.vector_store_idx %arg6[%add3A_336], %select_n3A_326 : memref<32768xi32, #tpu.memory_space<vmem>>[vector<16xi32>], vector<16xi32>,
      %get3A_337 = arith.constant 8 : i32
      %get3A_338 = arith.index_cast %get3A_337 : i32 to index
      %get3A_339 = arith.index_cast %mul3A_54 : i32 to index
      %get3A_340 = tpu.vector_load %arg7[%get3A_338, %get3A_339] {strides = array<i32>} : memref<16x1024xf32, #tpu.memory_space<vmem>>, vector<16xf32>,
      %convert_element_type3A_341 = arith.fptosi %get3A_340 : vector<16xf32> to vector<16xi32>
      %sub3A_342 = arith.constant 1 : i32
      %sub3A_343 = vector.broadcast %sub3A_342 : i32 to vector<16xi32>
      %sub3A_344 = arith.subi %convert_element_type3A_341, %sub3A_343 : vector<16xi32>
      %mul3A_345 = arith.constant 64 : i32
      %mul3A_346 = arith.muli %add3A, %mul3A_345 : i32
      %add3A_347 = arith.addi %mul3A_346, %mul3A_54 : i32
      %add3A_348 = vector.broadcast %add3A_347 : i32 to vector<16xi32>
      %add3A_349 = arith.addi %add3A_348, %iota3A : vector<16xi32>
      %add3A_350 = arith.constant 8 : i32
      %add3A_351 = vector.broadcast %add3A_350 : i32 to vector<16xi32>
      %add3A_352 = arith.addi %add3A_349, %add3A_351 : vector<16xi32>
      %and3A_353 = arith.constant 2047 : i32
      %and3A_354 = vector.broadcast %and3A_353 : i32 to vector<16xi32>
      %and3A_355 = arith.andi %add3A_352, %and3A_354 : vector<16xi32>
      %add3A_356 = arith.constant 65536 : i32
      %add3A_357 = vector.broadcast %add3A_356 : i32 to vector<16xi32>
      %add3A_358 = arith.addi %add3A_357, %and3A_355 : vector<16xi32>
      %eq3A_359 = arith.constant 0.000000e+00 : f32
      %eq3A_360 = vector.broadcast %eq3A_359 : f32 to vector<16xf32>
      %eq3A_361 = arith.cmpf oeq, %get3A_340, %eq3A_360 : vector<16xf32>
      %select_n3A_362 = arith.select %eq3A_361, %add3A_358, %sub3A_344 : vector<16xi1>, vector<16xi32>
      %add3A_363 = arith.constant 1024 : i32
      %add3A_364 = arith.addi %add3A_363, %mul3A_54 : i32
      %add3A_365 = vector.broadcast %add3A_364 : i32 to vector<16xi32>
      %add3A_366 = arith.addi %add3A_365, %iota3A : vector<16xi32>
      %mul3A_367 = arith.constant 16 : i32
      %mul3A_368 = vector.broadcast %mul3A_367 : i32 to vector<16xi32>
      %mul3A_369 = arith.muli %add3A_366, %mul3A_368 : vector<16xi32>
      %add3A_370 = arith.constant 8 : i32
      %add3A_371 = vector.broadcast %add3A_370 : i32 to vector<16xi32>
      %add3A_372 = arith.addi %mul3A_369, %add3A_371 : vector<16xi32>
      tpu.vector_store_idx %arg6[%add3A_372], %select_n3A_362 : memref<32768xi32, #tpu.memory_space<vmem>>[vector<16xi32>], vector<16xi32>,
      %get3A_373 = arith.constant 9 : i32
      %get3A_374 = arith.index_cast %get3A_373 : i32 to index
      %get3A_375 = arith.index_cast %mul3A_54 : i32 to index
      %get3A_376 = tpu.vector_load %arg7[%get3A_374, %get3A_375] {strides = array<i32>} : memref<16x1024xf32, #tpu.memory_space<vmem>>, vector<16xf32>,
      %convert_element_type3A_377 = arith.fptosi %get3A_376 : vector<16xf32> to vector<16xi32>
      %sub3A_378 = arith.constant 1 : i32
      %sub3A_379 = vector.broadcast %sub3A_378 : i32 to vector<16xi32>
      %sub3A_380 = arith.subi %convert_element_type3A_377, %sub3A_379 : vector<16xi32>
      %mul3A_381 = arith.constant 64 : i32
      %mul3A_382 = arith.muli %add3A, %mul3A_381 : i32
      %add3A_383 = arith.addi %mul3A_382, %mul3A_54 : i32
      %add3A_384 = vector.broadcast %add3A_383 : i32 to vector<16xi32>
      %add3A_385 = arith.addi %add3A_384, %iota3A : vector<16xi32>
      %add3A_386 = arith.constant 9 : i32
      %add3A_387 = vector.broadcast %add3A_386 : i32 to vector<16xi32>
      %add3A_388 = arith.addi %add3A_385, %add3A_387 : vector<16xi32>
      %and3A_389 = arith.constant 2047 : i32
      %and3A_390 = vector.broadcast %and3A_389 : i32 to vector<16xi32>
      %and3A_391 = arith.andi %add3A_388, %and3A_390 : vector<16xi32>
      %add3A_392 = arith.constant 65536 : i32
      %add3A_393 = vector.broadcast %add3A_392 : i32 to vector<16xi32>
      %add3A_394 = arith.addi %add3A_393, %and3A_391 : vector<16xi32>
      %eq3A_395 = arith.constant 0.000000e+00 : f32
      %eq3A_396 = vector.broadcast %eq3A_395 : f32 to vector<16xf32>
      %eq3A_397 = arith.cmpf oeq, %get3A_376, %eq3A_396 : vector<16xf32>
      %select_n3A_398 = arith.select %eq3A_397, %add3A_394, %sub3A_380 : vector<16xi1>, vector<16xi32>
      %add3A_399 = arith.constant 1024 : i32
      %add3A_400 = arith.addi %add3A_399, %mul3A_54 : i32
      %add3A_401 = vector.broadcast %add3A_400 : i32 to vector<16xi32>
      %add3A_402 = arith.addi %add3A_401, %iota3A : vector<16xi32>
      %mul3A_403 = arith.constant 16 : i32
      %mul3A_404 = vector.broadcast %mul3A_403 : i32 to vector<16xi32>
      %mul3A_405 = arith.muli %add3A_402, %mul3A_404 : vector<16xi32>
      %add3A_406 = arith.constant 9 : i32
      %add3A_407 = vector.broadcast %add3A_406 : i32 to vector<16xi32>
      %add3A_408 = arith.addi %mul3A_405, %add3A_407 : vector<16xi32>
      tpu.vector_store_idx %arg6[%add3A_408], %select_n3A_398 : memref<32768xi32, #tpu.memory_space<vmem>>[vector<16xi32>], vector<16xi32>,
      %get3A_409 = arith.constant 10 : i32
      %get3A_410 = arith.index_cast %get3A_409 : i32 to index
      %get3A_411 = arith.index_cast %mul3A_54 : i32 to index
      %get3A_412 = tpu.vector_load %arg7[%get3A_410, %get3A_411] {strides = array<i32>} : memref<16x1024xf32, #tpu.memory_space<vmem>>, vector<16xf32>,
      %convert_element_type3A_413 = arith.fptosi %get3A_412 : vector<16xf32> to vector<16xi32>
      %sub3A_414 = arith.constant 1 : i32
      %sub3A_415 = vector.broadcast %sub3A_414 : i32 to vector<16xi32>
      %sub3A_416 = arith.subi %convert_element_type3A_413, %sub3A_415 : vector<16xi32>
      %mul3A_417 = arith.constant 64 : i32
      %mul3A_418 = arith.muli %add3A, %mul3A_417 : i32
      %add3A_419 = arith.addi %mul3A_418, %mul3A_54 : i32
      %add3A_420 = vector.broadcast %add3A_419 : i32 to vector<16xi32>
      %add3A_421 = arith.addi %add3A_420, %iota3A : vector<16xi32>
      %add3A_422 = arith.constant 10 : i32
      %add3A_423 = vector.broadcast %add3A_422 : i32 to vector<16xi32>
      %add3A_424 = arith.addi %add3A_421, %add3A_423 : vector<16xi32>
      %and3A_425 = arith.constant 2047 : i32
      %and3A_426 = vector.broadcast %and3A_425 : i32 to vector<16xi32>
      %and3A_427 = arith.andi %add3A_424, %and3A_426 : vector<16xi32>
      %add3A_428 = arith.constant 65536 : i32
      %add3A_429 = vector.broadcast %add3A_428 : i32 to vector<16xi32>
      %add3A_430 = arith.addi %add3A_429, %and3A_427 : vector<16xi32>
      %eq3A_431 = arith.constant 0.000000e+00 : f32
      %eq3A_432 = vector.broadcast %eq3A_431 : f32 to vector<16xf32>
      %eq3A_433 = arith.cmpf oeq, %get3A_412, %eq3A_432 : vector<16xf32>
      %select_n3A_434 = arith.select %eq3A_433, %add3A_430, %sub3A_416 : vector<16xi1>, vector<16xi32>
      %add3A_435 = arith.constant 1024 : i32
      %add3A_436 = arith.addi %add3A_435, %mul3A_54 : i32
      %add3A_437 = vector.broadcast %add3A_436 : i32 to vector<16xi32>
      %add3A_438 = arith.addi %add3A_437, %iota3A : vector<16xi32>
      %mul3A_439 = arith.constant 16 : i32
      %mul3A_440 = vector.broadcast %mul3A_439 : i32 to vector<16xi32>
      %mul3A_441 = arith.muli %add3A_438, %mul3A_440 : vector<16xi32>
      %add3A_442 = arith.constant 10 : i32
      %add3A_443 = vector.broadcast %add3A_442 : i32 to vector<16xi32>
      %add3A_444 = arith.addi %mul3A_441, %add3A_443 : vector<16xi32>
      tpu.vector_store_idx %arg6[%add3A_444], %select_n3A_434 : memref<32768xi32, #tpu.memory_space<vmem>>[vector<16xi32>], vector<16xi32>,
      %get3A_445 = arith.constant 11 : i32
      %get3A_446 = arith.index_cast %get3A_445 : i32 to index
      %get3A_447 = arith.index_cast %mul3A_54 : i32 to index
      %get3A_448 = tpu.vector_load %arg7[%get3A_446, %get3A_447] {strides = array<i32>} : memref<16x1024xf32, #tpu.memory_space<vmem>>, vector<16xf32>,
      %convert_element_type3A_449 = arith.fptosi %get3A_448 : vector<16xf32> to vector<16xi32>
      %sub3A_450 = arith.constant 1 : i32
      %sub3A_451 = vector.broadcast %sub3A_450 : i32 to vector<16xi32>
      %sub3A_452 = arith.subi %convert_element_type3A_449, %sub3A_451 : vector<16xi32>
      %mul3A_453 = arith.constant 64 : i32
      %mul3A_454 = arith.muli %add3A, %mul3A_453 : i32
      %add3A_455 = arith.addi %mul3A_454, %mul3A_54 : i32
      %add3A_456 = vector.broadcast %add3A_455 : i32 to vector<16xi32>
      %add3A_457 = arith.addi %add3A_456, %iota3A : vector<16xi32>
      %add3A_458 = arith.constant 11 : i32
      %add3A_459 = vector.broadcast %add3A_458 : i32 to vector<16xi32>
      %add3A_460 = arith.addi %add3A_457, %add3A_459 : vector<16xi32>
      %and3A_461 = arith.constant 2047 : i32
      %and3A_462 = vector.broadcast %and3A_461 : i32 to vector<16xi32>
      %and3A_463 = arith.andi %add3A_460, %and3A_462 : vector<16xi32>
      %add3A_464 = arith.constant 65536 : i32
      %add3A_465 = vector.broadcast %add3A_464 : i32 to vector<16xi32>
      %add3A_466 = arith.addi %add3A_465, %and3A_463 : vector<16xi32>
      %eq3A_467 = arith.constant 0.000000e+00 : f32
      %eq3A_468 = vector.broadcast %eq3A_467 : f32 to vector<16xf32>
      %eq3A_469 = arith.cmpf oeq, %get3A_448, %eq3A_468 : vector<16xf32>
      %select_n3A_470 = arith.select %eq3A_469, %add3A_466, %sub3A_452 : vector<16xi1>, vector<16xi32>
      %add3A_471 = arith.constant 1024 : i32
      %add3A_472 = arith.addi %add3A_471, %mul3A_54 : i32
      %add3A_473 = vector.broadcast %add3A_472 : i32 to vector<16xi32>
      %add3A_474 = arith.addi %add3A_473, %iota3A : vector<16xi32>
      %mul3A_475 = arith.constant 16 : i32
      %mul3A_476 = vector.broadcast %mul3A_475 : i32 to vector<16xi32>
      %mul3A_477 = arith.muli %add3A_474, %mul3A_476 : vector<16xi32>
      %add3A_478 = arith.constant 11 : i32
      %add3A_479 = vector.broadcast %add3A_478 : i32 to vector<16xi32>
      %add3A_480 = arith.addi %mul3A_477, %add3A_479 : vector<16xi32>
      tpu.vector_store_idx %arg6[%add3A_480], %select_n3A_470 : memref<32768xi32, #tpu.memory_space<vmem>>[vector<16xi32>], vector<16xi32>,
      %get3A_481 = arith.constant 12 : i32
      %get3A_482 = arith.index_cast %get3A_481 : i32 to index
      %get3A_483 = arith.index_cast %mul3A_54 : i32 to index
      %get3A_484 = tpu.vector_load %arg7[%get3A_482, %get3A_483] {strides = array<i32>} : memref<16x1024xf32, #tpu.memory_space<vmem>>, vector<16xf32>,
      %convert_element_type3A_485 = arith.fptosi %get3A_484 : vector<16xf32> to vector<16xi32>
      %sub3A_486 = arith.constant 1 : i32
      %sub3A_487 = vector.broadcast %sub3A_486 : i32 to vector<16xi32>
      %sub3A_488 = arith.subi %convert_element_type3A_485, %sub3A_487 : vector<16xi32>
      %mul3A_489 = arith.constant 64 : i32
      %mul3A_490 = arith.muli %add3A, %mul3A_489 : i32
      %add3A_491 = arith.addi %mul3A_490, %mul3A_54 : i32
      %add3A_492 = vector.broadcast %add3A_491 : i32 to vector<16xi32>
      %add3A_493 = arith.addi %add3A_492, %iota3A : vector<16xi32>
      %add3A_494 = arith.constant 12 : i32
      %add3A_495 = vector.broadcast %add3A_494 : i32 to vector<16xi32>
      %add3A_496 = arith.addi %add3A_493, %add3A_495 : vector<16xi32>
      %and3A_497 = arith.constant 2047 : i32
      %and3A_498 = vector.broadcast %and3A_497 : i32 to vector<16xi32>
      %and3A_499 = arith.andi %add3A_496, %and3A_498 : vector<16xi32>
      %add3A_500 = arith.constant 65536 : i32
      %add3A_501 = vector.broadcast %add3A_500 : i32 to vector<16xi32>
      %add3A_502 = arith.addi %add3A_501, %and3A_499 : vector<16xi32>
      %eq3A_503 = arith.constant 0.000000e+00 : f32
      %eq3A_504 = vector.broadcast %eq3A_503 : f32 to vector<16xf32>
      %eq3A_505 = arith.cmpf oeq, %get3A_484, %eq3A_504 : vector<16xf32>
      %select_n3A_506 = arith.select %eq3A_505, %add3A_502, %sub3A_488 : vector<16xi1>, vector<16xi32>
      %add3A_507 = arith.constant 1024 : i32
      %add3A_508 = arith.addi %add3A_507, %mul3A_54 : i32
      %add3A_509 = vector.broadcast %add3A_508 : i32 to vector<16xi32>
      %add3A_510 = arith.addi %add3A_509, %iota3A : vector<16xi32>
      %mul3A_511 = arith.constant 16 : i32
      %mul3A_512 = vector.broadcast %mul3A_511 : i32 to vector<16xi32>
      %mul3A_513 = arith.muli %add3A_510, %mul3A_512 : vector<16xi32>
      %add3A_514 = arith.constant 12 : i32
      %add3A_515 = vector.broadcast %add3A_514 : i32 to vector<16xi32>
      %add3A_516 = arith.addi %mul3A_513, %add3A_515 : vector<16xi32>
      tpu.vector_store_idx %arg6[%add3A_516], %select_n3A_506 : memref<32768xi32, #tpu.memory_space<vmem>>[vector<16xi32>], vector<16xi32>,
      %get3A_517 = arith.constant 13 : i32
      %get3A_518 = arith.index_cast %get3A_517 : i32 to index
      %get3A_519 = arith.index_cast %mul3A_54 : i32 to index
      %get3A_520 = tpu.vector_load %arg7[%get3A_518, %get3A_519] {strides = array<i32>} : memref<16x1024xf32, #tpu.memory_space<vmem>>, vector<16xf32>,
      %convert_element_type3A_521 = arith.fptosi %get3A_520 : vector<16xf32> to vector<16xi32>
      %sub3A_522 = arith.constant 1 : i32
      %sub3A_523 = vector.broadcast %sub3A_522 : i32 to vector<16xi32>
      %sub3A_524 = arith.subi %convert_element_type3A_521, %sub3A_523 : vector<16xi32>
      %mul3A_525 = arith.constant 64 : i32
      %mul3A_526 = arith.muli %add3A, %mul3A_525 : i32
      %add3A_527 = arith.addi %mul3A_526, %mul3A_54 : i32
      %add3A_528 = vector.broadcast %add3A_527 : i32 to vector<16xi32>
      %add3A_529 = arith.addi %add3A_528, %iota3A : vector<16xi32>
      %add3A_530 = arith.constant 13 : i32
      %add3A_531 = vector.broadcast %add3A_530 : i32 to vector<16xi32>
      %add3A_532 = arith.addi %add3A_529, %add3A_531 : vector<16xi32>
      %and3A_533 = arith.constant 2047 : i32
      %and3A_534 = vector.broadcast %and3A_533 : i32 to vector<16xi32>
      %and3A_535 = arith.andi %add3A_532, %and3A_534 : vector<16xi32>
      %add3A_536 = arith.constant 65536 : i32
      %add3A_537 = vector.broadcast %add3A_536 : i32 to vector<16xi32>
      %add3A_538 = arith.addi %add3A_537, %and3A_535 : vector<16xi32>
      %eq3A_539 = arith.constant 0.000000e+00 : f32
      %eq3A_540 = vector.broadcast %eq3A_539 : f32 to vector<16xf32>
      %eq3A_541 = arith.cmpf oeq, %get3A_520, %eq3A_540 : vector<16xf32>
      %select_n3A_542 = arith.select %eq3A_541, %add3A_538, %sub3A_524 : vector<16xi1>, vector<16xi32>
      %add3A_543 = arith.constant 1024 : i32
      %add3A_544 = arith.addi %add3A_543, %mul3A_54 : i32
      %add3A_545 = vector.broadcast %add3A_544 : i32 to vector<16xi32>
      %add3A_546 = arith.addi %add3A_545, %iota3A : vector<16xi32>
      %mul3A_547 = arith.constant 16 : i32
      %mul3A_548 = vector.broadcast %mul3A_547 : i32 to vector<16xi32>
      %mul3A_549 = arith.muli %add3A_546, %mul3A_548 : vector<16xi32>
      %add3A_550 = arith.constant 13 : i32
      %add3A_551 = vector.broadcast %add3A_550 : i32 to vector<16xi32>
      %add3A_552 = arith.addi %mul3A_549, %add3A_551 : vector<16xi32>
      tpu.vector_store_idx %arg6[%add3A_552], %select_n3A_542 : memref<32768xi32, #tpu.memory_space<vmem>>[vector<16xi32>], vector<16xi32>,
      %get3A_553 = arith.constant 14 : i32
      %get3A_554 = arith.index_cast %get3A_553 : i32 to index
      %get3A_555 = arith.index_cast %mul3A_54 : i32 to index
      %get3A_556 = tpu.vector_load %arg7[%get3A_554, %get3A_555] {strides = array<i32>} : memref<16x1024xf32, #tpu.memory_space<vmem>>, vector<16xf32>,
      %convert_element_type3A_557 = arith.fptosi %get3A_556 : vector<16xf32> to vector<16xi32>
      %sub3A_558 = arith.constant 1 : i32
      %sub3A_559 = vector.broadcast %sub3A_558 : i32 to vector<16xi32>
      %sub3A_560 = arith.subi %convert_element_type3A_557, %sub3A_559 : vector<16xi32>
      %mul3A_561 = arith.constant 64 : i32
      %mul3A_562 = arith.muli %add3A, %mul3A_561 : i32
      %add3A_563 = arith.addi %mul3A_562, %mul3A_54 : i32
      %add3A_564 = vector.broadcast %add3A_563 : i32 to vector<16xi32>
      %add3A_565 = arith.addi %add3A_564, %iota3A : vector<16xi32>
      %add3A_566 = arith.constant 14 : i32
      %add3A_567 = vector.broadcast %add3A_566 : i32 to vector<16xi32>
      %add3A_568 = arith.addi %add3A_565, %add3A_567 : vector<16xi32>
      %and3A_569 = arith.constant 2047 : i32
      %and3A_570 = vector.broadcast %and3A_569 : i32 to vector<16xi32>
      %and3A_571 = arith.andi %add3A_568, %and3A_570 : vector<16xi32>
      %add3A_572 = arith.constant 65536 : i32
      %add3A_573 = vector.broadcast %add3A_572 : i32 to vector<16xi32>
      %add3A_574 = arith.addi %add3A_573, %and3A_571 : vector<16xi32>
      %eq3A_575 = arith.constant 0.000000e+00 : f32
      %eq3A_576 = vector.broadcast %eq3A_575 : f32 to vector<16xf32>
      %eq3A_577 = arith.cmpf oeq, %get3A_556, %eq3A_576 : vector<16xf32>
      %select_n3A_578 = arith.select %eq3A_577, %add3A_574, %sub3A_560 : vector<16xi1>, vector<16xi32>
      %add3A_579 = arith.constant 1024 : i32
      %add3A_580 = arith.addi %add3A_579, %mul3A_54 : i32
      %add3A_581 = vector.broadcast %add3A_580 : i32 to vector<16xi32>
      %add3A_582 = arith.addi %add3A_581, %iota3A : vector<16xi32>
      %mul3A_583 = arith.constant 16 : i32
      %mul3A_584 = vector.broadcast %mul3A_583 : i32 to vector<16xi32>
      %mul3A_585 = arith.muli %add3A_582, %mul3A_584 : vector<16xi32>
      %add3A_586 = arith.constant 14 : i32
      %add3A_587 = vector.broadcast %add3A_586 : i32 to vector<16xi32>
      %add3A_588 = arith.addi %mul3A_585, %add3A_587 : vector<16xi32>
      tpu.vector_store_idx %arg6[%add3A_588], %select_n3A_578 : memref<32768xi32, #tpu.memory_space<vmem>>[vector<16xi32>], vector<16xi32>,
      %get3A_589 = arith.constant 15 : i32
      %get3A_590 = arith.index_cast %get3A_589 : i32 to index
      %get3A_591 = arith.index_cast %mul3A_54 : i32 to index
      %get3A_592 = tpu.vector_load %arg7[%get3A_590, %get3A_591] {strides = array<i32>} : memref<16x1024xf32, #tpu.memory_space<vmem>>, vector<16xf32>,
      %convert_element_type3A_593 = arith.fptosi %get3A_592 : vector<16xf32> to vector<16xi32>
      %sub3A_594 = arith.constant 1 : i32
      %sub3A_595 = vector.broadcast %sub3A_594 : i32 to vector<16xi32>
      %sub3A_596 = arith.subi %convert_element_type3A_593, %sub3A_595 : vector<16xi32>
      %mul3A_597 = arith.constant 64 : i32
      %mul3A_598 = arith.muli %add3A, %mul3A_597 : i32
      %add3A_599 = arith.addi %mul3A_598, %mul3A_54 : i32
      %add3A_600 = vector.broadcast %add3A_599 : i32 to vector<16xi32>
      %add3A_601 = arith.addi %add3A_600, %iota3A : vector<16xi32>
      %add3A_602 = arith.constant 15 : i32
      %add3A_603 = vector.broadcast %add3A_602 : i32 to vector<16xi32>
      %add3A_604 = arith.addi %add3A_601, %add3A_603 : vector<16xi32>
      %and3A_605 = arith.constant 2047 : i32
      %and3A_606 = vector.broadcast %and3A_605 : i32 to vector<16xi32>
      %and3A_607 = arith.andi %add3A_604, %and3A_606 : vector<16xi32>
      %add3A_608 = arith.constant 65536 : i32
      %add3A_609 = vector.broadcast %add3A_608 : i32 to vector<16xi32>
      %add3A_610 = arith.addi %add3A_609, %and3A_607 : vector<16xi32>
      %eq3A_611 = arith.constant 0.000000e+00 : f32
      %eq3A_612 = vector.broadcast %eq3A_611 : f32 to vector<16xf32>
      %eq3A_613 = arith.cmpf oeq, %get3A_592, %eq3A_612 : vector<16xf32>
      %select_n3A_614 = arith.select %eq3A_613, %add3A_610, %sub3A_596 : vector<16xi1>, vector<16xi32>
      %add3A_615 = arith.constant 1024 : i32
      %add3A_616 = arith.addi %add3A_615, %mul3A_54 : i32
      %add3A_617 = vector.broadcast %add3A_616 : i32 to vector<16xi32>
      %add3A_618 = arith.addi %add3A_617, %iota3A : vector<16xi32>
      %mul3A_619 = arith.constant 16 : i32
      %mul3A_620 = vector.broadcast %mul3A_619 : i32 to vector<16xi32>
      %mul3A_621 = arith.muli %add3A_618, %mul3A_620 : vector<16xi32>
      %add3A_622 = arith.constant 15 : i32
      %add3A_623 = vector.broadcast %add3A_622 : i32 to vector<16xi32>
      %add3A_624 = arith.addi %mul3A_621, %add3A_623 : vector<16xi32>
      tpu.vector_store_idx %arg6[%add3A_624], %select_n3A_614 : memref<32768xi32, #tpu.memory_space<vmem>>[vector<16xi32>], vector<16xi32>,
      %scan3A_625 = arith.constant 1 : i32
      %scan3A_626 = arith.addi %scan3A_48, %scan3A_625 : i32
      %mul3A_627 = arith.constant 1 : i32
      %mul3A_628 = arith.muli %scan3A_626, %mul3A_627 : i32
      %add3A_629 = arith.constant 0 : i32
      %add3A_630 = arith.addi %add3A_629, %mul3A_628 : i32
      %mul3A_631 = arith.constant 16 : i32
      %mul3A_632 = arith.muli %add3A_630, %mul3A_631 : i32
      %get3A_633 = arith.constant 0 : i32
      %get3A_634 = arith.index_cast %get3A_633 : i32 to index
      %get3A_635 = arith.index_cast %mul3A_632 : i32 to index
      %get3A_636 = tpu.vector_load %arg7[%get3A_634, %get3A_635] {strides = array<i32>} : memref<16x1024xf32, #tpu.memory_space<vmem>>, vector<16xf32>,
      %convert_element_type3A_637 = arith.fptosi %get3A_636 : vector<16xf32> to vector<16xi32>
      %sub3A_638 = arith.constant 1 : i32
      %sub3A_639 = vector.broadcast %sub3A_638 : i32 to vector<16xi32>
      %sub3A_640 = arith.subi %convert_element_type3A_637, %sub3A_639 : vector<16xi32>
      %mul3A_641 = arith.constant 64 : i32
      %mul3A_642 = arith.muli %add3A, %mul3A_641 : i32
      %add3A_643 = arith.addi %mul3A_642, %mul3A_632 : i32
      %add3A_644 = vector.broadcast %add3A_643 : i32 to vector<16xi32>
      %add3A_645 = arith.addi %add3A_644, %iota3A : vector<16xi32>
      %add3A_646 = arith.constant 0 : i32
      %add3A_647 = vector.broadcast %add3A_646 : i32 to vector<16xi32>
      %add3A_648 = arith.addi %add3A_645, %add3A_647 : vector<16xi32>
      %and3A_649 = arith.constant 2047 : i32
      %and3A_650 = vector.broadcast %and3A_649 : i32 to vector<16xi32>
      %and3A_651 = arith.andi %add3A_648, %and3A_650 : vector<16xi32>
      %add3A_652 = arith.constant 65536 : i32
      %add3A_653 = vector.broadcast %add3A_652 : i32 to vector<16xi32>
      %add3A_654 = arith.addi %add3A_653, %and3A_651 : vector<16xi32>
      %eq3A_655 = arith.constant 0.000000e+00 : f32
      %eq3A_656 = vector.broadcast %eq3A_655 : f32 to vector<16xf32>
      %eq3A_657 = arith.cmpf oeq, %get3A_636, %eq3A_656 : vector<16xf32>
      %select_n3A_658 = arith.select %eq3A_657, %add3A_654, %sub3A_640 : vector<16xi1>, vector<16xi32>
      %add3A_659 = arith.constant 1024 : i32
      %add3A_660 = arith.addi %add3A_659, %mul3A_632 : i32
      %add3A_661 = vector.broadcast %add3A_660 : i32 to vector<16xi32>
      %add3A_662 = arith.addi %add3A_661, %iota3A : vector<16xi32>
      %mul3A_663 = arith.constant 16 : i32
      %mul3A_664 = vector.broadcast %mul3A_663 : i32 to vector<16xi32>
      %mul3A_665 = arith.muli %add3A_662, %mul3A_664 : vector<16xi32>
      %add3A_666 = arith.constant 0 : i32
      %add3A_667 = vector.broadcast %add3A_666 : i32 to vector<16xi32>
      %add3A_668 = arith.addi %mul3A_665, %add3A_667 : vector<16xi32>
      tpu.vector_store_idx %arg6[%add3A_668], %select_n3A_658 : memref<32768xi32, #tpu.memory_space<vmem>>[vector<16xi32>], vector<16xi32>,
      %get3A_669 = arith.constant 1 : i32
      %get3A_670 = arith.index_cast %get3A_669 : i32 to index
      %get3A_671 = arith.index_cast %mul3A_632 : i32 to index
      %get3A_672 = tpu.vector_load %arg7[%get3A_670, %get3A_671] {strides = array<i32>} : memref<16x1024xf32, #tpu.memory_space<vmem>>, vector<16xf32>,
      %convert_element_type3A_673 = arith.fptosi %get3A_672 : vector<16xf32> to vector<16xi32>
      %sub3A_674 = arith.constant 1 : i32
      %sub3A_675 = vector.broadcast %sub3A_674 : i32 to vector<16xi32>
      %sub3A_676 = arith.subi %convert_element_type3A_673, %sub3A_675 : vector<16xi32>
      %mul3A_677 = arith.constant 64 : i32
      %mul3A_678 = arith.muli %add3A, %mul3A_677 : i32
      %add3A_679 = arith.addi %mul3A_678, %mul3A_632 : i32
      %add3A_680 = vector.broadcast %add3A_679 : i32 to vector<16xi32>
      %add3A_681 = arith.addi %add3A_680, %iota3A : vector<16xi32>
      %add3A_682 = arith.constant 1 : i32
      %add3A_683 = vector.broadcast %add3A_682 : i32 to vector<16xi32>
      %add3A_684 = arith.addi %add3A_681, %add3A_683 : vector<16xi32>
      %and3A_685 = arith.constant 2047 : i32
      %and3A_686 = vector.broadcast %and3A_685 : i32 to vector<16xi32>
      %and3A_687 = arith.andi %add3A_684, %and3A_686 : vector<16xi32>
      %add3A_688 = arith.constant 65536 : i32
      %add3A_689 = vector.broadcast %add3A_688 : i32 to vector<16xi32>
      %add3A_690 = arith.addi %add3A_689, %and3A_687 : vector<16xi32>
      %eq3A_691 = arith.constant 0.000000e+00 : f32
      %eq3A_692 = vector.broadcast %eq3A_691 : f32 to vector<16xf32>
      %eq3A_693 = arith.cmpf oeq, %get3A_672, %eq3A_692 : vector<16xf32>
      %select_n3A_694 = arith.select %eq3A_693, %add3A_690, %sub3A_676 : vector<16xi1>, vector<16xi32>
      %add3A_695 = arith.constant 1024 : i32
      %add3A_696 = arith.addi %add3A_695, %mul3A_632 : i32
      %add3A_697 = vector.broadcast %add3A_696 : i32 to vector<16xi32>
      %add3A_698 = arith.addi %add3A_697, %iota3A : vector<16xi32>
      %mul3A_699 = arith.constant 16 : i32
      %mul3A_700 = vector.broadcast %mul3A_699 : i32 to vector<16xi32>
      %mul3A_701 = arith.muli %add3A_698, %mul3A_700 : vector<16xi32>
      %add3A_702 = arith.constant 1 : i32
      %add3A_703 = vector.broadcast %add3A_702 : i32 to vector<16xi32>
      %add3A_704 = arith.addi %mul3A_701, %add3A_703 : vector<16xi32>
      tpu.vector_store_idx %arg6[%add3A_704], %select_n3A_694 : memref<32768xi32, #tpu.memory_space<vmem>>[vector<16xi32>], vector<16xi32>,
      %get3A_705 = arith.constant 2 : i32
      %get3A_706 = arith.index_cast %get3A_705 : i32 to index
      %get3A_707 = arith.index_cast %mul3A_632 : i32 to index
      %get3A_708 = tpu.vector_load %arg7[%get3A_706, %get3A_707] {strides = array<i32>} : memref<16x1024xf32, #tpu.memory_space<vmem>>, vector<16xf32>,
      %convert_element_type3A_709 = arith.fptosi %get3A_708 : vector<16xf32> to vector<16xi32>
      %sub3A_710 = arith.constant 1 : i32
      %sub3A_711 = vector.broadcast %sub3A_710 : i32 to vector<16xi32>
      %sub3A_712 = arith.subi %convert_element_type3A_709, %sub3A_711 : vector<16xi32>
      %mul3A_713 = arith.constant 64 : i32
      %mul3A_714 = arith.muli %add3A, %mul3A_713 : i32
      %add3A_715 = arith.addi %mul3A_714, %mul3A_632 : i32
      %add3A_716 = vector.broadcast %add3A_715 : i32 to vector<16xi32>
      %add3A_717 = arith.addi %add3A_716, %iota3A : vector<16xi32>
      %add3A_718 = arith.constant 2 : i32
      %add3A_719 = vector.broadcast %add3A_718 : i32 to vector<16xi32>
      %add3A_720 = arith.addi %add3A_717, %add3A_719 : vector<16xi32>
      %and3A_721 = arith.constant 2047 : i32
      %and3A_722 = vector.broadcast %and3A_721 : i32 to vector<16xi32>
      %and3A_723 = arith.andi %add3A_720, %and3A_722 : vector<16xi32>
      %add3A_724 = arith.constant 65536 : i32
      %add3A_725 = vector.broadcast %add3A_724 : i32 to vector<16xi32>
      %add3A_726 = arith.addi %add3A_725, %and3A_723 : vector<16xi32>
      %eq3A_727 = arith.constant 0.000000e+00 : f32
      %eq3A_728 = vector.broadcast %eq3A_727 : f32 to vector<16xf32>
      %eq3A_729 = arith.cmpf oeq, %get3A_708, %eq3A_728 : vector<16xf32>
      %select_n3A_730 = arith.select %eq3A_729, %add3A_726, %sub3A_712 : vector<16xi1>, vector<16xi32>
      %add3A_731 = arith.constant 1024 : i32
      %add3A_732 = arith.addi %add3A_731, %mul3A_632 : i32
      %add3A_733 = vector.broadcast %add3A_732 : i32 to vector<16xi32>
      %add3A_734 = arith.addi %add3A_733, %iota3A : vector<16xi32>
      %mul3A_735 = arith.constant 16 : i32
      %mul3A_736 = vector.broadcast %mul3A_735 : i32 to vector<16xi32>
      %mul3A_737 = arith.muli %add3A_734, %mul3A_736 : vector<16xi32>
      %add3A_738 = arith.constant 2 : i32
      %add3A_739 = vector.broadcast %add3A_738 : i32 to vector<16xi32>
      %add3A_740 = arith.addi %mul3A_737, %add3A_739 : vector<16xi32>
      tpu.vector_store_idx %arg6[%add3A_740], %select_n3A_730 : memref<32768xi32, #tpu.memory_space<vmem>>[vector<16xi32>], vector<16xi32>,
      %get3A_741 = arith.constant 3 : i32
      %get3A_742 = arith.index_cast %get3A_741 : i32 to index
      %get3A_743 = arith.index_cast %mul3A_632 : i32 to index
      %get3A_744 = tpu.vector_load %arg7[%get3A_742, %get3A_743] {strides = array<i32>} : memref<16x1024xf32, #tpu.memory_space<vmem>>, vector<16xf32>,
      %convert_element_type3A_745 = arith.fptosi %get3A_744 : vector<16xf32> to vector<16xi32>
      %sub3A_746 = arith.constant 1 : i32
      %sub3A_747 = vector.broadcast %sub3A_746 : i32 to vector<16xi32>
      %sub3A_748 = arith.subi %convert_element_type3A_745, %sub3A_747 : vector<16xi32>
      %mul3A_749 = arith.constant 64 : i32
      %mul3A_750 = arith.muli %add3A, %mul3A_749 : i32
      %add3A_751 = arith.addi %mul3A_750, %mul3A_632 : i32
      %add3A_752 = vector.broadcast %add3A_751 : i32 to vector<16xi32>
      %add3A_753 = arith.addi %add3A_752, %iota3A : vector<16xi32>
      %add3A_754 = arith.constant 3 : i32
      %add3A_755 = vector.broadcast %add3A_754 : i32 to vector<16xi32>
      %add3A_756 = arith.addi %add3A_753, %add3A_755 : vector<16xi32>
      %and3A_757 = arith.constant 2047 : i32
      %and3A_758 = vector.broadcast %and3A_757 : i32 to vector<16xi32>
      %and3A_759 = arith.andi %add3A_756, %and3A_758 : vector<16xi32>
      %add3A_760 = arith.constant 65536 : i32
      %add3A_761 = vector.broadcast %add3A_760 : i32 to vector<16xi32>
      %add3A_762 = arith.addi %add3A_761, %and3A_759 : vector<16xi32>
      %eq3A_763 = arith.constant 0.000000e+00 : f32
      %eq3A_764 = vector.broadcast %eq3A_763 : f32 to vector<16xf32>
      %eq3A_765 = arith.cmpf oeq, %get3A_744, %eq3A_764 : vector<16xf32>
      %select_n3A_766 = arith.select %eq3A_765, %add3A_762, %sub3A_748 : vector<16xi1>, vector<16xi32>
      %add3A_767 = arith.constant 1024 : i32
      %add3A_768 = arith.addi %add3A_767, %mul3A_632 : i32
      %add3A_769 = vector.broadcast %add3A_768 : i32 to vector<16xi32>
      %add3A_770 = arith.addi %add3A_769, %iota3A : vector<16xi32>
      %mul3A_771 = arith.constant 16 : i32
      %mul3A_772 = vector.broadcast %mul3A_771 : i32 to vector<16xi32>
      %mul3A_773 = arith.muli %add3A_770, %mul3A_772 : vector<16xi32>
      %add3A_774 = arith.constant 3 : i32
      %add3A_775 = vector.broadcast %add3A_774 : i32 to vector<16xi32>
      %add3A_776 = arith.addi %mul3A_773, %add3A_775 : vector<16xi32>
      tpu.vector_store_idx %arg6[%add3A_776], %select_n3A_766 : memref<32768xi32, #tpu.memory_space<vmem>>[vector<16xi32>], vector<16xi32>,
      %get3A_777 = arith.constant 4 : i32
      %get3A_778 = arith.index_cast %get3A_777 : i32 to index
      %get3A_779 = arith.index_cast %mul3A_632 : i32 to index
      %get3A_780 = tpu.vector_load %arg7[%get3A_778, %get3A_779] {strides = array<i32>} : memref<16x1024xf32, #tpu.memory_space<vmem>>, vector<16xf32>,
      %convert_element_type3A_781 = arith.fptosi %get3A_780 : vector<16xf32> to vector<16xi32>
      %sub3A_782 = arith.constant 1 : i32
      %sub3A_783 = vector.broadcast %sub3A_782 : i32 to vector<16xi32>
      %sub3A_784 = arith.subi %convert_element_type3A_781, %sub3A_783 : vector<16xi32>
      %mul3A_785 = arith.constant 64 : i32
      %mul3A_786 = arith.muli %add3A, %mul3A_785 : i32
      %add3A_787 = arith.addi %mul3A_786, %mul3A_632 : i32
      %add3A_788 = vector.broadcast %add3A_787 : i32 to vector<16xi32>
      %add3A_789 = arith.addi %add3A_788, %iota3A : vector<16xi32>
      %add3A_790 = arith.constant 4 : i32
      %add3A_791 = vector.broadcast %add3A_790 : i32 to vector<16xi32>
      %add3A_792 = arith.addi %add3A_789, %add3A_791 : vector<16xi32>
      %and3A_793 = arith.constant 2047 : i32
      %and3A_794 = vector.broadcast %and3A_793 : i32 to vector<16xi32>
      %and3A_795 = arith.andi %add3A_792, %and3A_794 : vector<16xi32>
      %add3A_796 = arith.constant 65536 : i32
      %add3A_797 = vector.broadcast %add3A_796 : i32 to vector<16xi32>
      %add3A_798 = arith.addi %add3A_797, %and3A_795 : vector<16xi32>
      %eq3A_799 = arith.constant 0.000000e+00 : f32
      %eq3A_800 = vector.broadcast %eq3A_799 : f32 to vector<16xf32>
      %eq3A_801 = arith.cmpf oeq, %get3A_780, %eq3A_800 : vector<16xf32>
      %select_n3A_802 = arith.select %eq3A_801, %add3A_798, %sub3A_784 : vector<16xi1>, vector<16xi32>
      %add3A_803 = arith.constant 1024 : i32
      %add3A_804 = arith.addi %add3A_803, %mul3A_632 : i32
      %add3A_805 = vector.broadcast %add3A_804 : i32 to vector<16xi32>
      %add3A_806 = arith.addi %add3A_805, %iota3A : vector<16xi32>
      %mul3A_807 = arith.constant 16 : i32
      %mul3A_808 = vector.broadcast %mul3A_807 : i32 to vector<16xi32>
      %mul3A_809 = arith.muli %add3A_806, %mul3A_808 : vector<16xi32>
      %add3A_810 = arith.constant 4 : i32
      %add3A_811 = vector.broadcast %add3A_810 : i32 to vector<16xi32>
      %add3A_812 = arith.addi %mul3A_809, %add3A_811 : vector<16xi32>
      tpu.vector_store_idx %arg6[%add3A_812], %select_n3A_802 : memref<32768xi32, #tpu.memory_space<vmem>>[vector<16xi32>], vector<16xi32>,
      %get3A_813 = arith.constant 5 : i32
      %get3A_814 = arith.index_cast %get3A_813 : i32 to index
      %get3A_815 = arith.index_cast %mul3A_632 : i32 to index
      %get3A_816 = tpu.vector_load %arg7[%get3A_814, %get3A_815] {strides = array<i32>} : memref<16x1024xf32, #tpu.memory_space<vmem>>, vector<16xf32>,
      %convert_element_type3A_817 = arith.fptosi %get3A_816 : vector<16xf32> to vector<16xi32>
      %sub3A_818 = arith.constant 1 : i32
      %sub3A_819 = vector.broadcast %sub3A_818 : i32 to vector<16xi32>
      %sub3A_820 = arith.subi %convert_element_type3A_817, %sub3A_819 : vector<16xi32>
      %mul3A_821 = arith.constant 64 : i32
      %mul3A_822 = arith.muli %add3A, %mul3A_821 : i32
      %add3A_823 = arith.addi %mul3A_822, %mul3A_632 : i32
      %add3A_824 = vector.broadcast %add3A_823 : i32 to vector<16xi32>
      %add3A_825 = arith.addi %add3A_824, %iota3A : vector<16xi32>
      %add3A_826 = arith.constant 5 : i32
      %add3A_827 = vector.broadcast %add3A_826 : i32 to vector<16xi32>
      %add3A_828 = arith.addi %add3A_825, %add3A_827 : vector<16xi32>
      %and3A_829 = arith.constant 2047 : i32
      %and3A_830 = vector.broadcast %and3A_829 : i32 to vector<16xi32>
      %and3A_831 = arith.andi %add3A_828, %and3A_830 : vector<16xi32>
      %add3A_832 = arith.constant 65536 : i32
      %add3A_833 = vector.broadcast %add3A_832 : i32 to vector<16xi32>
      %add3A_834 = arith.addi %add3A_833, %and3A_831 : vector<16xi32>
      %eq3A_835 = arith.constant 0.000000e+00 : f32
      %eq3A_836 = vector.broadcast %eq3A_835 : f32 to vector<16xf32>
      %eq3A_837 = arith.cmpf oeq, %get3A_816, %eq3A_836 : vector<16xf32>
      %select_n3A_838 = arith.select %eq3A_837, %add3A_834, %sub3A_820 : vector<16xi1>, vector<16xi32>
      %add3A_839 = arith.constant 1024 : i32
      %add3A_840 = arith.addi %add3A_839, %mul3A_632 : i32
      %add3A_841 = vector.broadcast %add3A_840 : i32 to vector<16xi32>
      %add3A_842 = arith.addi %add3A_841, %iota3A : vector<16xi32>
      %mul3A_843 = arith.constant 16 : i32
      %mul3A_844 = vector.broadcast %mul3A_843 : i32 to vector<16xi32>
      %mul3A_845 = arith.muli %add3A_842, %mul3A_844 : vector<16xi32>
      %add3A_846 = arith.constant 5 : i32
      %add3A_847 = vector.broadcast %add3A_846 : i32 to vector<16xi32>
      %add3A_848 = arith.addi %mul3A_845, %add3A_847 : vector<16xi32>
      tpu.vector_store_idx %arg6[%add3A_848], %select_n3A_838 : memref<32768xi32, #tpu.memory_space<vmem>>[vector<16xi32>], vector<16xi32>,
      %get3A_849 = arith.constant 6 : i32
      %get3A_850 = arith.index_cast %get3A_849 : i32 to index
      %get3A_851 = arith.index_cast %mul3A_632 : i32 to index
      %get3A_852 = tpu.vector_load %arg7[%get3A_850, %get3A_851] {strides = array<i32>} : memref<16x1024xf32, #tpu.memory_space<vmem>>, vector<16xf32>,
      %convert_element_type3A_853 = arith.fptosi %get3A_852 : vector<16xf32> to vector<16xi32>
      %sub3A_854 = arith.constant 1 : i32
      %sub3A_855 = vector.broadcast %sub3A_854 : i32 to vector<16xi32>
      %sub3A_856 = arith.subi %convert_element_type3A_853, %sub3A_855 : vector<16xi32>
      %mul3A_857 = arith.constant 64 : i32
      %mul3A_858 = arith.muli %add3A, %mul3A_857 : i32
      %add3A_859 = arith.addi %mul3A_858, %mul3A_632 : i32
      %add3A_860 = vector.broadcast %add3A_859 : i32 to vector<16xi32>
      %add3A_861 = arith.addi %add3A_860, %iota3A : vector<16xi32>
      %add3A_862 = arith.constant 6 : i32
      %add3A_863 = vector.broadcast %add3A_862 : i32 to vector<16xi32>
      %add3A_864 = arith.addi %add3A_861, %add3A_863 : vector<16xi32>
      %and3A_865 = arith.constant 2047 : i32
      %and3A_866 = vector.broadcast %and3A_865 : i32 to vector<16xi32>
      %and3A_867 = arith.andi %add3A_864, %and3A_866 : vector<16xi32>
      %add3A_868 = arith.constant 65536 : i32
      %add3A_869 = vector.broadcast %add3A_868 : i32 to vector<16xi32>
      %add3A_870 = arith.addi %add3A_869, %and3A_867 : vector<16xi32>
      %eq3A_871 = arith.constant 0.000000e+00 : f32
      %eq3A_872 = vector.broadcast %eq3A_871 : f32 to vector<16xf32>
      %eq3A_873 = arith.cmpf oeq, %get3A_852, %eq3A_872 : vector<16xf32>
      %select_n3A_874 = arith.select %eq3A_873, %add3A_870, %sub3A_856 : vector<16xi1>, vector<16xi32>
      %add3A_875 = arith.constant 1024 : i32
      %add3A_876 = arith.addi %add3A_875, %mul3A_632 : i32
      %add3A_877 = vector.broadcast %add3A_876 : i32 to vector<16xi32>
      %add3A_878 = arith.addi %add3A_877, %iota3A : vector<16xi32>
      %mul3A_879 = arith.constant 16 : i32
      %mul3A_880 = vector.broadcast %mul3A_879 : i32 to vector<16xi32>
      %mul3A_881 = arith.muli %add3A_878, %mul3A_880 : vector<16xi32>
      %add3A_882 = arith.constant 6 : i32
      %add3A_883 = vector.broadcast %add3A_882 : i32 to vector<16xi32>
      %add3A_884 = arith.addi %mul3A_881, %add3A_883 : vector<16xi32>
      tpu.vector_store_idx %arg6[%add3A_884], %select_n3A_874 : memref<32768xi32, #tpu.memory_space<vmem>>[vector<16xi32>], vector<16xi32>,
      %get3A_885 = arith.constant 7 : i32
      %get3A_886 = arith.index_cast %get3A_885 : i32 to index
      %get3A_887 = arith.index_cast %mul3A_632 : i32 to index
      %get3A_888 = tpu.vector_load %arg7[%get3A_886, %get3A_887] {strides = array<i32>} : memref<16x1024xf32, #tpu.memory_space<vmem>>, vector<16xf32>,
      %convert_element_type3A_889 = arith.fptosi %get3A_888 : vector<16xf32> to vector<16xi32>
      %sub3A_890 = arith.constant 1 : i32
      %sub3A_891 = vector.broadcast %sub3A_890 : i32 to vector<16xi32>
      %sub3A_892 = arith.subi %convert_element_type3A_889, %sub3A_891 : vector<16xi32>
      %mul3A_893 = arith.constant 64 : i32
      %mul3A_894 = arith.muli %add3A, %mul3A_893 : i32
      %add3A_895 = arith.addi %mul3A_894, %mul3A_632 : i32
      %add3A_896 = vector.broadcast %add3A_895 : i32 to vector<16xi32>
      %add3A_897 = arith.addi %add3A_896, %iota3A : vector<16xi32>
      %add3A_898 = arith.constant 7 : i32
      %add3A_899 = vector.broadcast %add3A_898 : i32 to vector<16xi32>
      %add3A_900 = arith.addi %add3A_897, %add3A_899 : vector<16xi32>
      %and3A_901 = arith.constant 2047 : i32
      %and3A_902 = vector.broadcast %and3A_901 : i32 to vector<16xi32>
      %and3A_903 = arith.andi %add3A_900, %and3A_902 : vector<16xi32>
      %add3A_904 = arith.constant 65536 : i32
      %add3A_905 = vector.broadcast %add3A_904 : i32 to vector<16xi32>
      %add3A_906 = arith.addi %add3A_905, %and3A_903 : vector<16xi32>
      %eq3A_907 = arith.constant 0.000000e+00 : f32
      %eq3A_908 = vector.broadcast %eq3A_907 : f32 to vector<16xf32>
      %eq3A_909 = arith.cmpf oeq, %get3A_888, %eq3A_908 : vector<16xf32>
      %select_n3A_910 = arith.select %eq3A_909, %add3A_906, %sub3A_892 : vector<16xi1>, vector<16xi32>
      %add3A_911 = arith.constant 1024 : i32
      %add3A_912 = arith.addi %add3A_911, %mul3A_632 : i32
      %add3A_913 = vector.broadcast %add3A_912 : i32 to vector<16xi32>
      %add3A_914 = arith.addi %add3A_913, %iota3A : vector<16xi32>
      %mul3A_915 = arith.constant 16 : i32
      %mul3A_916 = vector.broadcast %mul3A_915 : i32 to vector<16xi32>
      %mul3A_917 = arith.muli %add3A_914, %mul3A_916 : vector<16xi32>
      %add3A_918 = arith.constant 7 : i32
      %add3A_919 = vector.broadcast %add3A_918 : i32 to vector<16xi32>
      %add3A_920 = arith.addi %mul3A_917, %add3A_919 : vector<16xi32>
      tpu.vector_store_idx %arg6[%add3A_920], %select_n3A_910 : memref<32768xi32, #tpu.memory_space<vmem>>[vector<16xi32>], vector<16xi32>,
      %get3A_921 = arith.constant 8 : i32
      %get3A_922 = arith.index_cast %get3A_921 : i32 to index
      %get3A_923 = arith.index_cast %mul3A_632 : i32 to index
      %get3A_924 = tpu.vector_load %arg7[%get3A_922, %get3A_923] {strides = array<i32>} : memref<16x1024xf32, #tpu.memory_space<vmem>>, vector<16xf32>,
      %convert_element_type3A_925 = arith.fptosi %get3A_924 : vector<16xf32> to vector<16xi32>
      %sub3A_926 = arith.constant 1 : i32
      %sub3A_927 = vector.broadcast %sub3A_926 : i32 to vector<16xi32>
      %sub3A_928 = arith.subi %convert_element_type3A_925, %sub3A_927 : vector<16xi32>
      %mul3A_929 = arith.constant 64 : i32
      %mul3A_930 = arith.muli %add3A, %mul3A_929 : i32
      %add3A_931 = arith.addi %mul3A_930, %mul3A_632 : i32
      %add3A_932 = vector.broadcast %add3A_931 : i32 to vector<16xi32>
      %add3A_933 = arith.addi %add3A_932, %iota3A : vector<16xi32>
      %add3A_934 = arith.constant 8 : i32
      %add3A_935 = vector.broadcast %add3A_934 : i32 to vector<16xi32>
      %add3A_936 = arith.addi %add3A_933, %add3A_935 : vector<16xi32>
      %and3A_937 = arith.constant 2047 : i32
      %and3A_938 = vector.broadcast %and3A_937 : i32 to vector<16xi32>
      %and3A_939 = arith.andi %add3A_936, %and3A_938 : vector<16xi32>
      %add3A_940 = arith.constant 65536 : i32
      %add3A_941 = vector.broadcast %add3A_940 : i32 to vector<16xi32>
      %add3A_942 = arith.addi %add3A_941, %and3A_939 : vector<16xi32>
      %eq3A_943 = arith.constant 0.000000e+00 : f32
      %eq3A_944 = vector.broadcast %eq3A_943 : f32 to vector<16xf32>
      %eq3A_945 = arith.cmpf oeq, %get3A_924, %eq3A_944 : vector<16xf32>
      %select_n3A_946 = arith.select %eq3A_945, %add3A_942, %sub3A_928 : vector<16xi1>, vector<16xi32>
      %add3A_947 = arith.constant 1024 : i32
      %add3A_948 = arith.addi %add3A_947, %mul3A_632 : i32
      %add3A_949 = vector.broadcast %add3A_948 : i32 to vector<16xi32>
      %add3A_950 = arith.addi %add3A_949, %iota3A : vector<16xi32>
      %mul3A_951 = arith.constant 16 : i32
      %mul3A_952 = vector.broadcast %mul3A_951 : i32 to vector<16xi32>
      %mul3A_953 = arith.muli %add3A_950, %mul3A_952 : vector<16xi32>
      %add3A_954 = arith.constant 8 : i32
      %add3A_955 = vector.broadcast %add3A_954 : i32 to vector<16xi32>
      %add3A_956 = arith.addi %mul3A_953, %add3A_955 : vector<16xi32>
      tpu.vector_store_idx %arg6[%add3A_956], %select_n3A_946 : memref<32768xi32, #tpu.memory_space<vmem>>[vector<16xi32>], vector<16xi32>,
      %get3A_957 = arith.constant 9 : i32
      %get3A_958 = arith.index_cast %get3A_957 : i32 to index
      %get3A_959 = arith.index_cast %mul3A_632 : i32 to index
      %get3A_960 = tpu.vector_load %arg7[%get3A_958, %get3A_959] {strides = array<i32>} : memref<16x1024xf32, #tpu.memory_space<vmem>>, vector<16xf32>,
      %convert_element_type3A_961 = arith.fptosi %get3A_960 : vector<16xf32> to vector<16xi32>
      %sub3A_962 = arith.constant 1 : i32
      %sub3A_963 = vector.broadcast %sub3A_962 : i32 to vector<16xi32>
      %sub3A_964 = arith.subi %convert_element_type3A_961, %sub3A_963 : vector<16xi32>
      %mul3A_965 = arith.constant 64 : i32
      %mul3A_966 = arith.muli %add3A, %mul3A_965 : i32
      %add3A_967 = arith.addi %mul3A_966, %mul3A_632 : i32
      %add3A_968 = vector.broadcast %add3A_967 : i32 to vector<16xi32>
      %add3A_969 = arith.addi %add3A_968, %iota3A : vector<16xi32>
      %add3A_970 = arith.constant 9 : i32
      %add3A_971 = vector.broadcast %add3A_970 : i32 to vector<16xi32>
      %add3A_972 = arith.addi %add3A_969, %add3A_971 : vector<16xi32>
      %and3A_973 = arith.constant 2047 : i32
      %and3A_974 = vector.broadcast %and3A_973 : i32 to vector<16xi32>
      %and3A_975 = arith.andi %add3A_972, %and3A_974 : vector<16xi32>
      %add3A_976 = arith.constant 65536 : i32
      %add3A_977 = vector.broadcast %add3A_976 : i32 to vector<16xi32>
      %add3A_978 = arith.addi %add3A_977, %and3A_975 : vector<16xi32>
      %eq3A_979 = arith.constant 0.000000e+00 : f32
      %eq3A_980 = vector.broadcast %eq3A_979 : f32 to vector<16xf32>
      %eq3A_981 = arith.cmpf oeq, %get3A_960, %eq3A_980 : vector<16xf32>
      %select_n3A_982 = arith.select %eq3A_981, %add3A_978, %sub3A_964 : vector<16xi1>, vector<16xi32>
      %add3A_983 = arith.constant 1024 : i32
      %add3A_984 = arith.addi %add3A_983, %mul3A_632 : i32
      %add3A_985 = vector.broadcast %add3A_984 : i32 to vector<16xi32>
      %add3A_986 = arith.addi %add3A_985, %iota3A : vector<16xi32>
      %mul3A_987 = arith.constant 16 : i32
      %mul3A_988 = vector.broadcast %mul3A_987 : i32 to vector<16xi32>
      %mul3A_989 = arith.muli %add3A_986, %mul3A_988 : vector<16xi32>
      %add3A_990 = arith.constant 9 : i32
      %add3A_991 = vector.broadcast %add3A_990 : i32 to vector<16xi32>
      %add3A_992 = arith.addi %mul3A_989, %add3A_991 : vector<16xi32>
      tpu.vector_store_idx %arg6[%add3A_992], %select_n3A_982 : memref<32768xi32, #tpu.memory_space<vmem>>[vector<16xi32>], vector<16xi32>,
      %get3A_993 = arith.constant 10 : i32
      %get3A_994 = arith.index_cast %get3A_993 : i32 to index
      %get3A_995 = arith.index_cast %mul3A_632 : i32 to index
      %get3A_996 = tpu.vector_load %arg7[%get3A_994, %get3A_995] {strides = array<i32>} : memref<16x1024xf32, #tpu.memory_space<vmem>>, vector<16xf32>,
      %convert_element_type3A_997 = arith.fptosi %get3A_996 : vector<16xf32> to vector<16xi32>
      %sub3A_998 = arith.constant 1 : i32
      %sub3A_999 = vector.broadcast %sub3A_998 : i32 to vector<16xi32>
      %sub3A_1000 = arith.subi %convert_element_type3A_997, %sub3A_999 : vector<16xi32>
      %mul3A_1001 = arith.constant 64 : i32
      %mul3A_1002 = arith.muli %add3A, %mul3A_1001 : i32
      %add3A_1003 = arith.addi %mul3A_1002, %mul3A_632 : i32
      %add3A_1004 = vector.broadcast %add3A_1003 : i32 to vector<16xi32>
      %add3A_1005 = arith.addi %add3A_1004, %iota3A : vector<16xi32>
      %add3A_1006 = arith.constant 10 : i32
      %add3A_1007 = vector.broadcast %add3A_1006 : i32 to vector<16xi32>
      %add3A_1008 = arith.addi %add3A_1005, %add3A_1007 : vector<16xi32>
      %and3A_1009 = arith.constant 2047 : i32
      %and3A_1010 = vector.broadcast %and3A_1009 : i32 to vector<16xi32>
      %and3A_1011 = arith.andi %add3A_1008, %and3A_1010 : vector<16xi32>
      %add3A_1012 = arith.constant 65536 : i32
      %add3A_1013 = vector.broadcast %add3A_1012 : i32 to vector<16xi32>
      %add3A_1014 = arith.addi %add3A_1013, %and3A_1011 : vector<16xi32>
      %eq3A_1015 = arith.constant 0.000000e+00 : f32
      %eq3A_1016 = vector.broadcast %eq3A_1015 : f32 to vector<16xf32>
      %eq3A_1017 = arith.cmpf oeq, %get3A_996, %eq3A_1016 : vector<16xf32>
      %select_n3A_1018 = arith.select %eq3A_1017, %add3A_1014, %sub3A_1000 : vector<16xi1>, vector<16xi32>
      %add3A_1019 = arith.constant 1024 : i32
      %add3A_1020 = arith.addi %add3A_1019, %mul3A_632 : i32
      %add3A_1021 = vector.broadcast %add3A_1020 : i32 to vector<16xi32>
      %add3A_1022 = arith.addi %add3A_1021, %iota3A : vector<16xi32>
      %mul3A_1023 = arith.constant 16 : i32
      %mul3A_1024 = vector.broadcast %mul3A_1023 : i32 to vector<16xi32>
      %mul3A_1025 = arith.muli %add3A_1022, %mul3A_1024 : vector<16xi32>
      %add3A_1026 = arith.constant 10 : i32
      %add3A_1027 = vector.broadcast %add3A_1026 : i32 to vector<16xi32>
      %add3A_1028 = arith.addi %mul3A_1025, %add3A_1027 : vector<16xi32>
      tpu.vector_store_idx %arg6[%add3A_1028], %select_n3A_1018 : memref<32768xi32, #tpu.memory_space<vmem>>[vector<16xi32>], vector<16xi32>,
      %get3A_1029 = arith.constant 11 : i32
      %get3A_1030 = arith.index_cast %get3A_1029 : i32 to index
      %get3A_1031 = arith.index_cast %mul3A_632 : i32 to index
      %get3A_1032 = tpu.vector_load %arg7[%get3A_1030, %get3A_1031] {strides = array<i32>} : memref<16x1024xf32, #tpu.memory_space<vmem>>, vector<16xf32>,
      %convert_element_type3A_1033 = arith.fptosi %get3A_1032 : vector<16xf32> to vector<16xi32>
      %sub3A_1034 = arith.constant 1 : i32
      %sub3A_1035 = vector.broadcast %sub3A_1034 : i32 to vector<16xi32>
      %sub3A_1036 = arith.subi %convert_element_type3A_1033, %sub3A_1035 : vector<16xi32>
      %mul3A_1037 = arith.constant 64 : i32
      %mul3A_1038 = arith.muli %add3A, %mul3A_1037 : i32
      %add3A_1039 = arith.addi %mul3A_1038, %mul3A_632 : i32
      %add3A_1040 = vector.broadcast %add3A_1039 : i32 to vector<16xi32>
      %add3A_1041 = arith.addi %add3A_1040, %iota3A : vector<16xi32>
      %add3A_1042 = arith.constant 11 : i32
      %add3A_1043 = vector.broadcast %add3A_1042 : i32 to vector<16xi32>
      %add3A_1044 = arith.addi %add3A_1041, %add3A_1043 : vector<16xi32>
      %and3A_1045 = arith.constant 2047 : i32
      %and3A_1046 = vector.broadcast %and3A_1045 : i32 to vector<16xi32>
      %and3A_1047 = arith.andi %add3A_1044, %and3A_1046 : vector<16xi32>
      %add3A_1048 = arith.constant 65536 : i32
      %add3A_1049 = vector.broadcast %add3A_1048 : i32 to vector<16xi32>
      %add3A_1050 = arith.addi %add3A_1049, %and3A_1047 : vector<16xi32>
      %eq3A_1051 = arith.constant 0.000000e+00 : f32
      %eq3A_1052 = vector.broadcast %eq3A_1051 : f32 to vector<16xf32>
      %eq3A_1053 = arith.cmpf oeq, %get3A_1032, %eq3A_1052 : vector<16xf32>
      %select_n3A_1054 = arith.select %eq3A_1053, %add3A_1050, %sub3A_1036 : vector<16xi1>, vector<16xi32>
      %add3A_1055 = arith.constant 1024 : i32
      %add3A_1056 = arith.addi %add3A_1055, %mul3A_632 : i32
      %add3A_1057 = vector.broadcast %add3A_1056 : i32 to vector<16xi32>
      %add3A_1058 = arith.addi %add3A_1057, %iota3A : vector<16xi32>
      %mul3A_1059 = arith.constant 16 : i32
      %mul3A_1060 = vector.broadcast %mul3A_1059 : i32 to vector<16xi32>
      %mul3A_1061 = arith.muli %add3A_1058, %mul3A_1060 : vector<16xi32>
      %add3A_1062 = arith.constant 11 : i32
      %add3A_1063 = vector.broadcast %add3A_1062 : i32 to vector<16xi32>
      %add3A_1064 = arith.addi %mul3A_1061, %add3A_1063 : vector<16xi32>
      tpu.vector_store_idx %arg6[%add3A_1064], %select_n3A_1054 : memref<32768xi32, #tpu.memory_space<vmem>>[vector<16xi32>], vector<16xi32>,
      %get3A_1065 = arith.constant 12 : i32
      %get3A_1066 = arith.index_cast %get3A_1065 : i32 to index
      %get3A_1067 = arith.index_cast %mul3A_632 : i32 to index
      %get3A_1068 = tpu.vector_load %arg7[%get3A_1066, %get3A_1067] {strides = array<i32>} : memref<16x1024xf32, #tpu.memory_space<vmem>>, vector<16xf32>,
      %convert_element_type3A_1069 = arith.fptosi %get3A_1068 : vector<16xf32> to vector<16xi32>
      %sub3A_1070 = arith.constant 1 : i32
      %sub3A_1071 = vector.broadcast %sub3A_1070 : i32 to vector<16xi32>
      %sub3A_1072 = arith.subi %convert_element_type3A_1069, %sub3A_1071 : vector<16xi32>
      %mul3A_1073 = arith.constant 64 : i32
      %mul3A_1074 = arith.muli %add3A, %mul3A_1073 : i32
      %add3A_1075 = arith.addi %mul3A_1074, %mul3A_632 : i32
      %add3A_1076 = vector.broadcast %add3A_1075 : i32 to vector<16xi32>
      %add3A_1077 = arith.addi %add3A_1076, %iota3A : vector<16xi32>
      %add3A_1078 = arith.constant 12 : i32
      %add3A_1079 = vector.broadcast %add3A_1078 : i32 to vector<16xi32>
      %add3A_1080 = arith.addi %add3A_1077, %add3A_1079 : vector<16xi32>
      %and3A_1081 = arith.constant 2047 : i32
      %and3A_1082 = vector.broadcast %and3A_1081 : i32 to vector<16xi32>
      %and3A_1083 = arith.andi %add3A_1080, %and3A_1082 : vector<16xi32>
      %add3A_1084 = arith.constant 65536 : i32
      %add3A_1085 = vector.broadcast %add3A_1084 : i32 to vector<16xi32>
      %add3A_1086 = arith.addi %add3A_1085, %and3A_1083 : vector<16xi32>
      %eq3A_1087 = arith.constant 0.000000e+00 : f32
      %eq3A_1088 = vector.broadcast %eq3A_1087 : f32 to vector<16xf32>
      %eq3A_1089 = arith.cmpf oeq, %get3A_1068, %eq3A_1088 : vector<16xf32>
      %select_n3A_1090 = arith.select %eq3A_1089, %add3A_1086, %sub3A_1072 : vector<16xi1>, vector<16xi32>
      %add3A_1091 = arith.constant 1024 : i32
      %add3A_1092 = arith.addi %add3A_1091, %mul3A_632 : i32
      %add3A_1093 = vector.broadcast %add3A_1092 : i32 to vector<16xi32>
      %add3A_1094 = arith.addi %add3A_1093, %iota3A : vector<16xi32>
      %mul3A_1095 = arith.constant 16 : i32
      %mul3A_1096 = vector.broadcast %mul3A_1095 : i32 to vector<16xi32>
      %mul3A_1097 = arith.muli %add3A_1094, %mul3A_1096 : vector<16xi32>
      %add3A_1098 = arith.constant 12 : i32
      %add3A_1099 = vector.broadcast %add3A_1098 : i32 to vector<16xi32>
      %add3A_1100 = arith.addi %mul3A_1097, %add3A_1099 : vector<16xi32>
      tpu.vector_store_idx %arg6[%add3A_1100], %select_n3A_1090 : memref<32768xi32, #tpu.memory_space<vmem>>[vector<16xi32>], vector<16xi32>,
      %get3A_1101 = arith.constant 13 : i32
      %get3A_1102 = arith.index_cast %get3A_1101 : i32 to index
      %get3A_1103 = arith.index_cast %mul3A_632 : i32 to index
      %get3A_1104 = tpu.vector_load %arg7[%get3A_1102, %get3A_1103] {strides = array<i32>} : memref<16x1024xf32, #tpu.memory_space<vmem>>, vector<16xf32>,
      %convert_element_type3A_1105 = arith.fptosi %get3A_1104 : vector<16xf32> to vector<16xi32>
      %sub3A_1106 = arith.constant 1 : i32
      %sub3A_1107 = vector.broadcast %sub3A_1106 : i32 to vector<16xi32>
      %sub3A_1108 = arith.subi %convert_element_type3A_1105, %sub3A_1107 : vector<16xi32>
      %mul3A_1109 = arith.constant 64 : i32
      %mul3A_1110 = arith.muli %add3A, %mul3A_1109 : i32
      %add3A_1111 = arith.addi %mul3A_1110, %mul3A_632 : i32
      %add3A_1112 = vector.broadcast %add3A_1111 : i32 to vector<16xi32>
      %add3A_1113 = arith.addi %add3A_1112, %iota3A : vector<16xi32>
      %add3A_1114 = arith.constant 13 : i32
      %add3A_1115 = vector.broadcast %add3A_1114 : i32 to vector<16xi32>
      %add3A_1116 = arith.addi %add3A_1113, %add3A_1115 : vector<16xi32>
      %and3A_1117 = arith.constant 2047 : i32
      %and3A_1118 = vector.broadcast %and3A_1117 : i32 to vector<16xi32>
      %and3A_1119 = arith.andi %add3A_1116, %and3A_1118 : vector<16xi32>
      %add3A_1120 = arith.constant 65536 : i32
      %add3A_1121 = vector.broadcast %add3A_1120 : i32 to vector<16xi32>
      %add3A_1122 = arith.addi %add3A_1121, %and3A_1119 : vector<16xi32>
      %eq3A_1123 = arith.constant 0.000000e+00 : f32
      %eq3A_1124 = vector.broadcast %eq3A_1123 : f32 to vector<16xf32>
      %eq3A_1125 = arith.cmpf oeq, %get3A_1104, %eq3A_1124 : vector<16xf32>
      %select_n3A_1126 = arith.select %eq3A_1125, %add3A_1122, %sub3A_1108 : vector<16xi1>, vector<16xi32>
      %add3A_1127 = arith.constant 1024 : i32
      %add3A_1128 = arith.addi %add3A_1127, %mul3A_632 : i32
      %add3A_1129 = vector.broadcast %add3A_1128 : i32 to vector<16xi32>
      %add3A_1130 = arith.addi %add3A_1129, %iota3A : vector<16xi32>
      %mul3A_1131 = arith.constant 16 : i32
      %mul3A_1132 = vector.broadcast %mul3A_1131 : i32 to vector<16xi32>
      %mul3A_1133 = arith.muli %add3A_1130, %mul3A_1132 : vector<16xi32>
      %add3A_1134 = arith.constant 13 : i32
      %add3A_1135 = vector.broadcast %add3A_1134 : i32 to vector<16xi32>
      %add3A_1136 = arith.addi %mul3A_1133, %add3A_1135 : vector<16xi32>
      tpu.vector_store_idx %arg6[%add3A_1136], %select_n3A_1126 : memref<32768xi32, #tpu.memory_space<vmem>>[vector<16xi32>], vector<16xi32>,
      %get3A_1137 = arith.constant 14 : i32
      %get3A_1138 = arith.index_cast %get3A_1137 : i32 to index
      %get3A_1139 = arith.index_cast %mul3A_632 : i32 to index
      %get3A_1140 = tpu.vector_load %arg7[%get3A_1138, %get3A_1139] {strides = array<i32>} : memref<16x1024xf32, #tpu.memory_space<vmem>>, vector<16xf32>,
      %convert_element_type3A_1141 = arith.fptosi %get3A_1140 : vector<16xf32> to vector<16xi32>
      %sub3A_1142 = arith.constant 1 : i32
      %sub3A_1143 = vector.broadcast %sub3A_1142 : i32 to vector<16xi32>
      %sub3A_1144 = arith.subi %convert_element_type3A_1141, %sub3A_1143 : vector<16xi32>
      %mul3A_1145 = arith.constant 64 : i32
      %mul3A_1146 = arith.muli %add3A, %mul3A_1145 : i32
      %add3A_1147 = arith.addi %mul3A_1146, %mul3A_632 : i32
      %add3A_1148 = vector.broadcast %add3A_1147 : i32 to vector<16xi32>
      %add3A_1149 = arith.addi %add3A_1148, %iota3A : vector<16xi32>
      %add3A_1150 = arith.constant 14 : i32
      %add3A_1151 = vector.broadcast %add3A_1150 : i32 to vector<16xi32>
      %add3A_1152 = arith.addi %add3A_1149, %add3A_1151 : vector<16xi32>
      %and3A_1153 = arith.constant 2047 : i32
      %and3A_1154 = vector.broadcast %and3A_1153 : i32 to vector<16xi32>
      %and3A_1155 = arith.andi %add3A_1152, %and3A_1154 : vector<16xi32>
      %add3A_1156 = arith.constant 65536 : i32
      %add3A_1157 = vector.broadcast %add3A_1156 : i32 to vector<16xi32>
      %add3A_1158 = arith.addi %add3A_1157, %and3A_1155 : vector<16xi32>
      %eq3A_1159 = arith.constant 0.000000e+00 : f32
      %eq3A_1160 = vector.broadcast %eq3A_1159 : f32 to vector<16xf32>
      %eq3A_1161 = arith.cmpf oeq, %get3A_1140, %eq3A_1160 : vector<16xf32>
      %select_n3A_1162 = arith.select %eq3A_1161, %add3A_1158, %sub3A_1144 : vector<16xi1>, vector<16xi32>
      %add3A_1163 = arith.constant 1024 : i32
      %add3A_1164 = arith.addi %add3A_1163, %mul3A_632 : i32
      %add3A_1165 = vector.broadcast %add3A_1164 : i32 to vector<16xi32>
      %add3A_1166 = arith.addi %add3A_1165, %iota3A : vector<16xi32>
      %mul3A_1167 = arith.constant 16 : i32
      %mul3A_1168 = vector.broadcast %mul3A_1167 : i32 to vector<16xi32>
      %mul3A_1169 = arith.muli %add3A_1166, %mul3A_1168 : vector<16xi32>
      %add3A_1170 = arith.constant 14 : i32
      %add3A_1171 = vector.broadcast %add3A_1170 : i32 to vector<16xi32>
      %add3A_1172 = arith.addi %mul3A_1169, %add3A_1171 : vector<16xi32>
      tpu.vector_store_idx %arg6[%add3A_1172], %select_n3A_1162 : memref<32768xi32, #tpu.memory_space<vmem>>[vector<16xi32>], vector<16xi32>,
      %get3A_1173 = arith.constant 15 : i32
      %get3A_1174 = arith.index_cast %get3A_1173 : i32 to index
      %get3A_1175 = arith.index_cast %mul3A_632 : i32 to index
      %get3A_1176 = tpu.vector_load %arg7[%get3A_1174, %get3A_1175] {strides = array<i32>} : memref<16x1024xf32, #tpu.memory_space<vmem>>, vector<16xf32>,
      %convert_element_type3A_1177 = arith.fptosi %get3A_1176 : vector<16xf32> to vector<16xi32>
      %sub3A_1178 = arith.constant 1 : i32
      %sub3A_1179 = vector.broadcast %sub3A_1178 : i32 to vector<16xi32>
      %sub3A_1180 = arith.subi %convert_element_type3A_1177, %sub3A_1179 : vector<16xi32>
      %mul3A_1181 = arith.constant 64 : i32
      %mul3A_1182 = arith.muli %add3A, %mul3A_1181 : i32
      %add3A_1183 = arith.addi %mul3A_1182, %mul3A_632 : i32
      %add3A_1184 = vector.broadcast %add3A_1183 : i32 to vector<16xi32>
      %add3A_1185 = arith.addi %add3A_1184, %iota3A : vector<16xi32>
      %add3A_1186 = arith.constant 15 : i32
      %add3A_1187 = vector.broadcast %add3A_1186 : i32 to vector<16xi32>
      %add3A_1188 = arith.addi %add3A_1185, %add3A_1187 : vector<16xi32>
      %and3A_1189 = arith.constant 2047 : i32
      %and3A_1190 = vector.broadcast %and3A_1189 : i32 to vector<16xi32>
      %and3A_1191 = arith.andi %add3A_1188, %and3A_1190 : vector<16xi32>
      %add3A_1192 = arith.constant 65536 : i32
      %add3A_1193 = vector.broadcast %add3A_1192 : i32 to vector<16xi32>
      %add3A_1194 = arith.addi %add3A_1193, %and3A_1191 : vector<16xi32>
      %eq3A_1195 = arith.constant 0.000000e+00 : f32
      %eq3A_1196 = vector.broadcast %eq3A_1195 : f32 to vector<16xf32>
      %eq3A_1197 = arith.cmpf oeq, %get3A_1176, %eq3A_1196 : vector<16xf32>
      %select_n3A_1198 = arith.select %eq3A_1197, %add3A_1194, %sub3A_1180 : vector<16xi1>, vector<16xi32>
      %add3A_1199 = arith.constant 1024 : i32
      %add3A_1200 = arith.addi %add3A_1199, %mul3A_632 : i32
      %add3A_1201 = vector.broadcast %add3A_1200 : i32 to vector<16xi32>
      %add3A_1202 = arith.addi %add3A_1201, %iota3A : vector<16xi32>
      %mul3A_1203 = arith.constant 16 : i32
      %mul3A_1204 = vector.broadcast %mul3A_1203 : i32 to vector<16xi32>
      %mul3A_1205 = arith.muli %add3A_1202, %mul3A_1204 : vector<16xi32>
      %add3A_1206 = arith.constant 15 : i32
      %add3A_1207 = vector.broadcast %add3A_1206 : i32 to vector<16xi32>
      %add3A_1208 = arith.addi %mul3A_1205, %add3A_1207 : vector<16xi32>
      tpu.vector_store_idx %arg6[%add3A_1208], %select_n3A_1198 : memref<32768xi32, #tpu.memory_space<vmem>>[vector<16xi32>], vector<16xi32>,
      %scan3A_1209 = arith.constant 2 : i32
      %scan3A_1210 = arith.addi %scan3A_48, %scan3A_1209 : i32
      %mul3A_1211 = arith.constant 1 : i32
      %mul3A_1212 = arith.muli %scan3A_1210, %mul3A_1211 : i32
      %add3A_1213 = arith.constant 0 : i32
      %add3A_1214 = arith.addi %add3A_1213, %mul3A_1212 : i32
      %mul3A_1215 = arith.constant 16 : i32
      %mul3A_1216 = arith.muli %add3A_1214, %mul3A_1215 : i32
      %get3A_1217 = arith.constant 0 : i32
      %get3A_1218 = arith.index_cast %get3A_1217 : i32 to index
      %get3A_1219 = arith.index_cast %mul3A_1216 : i32 to index
      %get3A_1220 = tpu.vector_load %arg7[%get3A_1218, %get3A_1219] {strides = array<i32>} : memref<16x1024xf32, #tpu.memory_space<vmem>>, vector<16xf32>,
      %convert_element_type3A_1221 = arith.fptosi %get3A_1220 : vector<16xf32> to vector<16xi32>
      %sub3A_1222 = arith.constant 1 : i32
      %sub3A_1223 = vector.broadcast %sub3A_1222 : i32 to vector<16xi32>
      %sub3A_1224 = arith.subi %convert_element_type3A_1221, %sub3A_1223 : vector<16xi32>
      %mul3A_1225 = arith.constant 64 : i32
      %mul3A_1226 = arith.muli %add3A, %mul3A_1225 : i32
      %add3A_1227 = arith.addi %mul3A_1226, %mul3A_1216 : i32
      %add3A_1228 = vector.broadcast %add3A_1227 : i32 to vector<16xi32>
      %add3A_1229 = arith.addi %add3A_1228, %iota3A : vector<16xi32>
      %add3A_1230 = arith.constant 0 : i32
      %add3A_1231 = vector.broadcast %add3A_1230 : i32 to vector<16xi32>
      %add3A_1232 = arith.addi %add3A_1229, %add3A_1231 : vector<16xi32>
      %and3A_1233 = arith.constant 2047 : i32
      %and3A_1234 = vector.broadcast %and3A_1233 : i32 to vector<16xi32>
      %and3A_1235 = arith.andi %add3A_1232, %and3A_1234 : vector<16xi32>
      %add3A_1236 = arith.constant 65536 : i32
      %add3A_1237 = vector.broadcast %add3A_1236 : i32 to vector<16xi32>
      %add3A_1238 = arith.addi %add3A_1237, %and3A_1235 : vector<16xi32>
      %eq3A_1239 = arith.constant 0.000000e+00 : f32
      %eq3A_1240 = vector.broadcast %eq3A_1239 : f32 to vector<16xf32>
      %eq3A_1241 = arith.cmpf oeq, %get3A_1220, %eq3A_1240 : vector<16xf32>
      %select_n3A_1242 = arith.select %eq3A_1241, %add3A_1238, %sub3A_1224 : vector<16xi1>, vector<16xi32>
      %add3A_1243 = arith.constant 1024 : i32
      %add3A_1244 = arith.addi %add3A_1243, %mul3A_1216 : i32
      %add3A_1245 = vector.broadcast %add3A_1244 : i32 to vector<16xi32>
      %add3A_1246 = arith.addi %add3A_1245, %iota3A : vector<16xi32>
      %mul3A_1247 = arith.constant 16 : i32
      %mul3A_1248 = vector.broadcast %mul3A_1247 : i32 to vector<16xi32>
      %mul3A_1249 = arith.muli %add3A_1246, %mul3A_1248 : vector<16xi32>
      %add3A_1250 = arith.constant 0 : i32
      %add3A_1251 = vector.broadcast %add3A_1250 : i32 to vector<16xi32>
      %add3A_1252 = arith.addi %mul3A_1249, %add3A_1251 : vector<16xi32>
      tpu.vector_store_idx %arg6[%add3A_1252], %select_n3A_1242 : memref<32768xi32, #tpu.memory_space<vmem>>[vector<16xi32>], vector<16xi32>,
      %get3A_1253 = arith.constant 1 : i32
      %get3A_1254 = arith.index_cast %get3A_1253 : i32 to index
      %get3A_1255 = arith.index_cast %mul3A_1216 : i32 to index
      %get3A_1256 = tpu.vector_load %arg7[%get3A_1254, %get3A_1255] {strides = array<i32>} : memref<16x1024xf32, #tpu.memory_space<vmem>>, vector<16xf32>,
      %convert_element_type3A_1257 = arith.fptosi %get3A_1256 : vector<16xf32> to vector<16xi32>
      %sub3A_1258 = arith.constant 1 : i32
      %sub3A_1259 = vector.broadcast %sub3A_1258 : i32 to vector<16xi32>
      %sub3A_1260 = arith.subi %convert_element_type3A_1257, %sub3A_1259 : vector<16xi32>
      %mul3A_1261 = arith.constant 64 : i32
      %mul3A_1262 = arith.muli %add3A, %mul3A_1261 : i32
      %add3A_1263 = arith.addi %mul3A_1262, %mul3A_1216 : i32
      %add3A_1264 = vector.broadcast %add3A_1263 : i32 to vector<16xi32>
      %add3A_1265 = arith.addi %add3A_1264, %iota3A : vector<16xi32>
      %add3A_1266 = arith.constant 1 : i32
      %add3A_1267 = vector.broadcast %add3A_1266 : i32 to vector<16xi32>
      %add3A_1268 = arith.addi %add3A_1265, %add3A_1267 : vector<16xi32>
      %and3A_1269 = arith.constant 2047 : i32
      %and3A_1270 = vector.broadcast %and3A_1269 : i32 to vector<16xi32>
      %and3A_1271 = arith.andi %add3A_1268, %and3A_1270 : vector<16xi32>
      %add3A_1272 = arith.constant 65536 : i32
      %add3A_1273 = vector.broadcast %add3A_1272 : i32 to vector<16xi32>
      %add3A_1274 = arith.addi %add3A_1273, %and3A_1271 : vector<16xi32>
      %eq3A_1275 = arith.constant 0.000000e+00 : f32
      %eq3A_1276 = vector.broadcast %eq3A_1275 : f32 to vector<16xf32>
      %eq3A_1277 = arith.cmpf oeq, %get3A_1256, %eq3A_1276 : vector<16xf32>
      %select_n3A_1278 = arith.select %eq3A_1277, %add3A_1274, %sub3A_1260 : vector<16xi1>, vector<16xi32>
      %add3A_1279 = arith.constant 1024 : i32
      %add3A_1280 = arith.addi %add3A_1279, %mul3A_1216 : i32
      %add3A_1281 = vector.broadcast %add3A_1280 : i32 to vector<16xi32>
      %add3A_1282 = arith.addi %add3A_1281, %iota3A : vector<16xi32>
      %mul3A_1283 = arith.constant 16 : i32
      %mul3A_1284 = vector.broadcast %mul3A_1283 : i32 to vector<16xi32>
      %mul3A_1285 = arith.muli %add3A_1282, %mul3A_1284 : vector<16xi32>
      %add3A_1286 = arith.constant 1 : i32
      %add3A_1287 = vector.broadcast %add3A_1286 : i32 to vector<16xi32>
      %add3A_1288 = arith.addi %mul3A_1285, %add3A_1287 : vector<16xi32>
      tpu.vector_store_idx %arg6[%add3A_1288], %select_n3A_1278 : memref<32768xi32, #tpu.memory_space<vmem>>[vector<16xi32>], vector<16xi32>,
      %get3A_1289 = arith.constant 2 : i32
      %get3A_1290 = arith.index_cast %get3A_1289 : i32 to index
      %get3A_1291 = arith.index_cast %mul3A_1216 : i32 to index
      %get3A_1292 = tpu.vector_load %arg7[%get3A_1290, %get3A_1291] {strides = array<i32>} : memref<16x1024xf32, #tpu.memory_space<vmem>>, vector<16xf32>,
      %convert_element_type3A_1293 = arith.fptosi %get3A_1292 : vector<16xf32> to vector<16xi32>
      %sub3A_1294 = arith.constant 1 : i32
      %sub3A_1295 = vector.broadcast %sub3A_1294 : i32 to vector<16xi32>
      %sub3A_1296 = arith.subi %convert_element_type3A_1293, %sub3A_1295 : vector<16xi32>
      %mul3A_1297 = arith.constant 64 : i32
      %mul3A_1298 = arith.muli %add3A, %mul3A_1297 : i32
      %add3A_1299 = arith.addi %mul3A_1298, %mul3A_1216 : i32
      %add3A_1300 = vector.broadcast %add3A_1299 : i32 to vector<16xi32>
      %add3A_1301 = arith.addi %add3A_1300, %iota3A : vector<16xi32>
      %add3A_1302 = arith.constant 2 : i32
      %add3A_1303 = vector.broadcast %add3A_1302 : i32 to vector<16xi32>
      %add3A_1304 = arith.addi %add3A_1301, %add3A_1303 : vector<16xi32>
      %and3A_1305 = arith.constant 2047 : i32
      %and3A_1306 = vector.broadcast %and3A_1305 : i32 to vector<16xi32>
      %and3A_1307 = arith.andi %add3A_1304, %and3A_1306 : vector<16xi32>
      %add3A_1308 = arith.constant 65536 : i32
      %add3A_1309 = vector.broadcast %add3A_1308 : i32 to vector<16xi32>
      %add3A_1310 = arith.addi %add3A_1309, %and3A_1307 : vector<16xi32>
      %eq3A_1311 = arith.constant 0.000000e+00 : f32
      %eq3A_1312 = vector.broadcast %eq3A_1311 : f32 to vector<16xf32>
      %eq3A_1313 = arith.cmpf oeq, %get3A_1292, %eq3A_1312 : vector<16xf32>
      %select_n3A_1314 = arith.select %eq3A_1313, %add3A_1310, %sub3A_1296 : vector<16xi1>, vector<16xi32>
      %add3A_1315 = arith.constant 1024 : i32
      %add3A_1316 = arith.addi %add3A_1315, %mul3A_1216 : i32
      %add3A_1317 = vector.broadcast %add3A_1316 : i32 to vector<16xi32>
      %add3A_1318 = arith.addi %add3A_1317, %iota3A : vector<16xi32>
      %mul3A_1319 = arith.constant 16 : i32
      %mul3A_1320 = vector.broadcast %mul3A_1319 : i32 to vector<16xi32>
      %mul3A_1321 = arith.muli %add3A_1318, %mul3A_1320 : vector<16xi32>
      %add3A_1322 = arith.constant 2 : i32
      %add3A_1323 = vector.broadcast %add3A_1322 : i32 to vector<16xi32>
      %add3A_1324 = arith.addi %mul3A_1321, %add3A_1323 : vector<16xi32>
      tpu.vector_store_idx %arg6[%add3A_1324], %select_n3A_1314 : memref<32768xi32, #tpu.memory_space<vmem>>[vector<16xi32>], vector<16xi32>,
      %get3A_1325 = arith.constant 3 : i32
      %get3A_1326 = arith.index_cast %get3A_1325 : i32 to index
      %get3A_1327 = arith.index_cast %mul3A_1216 : i32 to index
      %get3A_1328 = tpu.vector_load %arg7[%get3A_1326, %get3A_1327] {strides = array<i32>} : memref<16x1024xf32, #tpu.memory_space<vmem>>, vector<16xf32>,
      %convert_element_type3A_1329 = arith.fptosi %get3A_1328 : vector<16xf32> to vector<16xi32>
      %sub3A_1330 = arith.constant 1 : i32
      %sub3A_1331 = vector.broadcast %sub3A_1330 : i32 to vector<16xi32>
      %sub3A_1332 = arith.subi %convert_element_type3A_1329, %sub3A_1331 : vector<16xi32>
      %mul3A_1333 = arith.constant 64 : i32
      %mul3A_1334 = arith.muli %add3A, %mul3A_1333 : i32
      %add3A_1335 = arith.addi %mul3A_1334, %mul3A_1216 : i32
      %add3A_1336 = vector.broadcast %add3A_1335 : i32 to vector<16xi32>
      %add3A_1337 = arith.addi %add3A_1336, %iota3A : vector<16xi32>
      %add3A_1338 = arith.constant 3 : i32
      %add3A_1339 = vector.broadcast %add3A_1338 : i32 to vector<16xi32>
      %add3A_1340 = arith.addi %add3A_1337, %add3A_1339 : vector<16xi32>
      %and3A_1341 = arith.constant 2047 : i32
      %and3A_1342 = vector.broadcast %and3A_1341 : i32 to vector<16xi32>
      %and3A_1343 = arith.andi %add3A_1340, %and3A_1342 : vector<16xi32>
      %add3A_1344 = arith.constant 65536 : i32
      %add3A_1345 = vector.broadcast %add3A_1344 : i32 to vector<16xi32>
      %add3A_1346 = arith.addi %add3A_1345, %and3A_1343 : vector<16xi32>
      %eq3A_1347 = arith.constant 0.000000e+00 : f32
      %eq3A_1348 = vector.broadcast %eq3A_1347 : f32 to vector<16xf32>
      %eq3A_1349 = arith.cmpf oeq, %get3A_1328, %eq3A_1348 : vector<16xf32>
      %select_n3A_1350 = arith.select %eq3A_1349, %add3A_1346, %sub3A_1332 : vector<16xi1>, vector<16xi32>
      %add3A_1351 = arith.constant 1024 : i32
      %add3A_1352 = arith.addi %add3A_1351, %mul3A_1216 : i32
      %add3A_1353 = vector.broadcast %add3A_1352 : i32 to vector<16xi32>
      %add3A_1354 = arith.addi %add3A_1353, %iota3A : vector<16xi32>
      %mul3A_1355 = arith.constant 16 : i32
      %mul3A_1356 = vector.broadcast %mul3A_1355 : i32 to vector<16xi32>
      %mul3A_1357 = arith.muli %add3A_1354, %mul3A_1356 : vector<16xi32>
      %add3A_1358 = arith.constant 3 : i32
      %add3A_1359 = vector.broadcast %add3A_1358 : i32 to vector<16xi32>
      %add3A_1360 = arith.addi %mul3A_1357, %add3A_1359 : vector<16xi32>
      tpu.vector_store_idx %arg6[%add3A_1360], %select_n3A_1350 : memref<32768xi32, #tpu.memory_space<vmem>>[vector<16xi32>], vector<16xi32>,
      %get3A_1361 = arith.constant 4 : i32
      %get3A_1362 = arith.index_cast %get3A_1361 : i32 to index
      %get3A_1363 = arith.index_cast %mul3A_1216 : i32 to index
      %get3A_1364 = tpu.vector_load %arg7[%get3A_1362, %get3A_1363] {strides = array<i32>} : memref<16x1024xf32, #tpu.memory_space<vmem>>, vector<16xf32>,
      %convert_element_type3A_1365 = arith.fptosi %get3A_1364 : vector<16xf32> to vector<16xi32>
      %sub3A_1366 = arith.constant 1 : i32
      %sub3A_1367 = vector.broadcast %sub3A_1366 : i32 to vector<16xi32>
      %sub3A_1368 = arith.subi %convert_element_type3A_1365, %sub3A_1367 : vector<16xi32>
      %mul3A_1369 = arith.constant 64 : i32
      %mul3A_1370 = arith.muli %add3A, %mul3A_1369 : i32
      %add3A_1371 = arith.addi %mul3A_1370, %mul3A_1216 : i32
      %add3A_1372 = vector.broadcast %add3A_1371 : i32 to vector<16xi32>
      %add3A_1373 = arith.addi %add3A_1372, %iota3A : vector<16xi32>
      %add3A_1374 = arith.constant 4 : i32
      %add3A_1375 = vector.broadcast %add3A_1374 : i32 to vector<16xi32>
      %add3A_1376 = arith.addi %add3A_1373, %add3A_1375 : vector<16xi32>
      %and3A_1377 = arith.constant 2047 : i32
      %and3A_1378 = vector.broadcast %and3A_1377 : i32 to vector<16xi32>
      %and3A_1379 = arith.andi %add3A_1376, %and3A_1378 : vector<16xi32>
      %add3A_1380 = arith.constant 65536 : i32
      %add3A_1381 = vector.broadcast %add3A_1380 : i32 to vector<16xi32>
      %add3A_1382 = arith.addi %add3A_1381, %and3A_1379 : vector<16xi32>
      %eq3A_1383 = arith.constant 0.000000e+00 : f32
      %eq3A_1384 = vector.broadcast %eq3A_1383 : f32 to vector<16xf32>
      %eq3A_1385 = arith.cmpf oeq, %get3A_1364, %eq3A_1384 : vector<16xf32>
      %select_n3A_1386 = arith.select %eq3A_1385, %add3A_1382, %sub3A_1368 : vector<16xi1>, vector<16xi32>
      %add3A_1387 = arith.constant 1024 : i32
      %add3A_1388 = arith.addi %add3A_1387, %mul3A_1216 : i32
      %add3A_1389 = vector.broadcast %add3A_1388 : i32 to vector<16xi32>
      %add3A_1390 = arith.addi %add3A_1389, %iota3A : vector<16xi32>
      %mul3A_1391 = arith.constant 16 : i32
      %mul3A_1392 = vector.broadcast %mul3A_1391 : i32 to vector<16xi32>
      %mul3A_1393 = arith.muli %add3A_1390, %mul3A_1392 : vector<16xi32>
      %add3A_1394 = arith.constant 4 : i32
      %add3A_1395 = vector.broadcast %add3A_1394 : i32 to vector<16xi32>
      %add3A_1396 = arith.addi %mul3A_1393, %add3A_1395 : vector<16xi32>
      tpu.vector_store_idx %arg6[%add3A_1396], %select_n3A_1386 : memref<32768xi32, #tpu.memory_space<vmem>>[vector<16xi32>], vector<16xi32>,
      %get3A_1397 = arith.constant 5 : i32
      %get3A_1398 = arith.index_cast %get3A_1397 : i32 to index
      %get3A_1399 = arith.index_cast %mul3A_1216 : i32 to index
      %get3A_1400 = tpu.vector_load %arg7[%get3A_1398, %get3A_1399] {strides = array<i32>} : memref<16x1024xf32, #tpu.memory_space<vmem>>, vector<16xf32>,
      %convert_element_type3A_1401 = arith.fptosi %get3A_1400 : vector<16xf32> to vector<16xi32>
      %sub3A_1402 = arith.constant 1 : i32
      %sub3A_1403 = vector.broadcast %sub3A_1402 : i32 to vector<16xi32>
      %sub3A_1404 = arith.subi %convert_element_type3A_1401, %sub3A_1403 : vector<16xi32>
      %mul3A_1405 = arith.constant 64 : i32
      %mul3A_1406 = arith.muli %add3A, %mul3A_1405 : i32
      %add3A_1407 = arith.addi %mul3A_1406, %mul3A_1216 : i32
      %add3A_1408 = vector.broadcast %add3A_1407 : i32 to vector<16xi32>
      %add3A_1409 = arith.addi %add3A_1408, %iota3A : vector<16xi32>
      %add3A_1410 = arith.constant 5 : i32
      %add3A_1411 = vector.broadcast %add3A_1410 : i32 to vector<16xi32>
      %add3A_1412 = arith.addi %add3A_1409, %add3A_1411 : vector<16xi32>
      %and3A_1413 = arith.constant 2047 : i32
      %and3A_1414 = vector.broadcast %and3A_1413 : i32 to vector<16xi32>
      %and3A_1415 = arith.andi %add3A_1412, %and3A_1414 : vector<16xi32>
      %add3A_1416 = arith.constant 65536 : i32
      %add3A_1417 = vector.broadcast %add3A_1416 : i32 to vector<16xi32>
      %add3A_1418 = arith.addi %add3A_1417, %and3A_1415 : vector<16xi32>
      %eq3A_1419 = arith.constant 0.000000e+00 : f32
      %eq3A_1420 = vector.broadcast %eq3A_1419 : f32 to vector<16xf32>
      %eq3A_1421 = arith.cmpf oeq, %get3A_1400, %eq3A_1420 : vector<16xf32>
      %select_n3A_1422 = arith.select %eq3A_1421, %add3A_1418, %sub3A_1404 : vector<16xi1>, vector<16xi32>
      %add3A_1423 = arith.constant 1024 : i32
      %add3A_1424 = arith.addi %add3A_1423, %mul3A_1216 : i32
      %add3A_1425 = vector.broadcast %add3A_1424 : i32 to vector<16xi32>
      %add3A_1426 = arith.addi %add3A_1425, %iota3A : vector<16xi32>
      %mul3A_1427 = arith.constant 16 : i32
      %mul3A_1428 = vector.broadcast %mul3A_1427 : i32 to vector<16xi32>
      %mul3A_1429 = arith.muli %add3A_1426, %mul3A_1428 : vector<16xi32>
      %add3A_1430 = arith.constant 5 : i32
      %add3A_1431 = vector.broadcast %add3A_1430 : i32 to vector<16xi32>
      %add3A_1432 = arith.addi %mul3A_1429, %add3A_1431 : vector<16xi32>
      tpu.vector_store_idx %arg6[%add3A_1432], %select_n3A_1422 : memref<32768xi32, #tpu.memory_space<vmem>>[vector<16xi32>], vector<16xi32>,
      %get3A_1433 = arith.constant 6 : i32
      %get3A_1434 = arith.index_cast %get3A_1433 : i32 to index
      %get3A_1435 = arith.index_cast %mul3A_1216 : i32 to index
      %get3A_1436 = tpu.vector_load %arg7[%get3A_1434, %get3A_1435] {strides = array<i32>} : memref<16x1024xf32, #tpu.memory_space<vmem>>, vector<16xf32>,
      %convert_element_type3A_1437 = arith.fptosi %get3A_1436 : vector<16xf32> to vector<16xi32>
      %sub3A_1438 = arith.constant 1 : i32
      %sub3A_1439 = vector.broadcast %sub3A_1438 : i32 to vector<16xi32>
      %sub3A_1440 = arith.subi %convert_element_type3A_1437, %sub3A_1439 : vector<16xi32>
      %mul3A_1441 = arith.constant 64 : i32
      %mul3A_1442 = arith.muli %add3A, %mul3A_1441 : i32
      %add3A_1443 = arith.addi %mul3A_1442, %mul3A_1216 : i32
      %add3A_1444 = vector.broadcast %add3A_1443 : i32 to vector<16xi32>
      %add3A_1445 = arith.addi %add3A_1444, %iota3A : vector<16xi32>
      %add3A_1446 = arith.constant 6 : i32
      %add3A_1447 = vector.broadcast %add3A_1446 : i32 to vector<16xi32>
      %add3A_1448 = arith.addi %add3A_1445, %add3A_1447 : vector<16xi32>
      %and3A_1449 = arith.constant 2047 : i32
      %and3A_1450 = vector.broadcast %and3A_1449 : i32 to vector<16xi32>
      %and3A_1451 = arith.andi %add3A_1448, %and3A_1450 : vector<16xi32>
      %add3A_1452 = arith.constant 65536 : i32
      %add3A_1453 = vector.broadcast %add3A_1452 : i32 to vector<16xi32>
      %add3A_1454 = arith.addi %add3A_1453, %and3A_1451 : vector<16xi32>
      %eq3A_1455 = arith.constant 0.000000e+00 : f32
      %eq3A_1456 = vector.broadcast %eq3A_1455 : f32 to vector<16xf32>
      %eq3A_1457 = arith.cmpf oeq, %get3A_1436, %eq3A_1456 : vector<16xf32>
      %select_n3A_1458 = arith.select %eq3A_1457, %add3A_1454, %sub3A_1440 : vector<16xi1>, vector<16xi32>
      %add3A_1459 = arith.constant 1024 : i32
      %add3A_1460 = arith.addi %add3A_1459, %mul3A_1216 : i32
      %add3A_1461 = vector.broadcast %add3A_1460 : i32 to vector<16xi32>
      %add3A_1462 = arith.addi %add3A_1461, %iota3A : vector<16xi32>
      %mul3A_1463 = arith.constant 16 : i32
      %mul3A_1464 = vector.broadcast %mul3A_1463 : i32 to vector<16xi32>
      %mul3A_1465 = arith.muli %add3A_1462, %mul3A_1464 : vector<16xi32>
      %add3A_1466 = arith.constant 6 : i32
      %add3A_1467 = vector.broadcast %add3A_1466 : i32 to vector<16xi32>
      %add3A_1468 = arith.addi %mul3A_1465, %add3A_1467 : vector<16xi32>
      tpu.vector_store_idx %arg6[%add3A_1468], %select_n3A_1458 : memref<32768xi32, #tpu.memory_space<vmem>>[vector<16xi32>], vector<16xi32>,
      %get3A_1469 = arith.constant 7 : i32
      %get3A_1470 = arith.index_cast %get3A_1469 : i32 to index
      %get3A_1471 = arith.index_cast %mul3A_1216 : i32 to index
      %get3A_1472 = tpu.vector_load %arg7[%get3A_1470, %get3A_1471] {strides = array<i32>} : memref<16x1024xf32, #tpu.memory_space<vmem>>, vector<16xf32>,
      %convert_element_type3A_1473 = arith.fptosi %get3A_1472 : vector<16xf32> to vector<16xi32>
      %sub3A_1474 = arith.constant 1 : i32
      %sub3A_1475 = vector.broadcast %sub3A_1474 : i32 to vector<16xi32>
      %sub3A_1476 = arith.subi %convert_element_type3A_1473, %sub3A_1475 : vector<16xi32>
      %mul3A_1477 = arith.constant 64 : i32
      %mul3A_1478 = arith.muli %add3A, %mul3A_1477 : i32
      %add3A_1479 = arith.addi %mul3A_1478, %mul3A_1216 : i32
      %add3A_1480 = vector.broadcast %add3A_1479 : i32 to vector<16xi32>
      %add3A_1481 = arith.addi %add3A_1480, %iota3A : vector<16xi32>
      %add3A_1482 = arith.constant 7 : i32
      %add3A_1483 = vector.broadcast %add3A_1482 : i32 to vector<16xi32>
      %add3A_1484 = arith.addi %add3A_1481, %add3A_1483 : vector<16xi32>
      %and3A_1485 = arith.constant 2047 : i32
      %and3A_1486 = vector.broadcast %and3A_1485 : i32 to vector<16xi32>
      %and3A_1487 = arith.andi %add3A_1484, %and3A_1486 : vector<16xi32>
      %add3A_1488 = arith.constant 65536 : i32
      %add3A_1489 = vector.broadcast %add3A_1488 : i32 to vector<16xi32>
      %add3A_1490 = arith.addi %add3A_1489, %and3A_1487 : vector<16xi32>
      %eq3A_1491 = arith.constant 0.000000e+00 : f32
      %eq3A_1492 = vector.broadcast %eq3A_1491 : f32 to vector<16xf32>
      %eq3A_1493 = arith.cmpf oeq, %get3A_1472, %eq3A_1492 : vector<16xf32>
      %select_n3A_1494 = arith.select %eq3A_1493, %add3A_1490, %sub3A_1476 : vector<16xi1>, vector<16xi32>
      %add3A_1495 = arith.constant 1024 : i32
      %add3A_1496 = arith.addi %add3A_1495, %mul3A_1216 : i32
      %add3A_1497 = vector.broadcast %add3A_1496 : i32 to vector<16xi32>
      %add3A_1498 = arith.addi %add3A_1497, %iota3A : vector<16xi32>
      %mul3A_1499 = arith.constant 16 : i32
      %mul3A_1500 = vector.broadcast %mul3A_1499 : i32 to vector<16xi32>
      %mul3A_1501 = arith.muli %add3A_1498, %mul3A_1500 : vector<16xi32>
      %add3A_1502 = arith.constant 7 : i32
      %add3A_1503 = vector.broadcast %add3A_1502 : i32 to vector<16xi32>
      %add3A_1504 = arith.addi %mul3A_1501, %add3A_1503 : vector<16xi32>
      tpu.vector_store_idx %arg6[%add3A_1504], %select_n3A_1494 : memref<32768xi32, #tpu.memory_space<vmem>>[vector<16xi32>], vector<16xi32>,
      %get3A_1505 = arith.constant 8 : i32
      %get3A_1506 = arith.index_cast %get3A_1505 : i32 to index
      %get3A_1507 = arith.index_cast %mul3A_1216 : i32 to index
      %get3A_1508 = tpu.vector_load %arg7[%get3A_1506, %get3A_1507] {strides = array<i32>} : memref<16x1024xf32, #tpu.memory_space<vmem>>, vector<16xf32>,
      %convert_element_type3A_1509 = arith.fptosi %get3A_1508 : vector<16xf32> to vector<16xi32>
      %sub3A_1510 = arith.constant 1 : i32
      %sub3A_1511 = vector.broadcast %sub3A_1510 : i32 to vector<16xi32>
      %sub3A_1512 = arith.subi %convert_element_type3A_1509, %sub3A_1511 : vector<16xi32>
      %mul3A_1513 = arith.constant 64 : i32
      %mul3A_1514 = arith.muli %add3A, %mul3A_1513 : i32
      %add3A_1515 = arith.addi %mul3A_1514, %mul3A_1216 : i32
      %add3A_1516 = vector.broadcast %add3A_1515 : i32 to vector<16xi32>
      %add3A_1517 = arith.addi %add3A_1516, %iota3A : vector<16xi32>
      %add3A_1518 = arith.constant 8 : i32
      %add3A_1519 = vector.broadcast %add3A_1518 : i32 to vector<16xi32>
      %add3A_1520 = arith.addi %add3A_1517, %add3A_1519 : vector<16xi32>
      %and3A_1521 = arith.constant 2047 : i32
      %and3A_1522 = vector.broadcast %and3A_1521 : i32 to vector<16xi32>
      %and3A_1523 = arith.andi %add3A_1520, %and3A_1522 : vector<16xi32>
      %add3A_1524 = arith.constant 65536 : i32
      %add3A_1525 = vector.broadcast %add3A_1524 : i32 to vector<16xi32>
      %add3A_1526 = arith.addi %add3A_1525, %and3A_1523 : vector<16xi32>
      %eq3A_1527 = arith.constant 0.000000e+00 : f32
      %eq3A_1528 = vector.broadcast %eq3A_1527 : f32 to vector<16xf32>
      %eq3A_1529 = arith.cmpf oeq, %get3A_1508, %eq3A_1528 : vector<16xf32>
      %select_n3A_1530 = arith.select %eq3A_1529, %add3A_1526, %sub3A_1512 : vector<16xi1>, vector<16xi32>
      %add3A_1531 = arith.constant 1024 : i32
      %add3A_1532 = arith.addi %add3A_1531, %mul3A_1216 : i32
      %add3A_1533 = vector.broadcast %add3A_1532 : i32 to vector<16xi32>
      %add3A_1534 = arith.addi %add3A_1533, %iota3A : vector<16xi32>
      %mul3A_1535 = arith.constant 16 : i32
      %mul3A_1536 = vector.broadcast %mul3A_1535 : i32 to vector<16xi32>
      %mul3A_1537 = arith.muli %add3A_1534, %mul3A_1536 : vector<16xi32>
      %add3A_1538 = arith.constant 8 : i32
      %add3A_1539 = vector.broadcast %add3A_1538 : i32 to vector<16xi32>
      %add3A_1540 = arith.addi %mul3A_1537, %add3A_1539 : vector<16xi32>
      tpu.vector_store_idx %arg6[%add3A_1540], %select_n3A_1530 : memref<32768xi32, #tpu.memory_space<vmem>>[vector<16xi32>], vector<16xi32>,
      %get3A_1541 = arith.constant 9 : i32
      %get3A_1542 = arith.index_cast %get3A_1541 : i32 to index
      %get3A_1543 = arith.index_cast %mul3A_1216 : i32 to index
      %get3A_1544 = tpu.vector_load %arg7[%get3A_1542, %get3A_1543] {strides = array<i32>} : memref<16x1024xf32, #tpu.memory_space<vmem>>, vector<16xf32>,
      %convert_element_type3A_1545 = arith.fptosi %get3A_1544 : vector<16xf32> to vector<16xi32>
      %sub3A_1546 = arith.constant 1 : i32
      %sub3A_1547 = vector.broadcast %sub3A_1546 : i32 to vector<16xi32>
      %sub3A_1548 = arith.subi %convert_element_type3A_1545, %sub3A_1547 : vector<16xi32>
      %mul3A_1549 = arith.constant 64 : i32
      %mul3A_1550 = arith.muli %add3A, %mul3A_1549 : i32
      %add3A_1551 = arith.addi %mul3A_1550, %mul3A_1216 : i32
      %add3A_1552 = vector.broadcast %add3A_1551 : i32 to vector<16xi32>
      %add3A_1553 = arith.addi %add3A_1552, %iota3A : vector<16xi32>
      %add3A_1554 = arith.constant 9 : i32
      %add3A_1555 = vector.broadcast %add3A_1554 : i32 to vector<16xi32>
      %add3A_1556 = arith.addi %add3A_1553, %add3A_1555 : vector<16xi32>
      %and3A_1557 = arith.constant 2047 : i32
      %and3A_1558 = vector.broadcast %and3A_1557 : i32 to vector<16xi32>
      %and3A_1559 = arith.andi %add3A_1556, %and3A_1558 : vector<16xi32>
      %add3A_1560 = arith.constant 65536 : i32
      %add3A_1561 = vector.broadcast %add3A_1560 : i32 to vector<16xi32>
      %add3A_1562 = arith.addi %add3A_1561, %and3A_1559 : vector<16xi32>
      %eq3A_1563 = arith.constant 0.000000e+00 : f32
      %eq3A_1564 = vector.broadcast %eq3A_1563 : f32 to vector<16xf32>
      %eq3A_1565 = arith.cmpf oeq, %get3A_1544, %eq3A_1564 : vector<16xf32>
      %select_n3A_1566 = arith.select %eq3A_1565, %add3A_1562, %sub3A_1548 : vector<16xi1>, vector<16xi32>
      %add3A_1567 = arith.constant 1024 : i32
      %add3A_1568 = arith.addi %add3A_1567, %mul3A_1216 : i32
      %add3A_1569 = vector.broadcast %add3A_1568 : i32 to vector<16xi32>
      %add3A_1570 = arith.addi %add3A_1569, %iota3A : vector<16xi32>
      %mul3A_1571 = arith.constant 16 : i32
      %mul3A_1572 = vector.broadcast %mul3A_1571 : i32 to vector<16xi32>
      %mul3A_1573 = arith.muli %add3A_1570, %mul3A_1572 : vector<16xi32>
      %add3A_1574 = arith.constant 9 : i32
      %add3A_1575 = vector.broadcast %add3A_1574 : i32 to vector<16xi32>
      %add3A_1576 = arith.addi %mul3A_1573, %add3A_1575 : vector<16xi32>
      tpu.vector_store_idx %arg6[%add3A_1576], %select_n3A_1566 : memref<32768xi32, #tpu.memory_space<vmem>>[vector<16xi32>], vector<16xi32>,
      %get3A_1577 = arith.constant 10 : i32
      %get3A_1578 = arith.index_cast %get3A_1577 : i32 to index
      %get3A_1579 = arith.index_cast %mul3A_1216 : i32 to index
      %get3A_1580 = tpu.vector_load %arg7[%get3A_1578, %get3A_1579] {strides = array<i32>} : memref<16x1024xf32, #tpu.memory_space<vmem>>, vector<16xf32>,
      %convert_element_type3A_1581 = arith.fptosi %get3A_1580 : vector<16xf32> to vector<16xi32>
      %sub3A_1582 = arith.constant 1 : i32
      %sub3A_1583 = vector.broadcast %sub3A_1582 : i32 to vector<16xi32>
      %sub3A_1584 = arith.subi %convert_element_type3A_1581, %sub3A_1583 : vector<16xi32>
      %mul3A_1585 = arith.constant 64 : i32
      %mul3A_1586 = arith.muli %add3A, %mul3A_1585 : i32
      %add3A_1587 = arith.addi %mul3A_1586, %mul3A_1216 : i32
      %add3A_1588 = vector.broadcast %add3A_1587 : i32 to vector<16xi32>
      %add3A_1589 = arith.addi %add3A_1588, %iota3A : vector<16xi32>
      %add3A_1590 = arith.constant 10 : i32
      %add3A_1591 = vector.broadcast %add3A_1590 : i32 to vector<16xi32>
      %add3A_1592 = arith.addi %add3A_1589, %add3A_1591 : vector<16xi32>
      %and3A_1593 = arith.constant 2047 : i32
      %and3A_1594 = vector.broadcast %and3A_1593 : i32 to vector<16xi32>
      %and3A_1595 = arith.andi %add3A_1592, %and3A_1594 : vector<16xi32>
      %add3A_1596 = arith.constant 65536 : i32
      %add3A_1597 = vector.broadcast %add3A_1596 : i32 to vector<16xi32>
      %add3A_1598 = arith.addi %add3A_1597, %and3A_1595 : vector<16xi32>
      %eq3A_1599 = arith.constant 0.000000e+00 : f32
      %eq3A_1600 = vector.broadcast %eq3A_1599 : f32 to vector<16xf32>
      %eq3A_1601 = arith.cmpf oeq, %get3A_1580, %eq3A_1600 : vector<16xf32>
      %select_n3A_1602 = arith.select %eq3A_1601, %add3A_1598, %sub3A_1584 : vector<16xi1>, vector<16xi32>
      %add3A_1603 = arith.constant 1024 : i32
      %add3A_1604 = arith.addi %add3A_1603, %mul3A_1216 : i32
      %add3A_1605 = vector.broadcast %add3A_1604 : i32 to vector<16xi32>
      %add3A_1606 = arith.addi %add3A_1605, %iota3A : vector<16xi32>
      %mul3A_1607 = arith.constant 16 : i32
      %mul3A_1608 = vector.broadcast %mul3A_1607 : i32 to vector<16xi32>
      %mul3A_1609 = arith.muli %add3A_1606, %mul3A_1608 : vector<16xi32>
      %add3A_1610 = arith.constant 10 : i32
      %add3A_1611 = vector.broadcast %add3A_1610 : i32 to vector<16xi32>
      %add3A_1612 = arith.addi %mul3A_1609, %add3A_1611 : vector<16xi32>
      tpu.vector_store_idx %arg6[%add3A_1612], %select_n3A_1602 : memref<32768xi32, #tpu.memory_space<vmem>>[vector<16xi32>], vector<16xi32>,
      %get3A_1613 = arith.constant 11 : i32
      %get3A_1614 = arith.index_cast %get3A_1613 : i32 to index
      %get3A_1615 = arith.index_cast %mul3A_1216 : i32 to index
      %get3A_1616 = tpu.vector_load %arg7[%get3A_1614, %get3A_1615] {strides = array<i32>} : memref<16x1024xf32, #tpu.memory_space<vmem>>, vector<16xf32>,
      %convert_element_type3A_1617 = arith.fptosi %get3A_1616 : vector<16xf32> to vector<16xi32>
      %sub3A_1618 = arith.constant 1 : i32
      %sub3A_1619 = vector.broadcast %sub3A_1618 : i32 to vector<16xi32>
      %sub3A_1620 = arith.subi %convert_element_type3A_1617, %sub3A_1619 : vector<16xi32>
      %mul3A_1621 = arith.constant 64 : i32
      %mul3A_1622 = arith.muli %add3A, %mul3A_1621 : i32
      %add3A_1623 = arith.addi %mul3A_1622, %mul3A_1216 : i32
      %add3A_1624 = vector.broadcast %add3A_1623 : i32 to vector<16xi32>
      %add3A_1625 = arith.addi %add3A_1624, %iota3A : vector<16xi32>
      %add3A_1626 = arith.constant 11 : i32
      %add3A_1627 = vector.broadcast %add3A_1626 : i32 to vector<16xi32>
      %add3A_1628 = arith.addi %add3A_1625, %add3A_1627 : vector<16xi32>
      %and3A_1629 = arith.constant 2047 : i32
      %and3A_1630 = vector.broadcast %and3A_1629 : i32 to vector<16xi32>
      %and3A_1631 = arith.andi %add3A_1628, %and3A_1630 : vector<16xi32>
      %add3A_1632 = arith.constant 65536 : i32
      %add3A_1633 = vector.broadcast %add3A_1632 : i32 to vector<16xi32>
      %add3A_1634 = arith.addi %add3A_1633, %and3A_1631 : vector<16xi32>
      %eq3A_1635 = arith.constant 0.000000e+00 : f32
      %eq3A_1636 = vector.broadcast %eq3A_1635 : f32 to vector<16xf32>
      %eq3A_1637 = arith.cmpf oeq, %get3A_1616, %eq3A_1636 : vector<16xf32>
      %select_n3A_1638 = arith.select %eq3A_1637, %add3A_1634, %sub3A_1620 : vector<16xi1>, vector<16xi32>
      %add3A_1639 = arith.constant 1024 : i32
      %add3A_1640 = arith.addi %add3A_1639, %mul3A_1216 : i32
      %add3A_1641 = vector.broadcast %add3A_1640 : i32 to vector<16xi32>
      %add3A_1642 = arith.addi %add3A_1641, %iota3A : vector<16xi32>
      %mul3A_1643 = arith.constant 16 : i32
      %mul3A_1644 = vector.broadcast %mul3A_1643 : i32 to vector<16xi32>
      %mul3A_1645 = arith.muli %add3A_1642, %mul3A_1644 : vector<16xi32>
      %add3A_1646 = arith.constant 11 : i32
      %add3A_1647 = vector.broadcast %add3A_1646 : i32 to vector<16xi32>
      %add3A_1648 = arith.addi %mul3A_1645, %add3A_1647 : vector<16xi32>
      tpu.vector_store_idx %arg6[%add3A_1648], %select_n3A_1638 : memref<32768xi32, #tpu.memory_space<vmem>>[vector<16xi32>], vector<16xi32>,
      %get3A_1649 = arith.constant 12 : i32
      %get3A_1650 = arith.index_cast %get3A_1649 : i32 to index
      %get3A_1651 = arith.index_cast %mul3A_1216 : i32 to index
      %get3A_1652 = tpu.vector_load %arg7[%get3A_1650, %get3A_1651] {strides = array<i32>} : memref<16x1024xf32, #tpu.memory_space<vmem>>, vector<16xf32>,
      %convert_element_type3A_1653 = arith.fptosi %get3A_1652 : vector<16xf32> to vector<16xi32>
      %sub3A_1654 = arith.constant 1 : i32
      %sub3A_1655 = vector.broadcast %sub3A_1654 : i32 to vector<16xi32>
      %sub3A_1656 = arith.subi %convert_element_type3A_1653, %sub3A_1655 : vector<16xi32>
      %mul3A_1657 = arith.constant 64 : i32
      %mul3A_1658 = arith.muli %add3A, %mul3A_1657 : i32
      %add3A_1659 = arith.addi %mul3A_1658, %mul3A_1216 : i32
      %add3A_1660 = vector.broadcast %add3A_1659 : i32 to vector<16xi32>
      %add3A_1661 = arith.addi %add3A_1660, %iota3A : vector<16xi32>
      %add3A_1662 = arith.constant 12 : i32
      %add3A_1663 = vector.broadcast %add3A_1662 : i32 to vector<16xi32>
      %add3A_1664 = arith.addi %add3A_1661, %add3A_1663 : vector<16xi32>
      %and3A_1665 = arith.constant 2047 : i32
      %and3A_1666 = vector.broadcast %and3A_1665 : i32 to vector<16xi32>
      %and3A_1667 = arith.andi %add3A_1664, %and3A_1666 : vector<16xi32>
      %add3A_1668 = arith.constant 65536 : i32
      %add3A_1669 = vector.broadcast %add3A_1668 : i32 to vector<16xi32>
      %add3A_1670 = arith.addi %add3A_1669, %and3A_1667 : vector<16xi32>
      %eq3A_1671 = arith.constant 0.000000e+00 : f32
      %eq3A_1672 = vector.broadcast %eq3A_1671 : f32 to vector<16xf32>
      %eq3A_1673 = arith.cmpf oeq, %get3A_1652, %eq3A_1672 : vector<16xf32>
      %select_n3A_1674 = arith.select %eq3A_1673, %add3A_1670, %sub3A_1656 : vector<16xi1>, vector<16xi32>
      %add3A_1675 = arith.constant 1024 : i32
      %add3A_1676 = arith.addi %add3A_1675, %mul3A_1216 : i32
      %add3A_1677 = vector.broadcast %add3A_1676 : i32 to vector<16xi32>
      %add3A_1678 = arith.addi %add3A_1677, %iota3A : vector<16xi32>
      %mul3A_1679 = arith.constant 16 : i32
      %mul3A_1680 = vector.broadcast %mul3A_1679 : i32 to vector<16xi32>
      %mul3A_1681 = arith.muli %add3A_1678, %mul3A_1680 : vector<16xi32>
      %add3A_1682 = arith.constant 12 : i32
      %add3A_1683 = vector.broadcast %add3A_1682 : i32 to vector<16xi32>
      %add3A_1684 = arith.addi %mul3A_1681, %add3A_1683 : vector<16xi32>
      tpu.vector_store_idx %arg6[%add3A_1684], %select_n3A_1674 : memref<32768xi32, #tpu.memory_space<vmem>>[vector<16xi32>], vector<16xi32>,
      %get3A_1685 = arith.constant 13 : i32
      %get3A_1686 = arith.index_cast %get3A_1685 : i32 to index
      %get3A_1687 = arith.index_cast %mul3A_1216 : i32 to index
      %get3A_1688 = tpu.vector_load %arg7[%get3A_1686, %get3A_1687] {strides = array<i32>} : memref<16x1024xf32, #tpu.memory_space<vmem>>, vector<16xf32>,
      %convert_element_type3A_1689 = arith.fptosi %get3A_1688 : vector<16xf32> to vector<16xi32>
      %sub3A_1690 = arith.constant 1 : i32
      %sub3A_1691 = vector.broadcast %sub3A_1690 : i32 to vector<16xi32>
      %sub3A_1692 = arith.subi %convert_element_type3A_1689, %sub3A_1691 : vector<16xi32>
      %mul3A_1693 = arith.constant 64 : i32
      %mul3A_1694 = arith.muli %add3A, %mul3A_1693 : i32
      %add3A_1695 = arith.addi %mul3A_1694, %mul3A_1216 : i32
      %add3A_1696 = vector.broadcast %add3A_1695 : i32 to vector<16xi32>
      %add3A_1697 = arith.addi %add3A_1696, %iota3A : vector<16xi32>
      %add3A_1698 = arith.constant 13 : i32
      %add3A_1699 = vector.broadcast %add3A_1698 : i32 to vector<16xi32>
      %add3A_1700 = arith.addi %add3A_1697, %add3A_1699 : vector<16xi32>
      %and3A_1701 = arith.constant 2047 : i32
      %and3A_1702 = vector.broadcast %and3A_1701 : i32 to vector<16xi32>
      %and3A_1703 = arith.andi %add3A_1700, %and3A_1702 : vector<16xi32>
      %add3A_1704 = arith.constant 65536 : i32
      %add3A_1705 = vector.broadcast %add3A_1704 : i32 to vector<16xi32>
      %add3A_1706 = arith.addi %add3A_1705, %and3A_1703 : vector<16xi32>
      %eq3A_1707 = arith.constant 0.000000e+00 : f32
      %eq3A_1708 = vector.broadcast %eq3A_1707 : f32 to vector<16xf32>
      %eq3A_1709 = arith.cmpf oeq, %get3A_1688, %eq3A_1708 : vector<16xf32>
      %select_n3A_1710 = arith.select %eq3A_1709, %add3A_1706, %sub3A_1692 : vector<16xi1>, vector<16xi32>
      %add3A_1711 = arith.constant 1024 : i32
      %add3A_1712 = arith.addi %add3A_1711, %mul3A_1216 : i32
      %add3A_1713 = vector.broadcast %add3A_1712 : i32 to vector<16xi32>
      %add3A_1714 = arith.addi %add3A_1713, %iota3A : vector<16xi32>
      %mul3A_1715 = arith.constant 16 : i32
      %mul3A_1716 = vector.broadcast %mul3A_1715 : i32 to vector<16xi32>
      %mul3A_1717 = arith.muli %add3A_1714, %mul3A_1716 : vector<16xi32>
      %add3A_1718 = arith.constant 13 : i32
      %add3A_1719 = vector.broadcast %add3A_1718 : i32 to vector<16xi32>
      %add3A_1720 = arith.addi %mul3A_1717, %add3A_1719 : vector<16xi32>
      tpu.vector_store_idx %arg6[%add3A_1720], %select_n3A_1710 : memref<32768xi32, #tpu.memory_space<vmem>>[vector<16xi32>], vector<16xi32>,
      %get3A_1721 = arith.constant 14 : i32
      %get3A_1722 = arith.index_cast %get3A_1721 : i32 to index
      %get3A_1723 = arith.index_cast %mul3A_1216 : i32 to index
      %get3A_1724 = tpu.vector_load %arg7[%get3A_1722, %get3A_1723] {strides = array<i32>} : memref<16x1024xf32, #tpu.memory_space<vmem>>, vector<16xf32>,
      %convert_element_type3A_1725 = arith.fptosi %get3A_1724 : vector<16xf32> to vector<16xi32>
      %sub3A_1726 = arith.constant 1 : i32
      %sub3A_1727 = vector.broadcast %sub3A_1726 : i32 to vector<16xi32>
      %sub3A_1728 = arith.subi %convert_element_type3A_1725, %sub3A_1727 : vector<16xi32>
      %mul3A_1729 = arith.constant 64 : i32
      %mul3A_1730 = arith.muli %add3A, %mul3A_1729 : i32
      %add3A_1731 = arith.addi %mul3A_1730, %mul3A_1216 : i32
      %add3A_1732 = vector.broadcast %add3A_1731 : i32 to vector<16xi32>
      %add3A_1733 = arith.addi %add3A_1732, %iota3A : vector<16xi32>
      %add3A_1734 = arith.constant 14 : i32
      %add3A_1735 = vector.broadcast %add3A_1734 : i32 to vector<16xi32>
      %add3A_1736 = arith.addi %add3A_1733, %add3A_1735 : vector<16xi32>
      %and3A_1737 = arith.constant 2047 : i32
      %and3A_1738 = vector.broadcast %and3A_1737 : i32 to vector<16xi32>
      %and3A_1739 = arith.andi %add3A_1736, %and3A_1738 : vector<16xi32>
      %add3A_1740 = arith.constant 65536 : i32
      %add3A_1741 = vector.broadcast %add3A_1740 : i32 to vector<16xi32>
      %add3A_1742 = arith.addi %add3A_1741, %and3A_1739 : vector<16xi32>
      %eq3A_1743 = arith.constant 0.000000e+00 : f32
      %eq3A_1744 = vector.broadcast %eq3A_1743 : f32 to vector<16xf32>
      %eq3A_1745 = arith.cmpf oeq, %get3A_1724, %eq3A_1744 : vector<16xf32>
      %select_n3A_1746 = arith.select %eq3A_1745, %add3A_1742, %sub3A_1728 : vector<16xi1>, vector<16xi32>
      %add3A_1747 = arith.constant 1024 : i32
      %add3A_1748 = arith.addi %add3A_1747, %mul3A_1216 : i32
      %add3A_1749 = vector.broadcast %add3A_1748 : i32 to vector<16xi32>
      %add3A_1750 = arith.addi %add3A_1749, %iota3A : vector<16xi32>
      %mul3A_1751 = arith.constant 16 : i32
      %mul3A_1752 = vector.broadcast %mul3A_1751 : i32 to vector<16xi32>
      %mul3A_1753 = arith.muli %add3A_1750, %mul3A_1752 : vector<16xi32>
      %add3A_1754 = arith.constant 14 : i32
      %add3A_1755 = vector.broadcast %add3A_1754 : i32 to vector<16xi32>
      %add3A_1756 = arith.addi %mul3A_1753, %add3A_1755 : vector<16xi32>
      tpu.vector_store_idx %arg6[%add3A_1756], %select_n3A_1746 : memref<32768xi32, #tpu.memory_space<vmem>>[vector<16xi32>], vector<16xi32>,
      %get3A_1757 = arith.constant 15 : i32
      %get3A_1758 = arith.index_cast %get3A_1757 : i32 to index
      %get3A_1759 = arith.index_cast %mul3A_1216 : i32 to index
      %get3A_1760 = tpu.vector_load %arg7[%get3A_1758, %get3A_1759] {strides = array<i32>} : memref<16x1024xf32, #tpu.memory_space<vmem>>, vector<16xf32>,
      %convert_element_type3A_1761 = arith.fptosi %get3A_1760 : vector<16xf32> to vector<16xi32>
      %sub3A_1762 = arith.constant 1 : i32
      %sub3A_1763 = vector.broadcast %sub3A_1762 : i32 to vector<16xi32>
      %sub3A_1764 = arith.subi %convert_element_type3A_1761, %sub3A_1763 : vector<16xi32>
      %mul3A_1765 = arith.constant 64 : i32
      %mul3A_1766 = arith.muli %add3A, %mul3A_1765 : i32
      %add3A_1767 = arith.addi %mul3A_1766, %mul3A_1216 : i32
      %add3A_1768 = vector.broadcast %add3A_1767 : i32 to vector<16xi32>
      %add3A_1769 = arith.addi %add3A_1768, %iota3A : vector<16xi32>
      %add3A_1770 = arith.constant 15 : i32
      %add3A_1771 = vector.broadcast %add3A_1770 : i32 to vector<16xi32>
      %add3A_1772 = arith.addi %add3A_1769, %add3A_1771 : vector<16xi32>
      %and3A_1773 = arith.constant 2047 : i32
      %and3A_1774 = vector.broadcast %and3A_1773 : i32 to vector<16xi32>
      %and3A_1775 = arith.andi %add3A_1772, %and3A_1774 : vector<16xi32>
      %add3A_1776 = arith.constant 65536 : i32
      %add3A_1777 = vector.broadcast %add3A_1776 : i32 to vector<16xi32>
      %add3A_1778 = arith.addi %add3A_1777, %and3A_1775 : vector<16xi32>
      %eq3A_1779 = arith.constant 0.000000e+00 : f32
      %eq3A_1780 = vector.broadcast %eq3A_1779 : f32 to vector<16xf32>
      %eq3A_1781 = arith.cmpf oeq, %get3A_1760, %eq3A_1780 : vector<16xf32>
      %select_n3A_1782 = arith.select %eq3A_1781, %add3A_1778, %sub3A_1764 : vector<16xi1>, vector<16xi32>
      %add3A_1783 = arith.constant 1024 : i32
      %add3A_1784 = arith.addi %add3A_1783, %mul3A_1216 : i32
      %add3A_1785 = vector.broadcast %add3A_1784 : i32 to vector<16xi32>
      %add3A_1786 = arith.addi %add3A_1785, %iota3A : vector<16xi32>
      %mul3A_1787 = arith.constant 16 : i32
      %mul3A_1788 = vector.broadcast %mul3A_1787 : i32 to vector<16xi32>
      %mul3A_1789 = arith.muli %add3A_1786, %mul3A_1788 : vector<16xi32>
      %add3A_1790 = arith.constant 15 : i32
      %add3A_1791 = vector.broadcast %add3A_1790 : i32 to vector<16xi32>
      %add3A_1792 = arith.addi %mul3A_1789, %add3A_1791 : vector<16xi32>
      tpu.vector_store_idx %arg6[%add3A_1792], %select_n3A_1782 : memref<32768xi32, #tpu.memory_space<vmem>>[vector<16xi32>], vector<16xi32>,
      %scan3A_1793 = arith.constant 3 : i32
      %scan3A_1794 = arith.addi %scan3A_48, %scan3A_1793 : i32
      %mul3A_1795 = arith.constant 1 : i32
      %mul3A_1796 = arith.muli %scan3A_1794, %mul3A_1795 : i32
      %add3A_1797 = arith.constant 0 : i32
      %add3A_1798 = arith.addi %add3A_1797, %mul3A_1796 : i32
      %mul3A_1799 = arith.constant 16 : i32
      %mul3A_1800 = arith.muli %add3A_1798, %mul3A_1799 : i32
      %get3A_1801 = arith.constant 0 : i32
      %get3A_1802 = arith.index_cast %get3A_1801 : i32 to index
      %get3A_1803 = arith.index_cast %mul3A_1800 : i32 to index
      %get3A_1804 = tpu.vector_load %arg7[%get3A_1802, %get3A_1803] {strides = array<i32>} : memref<16x1024xf32, #tpu.memory_space<vmem>>, vector<16xf32>,
      %convert_element_type3A_1805 = arith.fptosi %get3A_1804 : vector<16xf32> to vector<16xi32>
      %sub3A_1806 = arith.constant 1 : i32
      %sub3A_1807 = vector.broadcast %sub3A_1806 : i32 to vector<16xi32>
      %sub3A_1808 = arith.subi %convert_element_type3A_1805, %sub3A_1807 : vector<16xi32>
      %mul3A_1809 = arith.constant 64 : i32
      %mul3A_1810 = arith.muli %add3A, %mul3A_1809 : i32
      %add3A_1811 = arith.addi %mul3A_1810, %mul3A_1800 : i32
      %add3A_1812 = vector.broadcast %add3A_1811 : i32 to vector<16xi32>
      %add3A_1813 = arith.addi %add3A_1812, %iota3A : vector<16xi32>
      %add3A_1814 = arith.constant 0 : i32
      %add3A_1815 = vector.broadcast %add3A_1814 : i32 to vector<16xi32>
      %add3A_1816 = arith.addi %add3A_1813, %add3A_1815 : vector<16xi32>
      %and3A_1817 = arith.constant 2047 : i32
      %and3A_1818 = vector.broadcast %and3A_1817 : i32 to vector<16xi32>
      %and3A_1819 = arith.andi %add3A_1816, %and3A_1818 : vector<16xi32>
      %add3A_1820 = arith.constant 65536 : i32
      %add3A_1821 = vector.broadcast %add3A_1820 : i32 to vector<16xi32>
      %add3A_1822 = arith.addi %add3A_1821, %and3A_1819 : vector<16xi32>
      %eq3A_1823 = arith.constant 0.000000e+00 : f32
      %eq3A_1824 = vector.broadcast %eq3A_1823 : f32 to vector<16xf32>
      %eq3A_1825 = arith.cmpf oeq, %get3A_1804, %eq3A_1824 : vector<16xf32>
      %select_n3A_1826 = arith.select %eq3A_1825, %add3A_1822, %sub3A_1808 : vector<16xi1>, vector<16xi32>
      %add3A_1827 = arith.constant 1024 : i32
      %add3A_1828 = arith.addi %add3A_1827, %mul3A_1800 : i32
      %add3A_1829 = vector.broadcast %add3A_1828 : i32 to vector<16xi32>
      %add3A_1830 = arith.addi %add3A_1829, %iota3A : vector<16xi32>
      %mul3A_1831 = arith.constant 16 : i32
      %mul3A_1832 = vector.broadcast %mul3A_1831 : i32 to vector<16xi32>
      %mul3A_1833 = arith.muli %add3A_1830, %mul3A_1832 : vector<16xi32>
      %add3A_1834 = arith.constant 0 : i32
      %add3A_1835 = vector.broadcast %add3A_1834 : i32 to vector<16xi32>
      %add3A_1836 = arith.addi %mul3A_1833, %add3A_1835 : vector<16xi32>
      tpu.vector_store_idx %arg6[%add3A_1836], %select_n3A_1826 : memref<32768xi32, #tpu.memory_space<vmem>>[vector<16xi32>], vector<16xi32>,
      %get3A_1837 = arith.constant 1 : i32
      %get3A_1838 = arith.index_cast %get3A_1837 : i32 to index
      %get3A_1839 = arith.index_cast %mul3A_1800 : i32 to index
      %get3A_1840 = tpu.vector_load %arg7[%get3A_1838, %get3A_1839] {strides = array<i32>} : memref<16x1024xf32, #tpu.memory_space<vmem>>, vector<16xf32>,
      %convert_element_type3A_1841 = arith.fptosi %get3A_1840 : vector<16xf32> to vector<16xi32>
      %sub3A_1842 = arith.constant 1 : i32
      %sub3A_1843 = vector.broadcast %sub3A_1842 : i32 to vector<16xi32>
      %sub3A_1844 = arith.subi %convert_element_type3A_1841, %sub3A_1843 : vector<16xi32>
      %mul3A_1845 = arith.constant 64 : i32
      %mul3A_1846 = arith.muli %add3A, %mul3A_1845 : i32
      %add3A_1847 = arith.addi %mul3A_1846, %mul3A_1800 : i32
      %add3A_1848 = vector.broadcast %add3A_1847 : i32 to vector<16xi32>
      %add3A_1849 = arith.addi %add3A_1848, %iota3A : vector<16xi32>
      %add3A_1850 = arith.constant 1 : i32
      %add3A_1851 = vector.broadcast %add3A_1850 : i32 to vector<16xi32>
      %add3A_1852 = arith.addi %add3A_1849, %add3A_1851 : vector<16xi32>
      %and3A_1853 = arith.constant 2047 : i32
      %and3A_1854 = vector.broadcast %and3A_1853 : i32 to vector<16xi32>
      %and3A_1855 = arith.andi %add3A_1852, %and3A_1854 : vector<16xi32>
      %add3A_1856 = arith.constant 65536 : i32
      %add3A_1857 = vector.broadcast %add3A_1856 : i32 to vector<16xi32>
      %add3A_1858 = arith.addi %add3A_1857, %and3A_1855 : vector<16xi32>
      %eq3A_1859 = arith.constant 0.000000e+00 : f32
      %eq3A_1860 = vector.broadcast %eq3A_1859 : f32 to vector<16xf32>
      %eq3A_1861 = arith.cmpf oeq, %get3A_1840, %eq3A_1860 : vector<16xf32>
      %select_n3A_1862 = arith.select %eq3A_1861, %add3A_1858, %sub3A_1844 : vector<16xi1>, vector<16xi32>
      %add3A_1863 = arith.constant 1024 : i32
      %add3A_1864 = arith.addi %add3A_1863, %mul3A_1800 : i32
      %add3A_1865 = vector.broadcast %add3A_1864 : i32 to vector<16xi32>
      %add3A_1866 = arith.addi %add3A_1865, %iota3A : vector<16xi32>
      %mul3A_1867 = arith.constant 16 : i32
      %mul3A_1868 = vector.broadcast %mul3A_1867 : i32 to vector<16xi32>
      %mul3A_1869 = arith.muli %add3A_1866, %mul3A_1868 : vector<16xi32>
      %add3A_1870 = arith.constant 1 : i32
      %add3A_1871 = vector.broadcast %add3A_1870 : i32 to vector<16xi32>
      %add3A_1872 = arith.addi %mul3A_1869, %add3A_1871 : vector<16xi32>
      tpu.vector_store_idx %arg6[%add3A_1872], %select_n3A_1862 : memref<32768xi32, #tpu.memory_space<vmem>>[vector<16xi32>], vector<16xi32>,
      %get3A_1873 = arith.constant 2 : i32
      %get3A_1874 = arith.index_cast %get3A_1873 : i32 to index
      %get3A_1875 = arith.index_cast %mul3A_1800 : i32 to index
      %get3A_1876 = tpu.vector_load %arg7[%get3A_1874, %get3A_1875] {strides = array<i32>} : memref<16x1024xf32, #tpu.memory_space<vmem>>, vector<16xf32>,
      %convert_element_type3A_1877 = arith.fptosi %get3A_1876 : vector<16xf32> to vector<16xi32>
      %sub3A_1878 = arith.constant 1 : i32
      %sub3A_1879 = vector.broadcast %sub3A_1878 : i32 to vector<16xi32>
      %sub3A_1880 = arith.subi %convert_element_type3A_1877, %sub3A_1879 : vector<16xi32>
      %mul3A_1881 = arith.constant 64 : i32
      %mul3A_1882 = arith.muli %add3A, %mul3A_1881 : i32
      %add3A_1883 = arith.addi %mul3A_1882, %mul3A_1800 : i32
      %add3A_1884 = vector.broadcast %add3A_1883 : i32 to vector<16xi32>
      %add3A_1885 = arith.addi %add3A_1884, %iota3A : vector<16xi32>
      %add3A_1886 = arith.constant 2 : i32
      %add3A_1887 = vector.broadcast %add3A_1886 : i32 to vector<16xi32>
      %add3A_1888 = arith.addi %add3A_1885, %add3A_1887 : vector<16xi32>
      %and3A_1889 = arith.constant 2047 : i32
      %and3A_1890 = vector.broadcast %and3A_1889 : i32 to vector<16xi32>
      %and3A_1891 = arith.andi %add3A_1888, %and3A_1890 : vector<16xi32>
      %add3A_1892 = arith.constant 65536 : i32
      %add3A_1893 = vector.broadcast %add3A_1892 : i32 to vector<16xi32>
      %add3A_1894 = arith.addi %add3A_1893, %and3A_1891 : vector<16xi32>
      %eq3A_1895 = arith.constant 0.000000e+00 : f32
      %eq3A_1896 = vector.broadcast %eq3A_1895 : f32 to vector<16xf32>
      %eq3A_1897 = arith.cmpf oeq, %get3A_1876, %eq3A_1896 : vector<16xf32>
      %select_n3A_1898 = arith.select %eq3A_1897, %add3A_1894, %sub3A_1880 : vector<16xi1>, vector<16xi32>
      %add3A_1899 = arith.constant 1024 : i32
      %add3A_1900 = arith.addi %add3A_1899, %mul3A_1800 : i32
      %add3A_1901 = vector.broadcast %add3A_1900 : i32 to vector<16xi32>
      %add3A_1902 = arith.addi %add3A_1901, %iota3A : vector<16xi32>
      %mul3A_1903 = arith.constant 16 : i32
      %mul3A_1904 = vector.broadcast %mul3A_1903 : i32 to vector<16xi32>
      %mul3A_1905 = arith.muli %add3A_1902, %mul3A_1904 : vector<16xi32>
      %add3A_1906 = arith.constant 2 : i32
      %add3A_1907 = vector.broadcast %add3A_1906 : i32 to vector<16xi32>
      %add3A_1908 = arith.addi %mul3A_1905, %add3A_1907 : vector<16xi32>
      tpu.vector_store_idx %arg6[%add3A_1908], %select_n3A_1898 : memref<32768xi32, #tpu.memory_space<vmem>>[vector<16xi32>], vector<16xi32>,
      %get3A_1909 = arith.constant 3 : i32
      %get3A_1910 = arith.index_cast %get3A_1909 : i32 to index
      %get3A_1911 = arith.index_cast %mul3A_1800 : i32 to index
      %get3A_1912 = tpu.vector_load %arg7[%get3A_1910, %get3A_1911] {strides = array<i32>} : memref<16x1024xf32, #tpu.memory_space<vmem>>, vector<16xf32>,
      %convert_element_type3A_1913 = arith.fptosi %get3A_1912 : vector<16xf32> to vector<16xi32>
      %sub3A_1914 = arith.constant 1 : i32
      %sub3A_1915 = vector.broadcast %sub3A_1914 : i32 to vector<16xi32>
      %sub3A_1916 = arith.subi %convert_element_type3A_1913, %sub3A_1915 : vector<16xi32>
      %mul3A_1917 = arith.constant 64 : i32
      %mul3A_1918 = arith.muli %add3A, %mul3A_1917 : i32
      %add3A_1919 = arith.addi %mul3A_1918, %mul3A_1800 : i32
      %add3A_1920 = vector.broadcast %add3A_1919 : i32 to vector<16xi32>
      %add3A_1921 = arith.addi %add3A_1920, %iota3A : vector<16xi32>
      %add3A_1922 = arith.constant 3 : i32
      %add3A_1923 = vector.broadcast %add3A_1922 : i32 to vector<16xi32>
      %add3A_1924 = arith.addi %add3A_1921, %add3A_1923 : vector<16xi32>
      %and3A_1925 = arith.constant 2047 : i32
      %and3A_1926 = vector.broadcast %and3A_1925 : i32 to vector<16xi32>
      %and3A_1927 = arith.andi %add3A_1924, %and3A_1926 : vector<16xi32>
      %add3A_1928 = arith.constant 65536 : i32
      %add3A_1929 = vector.broadcast %add3A_1928 : i32 to vector<16xi32>
      %add3A_1930 = arith.addi %add3A_1929, %and3A_1927 : vector<16xi32>
      %eq3A_1931 = arith.constant 0.000000e+00 : f32
      %eq3A_1932 = vector.broadcast %eq3A_1931 : f32 to vector<16xf32>
      %eq3A_1933 = arith.cmpf oeq, %get3A_1912, %eq3A_1932 : vector<16xf32>
      %select_n3A_1934 = arith.select %eq3A_1933, %add3A_1930, %sub3A_1916 : vector<16xi1>, vector<16xi32>
      %add3A_1935 = arith.constant 1024 : i32
      %add3A_1936 = arith.addi %add3A_1935, %mul3A_1800 : i32
      %add3A_1937 = vector.broadcast %add3A_1936 : i32 to vector<16xi32>
      %add3A_1938 = arith.addi %add3A_1937, %iota3A : vector<16xi32>
      %mul3A_1939 = arith.constant 16 : i32
      %mul3A_1940 = vector.broadcast %mul3A_1939 : i32 to vector<16xi32>
      %mul3A_1941 = arith.muli %add3A_1938, %mul3A_1940 : vector<16xi32>
      %add3A_1942 = arith.constant 3 : i32
      %add3A_1943 = vector.broadcast %add3A_1942 : i32 to vector<16xi32>
      %add3A_1944 = arith.addi %mul3A_1941, %add3A_1943 : vector<16xi32>
      tpu.vector_store_idx %arg6[%add3A_1944], %select_n3A_1934 : memref<32768xi32, #tpu.memory_space<vmem>>[vector<16xi32>], vector<16xi32>,
      %get3A_1945 = arith.constant 4 : i32
      %get3A_1946 = arith.index_cast %get3A_1945 : i32 to index
      %get3A_1947 = arith.index_cast %mul3A_1800 : i32 to index
      %get3A_1948 = tpu.vector_load %arg7[%get3A_1946, %get3A_1947] {strides = array<i32>} : memref<16x1024xf32, #tpu.memory_space<vmem>>, vector<16xf32>,
      %convert_element_type3A_1949 = arith.fptosi %get3A_1948 : vector<16xf32> to vector<16xi32>
      %sub3A_1950 = arith.constant 1 : i32
      %sub3A_1951 = vector.broadcast %sub3A_1950 : i32 to vector<16xi32>
      %sub3A_1952 = arith.subi %convert_element_type3A_1949, %sub3A_1951 : vector<16xi32>
      %mul3A_1953 = arith.constant 64 : i32
      %mul3A_1954 = arith.muli %add3A, %mul3A_1953 : i32
      %add3A_1955 = arith.addi %mul3A_1954, %mul3A_1800 : i32
      %add3A_1956 = vector.broadcast %add3A_1955 : i32 to vector<16xi32>
      %add3A_1957 = arith.addi %add3A_1956, %iota3A : vector<16xi32>
      %add3A_1958 = arith.constant 4 : i32
      %add3A_1959 = vector.broadcast %add3A_1958 : i32 to vector<16xi32>
      %add3A_1960 = arith.addi %add3A_1957, %add3A_1959 : vector<16xi32>
      %and3A_1961 = arith.constant 2047 : i32
      %and3A_1962 = vector.broadcast %and3A_1961 : i32 to vector<16xi32>
      %and3A_1963 = arith.andi %add3A_1960, %and3A_1962 : vector<16xi32>
      %add3A_1964 = arith.constant 65536 : i32
      %add3A_1965 = vector.broadcast %add3A_1964 : i32 to vector<16xi32>
      %add3A_1966 = arith.addi %add3A_1965, %and3A_1963 : vector<16xi32>
      %eq3A_1967 = arith.constant 0.000000e+00 : f32
      %eq3A_1968 = vector.broadcast %eq3A_1967 : f32 to vector<16xf32>
      %eq3A_1969 = arith.cmpf oeq, %get3A_1948, %eq3A_1968 : vector<16xf32>
      %select_n3A_1970 = arith.select %eq3A_1969, %add3A_1966, %sub3A_1952 : vector<16xi1>, vector<16xi32>
      %add3A_1971 = arith.constant 1024 : i32
      %add3A_1972 = arith.addi %add3A_1971, %mul3A_1800 : i32
      %add3A_1973 = vector.broadcast %add3A_1972 : i32 to vector<16xi32>
      %add3A_1974 = arith.addi %add3A_1973, %iota3A : vector<16xi32>
      %mul3A_1975 = arith.constant 16 : i32
      %mul3A_1976 = vector.broadcast %mul3A_1975 : i32 to vector<16xi32>
      %mul3A_1977 = arith.muli %add3A_1974, %mul3A_1976 : vector<16xi32>
      %add3A_1978 = arith.constant 4 : i32
      %add3A_1979 = vector.broadcast %add3A_1978 : i32 to vector<16xi32>
      %add3A_1980 = arith.addi %mul3A_1977, %add3A_1979 : vector<16xi32>
      tpu.vector_store_idx %arg6[%add3A_1980], %select_n3A_1970 : memref<32768xi32, #tpu.memory_space<vmem>>[vector<16xi32>], vector<16xi32>,
      %get3A_1981 = arith.constant 5 : i32
      %get3A_1982 = arith.index_cast %get3A_1981 : i32 to index
      %get3A_1983 = arith.index_cast %mul3A_1800 : i32 to index
      %get3A_1984 = tpu.vector_load %arg7[%get3A_1982, %get3A_1983] {strides = array<i32>} : memref<16x1024xf32, #tpu.memory_space<vmem>>, vector<16xf32>,
      %convert_element_type3A_1985 = arith.fptosi %get3A_1984 : vector<16xf32> to vector<16xi32>
      %sub3A_1986 = arith.constant 1 : i32
      %sub3A_1987 = vector.broadcast %sub3A_1986 : i32 to vector<16xi32>
      %sub3A_1988 = arith.subi %convert_element_type3A_1985, %sub3A_1987 : vector<16xi32>
      %mul3A_1989 = arith.constant 64 : i32
      %mul3A_1990 = arith.muli %add3A, %mul3A_1989 : i32
      %add3A_1991 = arith.addi %mul3A_1990, %mul3A_1800 : i32
      %add3A_1992 = vector.broadcast %add3A_1991 : i32 to vector<16xi32>
      %add3A_1993 = arith.addi %add3A_1992, %iota3A : vector<16xi32>
      %add3A_1994 = arith.constant 5 : i32
      %add3A_1995 = vector.broadcast %add3A_1994 : i32 to vector<16xi32>
      %add3A_1996 = arith.addi %add3A_1993, %add3A_1995 : vector<16xi32>
      %and3A_1997 = arith.constant 2047 : i32
      %and3A_1998 = vector.broadcast %and3A_1997 : i32 to vector<16xi32>
      %and3A_1999 = arith.andi %add3A_1996, %and3A_1998 : vector<16xi32>
      %add3A_2000 = arith.constant 65536 : i32
      %add3A_2001 = vector.broadcast %add3A_2000 : i32 to vector<16xi32>
      %add3A_2002 = arith.addi %add3A_2001, %and3A_1999 : vector<16xi32>
      %eq3A_2003 = arith.constant 0.000000e+00 : f32
      %eq3A_2004 = vector.broadcast %eq3A_2003 : f32 to vector<16xf32>
      %eq3A_2005 = arith.cmpf oeq, %get3A_1984, %eq3A_2004 : vector<16xf32>
      %select_n3A_2006 = arith.select %eq3A_2005, %add3A_2002, %sub3A_1988 : vector<16xi1>, vector<16xi32>
      %add3A_2007 = arith.constant 1024 : i32
      %add3A_2008 = arith.addi %add3A_2007, %mul3A_1800 : i32
      %add3A_2009 = vector.broadcast %add3A_2008 : i32 to vector<16xi32>
      %add3A_2010 = arith.addi %add3A_2009, %iota3A : vector<16xi32>
      %mul3A_2011 = arith.constant 16 : i32
      %mul3A_2012 = vector.broadcast %mul3A_2011 : i32 to vector<16xi32>
      %mul3A_2013 = arith.muli %add3A_2010, %mul3A_2012 : vector<16xi32>
      %add3A_2014 = arith.constant 5 : i32
      %add3A_2015 = vector.broadcast %add3A_2014 : i32 to vector<16xi32>
      %add3A_2016 = arith.addi %mul3A_2013, %add3A_2015 : vector<16xi32>
      tpu.vector_store_idx %arg6[%add3A_2016], %select_n3A_2006 : memref<32768xi32, #tpu.memory_space<vmem>>[vector<16xi32>], vector<16xi32>,
      %get3A_2017 = arith.constant 6 : i32
      %get3A_2018 = arith.index_cast %get3A_2017 : i32 to index
      %get3A_2019 = arith.index_cast %mul3A_1800 : i32 to index
      %get3A_2020 = tpu.vector_load %arg7[%get3A_2018, %get3A_2019] {strides = array<i32>} : memref<16x1024xf32, #tpu.memory_space<vmem>>, vector<16xf32>,
      %convert_element_type3A_2021 = arith.fptosi %get3A_2020 : vector<16xf32> to vector<16xi32>
      %sub3A_2022 = arith.constant 1 : i32
      %sub3A_2023 = vector.broadcast %sub3A_2022 : i32 to vector<16xi32>
      %sub3A_2024 = arith.subi %convert_element_type3A_2021, %sub3A_2023 : vector<16xi32>
      %mul3A_2025 = arith.constant 64 : i32
      %mul3A_2026 = arith.muli %add3A, %mul3A_2025 : i32
      %add3A_2027 = arith.addi %mul3A_2026, %mul3A_1800 : i32
      %add3A_2028 = vector.broadcast %add3A_2027 : i32 to vector<16xi32>
      %add3A_2029 = arith.addi %add3A_2028, %iota3A : vector<16xi32>
      %add3A_2030 = arith.constant 6 : i32
      %add3A_2031 = vector.broadcast %add3A_2030 : i32 to vector<16xi32>
      %add3A_2032 = arith.addi %add3A_2029, %add3A_2031 : vector<16xi32>
      %and3A_2033 = arith.constant 2047 : i32
      %and3A_2034 = vector.broadcast %and3A_2033 : i32 to vector<16xi32>
      %and3A_2035 = arith.andi %add3A_2032, %and3A_2034 : vector<16xi32>
      %add3A_2036 = arith.constant 65536 : i32
      %add3A_2037 = vector.broadcast %add3A_2036 : i32 to vector<16xi32>
      %add3A_2038 = arith.addi %add3A_2037, %and3A_2035 : vector<16xi32>
      %eq3A_2039 = arith.constant 0.000000e+00 : f32
      %eq3A_2040 = vector.broadcast %eq3A_2039 : f32 to vector<16xf32>
      %eq3A_2041 = arith.cmpf oeq, %get3A_2020, %eq3A_2040 : vector<16xf32>
      %select_n3A_2042 = arith.select %eq3A_2041, %add3A_2038, %sub3A_2024 : vector<16xi1>, vector<16xi32>
      %add3A_2043 = arith.constant 1024 : i32
      %add3A_2044 = arith.addi %add3A_2043, %mul3A_1800 : i32
      %add3A_2045 = vector.broadcast %add3A_2044 : i32 to vector<16xi32>
      %add3A_2046 = arith.addi %add3A_2045, %iota3A : vector<16xi32>
      %mul3A_2047 = arith.constant 16 : i32
      %mul3A_2048 = vector.broadcast %mul3A_2047 : i32 to vector<16xi32>
      %mul3A_2049 = arith.muli %add3A_2046, %mul3A_2048 : vector<16xi32>
      %add3A_2050 = arith.constant 6 : i32
      %add3A_2051 = vector.broadcast %add3A_2050 : i32 to vector<16xi32>
      %add3A_2052 = arith.addi %mul3A_2049, %add3A_2051 : vector<16xi32>
      tpu.vector_store_idx %arg6[%add3A_2052], %select_n3A_2042 : memref<32768xi32, #tpu.memory_space<vmem>>[vector<16xi32>], vector<16xi32>,
      %get3A_2053 = arith.constant 7 : i32
      %get3A_2054 = arith.index_cast %get3A_2053 : i32 to index
      %get3A_2055 = arith.index_cast %mul3A_1800 : i32 to index
      %get3A_2056 = tpu.vector_load %arg7[%get3A_2054, %get3A_2055] {strides = array<i32>} : memref<16x1024xf32, #tpu.memory_space<vmem>>, vector<16xf32>,
      %convert_element_type3A_2057 = arith.fptosi %get3A_2056 : vector<16xf32> to vector<16xi32>
      %sub3A_2058 = arith.constant 1 : i32
      %sub3A_2059 = vector.broadcast %sub3A_2058 : i32 to vector<16xi32>
      %sub3A_2060 = arith.subi %convert_element_type3A_2057, %sub3A_2059 : vector<16xi32>
      %mul3A_2061 = arith.constant 64 : i32
      %mul3A_2062 = arith.muli %add3A, %mul3A_2061 : i32
      %add3A_2063 = arith.addi %mul3A_2062, %mul3A_1800 : i32
      %add3A_2064 = vector.broadcast %add3A_2063 : i32 to vector<16xi32>
      %add3A_2065 = arith.addi %add3A_2064, %iota3A : vector<16xi32>
      %add3A_2066 = arith.constant 7 : i32
      %add3A_2067 = vector.broadcast %add3A_2066 : i32 to vector<16xi32>
      %add3A_2068 = arith.addi %add3A_2065, %add3A_2067 : vector<16xi32>
      %and3A_2069 = arith.constant 2047 : i32
      %and3A_2070 = vector.broadcast %and3A_2069 : i32 to vector<16xi32>
      %and3A_2071 = arith.andi %add3A_2068, %and3A_2070 : vector<16xi32>
      %add3A_2072 = arith.constant 65536 : i32
      %add3A_2073 = vector.broadcast %add3A_2072 : i32 to vector<16xi32>
      %add3A_2074 = arith.addi %add3A_2073, %and3A_2071 : vector<16xi32>
      %eq3A_2075 = arith.constant 0.000000e+00 : f32
      %eq3A_2076 = vector.broadcast %eq3A_2075 : f32 to vector<16xf32>
      %eq3A_2077 = arith.cmpf oeq, %get3A_2056, %eq3A_2076 : vector<16xf32>
      %select_n3A_2078 = arith.select %eq3A_2077, %add3A_2074, %sub3A_2060 : vector<16xi1>, vector<16xi32>
      %add3A_2079 = arith.constant 1024 : i32
      %add3A_2080 = arith.addi %add3A_2079, %mul3A_1800 : i32
      %add3A_2081 = vector.broadcast %add3A_2080 : i32 to vector<16xi32>
      %add3A_2082 = arith.addi %add3A_2081, %iota3A : vector<16xi32>
      %mul3A_2083 = arith.constant 16 : i32
      %mul3A_2084 = vector.broadcast %mul3A_2083 : i32 to vector<16xi32>
      %mul3A_2085 = arith.muli %add3A_2082, %mul3A_2084 : vector<16xi32>
      %add3A_2086 = arith.constant 7 : i32
      %add3A_2087 = vector.broadcast %add3A_2086 : i32 to vector<16xi32>
      %add3A_2088 = arith.addi %mul3A_2085, %add3A_2087 : vector<16xi32>
      tpu.vector_store_idx %arg6[%add3A_2088], %select_n3A_2078 : memref<32768xi32, #tpu.memory_space<vmem>>[vector<16xi32>], vector<16xi32>,
      %get3A_2089 = arith.constant 8 : i32
      %get3A_2090 = arith.index_cast %get3A_2089 : i32 to index
      %get3A_2091 = arith.index_cast %mul3A_1800 : i32 to index
      %get3A_2092 = tpu.vector_load %arg7[%get3A_2090, %get3A_2091] {strides = array<i32>} : memref<16x1024xf32, #tpu.memory_space<vmem>>, vector<16xf32>,
      %convert_element_type3A_2093 = arith.fptosi %get3A_2092 : vector<16xf32> to vector<16xi32>
      %sub3A_2094 = arith.constant 1 : i32
      %sub3A_2095 = vector.broadcast %sub3A_2094 : i32 to vector<16xi32>
      %sub3A_2096 = arith.subi %convert_element_type3A_2093, %sub3A_2095 : vector<16xi32>
      %mul3A_2097 = arith.constant 64 : i32
      %mul3A_2098 = arith.muli %add3A, %mul3A_2097 : i32
      %add3A_2099 = arith.addi %mul3A_2098, %mul3A_1800 : i32
      %add3A_2100 = vector.broadcast %add3A_2099 : i32 to vector<16xi32>
      %add3A_2101 = arith.addi %add3A_2100, %iota3A : vector<16xi32>
      %add3A_2102 = arith.constant 8 : i32
      %add3A_2103 = vector.broadcast %add3A_2102 : i32 to vector<16xi32>
      %add3A_2104 = arith.addi %add3A_2101, %add3A_2103 : vector<16xi32>
      %and3A_2105 = arith.constant 2047 : i32
      %and3A_2106 = vector.broadcast %and3A_2105 : i32 to vector<16xi32>
      %and3A_2107 = arith.andi %add3A_2104, %and3A_2106 : vector<16xi32>
      %add3A_2108 = arith.constant 65536 : i32
      %add3A_2109 = vector.broadcast %add3A_2108 : i32 to vector<16xi32>
      %add3A_2110 = arith.addi %add3A_2109, %and3A_2107 : vector<16xi32>
      %eq3A_2111 = arith.constant 0.000000e+00 : f32
      %eq3A_2112 = vector.broadcast %eq3A_2111 : f32 to vector<16xf32>
      %eq3A_2113 = arith.cmpf oeq, %get3A_2092, %eq3A_2112 : vector<16xf32>
      %select_n3A_2114 = arith.select %eq3A_2113, %add3A_2110, %sub3A_2096 : vector<16xi1>, vector<16xi32>
      %add3A_2115 = arith.constant 1024 : i32
      %add3A_2116 = arith.addi %add3A_2115, %mul3A_1800 : i32
      %add3A_2117 = vector.broadcast %add3A_2116 : i32 to vector<16xi32>
      %add3A_2118 = arith.addi %add3A_2117, %iota3A : vector<16xi32>
      %mul3A_2119 = arith.constant 16 : i32
      %mul3A_2120 = vector.broadcast %mul3A_2119 : i32 to vector<16xi32>
      %mul3A_2121 = arith.muli %add3A_2118, %mul3A_2120 : vector<16xi32>
      %add3A_2122 = arith.constant 8 : i32
      %add3A_2123 = vector.broadcast %add3A_2122 : i32 to vector<16xi32>
      %add3A_2124 = arith.addi %mul3A_2121, %add3A_2123 : vector<16xi32>
      tpu.vector_store_idx %arg6[%add3A_2124], %select_n3A_2114 : memref<32768xi32, #tpu.memory_space<vmem>>[vector<16xi32>], vector<16xi32>,
      %get3A_2125 = arith.constant 9 : i32
      %get3A_2126 = arith.index_cast %get3A_2125 : i32 to index
      %get3A_2127 = arith.index_cast %mul3A_1800 : i32 to index
      %get3A_2128 = tpu.vector_load %arg7[%get3A_2126, %get3A_2127] {strides = array<i32>} : memref<16x1024xf32, #tpu.memory_space<vmem>>, vector<16xf32>,
      %convert_element_type3A_2129 = arith.fptosi %get3A_2128 : vector<16xf32> to vector<16xi32>
      %sub3A_2130 = arith.constant 1 : i32
      %sub3A_2131 = vector.broadcast %sub3A_2130 : i32 to vector<16xi32>
      %sub3A_2132 = arith.subi %convert_element_type3A_2129, %sub3A_2131 : vector<16xi32>
      %mul3A_2133 = arith.constant 64 : i32
      %mul3A_2134 = arith.muli %add3A, %mul3A_2133 : i32
      %add3A_2135 = arith.addi %mul3A_2134, %mul3A_1800 : i32
      %add3A_2136 = vector.broadcast %add3A_2135 : i32 to vector<16xi32>
      %add3A_2137 = arith.addi %add3A_2136, %iota3A : vector<16xi32>
      %add3A_2138 = arith.constant 9 : i32
      %add3A_2139 = vector.broadcast %add3A_2138 : i32 to vector<16xi32>
      %add3A_2140 = arith.addi %add3A_2137, %add3A_2139 : vector<16xi32>
      %and3A_2141 = arith.constant 2047 : i32
      %and3A_2142 = vector.broadcast %and3A_2141 : i32 to vector<16xi32>
      %and3A_2143 = arith.andi %add3A_2140, %and3A_2142 : vector<16xi32>
      %add3A_2144 = arith.constant 65536 : i32
      %add3A_2145 = vector.broadcast %add3A_2144 : i32 to vector<16xi32>
      %add3A_2146 = arith.addi %add3A_2145, %and3A_2143 : vector<16xi32>
      %eq3A_2147 = arith.constant 0.000000e+00 : f32
      %eq3A_2148 = vector.broadcast %eq3A_2147 : f32 to vector<16xf32>
      %eq3A_2149 = arith.cmpf oeq, %get3A_2128, %eq3A_2148 : vector<16xf32>
      %select_n3A_2150 = arith.select %eq3A_2149, %add3A_2146, %sub3A_2132 : vector<16xi1>, vector<16xi32>
      %add3A_2151 = arith.constant 1024 : i32
      %add3A_2152 = arith.addi %add3A_2151, %mul3A_1800 : i32
      %add3A_2153 = vector.broadcast %add3A_2152 : i32 to vector<16xi32>
      %add3A_2154 = arith.addi %add3A_2153, %iota3A : vector<16xi32>
      %mul3A_2155 = arith.constant 16 : i32
      %mul3A_2156 = vector.broadcast %mul3A_2155 : i32 to vector<16xi32>
      %mul3A_2157 = arith.muli %add3A_2154, %mul3A_2156 : vector<16xi32>
      %add3A_2158 = arith.constant 9 : i32
      %add3A_2159 = vector.broadcast %add3A_2158 : i32 to vector<16xi32>
      %add3A_2160 = arith.addi %mul3A_2157, %add3A_2159 : vector<16xi32>
      tpu.vector_store_idx %arg6[%add3A_2160], %select_n3A_2150 : memref<32768xi32, #tpu.memory_space<vmem>>[vector<16xi32>], vector<16xi32>,
      %get3A_2161 = arith.constant 10 : i32
      %get3A_2162 = arith.index_cast %get3A_2161 : i32 to index
      %get3A_2163 = arith.index_cast %mul3A_1800 : i32 to index
      %get3A_2164 = tpu.vector_load %arg7[%get3A_2162, %get3A_2163] {strides = array<i32>} : memref<16x1024xf32, #tpu.memory_space<vmem>>, vector<16xf32>,
      %convert_element_type3A_2165 = arith.fptosi %get3A_2164 : vector<16xf32> to vector<16xi32>
      %sub3A_2166 = arith.constant 1 : i32
      %sub3A_2167 = vector.broadcast %sub3A_2166 : i32 to vector<16xi32>
      %sub3A_2168 = arith.subi %convert_element_type3A_2165, %sub3A_2167 : vector<16xi32>
      %mul3A_2169 = arith.constant 64 : i32
      %mul3A_2170 = arith.muli %add3A, %mul3A_2169 : i32
      %add3A_2171 = arith.addi %mul3A_2170, %mul3A_1800 : i32
      %add3A_2172 = vector.broadcast %add3A_2171 : i32 to vector<16xi32>
      %add3A_2173 = arith.addi %add3A_2172, %iota3A : vector<16xi32>
      %add3A_2174 = arith.constant 10 : i32
      %add3A_2175 = vector.broadcast %add3A_2174 : i32 to vector<16xi32>
      %add3A_2176 = arith.addi %add3A_2173, %add3A_2175 : vector<16xi32>
      %and3A_2177 = arith.constant 2047 : i32
      %and3A_2178 = vector.broadcast %and3A_2177 : i32 to vector<16xi32>
      %and3A_2179 = arith.andi %add3A_2176, %and3A_2178 : vector<16xi32>
      %add3A_2180 = arith.constant 65536 : i32
      %add3A_2181 = vector.broadcast %add3A_2180 : i32 to vector<16xi32>
      %add3A_2182 = arith.addi %add3A_2181, %and3A_2179 : vector<16xi32>
      %eq3A_2183 = arith.constant 0.000000e+00 : f32
      %eq3A_2184 = vector.broadcast %eq3A_2183 : f32 to vector<16xf32>
      %eq3A_2185 = arith.cmpf oeq, %get3A_2164, %eq3A_2184 : vector<16xf32>
      %select_n3A_2186 = arith.select %eq3A_2185, %add3A_2182, %sub3A_2168 : vector<16xi1>, vector<16xi32>
      %add3A_2187 = arith.constant 1024 : i32
      %add3A_2188 = arith.addi %add3A_2187, %mul3A_1800 : i32
      %add3A_2189 = vector.broadcast %add3A_2188 : i32 to vector<16xi32>
      %add3A_2190 = arith.addi %add3A_2189, %iota3A : vector<16xi32>
      %mul3A_2191 = arith.constant 16 : i32
      %mul3A_2192 = vector.broadcast %mul3A_2191 : i32 to vector<16xi32>
      %mul3A_2193 = arith.muli %add3A_2190, %mul3A_2192 : vector<16xi32>
      %add3A_2194 = arith.constant 10 : i32
      %add3A_2195 = vector.broadcast %add3A_2194 : i32 to vector<16xi32>
      %add3A_2196 = arith.addi %mul3A_2193, %add3A_2195 : vector<16xi32>
      tpu.vector_store_idx %arg6[%add3A_2196], %select_n3A_2186 : memref<32768xi32, #tpu.memory_space<vmem>>[vector<16xi32>], vector<16xi32>,
      %get3A_2197 = arith.constant 11 : i32
      %get3A_2198 = arith.index_cast %get3A_2197 : i32 to index
      %get3A_2199 = arith.index_cast %mul3A_1800 : i32 to index
      %get3A_2200 = tpu.vector_load %arg7[%get3A_2198, %get3A_2199] {strides = array<i32>} : memref<16x1024xf32, #tpu.memory_space<vmem>>, vector<16xf32>,
      %convert_element_type3A_2201 = arith.fptosi %get3A_2200 : vector<16xf32> to vector<16xi32>
      %sub3A_2202 = arith.constant 1 : i32
      %sub3A_2203 = vector.broadcast %sub3A_2202 : i32 to vector<16xi32>
      %sub3A_2204 = arith.subi %convert_element_type3A_2201, %sub3A_2203 : vector<16xi32>
      %mul3A_2205 = arith.constant 64 : i32
      %mul3A_2206 = arith.muli %add3A, %mul3A_2205 : i32
      %add3A_2207 = arith.addi %mul3A_2206, %mul3A_1800 : i32
      %add3A_2208 = vector.broadcast %add3A_2207 : i32 to vector<16xi32>
      %add3A_2209 = arith.addi %add3A_2208, %iota3A : vector<16xi32>
      %add3A_2210 = arith.constant 11 : i32
      %add3A_2211 = vector.broadcast %add3A_2210 : i32 to vector<16xi32>
      %add3A_2212 = arith.addi %add3A_2209, %add3A_2211 : vector<16xi32>
      %and3A_2213 = arith.constant 2047 : i32
      %and3A_2214 = vector.broadcast %and3A_2213 : i32 to vector<16xi32>
      %and3A_2215 = arith.andi %add3A_2212, %and3A_2214 : vector<16xi32>
      %add3A_2216 = arith.constant 65536 : i32
      %add3A_2217 = vector.broadcast %add3A_2216 : i32 to vector<16xi32>
      %add3A_2218 = arith.addi %add3A_2217, %and3A_2215 : vector<16xi32>
      %eq3A_2219 = arith.constant 0.000000e+00 : f32
      %eq3A_2220 = vector.broadcast %eq3A_2219 : f32 to vector<16xf32>
      %eq3A_2221 = arith.cmpf oeq, %get3A_2200, %eq3A_2220 : vector<16xf32>
      %select_n3A_2222 = arith.select %eq3A_2221, %add3A_2218, %sub3A_2204 : vector<16xi1>, vector<16xi32>
      %add3A_2223 = arith.constant 1024 : i32
      %add3A_2224 = arith.addi %add3A_2223, %mul3A_1800 : i32
      %add3A_2225 = vector.broadcast %add3A_2224 : i32 to vector<16xi32>
      %add3A_2226 = arith.addi %add3A_2225, %iota3A : vector<16xi32>
      %mul3A_2227 = arith.constant 16 : i32
      %mul3A_2228 = vector.broadcast %mul3A_2227 : i32 to vector<16xi32>
      %mul3A_2229 = arith.muli %add3A_2226, %mul3A_2228 : vector<16xi32>
      %add3A_2230 = arith.constant 11 : i32
      %add3A_2231 = vector.broadcast %add3A_2230 : i32 to vector<16xi32>
      %add3A_2232 = arith.addi %mul3A_2229, %add3A_2231 : vector<16xi32>
      tpu.vector_store_idx %arg6[%add3A_2232], %select_n3A_2222 : memref<32768xi32, #tpu.memory_space<vmem>>[vector<16xi32>], vector<16xi32>,
      %get3A_2233 = arith.constant 12 : i32
      %get3A_2234 = arith.index_cast %get3A_2233 : i32 to index
      %get3A_2235 = arith.index_cast %mul3A_1800 : i32 to index
      %get3A_2236 = tpu.vector_load %arg7[%get3A_2234, %get3A_2235] {strides = array<i32>} : memref<16x1024xf32, #tpu.memory_space<vmem>>, vector<16xf32>,
      %convert_element_type3A_2237 = arith.fptosi %get3A_2236 : vector<16xf32> to vector<16xi32>
      %sub3A_2238 = arith.constant 1 : i32
      %sub3A_2239 = vector.broadcast %sub3A_2238 : i32 to vector<16xi32>
      %sub3A_2240 = arith.subi %convert_element_type3A_2237, %sub3A_2239 : vector<16xi32>
      %mul3A_2241 = arith.constant 64 : i32
      %mul3A_2242 = arith.muli %add3A, %mul3A_2241 : i32
      %add3A_2243 = arith.addi %mul3A_2242, %mul3A_1800 : i32
      %add3A_2244 = vector.broadcast %add3A_2243 : i32 to vector<16xi32>
      %add3A_2245 = arith.addi %add3A_2244, %iota3A : vector<16xi32>
      %add3A_2246 = arith.constant 12 : i32
      %add3A_2247 = vector.broadcast %add3A_2246 : i32 to vector<16xi32>
      %add3A_2248 = arith.addi %add3A_2245, %add3A_2247 : vector<16xi32>
      %and3A_2249 = arith.constant 2047 : i32
      %and3A_2250 = vector.broadcast %and3A_2249 : i32 to vector<16xi32>
      %and3A_2251 = arith.andi %add3A_2248, %and3A_2250 : vector<16xi32>
      %add3A_2252 = arith.constant 65536 : i32
      %add3A_2253 = vector.broadcast %add3A_2252 : i32 to vector<16xi32>
      %add3A_2254 = arith.addi %add3A_2253, %and3A_2251 : vector<16xi32>
      %eq3A_2255 = arith.constant 0.000000e+00 : f32
      %eq3A_2256 = vector.broadcast %eq3A_2255 : f32 to vector<16xf32>
      %eq3A_2257 = arith.cmpf oeq, %get3A_2236, %eq3A_2256 : vector<16xf32>
      %select_n3A_2258 = arith.select %eq3A_2257, %add3A_2254, %sub3A_2240 : vector<16xi1>, vector<16xi32>
      %add3A_2259 = arith.constant 1024 : i32
      %add3A_2260 = arith.addi %add3A_2259, %mul3A_1800 : i32
      %add3A_2261 = vector.broadcast %add3A_2260 : i32 to vector<16xi32>
      %add3A_2262 = arith.addi %add3A_2261, %iota3A : vector<16xi32>
      %mul3A_2263 = arith.constant 16 : i32
      %mul3A_2264 = vector.broadcast %mul3A_2263 : i32 to vector<16xi32>
      %mul3A_2265 = arith.muli %add3A_2262, %mul3A_2264 : vector<16xi32>
      %add3A_2266 = arith.constant 12 : i32
      %add3A_2267 = vector.broadcast %add3A_2266 : i32 to vector<16xi32>
      %add3A_2268 = arith.addi %mul3A_2265, %add3A_2267 : vector<16xi32>
      tpu.vector_store_idx %arg6[%add3A_2268], %select_n3A_2258 : memref<32768xi32, #tpu.memory_space<vmem>>[vector<16xi32>], vector<16xi32>,
      %get3A_2269 = arith.constant 13 : i32
      %get3A_2270 = arith.index_cast %get3A_2269 : i32 to index
      %get3A_2271 = arith.index_cast %mul3A_1800 : i32 to index
      %get3A_2272 = tpu.vector_load %arg7[%get3A_2270, %get3A_2271] {strides = array<i32>} : memref<16x1024xf32, #tpu.memory_space<vmem>>, vector<16xf32>,
      %convert_element_type3A_2273 = arith.fptosi %get3A_2272 : vector<16xf32> to vector<16xi32>
      %sub3A_2274 = arith.constant 1 : i32
      %sub3A_2275 = vector.broadcast %sub3A_2274 : i32 to vector<16xi32>
      %sub3A_2276 = arith.subi %convert_element_type3A_2273, %sub3A_2275 : vector<16xi32>
      %mul3A_2277 = arith.constant 64 : i32
      %mul3A_2278 = arith.muli %add3A, %mul3A_2277 : i32
      %add3A_2279 = arith.addi %mul3A_2278, %mul3A_1800 : i32
      %add3A_2280 = vector.broadcast %add3A_2279 : i32 to vector<16xi32>
      %add3A_2281 = arith.addi %add3A_2280, %iota3A : vector<16xi32>
      %add3A_2282 = arith.constant 13 : i32
      %add3A_2283 = vector.broadcast %add3A_2282 : i32 to vector<16xi32>
      %add3A_2284 = arith.addi %add3A_2281, %add3A_2283 : vector<16xi32>
      %and3A_2285 = arith.constant 2047 : i32
      %and3A_2286 = vector.broadcast %and3A_2285 : i32 to vector<16xi32>
      %and3A_2287 = arith.andi %add3A_2284, %and3A_2286 : vector<16xi32>
      %add3A_2288 = arith.constant 65536 : i32
      %add3A_2289 = vector.broadcast %add3A_2288 : i32 to vector<16xi32>
      %add3A_2290 = arith.addi %add3A_2289, %and3A_2287 : vector<16xi32>
      %eq3A_2291 = arith.constant 0.000000e+00 : f32
      %eq3A_2292 = vector.broadcast %eq3A_2291 : f32 to vector<16xf32>
      %eq3A_2293 = arith.cmpf oeq, %get3A_2272, %eq3A_2292 : vector<16xf32>
      %select_n3A_2294 = arith.select %eq3A_2293, %add3A_2290, %sub3A_2276 : vector<16xi1>, vector<16xi32>
      %add3A_2295 = arith.constant 1024 : i32
      %add3A_2296 = arith.addi %add3A_2295, %mul3A_1800 : i32
      %add3A_2297 = vector.broadcast %add3A_2296 : i32 to vector<16xi32>
      %add3A_2298 = arith.addi %add3A_2297, %iota3A : vector<16xi32>
      %mul3A_2299 = arith.constant 16 : i32
      %mul3A_2300 = vector.broadcast %mul3A_2299 : i32 to vector<16xi32>
      %mul3A_2301 = arith.muli %add3A_2298, %mul3A_2300 : vector<16xi32>
      %add3A_2302 = arith.constant 13 : i32
      %add3A_2303 = vector.broadcast %add3A_2302 : i32 to vector<16xi32>
      %add3A_2304 = arith.addi %mul3A_2301, %add3A_2303 : vector<16xi32>
      tpu.vector_store_idx %arg6[%add3A_2304], %select_n3A_2294 : memref<32768xi32, #tpu.memory_space<vmem>>[vector<16xi32>], vector<16xi32>,
      %get3A_2305 = arith.constant 14 : i32
      %get3A_2306 = arith.index_cast %get3A_2305 : i32 to index
      %get3A_2307 = arith.index_cast %mul3A_1800 : i32 to index
      %get3A_2308 = tpu.vector_load %arg7[%get3A_2306, %get3A_2307] {strides = array<i32>} : memref<16x1024xf32, #tpu.memory_space<vmem>>, vector<16xf32>,
      %convert_element_type3A_2309 = arith.fptosi %get3A_2308 : vector<16xf32> to vector<16xi32>
      %sub3A_2310 = arith.constant 1 : i32
      %sub3A_2311 = vector.broadcast %sub3A_2310 : i32 to vector<16xi32>
      %sub3A_2312 = arith.subi %convert_element_type3A_2309, %sub3A_2311 : vector<16xi32>
      %mul3A_2313 = arith.constant 64 : i32
      %mul3A_2314 = arith.muli %add3A, %mul3A_2313 : i32
      %add3A_2315 = arith.addi %mul3A_2314, %mul3A_1800 : i32
      %add3A_2316 = vector.broadcast %add3A_2315 : i32 to vector<16xi32>
      %add3A_2317 = arith.addi %add3A_2316, %iota3A : vector<16xi32>
      %add3A_2318 = arith.constant 14 : i32
      %add3A_2319 = vector.broadcast %add3A_2318 : i32 to vector<16xi32>
      %add3A_2320 = arith.addi %add3A_2317, %add3A_2319 : vector<16xi32>
      %and3A_2321 = arith.constant 2047 : i32
      %and3A_2322 = vector.broadcast %and3A_2321 : i32 to vector<16xi32>
      %and3A_2323 = arith.andi %add3A_2320, %and3A_2322 : vector<16xi32>
      %add3A_2324 = arith.constant 65536 : i32
      %add3A_2325 = vector.broadcast %add3A_2324 : i32 to vector<16xi32>
      %add3A_2326 = arith.addi %add3A_2325, %and3A_2323 : vector<16xi32>
      %eq3A_2327 = arith.constant 0.000000e+00 : f32
      %eq3A_2328 = vector.broadcast %eq3A_2327 : f32 to vector<16xf32>
      %eq3A_2329 = arith.cmpf oeq, %get3A_2308, %eq3A_2328 : vector<16xf32>
      %select_n3A_2330 = arith.select %eq3A_2329, %add3A_2326, %sub3A_2312 : vector<16xi1>, vector<16xi32>
      %add3A_2331 = arith.constant 1024 : i32
      %add3A_2332 = arith.addi %add3A_2331, %mul3A_1800 : i32
      %add3A_2333 = vector.broadcast %add3A_2332 : i32 to vector<16xi32>
      %add3A_2334 = arith.addi %add3A_2333, %iota3A : vector<16xi32>
      %mul3A_2335 = arith.constant 16 : i32
      %mul3A_2336 = vector.broadcast %mul3A_2335 : i32 to vector<16xi32>
      %mul3A_2337 = arith.muli %add3A_2334, %mul3A_2336 : vector<16xi32>
      %add3A_2338 = arith.constant 14 : i32
      %add3A_2339 = vector.broadcast %add3A_2338 : i32 to vector<16xi32>
      %add3A_2340 = arith.addi %mul3A_2337, %add3A_2339 : vector<16xi32>
      tpu.vector_store_idx %arg6[%add3A_2340], %select_n3A_2330 : memref<32768xi32, #tpu.memory_space<vmem>>[vector<16xi32>], vector<16xi32>,
      %get3A_2341 = arith.constant 15 : i32
      %get3A_2342 = arith.index_cast %get3A_2341 : i32 to index
      %get3A_2343 = arith.index_cast %mul3A_1800 : i32 to index
      %get3A_2344 = tpu.vector_load %arg7[%get3A_2342, %get3A_2343] {strides = array<i32>} : memref<16x1024xf32, #tpu.memory_space<vmem>>, vector<16xf32>,
      %convert_element_type3A_2345 = arith.fptosi %get3A_2344 : vector<16xf32> to vector<16xi32>
      %sub3A_2346 = arith.constant 1 : i32
      %sub3A_2347 = vector.broadcast %sub3A_2346 : i32 to vector<16xi32>
      %sub3A_2348 = arith.subi %convert_element_type3A_2345, %sub3A_2347 : vector<16xi32>
      %mul3A_2349 = arith.constant 64 : i32
      %mul3A_2350 = arith.muli %add3A, %mul3A_2349 : i32
      %add3A_2351 = arith.addi %mul3A_2350, %mul3A_1800 : i32
      %add3A_2352 = vector.broadcast %add3A_2351 : i32 to vector<16xi32>
      %add3A_2353 = arith.addi %add3A_2352, %iota3A : vector<16xi32>
      %add3A_2354 = arith.constant 15 : i32
      %add3A_2355 = vector.broadcast %add3A_2354 : i32 to vector<16xi32>
      %add3A_2356 = arith.addi %add3A_2353, %add3A_2355 : vector<16xi32>
      %and3A_2357 = arith.constant 2047 : i32
      %and3A_2358 = vector.broadcast %and3A_2357 : i32 to vector<16xi32>
      %and3A_2359 = arith.andi %add3A_2356, %and3A_2358 : vector<16xi32>
      %add3A_2360 = arith.constant 65536 : i32
      %add3A_2361 = vector.broadcast %add3A_2360 : i32 to vector<16xi32>
      %add3A_2362 = arith.addi %add3A_2361, %and3A_2359 : vector<16xi32>
      %eq3A_2363 = arith.constant 0.000000e+00 : f32
      %eq3A_2364 = vector.broadcast %eq3A_2363 : f32 to vector<16xf32>
      %eq3A_2365 = arith.cmpf oeq, %get3A_2344, %eq3A_2364 : vector<16xf32>
      %select_n3A_2366 = arith.select %eq3A_2365, %add3A_2362, %sub3A_2348 : vector<16xi1>, vector<16xi32>
      %add3A_2367 = arith.constant 1024 : i32
      %add3A_2368 = arith.addi %add3A_2367, %mul3A_1800 : i32
      %add3A_2369 = vector.broadcast %add3A_2368 : i32 to vector<16xi32>
      %add3A_2370 = arith.addi %add3A_2369, %iota3A : vector<16xi32>
      %mul3A_2371 = arith.constant 16 : i32
      %mul3A_2372 = vector.broadcast %mul3A_2371 : i32 to vector<16xi32>
      %mul3A_2373 = arith.muli %add3A_2370, %mul3A_2372 : vector<16xi32>
      %add3A_2374 = arith.constant 15 : i32
      %add3A_2375 = vector.broadcast %add3A_2374 : i32 to vector<16xi32>
      %add3A_2376 = arith.addi %mul3A_2373, %add3A_2375 : vector<16xi32>
      tpu.vector_store_idx %arg6[%add3A_2376], %select_n3A_2366 : memref<32768xi32, #tpu.memory_space<vmem>>[vector<16xi32>], vector<16xi32>,
    }
    %scan3A_15 = arith.constant 64 : i32
    %dma_start3A = arith.constant 0 : i32
    %dma_start3A_16 = arith.constant 0 : i32
    %dma_start3A_17 = arith.constant 0 : i32
    %dma_start3A_18 = arith.constant 0 : i32
    %dma_start3A_19 = arith.constant 0 : i32
    %dma_start3A_20 = tpu.memref_slice %arg8[%dma_start3A, %dma_start3A_18, %dma_start3A_19] : memref<2x1024x16xf32, #tpu.memory_space<vmem>> -> memref<1x1024x16xf32, #tpu.memory_space<vmem>>
    %dma_start3A_21 = tpu.memref_squeeze %dma_start3A_20 : memref<1x1024x16xf32, #tpu.memory_space<vmem>> -> memref<1024x16xf32, #tpu.memory_space<vmem>>
    %dma_start3A_22 = arith.constant 0 : i32
    %dma_start3A_23 = tpu.memref_slice %arg6[%dma_start3A_22] : memref<32768xi32, #tpu.memory_space<vmem>> -> memref<1024xi32, #tpu.memory_space<vmem>>
    %dma_start3A_24 = arith.constant 0 : i32
    %dma_start3A_25 = arith.constant 0 : i32
    %dma_start3A_26 = tpu.memref_slice %arg3[%dma_start3A_24, %dma_start3A_25] : memref<67584x16xf32, #tpu.memory_space<hbm>> -> memref<67584x16xf32, #tpu.memory_space<hbm>>
    %dma_start3A_27 = tpu.memref_slice %arg11[%dma_start3A_16, %dma_start3A_17] : memref<2x2x!tpu.dma_semaphore, #tpu.memory_space<semaphore_mem>> -> memref<1x1x!tpu.dma_semaphore, #tpu.memory_space<semaphore_mem>>
    %dma_start3A_28 = tpu.memref_squeeze %dma_start3A_27 : memref<1x1x!tpu.dma_semaphore, #tpu.memory_space<semaphore_mem>> -> memref<!tpu.dma_semaphore, #tpu.memory_space<semaphore_mem>>
    tpu.enqueue_indirect_dma source(%dma_start3A_26 : memref<67584x16xf32, #tpu.memory_space<hbm>>) target(%dma_start3A_21 : memref<1024x16xf32, #tpu.memory_space<vmem>>) offsets(%dma_start3A_23 : memref<1024xi32, #tpu.memory_space<vmem>>) semaphore(%dma_start3A_28 : memref<!tpu.dma_semaphore, #tpu.memory_space<semaphore_mem>>)
    %dma_start3A_29 = arith.constant 0 : i32
    %dma_start3A_30 = arith.constant 0 : i32
    %dma_start3A_31 = arith.constant 1 : i32
    %dma_start3A_32 = arith.constant 0 : i32
    %dma_start3A_33 = arith.constant 0 : i32
    %dma_start3A_34 = tpu.memref_slice %arg9[%dma_start3A_29, %dma_start3A_32, %dma_start3A_33] : memref<2x1024x16xf32, #tpu.memory_space<vmem>> -> memref<1x1024x16xf32, #tpu.memory_space<vmem>>
    %dma_start3A_35 = tpu.memref_squeeze %dma_start3A_34 : memref<1x1024x16xf32, #tpu.memory_space<vmem>> -> memref<1024x16xf32, #tpu.memory_space<vmem>>
    %dma_start3A_36 = arith.constant 0 : i32
    %dma_start3A_37 = tpu.memref_slice %arg6[%dma_start3A_36] : memref<32768xi32, #tpu.memory_space<vmem>> -> memref<1024xi32, #tpu.memory_space<vmem>>
    %dma_start3A_38 = arith.constant 0 : i32
    %dma_start3A_39 = arith.constant 0 : i32
    %dma_start3A_40 = tpu.memref_slice %arg4[%dma_start3A_38, %dma_start3A_39] : memref<67584x16xf32, #tpu.memory_space<hbm>> -> memref<67584x16xf32, #tpu.memory_space<hbm>>
    %dma_start3A_41 = tpu.memref_slice %arg11[%dma_start3A_30, %dma_start3A_31] : memref<2x2x!tpu.dma_semaphore, #tpu.memory_space<semaphore_mem>> -> memref<1x1x!tpu.dma_semaphore, #tpu.memory_space<semaphore_mem>>
    %dma_start3A_42 = tpu.memref_squeeze %dma_start3A_41 : memref<1x1x!tpu.dma_semaphore, #tpu.memory_space<semaphore_mem>> -> memref<!tpu.dma_semaphore, #tpu.memory_space<semaphore_mem>>
    tpu.enqueue_indirect_dma source(%dma_start3A_40 : memref<67584x16xf32, #tpu.memory_space<hbm>>) target(%dma_start3A_35 : memref<1024x16xf32, #tpu.memory_space<vmem>>) offsets(%dma_start3A_37 : memref<1024xi32, #tpu.memory_space<vmem>>) semaphore(%dma_start3A_42 : memref<!tpu.dma_semaphore, #tpu.memory_space<semaphore_mem>>)
    %scan3A_43 = arith.constant 0 : i32
    %scan3A_44 = arith.constant 16 : i32
    %scan3A_45 = arith.addi %scan3A_43, %scan3A_44 : i32
    %scan3A_46 = arith.constant 1 : i32
    scf.for %scan3A_48 = %scan3A_43 to %scan3A_45 step %scan3A_46  : i32 {
      %mul3A_49 = arith.constant 1 : i32
      %mul3A_50 = arith.muli %scan3A_48, %mul3A_49 : i32
      %add3A_51 = arith.constant 0 : i32
      %add3A_52 = arith.addi %add3A_51, %mul3A_50 : i32
      %mul3A_53 = arith.constant 2 : i32
      %mul3A_54 = arith.muli %add3A_52, %mul3A_53 : i32
      %add3A_55 = arith.constant 0 : i32
      %add3A_56 = arith.addi %mul3A_54, %add3A_55 : i32
      %mul3A_57 = arith.constant 64 : i32
      %mul3A_58 = arith.muli %add3A_56, %mul3A_57 : i32
      %mul3A_59 = arith.constant 16 : i32
      %mul3A_60 = arith.muli %mul3A_58, %mul3A_59 : i32
      %dma_wait3A = arith.constant 0 : i32
      %dma_wait3A_61 = arith.constant 0 : i32
      %dma_wait3A_62 = arith.constant 0 : i32
      %dma_wait3A_63 = arith.constant 0 : i32
      %dma_wait3A_64 = arith.constant 0 : i32
      %dma_wait3A_65 = tpu.memref_slice %arg8[%dma_wait3A, %dma_wait3A_63, %dma_wait3A_64] : memref<2x1024x16xf32, #tpu.memory_space<vmem>> -> memref<1x1024x16xf32, #tpu.memory_space<vmem>>
      %dma_wait3A_66 = tpu.memref_squeeze %dma_wait3A_65 : memref<1x1024x16xf32, #tpu.memory_space<vmem>> -> memref<1024x16xf32, #tpu.memory_space<vmem>>
      %dma_wait3A_67 = tpu.memref_slice %arg6[%mul3A_60] : memref<32768xi32, #tpu.memory_space<vmem>> -> memref<1024xi32, #tpu.memory_space<vmem>>
      %dma_wait3A_68 = arith.constant 0 : i32
      %dma_wait3A_69 = arith.constant 0 : i32
      %dma_wait3A_70 = tpu.memref_slice %arg3[%dma_wait3A_68, %dma_wait3A_69] : memref<67584x16xf32, #tpu.memory_space<hbm>> -> memref<67584x16xf32, #tpu.memory_space<hbm>>
      %dma_wait3A_71 = tpu.memref_slice %arg11[%dma_wait3A_61, %dma_wait3A_62] : memref<2x2x!tpu.dma_semaphore, #tpu.memory_space<semaphore_mem>> -> memref<1x1x!tpu.dma_semaphore, #tpu.memory_space<semaphore_mem>>
      %dma_wait3A_72 = tpu.memref_squeeze %dma_wait3A_71 : memref<1x1x!tpu.dma_semaphore, #tpu.memory_space<semaphore_mem>> -> memref<!tpu.dma_semaphore, #tpu.memory_space<semaphore_mem>>
      tpu.wait_indirect_dma semaphore(%dma_wait3A_72 : memref<!tpu.dma_semaphore, #tpu.memory_space<semaphore_mem>>) src(%dma_wait3A_70 : memref<67584x16xf32, #tpu.memory_space<hbm>>) dst(%dma_wait3A_66 : memref<1024x16xf32, #tpu.memory_space<vmem>>)
      %dma_wait3A_73 = arith.constant 0 : i32
      %dma_wait3A_74 = arith.constant 0 : i32
      %dma_wait3A_75 = arith.constant 1 : i32
      %dma_wait3A_76 = arith.constant 0 : i32
      %dma_wait3A_77 = arith.constant 0 : i32
      %dma_wait3A_78 = tpu.memref_slice %arg9[%dma_wait3A_73, %dma_wait3A_76, %dma_wait3A_77] : memref<2x1024x16xf32, #tpu.memory_space<vmem>> -> memref<1x1024x16xf32, #tpu.memory_space<vmem>>
      %dma_wait3A_79 = tpu.memref_squeeze %dma_wait3A_78 : memref<1x1024x16xf32, #tpu.memory_space<vmem>> -> memref<1024x16xf32, #tpu.memory_space<vmem>>
      %dma_wait3A_80 = tpu.memref_slice %arg6[%mul3A_60] : memref<32768xi32, #tpu.memory_space<vmem>> -> memref<1024xi32, #tpu.memory_space<vmem>>
      %dma_wait3A_81 = arith.constant 0 : i32
      %dma_wait3A_82 = arith.constant 0 : i32
      %dma_wait3A_83 = tpu.memref_slice %arg4[%dma_wait3A_81, %dma_wait3A_82] : memref<67584x16xf32, #tpu.memory_space<hbm>> -> memref<67584x16xf32, #tpu.memory_space<hbm>>
      %dma_wait3A_84 = tpu.memref_slice %arg11[%dma_wait3A_74, %dma_wait3A_75] : memref<2x2x!tpu.dma_semaphore, #tpu.memory_space<semaphore_mem>> -> memref<1x1x!tpu.dma_semaphore, #tpu.memory_space<semaphore_mem>>
      %dma_wait3A_85 = tpu.memref_squeeze %dma_wait3A_84 : memref<1x1x!tpu.dma_semaphore, #tpu.memory_space<semaphore_mem>> -> memref<!tpu.dma_semaphore, #tpu.memory_space<semaphore_mem>>
      tpu.wait_indirect_dma semaphore(%dma_wait3A_85 : memref<!tpu.dma_semaphore, #tpu.memory_space<semaphore_mem>>) src(%dma_wait3A_83 : memref<67584x16xf32, #tpu.memory_space<hbm>>) dst(%dma_wait3A_79 : memref<1024x16xf32, #tpu.memory_space<vmem>>)
      %add3A_86 = arith.constant 1 : i32
      %add3A_87 = arith.addi %add3A_56, %add3A_86 : i32
      %lt3A = arith.constant 32 : i32
      %lt3A_88 = arith.cmpi slt, %add3A_87, %lt3A : i32
      %convert_element_type3A = arith.extui %lt3A_88 : i1 to i32
      %cond3A = arith.constant 0 : i32
      %cond3A_89 = arith.cmpi ne, %convert_element_type3A, %cond3A : i32
      scf.if %cond3A_89 {
        %add3A_144 = arith.constant 1 : i32
        %add3A_145 = arith.addi %add3A_56, %add3A_144 : i32
        %mul3A_146 = arith.constant 64 : i32
        %mul3A_147 = arith.muli %add3A_145, %mul3A_146 : i32
        %mul3A_148 = arith.constant 16 : i32
        %mul3A_149 = arith.muli %mul3A_147, %mul3A_148 : i32
        %dma_start3A_150 = arith.constant 1 : i32
        %dma_start3A_151 = arith.constant 1 : i32
        %dma_start3A_152 = arith.constant 0 : i32
        %dma_start3A_153 = arith.constant 0 : i32
        %dma_start3A_154 = arith.constant 0 : i32
        %dma_start3A_155 = tpu.memref_slice %arg8[%dma_start3A_150, %dma_start3A_153, %dma_start3A_154] : memref<2x1024x16xf32, #tpu.memory_space<vmem>> -> memref<1x1024x16xf32, #tpu.memory_space<vmem>>
        %dma_start3A_156 = tpu.memref_squeeze %dma_start3A_155 : memref<1x1024x16xf32, #tpu.memory_space<vmem>> -> memref<1024x16xf32, #tpu.memory_space<vmem>>
        %dma_start3A_157 = tpu.memref_slice %arg6[%mul3A_149] : memref<32768xi32, #tpu.memory_space<vmem>> -> memref<1024xi32, #tpu.memory_space<vmem>>
        %dma_start3A_158 = arith.constant 0 : i32
        %dma_start3A_159 = arith.constant 0 : i32
        %dma_start3A_160 = tpu.memref_slice %arg3[%dma_start3A_158, %dma_start3A_159] : memref<67584x16xf32, #tpu.memory_space<hbm>> -> memref<67584x16xf32, #tpu.memory_space<hbm>>
        %dma_start3A_161 = tpu.memref_slice %arg11[%dma_start3A_151, %dma_start3A_152] : memref<2x2x!tpu.dma_semaphore, #tpu.memory_space<semaphore_mem>> -> memref<1x1x!tpu.dma_semaphore, #tpu.memory_space<semaphore_mem>>
        %dma_start3A_162 = tpu.memref_squeeze %dma_start3A_161 : memref<1x1x!tpu.dma_semaphore, #tpu.memory_space<semaphore_mem>> -> memref<!tpu.dma_semaphore, #tpu.memory_space<semaphore_mem>>
        tpu.enqueue_indirect_dma source(%dma_start3A_160 : memref<67584x16xf32, #tpu.memory_space<hbm>>) target(%dma_start3A_156 : memref<1024x16xf32, #tpu.memory_space<vmem>>) offsets(%dma_start3A_157 : memref<1024xi32, #tpu.memory_space<vmem>>) semaphore(%dma_start3A_162 : memref<!tpu.dma_semaphore, #tpu.memory_space<semaphore_mem>>)
        %dma_start3A_163 = arith.constant 1 : i32
        %dma_start3A_164 = arith.constant 1 : i32
        %dma_start3A_165 = arith.constant 1 : i32
        %dma_start3A_166 = arith.constant 0 : i32
        %dma_start3A_167 = arith.constant 0 : i32
        %dma_start3A_168 = tpu.memref_slice %arg9[%dma_start3A_163, %dma_start3A_166, %dma_start3A_167] : memref<2x1024x16xf32, #tpu.memory_space<vmem>> -> memref<1x1024x16xf32, #tpu.memory_space<vmem>>
        %dma_start3A_169 = tpu.memref_squeeze %dma_start3A_168 : memref<1x1024x16xf32, #tpu.memory_space<vmem>> -> memref<1024x16xf32, #tpu.memory_space<vmem>>
        %dma_start3A_170 = tpu.memref_slice %arg6[%mul3A_149] : memref<32768xi32, #tpu.memory_space<vmem>> -> memref<1024xi32, #tpu.memory_space<vmem>>
        %dma_start3A_171 = arith.constant 0 : i32
        %dma_start3A_172 = arith.constant 0 : i32
        %dma_start3A_173 = tpu.memref_slice %arg4[%dma_start3A_171, %dma_start3A_172] : memref<67584x16xf32, #tpu.memory_space<hbm>> -> memref<67584x16xf32, #tpu.memory_space<hbm>>
        %dma_start3A_174 = tpu.memref_slice %arg11[%dma_start3A_164, %dma_start3A_165] : memref<2x2x!tpu.dma_semaphore, #tpu.memory_space<semaphore_mem>> -> memref<1x1x!tpu.dma_semaphore, #tpu.memory_space<semaphore_mem>>
        %dma_start3A_175 = tpu.memref_squeeze %dma_start3A_174 : memref<1x1x!tpu.dma_semaphore, #tpu.memory_space<semaphore_mem>> -> memref<!tpu.dma_semaphore, #tpu.memory_space<semaphore_mem>>
        tpu.enqueue_indirect_dma source(%dma_start3A_173 : memref<67584x16xf32, #tpu.memory_space<hbm>>) target(%dma_start3A_169 : memref<1024x16xf32, #tpu.memory_space<vmem>>) offsets(%dma_start3A_170 : memref<1024xi32, #tpu.memory_space<vmem>>) semaphore(%dma_start3A_175 : memref<!tpu.dma_semaphore, #tpu.memory_space<semaphore_mem>>)
      } else {
      }
      %scan3A_90 = arith.constant 0 : i32
      %scan3A_91 = arith.constant 64 : i32
      %scan3A_92 = arith.addi %scan3A_90, %scan3A_91 : i32
      %scan3A_93 = arith.constant 1 : i32
      scf.for %scan3A_144 = %scan3A_90 to %scan3A_92 step %scan3A_93  : i32 {
        %mul3A_145 = arith.constant 1 : i32
        %mul3A_146 = arith.muli %scan3A_144, %mul3A_145 : i32
        %add3A_147 = arith.constant 0 : i32
        %add3A_148 = arith.addi %add3A_147, %mul3A_146 : i32
        %mul3A_149 = arith.constant 16 : i32
        %mul3A_150 = arith.muli %add3A_148, %mul3A_149 : i32
        %broadcast_in_dim3A = arith.constant 0.000000e+00 : f32
        %broadcast_in_dim3A_151 = vector.broadcast %broadcast_in_dim3A : f32 to vector<16xf32>
        %add3A_152 = arith.constant 0 : i32
        %add3A_153 = arith.addi %mul3A_150, %add3A_152 : i32
        %get3A = arith.constant 0 : i32
        %get3A_154 = arith.index_cast %get3A : i32 to index
        %get3A_155 = arith.index_cast %add3A_153 : i32 to index
        %get3A_156 = arith.constant 0 : index
        %get3A_157 = tpu.vector_load %arg9[%get3A_154, %get3A_155, %get3A_156] {strides = array<i32>} : memref<2x1024x16xf32, #tpu.memory_space<vmem>>, vector<16xf32>,
        %slice3A = vector.extract_strided_slice %get3A_157 {offsets = [0], sizes = [1], strides = [1]} : vector<16xf32> to vector<1xf32>
        %squeeze3A = vector.extract %slice3A[0] : f32 from vector<1xf32>
        %add3A_158 = arith.constant 0 : i32
        %add3A_159 = arith.addi %mul3A_150, %add3A_158 : i32
        %get3A_160 = arith.constant 0 : i32
        %get3A_161 = arith.index_cast %get3A_160 : i32 to index
        %get3A_162 = arith.index_cast %add3A_159 : i32 to index
        %get3A_163 = arith.constant 0 : index
        %get3A_164 = tpu.vector_load %arg8[%get3A_161, %get3A_162, %get3A_163] {strides = array<i32>} : memref<2x1024x16xf32, #tpu.memory_space<vmem>>, vector<16xf32>,
        %mul3A_165 = vector.broadcast %squeeze3A : f32 to vector<16xf32>
        %mul3A_166 = arith.mulf %mul3A_165, %get3A_164 : vector<16xf32>
        %add3A_167 = arith.addf %broadcast_in_dim3A_151, %mul3A_166 : vector<16xf32>
        %add3A_168 = arith.constant 1 : i32
        %add3A_169 = arith.addi %mul3A_150, %add3A_168 : i32
        %get3A_170 = arith.constant 0 : i32
        %get3A_171 = arith.index_cast %get3A_170 : i32 to index
        %get3A_172 = arith.index_cast %add3A_169 : i32 to index
        %get3A_173 = arith.constant 0 : index
        %get3A_174 = tpu.vector_load %arg9[%get3A_171, %get3A_172, %get3A_173] {strides = array<i32>} : memref<2x1024x16xf32, #tpu.memory_space<vmem>>, vector<16xf32>,
        %slice3A_175 = vector.extract_strided_slice %get3A_174 {offsets = [1], sizes = [1], strides = [1]} : vector<16xf32> to vector<1xf32>
        %squeeze3A_176 = vector.extract %slice3A_175[0] : f32 from vector<1xf32>
        %add3A_177 = arith.constant 1 : i32
        %add3A_178 = arith.addi %mul3A_150, %add3A_177 : i32
        %get3A_179 = arith.constant 0 : i32
        %get3A_180 = arith.index_cast %get3A_179 : i32 to index
        %get3A_181 = arith.index_cast %add3A_178 : i32 to index
        %get3A_182 = arith.constant 0 : index
        %get3A_183 = tpu.vector_load %arg8[%get3A_180, %get3A_181, %get3A_182] {strides = array<i32>} : memref<2x1024x16xf32, #tpu.memory_space<vmem>>, vector<16xf32>,
        %mul3A_184 = vector.broadcast %squeeze3A_176 : f32 to vector<16xf32>
        %mul3A_185 = arith.mulf %mul3A_184, %get3A_183 : vector<16xf32>
        %add3A_186 = arith.addf %add3A_167, %mul3A_185 : vector<16xf32>
        %add3A_187 = arith.constant 2 : i32
        %add3A_188 = arith.addi %mul3A_150, %add3A_187 : i32
        %get3A_189 = arith.constant 0 : i32
        %get3A_190 = arith.index_cast %get3A_189 : i32 to index
        %get3A_191 = arith.index_cast %add3A_188 : i32 to index
        %get3A_192 = arith.constant 0 : index
        %get3A_193 = tpu.vector_load %arg9[%get3A_190, %get3A_191, %get3A_192] {strides = array<i32>} : memref<2x1024x16xf32, #tpu.memory_space<vmem>>, vector<16xf32>,
        %slice3A_194 = vector.extract_strided_slice %get3A_193 {offsets = [2], sizes = [1], strides = [1]} : vector<16xf32> to vector<1xf32>
        %squeeze3A_195 = vector.extract %slice3A_194[0] : f32 from vector<1xf32>
        %add3A_196 = arith.constant 2 : i32
        %add3A_197 = arith.addi %mul3A_150, %add3A_196 : i32
        %get3A_198 = arith.constant 0 : i32
        %get3A_199 = arith.index_cast %get3A_198 : i32 to index
        %get3A_200 = arith.index_cast %add3A_197 : i32 to index
        %get3A_201 = arith.constant 0 : index
        %get3A_202 = tpu.vector_load %arg8[%get3A_199, %get3A_200, %get3A_201] {strides = array<i32>} : memref<2x1024x16xf32, #tpu.memory_space<vmem>>, vector<16xf32>,
        %mul3A_203 = vector.broadcast %squeeze3A_195 : f32 to vector<16xf32>
        %mul3A_204 = arith.mulf %mul3A_203, %get3A_202 : vector<16xf32>
        %add3A_205 = arith.addf %add3A_186, %mul3A_204 : vector<16xf32>
        %add3A_206 = arith.constant 3 : i32
        %add3A_207 = arith.addi %mul3A_150, %add3A_206 : i32
        %get3A_208 = arith.constant 0 : i32
        %get3A_209 = arith.index_cast %get3A_208 : i32 to index
        %get3A_210 = arith.index_cast %add3A_207 : i32 to index
        %get3A_211 = arith.constant 0 : index
        %get3A_212 = tpu.vector_load %arg9[%get3A_209, %get3A_210, %get3A_211] {strides = array<i32>} : memref<2x1024x16xf32, #tpu.memory_space<vmem>>, vector<16xf32>,
        %slice3A_213 = vector.extract_strided_slice %get3A_212 {offsets = [3], sizes = [1], strides = [1]} : vector<16xf32> to vector<1xf32>
        %squeeze3A_214 = vector.extract %slice3A_213[0] : f32 from vector<1xf32>
        %add3A_215 = arith.constant 3 : i32
        %add3A_216 = arith.addi %mul3A_150, %add3A_215 : i32
        %get3A_217 = arith.constant 0 : i32
        %get3A_218 = arith.index_cast %get3A_217 : i32 to index
        %get3A_219 = arith.index_cast %add3A_216 : i32 to index
        %get3A_220 = arith.constant 0 : index
        %get3A_221 = tpu.vector_load %arg8[%get3A_218, %get3A_219, %get3A_220] {strides = array<i32>} : memref<2x1024x16xf32, #tpu.memory_space<vmem>>, vector<16xf32>,
        %mul3A_222 = vector.broadcast %squeeze3A_214 : f32 to vector<16xf32>
        %mul3A_223 = arith.mulf %mul3A_222, %get3A_221 : vector<16xf32>
        %add3A_224 = arith.addf %add3A_205, %mul3A_223 : vector<16xf32>
        %add3A_225 = arith.constant 4 : i32
        %add3A_226 = arith.addi %mul3A_150, %add3A_225 : i32
        %get3A_227 = arith.constant 0 : i32
        %get3A_228 = arith.index_cast %get3A_227 : i32 to index
        %get3A_229 = arith.index_cast %add3A_226 : i32 to index
        %get3A_230 = arith.constant 0 : index
        %get3A_231 = tpu.vector_load %arg9[%get3A_228, %get3A_229, %get3A_230] {strides = array<i32>} : memref<2x1024x16xf32, #tpu.memory_space<vmem>>, vector<16xf32>,
        %slice3A_232 = vector.extract_strided_slice %get3A_231 {offsets = [4], sizes = [1], strides = [1]} : vector<16xf32> to vector<1xf32>
        %squeeze3A_233 = vector.extract %slice3A_232[0] : f32 from vector<1xf32>
        %add3A_234 = arith.constant 4 : i32
        %add3A_235 = arith.addi %mul3A_150, %add3A_234 : i32
        %get3A_236 = arith.constant 0 : i32
        %get3A_237 = arith.index_cast %get3A_236 : i32 to index
        %get3A_238 = arith.index_cast %add3A_235 : i32 to index
        %get3A_239 = arith.constant 0 : index
        %get3A_240 = tpu.vector_load %arg8[%get3A_237, %get3A_238, %get3A_239] {strides = array<i32>} : memref<2x1024x16xf32, #tpu.memory_space<vmem>>, vector<16xf32>,
        %mul3A_241 = vector.broadcast %squeeze3A_233 : f32 to vector<16xf32>
        %mul3A_242 = arith.mulf %mul3A_241, %get3A_240 : vector<16xf32>
        %add3A_243 = arith.addf %add3A_224, %mul3A_242 : vector<16xf32>
        %add3A_244 = arith.constant 5 : i32
        %add3A_245 = arith.addi %mul3A_150, %add3A_244 : i32
        %get3A_246 = arith.constant 0 : i32
        %get3A_247 = arith.index_cast %get3A_246 : i32 to index
        %get3A_248 = arith.index_cast %add3A_245 : i32 to index
        %get3A_249 = arith.constant 0 : index
        %get3A_250 = tpu.vector_load %arg9[%get3A_247, %get3A_248, %get3A_249] {strides = array<i32>} : memref<2x1024x16xf32, #tpu.memory_space<vmem>>, vector<16xf32>,
        %slice3A_251 = vector.extract_strided_slice %get3A_250 {offsets = [5], sizes = [1], strides = [1]} : vector<16xf32> to vector<1xf32>
        %squeeze3A_252 = vector.extract %slice3A_251[0] : f32 from vector<1xf32>
        %add3A_253 = arith.constant 5 : i32
        %add3A_254 = arith.addi %mul3A_150, %add3A_253 : i32
        %get3A_255 = arith.constant 0 : i32
        %get3A_256 = arith.index_cast %get3A_255 : i32 to index
        %get3A_257 = arith.index_cast %add3A_254 : i32 to index
        %get3A_258 = arith.constant 0 : index
        %get3A_259 = tpu.vector_load %arg8[%get3A_256, %get3A_257, %get3A_258] {strides = array<i32>} : memref<2x1024x16xf32, #tpu.memory_space<vmem>>, vector<16xf32>,
        %mul3A_260 = vector.broadcast %squeeze3A_252 : f32 to vector<16xf32>
        %mul3A_261 = arith.mulf %mul3A_260, %get3A_259 : vector<16xf32>
        %add3A_262 = arith.addf %add3A_243, %mul3A_261 : vector<16xf32>
        %add3A_263 = arith.constant 6 : i32
        %add3A_264 = arith.addi %mul3A_150, %add3A_263 : i32
        %get3A_265 = arith.constant 0 : i32
        %get3A_266 = arith.index_cast %get3A_265 : i32 to index
        %get3A_267 = arith.index_cast %add3A_264 : i32 to index
        %get3A_268 = arith.constant 0 : index
        %get3A_269 = tpu.vector_load %arg9[%get3A_266, %get3A_267, %get3A_268] {strides = array<i32>} : memref<2x1024x16xf32, #tpu.memory_space<vmem>>, vector<16xf32>,
        %slice3A_270 = vector.extract_strided_slice %get3A_269 {offsets = [6], sizes = [1], strides = [1]} : vector<16xf32> to vector<1xf32>
        %squeeze3A_271 = vector.extract %slice3A_270[0] : f32 from vector<1xf32>
        %add3A_272 = arith.constant 6 : i32
        %add3A_273 = arith.addi %mul3A_150, %add3A_272 : i32
        %get3A_274 = arith.constant 0 : i32
        %get3A_275 = arith.index_cast %get3A_274 : i32 to index
        %get3A_276 = arith.index_cast %add3A_273 : i32 to index
        %get3A_277 = arith.constant 0 : index
        %get3A_278 = tpu.vector_load %arg8[%get3A_275, %get3A_276, %get3A_277] {strides = array<i32>} : memref<2x1024x16xf32, #tpu.memory_space<vmem>>, vector<16xf32>,
        %mul3A_279 = vector.broadcast %squeeze3A_271 : f32 to vector<16xf32>
        %mul3A_280 = arith.mulf %mul3A_279, %get3A_278 : vector<16xf32>
        %add3A_281 = arith.addf %add3A_262, %mul3A_280 : vector<16xf32>
        %add3A_282 = arith.constant 7 : i32
        %add3A_283 = arith.addi %mul3A_150, %add3A_282 : i32
        %get3A_284 = arith.constant 0 : i32
        %get3A_285 = arith.index_cast %get3A_284 : i32 to index
        %get3A_286 = arith.index_cast %add3A_283 : i32 to index
        %get3A_287 = arith.constant 0 : index
        %get3A_288 = tpu.vector_load %arg9[%get3A_285, %get3A_286, %get3A_287] {strides = array<i32>} : memref<2x1024x16xf32, #tpu.memory_space<vmem>>, vector<16xf32>,
        %slice3A_289 = vector.extract_strided_slice %get3A_288 {offsets = [7], sizes = [1], strides = [1]} : vector<16xf32> to vector<1xf32>
        %squeeze3A_290 = vector.extract %slice3A_289[0] : f32 from vector<1xf32>
        %add3A_291 = arith.constant 7 : i32
        %add3A_292 = arith.addi %mul3A_150, %add3A_291 : i32
        %get3A_293 = arith.constant 0 : i32
        %get3A_294 = arith.index_cast %get3A_293 : i32 to index
        %get3A_295 = arith.index_cast %add3A_292 : i32 to index
        %get3A_296 = arith.constant 0 : index
        %get3A_297 = tpu.vector_load %arg8[%get3A_294, %get3A_295, %get3A_296] {strides = array<i32>} : memref<2x1024x16xf32, #tpu.memory_space<vmem>>, vector<16xf32>,
        %mul3A_298 = vector.broadcast %squeeze3A_290 : f32 to vector<16xf32>
        %mul3A_299 = arith.mulf %mul3A_298, %get3A_297 : vector<16xf32>
        %add3A_300 = arith.addf %add3A_281, %mul3A_299 : vector<16xf32>
        %add3A_301 = arith.constant 8 : i32
        %add3A_302 = arith.addi %mul3A_150, %add3A_301 : i32
        %get3A_303 = arith.constant 0 : i32
        %get3A_304 = arith.index_cast %get3A_303 : i32 to index
        %get3A_305 = arith.index_cast %add3A_302 : i32 to index
        %get3A_306 = arith.constant 0 : index
        %get3A_307 = tpu.vector_load %arg9[%get3A_304, %get3A_305, %get3A_306] {strides = array<i32>} : memref<2x1024x16xf32, #tpu.memory_space<vmem>>, vector<16xf32>,
        %slice3A_308 = vector.extract_strided_slice %get3A_307 {offsets = [8], sizes = [1], strides = [1]} : vector<16xf32> to vector<1xf32>
        %squeeze3A_309 = vector.extract %slice3A_308[0] : f32 from vector<1xf32>
        %add3A_310 = arith.constant 8 : i32
        %add3A_311 = arith.addi %mul3A_150, %add3A_310 : i32
        %get3A_312 = arith.constant 0 : i32
        %get3A_313 = arith.index_cast %get3A_312 : i32 to index
        %get3A_314 = arith.index_cast %add3A_311 : i32 to index
        %get3A_315 = arith.constant 0 : index
        %get3A_316 = tpu.vector_load %arg8[%get3A_313, %get3A_314, %get3A_315] {strides = array<i32>} : memref<2x1024x16xf32, #tpu.memory_space<vmem>>, vector<16xf32>,
        %mul3A_317 = vector.broadcast %squeeze3A_309 : f32 to vector<16xf32>
        %mul3A_318 = arith.mulf %mul3A_317, %get3A_316 : vector<16xf32>
        %add3A_319 = arith.addf %add3A_300, %mul3A_318 : vector<16xf32>
        %add3A_320 = arith.constant 9 : i32
        %add3A_321 = arith.addi %mul3A_150, %add3A_320 : i32
        %get3A_322 = arith.constant 0 : i32
        %get3A_323 = arith.index_cast %get3A_322 : i32 to index
        %get3A_324 = arith.index_cast %add3A_321 : i32 to index
        %get3A_325 = arith.constant 0 : index
        %get3A_326 = tpu.vector_load %arg9[%get3A_323, %get3A_324, %get3A_325] {strides = array<i32>} : memref<2x1024x16xf32, #tpu.memory_space<vmem>>, vector<16xf32>,
        %slice3A_327 = vector.extract_strided_slice %get3A_326 {offsets = [9], sizes = [1], strides = [1]} : vector<16xf32> to vector<1xf32>
        %squeeze3A_328 = vector.extract %slice3A_327[0] : f32 from vector<1xf32>
        %add3A_329 = arith.constant 9 : i32
        %add3A_330 = arith.addi %mul3A_150, %add3A_329 : i32
        %get3A_331 = arith.constant 0 : i32
        %get3A_332 = arith.index_cast %get3A_331 : i32 to index
        %get3A_333 = arith.index_cast %add3A_330 : i32 to index
        %get3A_334 = arith.constant 0 : index
        %get3A_335 = tpu.vector_load %arg8[%get3A_332, %get3A_333, %get3A_334] {strides = array<i32>} : memref<2x1024x16xf32, #tpu.memory_space<vmem>>, vector<16xf32>,
        %mul3A_336 = vector.broadcast %squeeze3A_328 : f32 to vector<16xf32>
        %mul3A_337 = arith.mulf %mul3A_336, %get3A_335 : vector<16xf32>
        %add3A_338 = arith.addf %add3A_319, %mul3A_337 : vector<16xf32>
        %add3A_339 = arith.constant 10 : i32
        %add3A_340 = arith.addi %mul3A_150, %add3A_339 : i32
        %get3A_341 = arith.constant 0 : i32
        %get3A_342 = arith.index_cast %get3A_341 : i32 to index
        %get3A_343 = arith.index_cast %add3A_340 : i32 to index
        %get3A_344 = arith.constant 0 : index
        %get3A_345 = tpu.vector_load %arg9[%get3A_342, %get3A_343, %get3A_344] {strides = array<i32>} : memref<2x1024x16xf32, #tpu.memory_space<vmem>>, vector<16xf32>,
        %slice3A_346 = vector.extract_strided_slice %get3A_345 {offsets = [10], sizes = [1], strides = [1]} : vector<16xf32> to vector<1xf32>
        %squeeze3A_347 = vector.extract %slice3A_346[0] : f32 from vector<1xf32>
        %add3A_348 = arith.constant 10 : i32
        %add3A_349 = arith.addi %mul3A_150, %add3A_348 : i32
        %get3A_350 = arith.constant 0 : i32
        %get3A_351 = arith.index_cast %get3A_350 : i32 to index
        %get3A_352 = arith.index_cast %add3A_349 : i32 to index
        %get3A_353 = arith.constant 0 : index
        %get3A_354 = tpu.vector_load %arg8[%get3A_351, %get3A_352, %get3A_353] {strides = array<i32>} : memref<2x1024x16xf32, #tpu.memory_space<vmem>>, vector<16xf32>,
        %mul3A_355 = vector.broadcast %squeeze3A_347 : f32 to vector<16xf32>
        %mul3A_356 = arith.mulf %mul3A_355, %get3A_354 : vector<16xf32>
        %add3A_357 = arith.addf %add3A_338, %mul3A_356 : vector<16xf32>
        %add3A_358 = arith.constant 11 : i32
        %add3A_359 = arith.addi %mul3A_150, %add3A_358 : i32
        %get3A_360 = arith.constant 0 : i32
        %get3A_361 = arith.index_cast %get3A_360 : i32 to index
        %get3A_362 = arith.index_cast %add3A_359 : i32 to index
        %get3A_363 = arith.constant 0 : index
        %get3A_364 = tpu.vector_load %arg9[%get3A_361, %get3A_362, %get3A_363] {strides = array<i32>} : memref<2x1024x16xf32, #tpu.memory_space<vmem>>, vector<16xf32>,
        %slice3A_365 = vector.extract_strided_slice %get3A_364 {offsets = [11], sizes = [1], strides = [1]} : vector<16xf32> to vector<1xf32>
        %squeeze3A_366 = vector.extract %slice3A_365[0] : f32 from vector<1xf32>
        %add3A_367 = arith.constant 11 : i32
        %add3A_368 = arith.addi %mul3A_150, %add3A_367 : i32
        %get3A_369 = arith.constant 0 : i32
        %get3A_370 = arith.index_cast %get3A_369 : i32 to index
        %get3A_371 = arith.index_cast %add3A_368 : i32 to index
        %get3A_372 = arith.constant 0 : index
        %get3A_373 = tpu.vector_load %arg8[%get3A_370, %get3A_371, %get3A_372] {strides = array<i32>} : memref<2x1024x16xf32, #tpu.memory_space<vmem>>, vector<16xf32>,
        %mul3A_374 = vector.broadcast %squeeze3A_366 : f32 to vector<16xf32>
        %mul3A_375 = arith.mulf %mul3A_374, %get3A_373 : vector<16xf32>
        %add3A_376 = arith.addf %add3A_357, %mul3A_375 : vector<16xf32>
        %add3A_377 = arith.constant 12 : i32
        %add3A_378 = arith.addi %mul3A_150, %add3A_377 : i32
        %get3A_379 = arith.constant 0 : i32
        %get3A_380 = arith.index_cast %get3A_379 : i32 to index
        %get3A_381 = arith.index_cast %add3A_378 : i32 to index
        %get3A_382 = arith.constant 0 : index
        %get3A_383 = tpu.vector_load %arg9[%get3A_380, %get3A_381, %get3A_382] {strides = array<i32>} : memref<2x1024x16xf32, #tpu.memory_space<vmem>>, vector<16xf32>,
        %slice3A_384 = vector.extract_strided_slice %get3A_383 {offsets = [12], sizes = [1], strides = [1]} : vector<16xf32> to vector<1xf32>
        %squeeze3A_385 = vector.extract %slice3A_384[0] : f32 from vector<1xf32>
        %add3A_386 = arith.constant 12 : i32
        %add3A_387 = arith.addi %mul3A_150, %add3A_386 : i32
        %get3A_388 = arith.constant 0 : i32
        %get3A_389 = arith.index_cast %get3A_388 : i32 to index
        %get3A_390 = arith.index_cast %add3A_387 : i32 to index
        %get3A_391 = arith.constant 0 : index
        %get3A_392 = tpu.vector_load %arg8[%get3A_389, %get3A_390, %get3A_391] {strides = array<i32>} : memref<2x1024x16xf32, #tpu.memory_space<vmem>>, vector<16xf32>,
        %mul3A_393 = vector.broadcast %squeeze3A_385 : f32 to vector<16xf32>
        %mul3A_394 = arith.mulf %mul3A_393, %get3A_392 : vector<16xf32>
        %add3A_395 = arith.addf %add3A_376, %mul3A_394 : vector<16xf32>
        %add3A_396 = arith.constant 13 : i32
        %add3A_397 = arith.addi %mul3A_150, %add3A_396 : i32
        %get3A_398 = arith.constant 0 : i32
        %get3A_399 = arith.index_cast %get3A_398 : i32 to index
        %get3A_400 = arith.index_cast %add3A_397 : i32 to index
        %get3A_401 = arith.constant 0 : index
        %get3A_402 = tpu.vector_load %arg9[%get3A_399, %get3A_400, %get3A_401] {strides = array<i32>} : memref<2x1024x16xf32, #tpu.memory_space<vmem>>, vector<16xf32>,
        %slice3A_403 = vector.extract_strided_slice %get3A_402 {offsets = [13], sizes = [1], strides = [1]} : vector<16xf32> to vector<1xf32>
        %squeeze3A_404 = vector.extract %slice3A_403[0] : f32 from vector<1xf32>
        %add3A_405 = arith.constant 13 : i32
        %add3A_406 = arith.addi %mul3A_150, %add3A_405 : i32
        %get3A_407 = arith.constant 0 : i32
        %get3A_408 = arith.index_cast %get3A_407 : i32 to index
        %get3A_409 = arith.index_cast %add3A_406 : i32 to index
        %get3A_410 = arith.constant 0 : index
        %get3A_411 = tpu.vector_load %arg8[%get3A_408, %get3A_409, %get3A_410] {strides = array<i32>} : memref<2x1024x16xf32, #tpu.memory_space<vmem>>, vector<16xf32>,
        %mul3A_412 = vector.broadcast %squeeze3A_404 : f32 to vector<16xf32>
        %mul3A_413 = arith.mulf %mul3A_412, %get3A_411 : vector<16xf32>
        %add3A_414 = arith.addf %add3A_395, %mul3A_413 : vector<16xf32>
        %add3A_415 = arith.constant 14 : i32
        %add3A_416 = arith.addi %mul3A_150, %add3A_415 : i32
        %get3A_417 = arith.constant 0 : i32
        %get3A_418 = arith.index_cast %get3A_417 : i32 to index
        %get3A_419 = arith.index_cast %add3A_416 : i32 to index
        %get3A_420 = arith.constant 0 : index
        %get3A_421 = tpu.vector_load %arg9[%get3A_418, %get3A_419, %get3A_420] {strides = array<i32>} : memref<2x1024x16xf32, #tpu.memory_space<vmem>>, vector<16xf32>,
        %slice3A_422 = vector.extract_strided_slice %get3A_421 {offsets = [14], sizes = [1], strides = [1]} : vector<16xf32> to vector<1xf32>
        %squeeze3A_423 = vector.extract %slice3A_422[0] : f32 from vector<1xf32>
        %add3A_424 = arith.constant 14 : i32
        %add3A_425 = arith.addi %mul3A_150, %add3A_424 : i32
        %get3A_426 = arith.constant 0 : i32
        %get3A_427 = arith.index_cast %get3A_426 : i32 to index
        %get3A_428 = arith.index_cast %add3A_425 : i32 to index
        %get3A_429 = arith.constant 0 : index
        %get3A_430 = tpu.vector_load %arg8[%get3A_427, %get3A_428, %get3A_429] {strides = array<i32>} : memref<2x1024x16xf32, #tpu.memory_space<vmem>>, vector<16xf32>,
        %mul3A_431 = vector.broadcast %squeeze3A_423 : f32 to vector<16xf32>
        %mul3A_432 = arith.mulf %mul3A_431, %get3A_430 : vector<16xf32>
        %add3A_433 = arith.addf %add3A_414, %mul3A_432 : vector<16xf32>
        %add3A_434 = arith.constant 15 : i32
        %add3A_435 = arith.addi %mul3A_150, %add3A_434 : i32
        %get3A_436 = arith.constant 0 : i32
        %get3A_437 = arith.index_cast %get3A_436 : i32 to index
        %get3A_438 = arith.index_cast %add3A_435 : i32 to index
        %get3A_439 = arith.constant 0 : index
        %get3A_440 = tpu.vector_load %arg9[%get3A_437, %get3A_438, %get3A_439] {strides = array<i32>} : memref<2x1024x16xf32, #tpu.memory_space<vmem>>, vector<16xf32>,
        %slice3A_441 = vector.extract_strided_slice %get3A_440 {offsets = [15], sizes = [1], strides = [1]} : vector<16xf32> to vector<1xf32>
        %squeeze3A_442 = vector.extract %slice3A_441[0] : f32 from vector<1xf32>
        %add3A_443 = arith.constant 15 : i32
        %add3A_444 = arith.addi %mul3A_150, %add3A_443 : i32
        %get3A_445 = arith.constant 0 : i32
        %get3A_446 = arith.index_cast %get3A_445 : i32 to index
        %get3A_447 = arith.index_cast %add3A_444 : i32 to index
        %get3A_448 = arith.constant 0 : index
        %get3A_449 = tpu.vector_load %arg8[%get3A_446, %get3A_447, %get3A_448] {strides = array<i32>} : memref<2x1024x16xf32, #tpu.memory_space<vmem>>, vector<16xf32>,
        %mul3A_450 = vector.broadcast %squeeze3A_442 : f32 to vector<16xf32>
        %mul3A_451 = arith.mulf %mul3A_450, %get3A_449 : vector<16xf32>
        %add3A_452 = arith.addf %add3A_433, %mul3A_451 : vector<16xf32>
        %add3A_453 = arith.constant 0 : i32
        %add3A_454 = arith.addi %add3A_453, %add3A_148 : i32
        %broadcast_in_dim3A_455 = vector.broadcast %add3A_454 : i32 to vector<16xi32>
        tpu.vector_store_idx %arg10[%iota3A, %broadcast_in_dim3A_455], %add3A_452 : memref<16x128xf32, #tpu.memory_space<vmem>>[vector<16xi32>, vector<16xi32>], vector<16xf32>,
      }
      %scan3A_94 = arith.constant 64 : i32
      %mul3A_95 = arith.constant 2 : i32
      %mul3A_96 = arith.muli %add3A_52, %mul3A_95 : i32
      %add3A_97 = arith.constant 1 : i32
      %add3A_98 = arith.addi %mul3A_96, %add3A_97 : i32
      %mul3A_99 = arith.constant 64 : i32
      %mul3A_100 = arith.muli %add3A_98, %mul3A_99 : i32
      %mul3A_101 = arith.constant 16 : i32
      %mul3A_102 = arith.muli %mul3A_100, %mul3A_101 : i32
      %dma_wait3A_103 = arith.constant 1 : i32
      %dma_wait3A_104 = arith.constant 1 : i32
      %dma_wait3A_105 = arith.constant 0 : i32
      %dma_wait3A_106 = arith.constant 0 : i32
      %dma_wait3A_107 = arith.constant 0 : i32
      %dma_wait3A_108 = tpu.memref_slice %arg8[%dma_wait3A_103, %dma_wait3A_106, %dma_wait3A_107] : memref<2x1024x16xf32, #tpu.memory_space<vmem>> -> memref<1x1024x16xf32, #tpu.memory_space<vmem>>
      %dma_wait3A_109 = tpu.memref_squeeze %dma_wait3A_108 : memref<1x1024x16xf32, #tpu.memory_space<vmem>> -> memref<1024x16xf32, #tpu.memory_space<vmem>>
      %dma_wait3A_110 = tpu.memref_slice %arg6[%mul3A_102] : memref<32768xi32, #tpu.memory_space<vmem>> -> memref<1024xi32, #tpu.memory_space<vmem>>
      %dma_wait3A_111 = arith.constant 0 : i32
      %dma_wait3A_112 = arith.constant 0 : i32
      %dma_wait3A_113 = tpu.memref_slice %arg3[%dma_wait3A_111, %dma_wait3A_112] : memref<67584x16xf32, #tpu.memory_space<hbm>> -> memref<67584x16xf32, #tpu.memory_space<hbm>>
      %dma_wait3A_114 = tpu.memref_slice %arg11[%dma_wait3A_104, %dma_wait3A_105] : memref<2x2x!tpu.dma_semaphore, #tpu.memory_space<semaphore_mem>> -> memref<1x1x!tpu.dma_semaphore, #tpu.memory_space<semaphore_mem>>
      %dma_wait3A_115 = tpu.memref_squeeze %dma_wait3A_114 : memref<1x1x!tpu.dma_semaphore, #tpu.memory_space<semaphore_mem>> -> memref<!tpu.dma_semaphore, #tpu.memory_space<semaphore_mem>>
      tpu.wait_indirect_dma semaphore(%dma_wait3A_115 : memref<!tpu.dma_semaphore, #tpu.memory_space<semaphore_mem>>) src(%dma_wait3A_113 : memref<67584x16xf32, #tpu.memory_space<hbm>>) dst(%dma_wait3A_109 : memref<1024x16xf32, #tpu.memory_space<vmem>>)
      %dma_wait3A_116 = arith.constant 1 : i32
      %dma_wait3A_117 = arith.constant 1 : i32
      %dma_wait3A_118 = arith.constant 1 : i32
      %dma_wait3A_119 = arith.constant 0 : i32
      %dma_wait3A_120 = arith.constant 0 : i32
      %dma_wait3A_121 = tpu.memref_slice %arg9[%dma_wait3A_116, %dma_wait3A_119, %dma_wait3A_120] : memref<2x1024x16xf32, #tpu.memory_space<vmem>> -> memref<1x1024x16xf32, #tpu.memory_space<vmem>>
      %dma_wait3A_122 = tpu.memref_squeeze %dma_wait3A_121 : memref<1x1024x16xf32, #tpu.memory_space<vmem>> -> memref<1024x16xf32, #tpu.memory_space<vmem>>
      %dma_wait3A_123 = tpu.memref_slice %arg6[%mul3A_102] : memref<32768xi32, #tpu.memory_space<vmem>> -> memref<1024xi32, #tpu.memory_space<vmem>>
      %dma_wait3A_124 = arith.constant 0 : i32
      %dma_wait3A_125 = arith.constant 0 : i32
      %dma_wait3A_126 = tpu.memref_slice %arg4[%dma_wait3A_124, %dma_wait3A_125] : memref<67584x16xf32, #tpu.memory_space<hbm>> -> memref<67584x16xf32, #tpu.memory_space<hbm>>
      %dma_wait3A_127 = tpu.memref_slice %arg11[%dma_wait3A_117, %dma_wait3A_118] : memref<2x2x!tpu.dma_semaphore, #tpu.memory_space<semaphore_mem>> -> memref<1x1x!tpu.dma_semaphore, #tpu.memory_space<semaphore_mem>>
      %dma_wait3A_128 = tpu.memref_squeeze %dma_wait3A_127 : memref<1x1x!tpu.dma_semaphore, #tpu.memory_space<semaphore_mem>> -> memref<!tpu.dma_semaphore, #tpu.memory_space<semaphore_mem>>
      tpu.wait_indirect_dma semaphore(%dma_wait3A_128 : memref<!tpu.dma_semaphore, #tpu.memory_space<semaphore_mem>>) src(%dma_wait3A_126 : memref<67584x16xf32, #tpu.memory_space<hbm>>) dst(%dma_wait3A_122 : memref<1024x16xf32, #tpu.memory_space<vmem>>)
      %add3A_129 = arith.constant 1 : i32
      %add3A_130 = arith.addi %add3A_98, %add3A_129 : i32
      %lt3A_131 = arith.constant 32 : i32
      %lt3A_132 = arith.cmpi slt, %add3A_130, %lt3A_131 : i32
      %convert_element_type3A_133 = arith.extui %lt3A_132 : i1 to i32
      %cond3A_134 = arith.constant 0 : i32
      %cond3A_135 = arith.cmpi ne, %convert_element_type3A_133, %cond3A_134 : i32
      scf.if %cond3A_135 {
        %add3A_144 = arith.constant 1 : i32
        %add3A_145 = arith.addi %add3A_98, %add3A_144 : i32
        %mul3A_146 = arith.constant 64 : i32
        %mul3A_147 = arith.muli %add3A_145, %mul3A_146 : i32
        %mul3A_148 = arith.constant 16 : i32
        %mul3A_149 = arith.muli %mul3A_147, %mul3A_148 : i32
        %dma_start3A_150 = arith.constant 0 : i32
        %dma_start3A_151 = arith.constant 0 : i32
        %dma_start3A_152 = arith.constant 0 : i32
        %dma_start3A_153 = arith.constant 0 : i32
        %dma_start3A_154 = arith.constant 0 : i32
        %dma_start3A_155 = tpu.memref_slice %arg8[%dma_start3A_150, %dma_start3A_153, %dma_start3A_154] : memref<2x1024x16xf32, #tpu.memory_space<vmem>> -> memref<1x1024x16xf32, #tpu.memory_space<vmem>>
        %dma_start3A_156 = tpu.memref_squeeze %dma_start3A_155 : memref<1x1024x16xf32, #tpu.memory_space<vmem>> -> memref<1024x16xf32, #tpu.memory_space<vmem>>
        %dma_start3A_157 = tpu.memref_slice %arg6[%mul3A_149] : memref<32768xi32, #tpu.memory_space<vmem>> -> memref<1024xi32, #tpu.memory_space<vmem>>
        %dma_start3A_158 = arith.constant 0 : i32
        %dma_start3A_159 = arith.constant 0 : i32
        %dma_start3A_160 = tpu.memref_slice %arg3[%dma_start3A_158, %dma_start3A_159] : memref<67584x16xf32, #tpu.memory_space<hbm>> -> memref<67584x16xf32, #tpu.memory_space<hbm>>
        %dma_start3A_161 = tpu.memref_slice %arg11[%dma_start3A_151, %dma_start3A_152] : memref<2x2x!tpu.dma_semaphore, #tpu.memory_space<semaphore_mem>> -> memref<1x1x!tpu.dma_semaphore, #tpu.memory_space<semaphore_mem>>
        %dma_start3A_162 = tpu.memref_squeeze %dma_start3A_161 : memref<1x1x!tpu.dma_semaphore, #tpu.memory_space<semaphore_mem>> -> memref<!tpu.dma_semaphore, #tpu.memory_space<semaphore_mem>>
        tpu.enqueue_indirect_dma source(%dma_start3A_160 : memref<67584x16xf32, #tpu.memory_space<hbm>>) target(%dma_start3A_156 : memref<1024x16xf32, #tpu.memory_space<vmem>>) offsets(%dma_start3A_157 : memref<1024xi32, #tpu.memory_space<vmem>>) semaphore(%dma_start3A_162 : memref<!tpu.dma_semaphore, #tpu.memory_space<semaphore_mem>>)
        %dma_start3A_163 = arith.constant 0 : i32
        %dma_start3A_164 = arith.constant 0 : i32
        %dma_start3A_165 = arith.constant 1 : i32
        %dma_start3A_166 = arith.constant 0 : i32
        %dma_start3A_167 = arith.constant 0 : i32
        %dma_start3A_168 = tpu.memref_slice %arg9[%dma_start3A_163, %dma_start3A_166, %dma_start3A_167] : memref<2x1024x16xf32, #tpu.memory_space<vmem>> -> memref<1x1024x16xf32, #tpu.memory_space<vmem>>
        %dma_start3A_169 = tpu.memref_squeeze %dma_start3A_168 : memref<1x1024x16xf32, #tpu.memory_space<vmem>> -> memref<1024x16xf32, #tpu.memory_space<vmem>>
        %dma_start3A_170 = tpu.memref_slice %arg6[%mul3A_149] : memref<32768xi32, #tpu.memory_space<vmem>> -> memref<1024xi32, #tpu.memory_space<vmem>>
        %dma_start3A_171 = arith.constant 0 : i32
        %dma_start3A_172 = arith.constant 0 : i32
        %dma_start3A_173 = tpu.memref_slice %arg4[%dma_start3A_171, %dma_start3A_172] : memref<67584x16xf32, #tpu.memory_space<hbm>> -> memref<67584x16xf32, #tpu.memory_space<hbm>>
        %dma_start3A_174 = tpu.memref_slice %arg11[%dma_start3A_164, %dma_start3A_165] : memref<2x2x!tpu.dma_semaphore, #tpu.memory_space<semaphore_mem>> -> memref<1x1x!tpu.dma_semaphore, #tpu.memory_space<semaphore_mem>>
        %dma_start3A_175 = tpu.memref_squeeze %dma_start3A_174 : memref<1x1x!tpu.dma_semaphore, #tpu.memory_space<semaphore_mem>> -> memref<!tpu.dma_semaphore, #tpu.memory_space<semaphore_mem>>
        tpu.enqueue_indirect_dma source(%dma_start3A_173 : memref<67584x16xf32, #tpu.memory_space<hbm>>) target(%dma_start3A_169 : memref<1024x16xf32, #tpu.memory_space<vmem>>) offsets(%dma_start3A_170 : memref<1024xi32, #tpu.memory_space<vmem>>) semaphore(%dma_start3A_175 : memref<!tpu.dma_semaphore, #tpu.memory_space<semaphore_mem>>)
      } else {
      }
      %scan3A_136 = arith.constant 0 : i32
      %scan3A_137 = arith.constant 64 : i32
      %scan3A_138 = arith.addi %scan3A_136, %scan3A_137 : i32
      %scan3A_139 = arith.constant 1 : i32
      scf.for %scan3A_144 = %scan3A_136 to %scan3A_138 step %scan3A_139  : i32 {
        %mul3A_145 = arith.constant 1 : i32
        %mul3A_146 = arith.muli %scan3A_144, %mul3A_145 : i32
        %add3A_147 = arith.constant 0 : i32
        %add3A_148 = arith.addi %add3A_147, %mul3A_146 : i32
        %mul3A_149 = arith.constant 16 : i32
        %mul3A_150 = arith.muli %add3A_148, %mul3A_149 : i32
        %broadcast_in_dim3A = arith.constant 0.000000e+00 : f32
        %broadcast_in_dim3A_151 = vector.broadcast %broadcast_in_dim3A : f32 to vector<16xf32>
        %add3A_152 = arith.constant 0 : i32
        %add3A_153 = arith.addi %mul3A_150, %add3A_152 : i32
        %get3A = arith.constant 1 : i32
        %get3A_154 = arith.index_cast %get3A : i32 to index
        %get3A_155 = arith.index_cast %add3A_153 : i32 to index
        %get3A_156 = arith.constant 0 : index
        %get3A_157 = tpu.vector_load %arg9[%get3A_154, %get3A_155, %get3A_156] {strides = array<i32>} : memref<2x1024x16xf32, #tpu.memory_space<vmem>>, vector<16xf32>,
        %slice3A = vector.extract_strided_slice %get3A_157 {offsets = [0], sizes = [1], strides = [1]} : vector<16xf32> to vector<1xf32>
        %squeeze3A = vector.extract %slice3A[0] : f32 from vector<1xf32>
        %add3A_158 = arith.constant 0 : i32
        %add3A_159 = arith.addi %mul3A_150, %add3A_158 : i32
        %get3A_160 = arith.constant 1 : i32
        %get3A_161 = arith.index_cast %get3A_160 : i32 to index
        %get3A_162 = arith.index_cast %add3A_159 : i32 to index
        %get3A_163 = arith.constant 0 : index
        %get3A_164 = tpu.vector_load %arg8[%get3A_161, %get3A_162, %get3A_163] {strides = array<i32>} : memref<2x1024x16xf32, #tpu.memory_space<vmem>>, vector<16xf32>,
        %mul3A_165 = vector.broadcast %squeeze3A : f32 to vector<16xf32>
        %mul3A_166 = arith.mulf %mul3A_165, %get3A_164 : vector<16xf32>
        %add3A_167 = arith.addf %broadcast_in_dim3A_151, %mul3A_166 : vector<16xf32>
        %add3A_168 = arith.constant 1 : i32
        %add3A_169 = arith.addi %mul3A_150, %add3A_168 : i32
        %get3A_170 = arith.constant 1 : i32
        %get3A_171 = arith.index_cast %get3A_170 : i32 to index
        %get3A_172 = arith.index_cast %add3A_169 : i32 to index
        %get3A_173 = arith.constant 0 : index
        %get3A_174 = tpu.vector_load %arg9[%get3A_171, %get3A_172, %get3A_173] {strides = array<i32>} : memref<2x1024x16xf32, #tpu.memory_space<vmem>>, vector<16xf32>,
        %slice3A_175 = vector.extract_strided_slice %get3A_174 {offsets = [1], sizes = [1], strides = [1]} : vector<16xf32> to vector<1xf32>
        %squeeze3A_176 = vector.extract %slice3A_175[0] : f32 from vector<1xf32>
        %add3A_177 = arith.constant 1 : i32
        %add3A_178 = arith.addi %mul3A_150, %add3A_177 : i32
        %get3A_179 = arith.constant 1 : i32
        %get3A_180 = arith.index_cast %get3A_179 : i32 to index
        %get3A_181 = arith.index_cast %add3A_178 : i32 to index
        %get3A_182 = arith.constant 0 : index
        %get3A_183 = tpu.vector_load %arg8[%get3A_180, %get3A_181, %get3A_182] {strides = array<i32>} : memref<2x1024x16xf32, #tpu.memory_space<vmem>>, vector<16xf32>,
        %mul3A_184 = vector.broadcast %squeeze3A_176 : f32 to vector<16xf32>
        %mul3A_185 = arith.mulf %mul3A_184, %get3A_183 : vector<16xf32>
        %add3A_186 = arith.addf %add3A_167, %mul3A_185 : vector<16xf32>
        %add3A_187 = arith.constant 2 : i32
        %add3A_188 = arith.addi %mul3A_150, %add3A_187 : i32
        %get3A_189 = arith.constant 1 : i32
        %get3A_190 = arith.index_cast %get3A_189 : i32 to index
        %get3A_191 = arith.index_cast %add3A_188 : i32 to index
        %get3A_192 = arith.constant 0 : index
        %get3A_193 = tpu.vector_load %arg9[%get3A_190, %get3A_191, %get3A_192] {strides = array<i32>} : memref<2x1024x16xf32, #tpu.memory_space<vmem>>, vector<16xf32>,
        %slice3A_194 = vector.extract_strided_slice %get3A_193 {offsets = [2], sizes = [1], strides = [1]} : vector<16xf32> to vector<1xf32>
        %squeeze3A_195 = vector.extract %slice3A_194[0] : f32 from vector<1xf32>
        %add3A_196 = arith.constant 2 : i32
        %add3A_197 = arith.addi %mul3A_150, %add3A_196 : i32
        %get3A_198 = arith.constant 1 : i32
        %get3A_199 = arith.index_cast %get3A_198 : i32 to index
        %get3A_200 = arith.index_cast %add3A_197 : i32 to index
        %get3A_201 = arith.constant 0 : index
        %get3A_202 = tpu.vector_load %arg8[%get3A_199, %get3A_200, %get3A_201] {strides = array<i32>} : memref<2x1024x16xf32, #tpu.memory_space<vmem>>, vector<16xf32>,
        %mul3A_203 = vector.broadcast %squeeze3A_195 : f32 to vector<16xf32>
        %mul3A_204 = arith.mulf %mul3A_203, %get3A_202 : vector<16xf32>
        %add3A_205 = arith.addf %add3A_186, %mul3A_204 : vector<16xf32>
        %add3A_206 = arith.constant 3 : i32
        %add3A_207 = arith.addi %mul3A_150, %add3A_206 : i32
        %get3A_208 = arith.constant 1 : i32
        %get3A_209 = arith.index_cast %get3A_208 : i32 to index
        %get3A_210 = arith.index_cast %add3A_207 : i32 to index
        %get3A_211 = arith.constant 0 : index
        %get3A_212 = tpu.vector_load %arg9[%get3A_209, %get3A_210, %get3A_211] {strides = array<i32>} : memref<2x1024x16xf32, #tpu.memory_space<vmem>>, vector<16xf32>,
        %slice3A_213 = vector.extract_strided_slice %get3A_212 {offsets = [3], sizes = [1], strides = [1]} : vector<16xf32> to vector<1xf32>
        %squeeze3A_214 = vector.extract %slice3A_213[0] : f32 from vector<1xf32>
        %add3A_215 = arith.constant 3 : i32
        %add3A_216 = arith.addi %mul3A_150, %add3A_215 : i32
        %get3A_217 = arith.constant 1 : i32
        %get3A_218 = arith.index_cast %get3A_217 : i32 to index
        %get3A_219 = arith.index_cast %add3A_216 : i32 to index
        %get3A_220 = arith.constant 0 : index
        %get3A_221 = tpu.vector_load %arg8[%get3A_218, %get3A_219, %get3A_220] {strides = array<i32>} : memref<2x1024x16xf32, #tpu.memory_space<vmem>>, vector<16xf32>,
        %mul3A_222 = vector.broadcast %squeeze3A_214 : f32 to vector<16xf32>
        %mul3A_223 = arith.mulf %mul3A_222, %get3A_221 : vector<16xf32>
        %add3A_224 = arith.addf %add3A_205, %mul3A_223 : vector<16xf32>
        %add3A_225 = arith.constant 4 : i32
        %add3A_226 = arith.addi %mul3A_150, %add3A_225 : i32
        %get3A_227 = arith.constant 1 : i32
        %get3A_228 = arith.index_cast %get3A_227 : i32 to index
        %get3A_229 = arith.index_cast %add3A_226 : i32 to index
        %get3A_230 = arith.constant 0 : index
        %get3A_231 = tpu.vector_load %arg9[%get3A_228, %get3A_229, %get3A_230] {strides = array<i32>} : memref<2x1024x16xf32, #tpu.memory_space<vmem>>, vector<16xf32>,
        %slice3A_232 = vector.extract_strided_slice %get3A_231 {offsets = [4], sizes = [1], strides = [1]} : vector<16xf32> to vector<1xf32>
        %squeeze3A_233 = vector.extract %slice3A_232[0] : f32 from vector<1xf32>
        %add3A_234 = arith.constant 4 : i32
        %add3A_235 = arith.addi %mul3A_150, %add3A_234 : i32
        %get3A_236 = arith.constant 1 : i32
        %get3A_237 = arith.index_cast %get3A_236 : i32 to index
        %get3A_238 = arith.index_cast %add3A_235 : i32 to index
        %get3A_239 = arith.constant 0 : index
        %get3A_240 = tpu.vector_load %arg8[%get3A_237, %get3A_238, %get3A_239] {strides = array<i32>} : memref<2x1024x16xf32, #tpu.memory_space<vmem>>, vector<16xf32>,
        %mul3A_241 = vector.broadcast %squeeze3A_233 : f32 to vector<16xf32>
        %mul3A_242 = arith.mulf %mul3A_241, %get3A_240 : vector<16xf32>
        %add3A_243 = arith.addf %add3A_224, %mul3A_242 : vector<16xf32>
        %add3A_244 = arith.constant 5 : i32
        %add3A_245 = arith.addi %mul3A_150, %add3A_244 : i32
        %get3A_246 = arith.constant 1 : i32
        %get3A_247 = arith.index_cast %get3A_246 : i32 to index
        %get3A_248 = arith.index_cast %add3A_245 : i32 to index
        %get3A_249 = arith.constant 0 : index
        %get3A_250 = tpu.vector_load %arg9[%get3A_247, %get3A_248, %get3A_249] {strides = array<i32>} : memref<2x1024x16xf32, #tpu.memory_space<vmem>>, vector<16xf32>,
        %slice3A_251 = vector.extract_strided_slice %get3A_250 {offsets = [5], sizes = [1], strides = [1]} : vector<16xf32> to vector<1xf32>
        %squeeze3A_252 = vector.extract %slice3A_251[0] : f32 from vector<1xf32>
        %add3A_253 = arith.constant 5 : i32
        %add3A_254 = arith.addi %mul3A_150, %add3A_253 : i32
        %get3A_255 = arith.constant 1 : i32
        %get3A_256 = arith.index_cast %get3A_255 : i32 to index
        %get3A_257 = arith.index_cast %add3A_254 : i32 to index
        %get3A_258 = arith.constant 0 : index
        %get3A_259 = tpu.vector_load %arg8[%get3A_256, %get3A_257, %get3A_258] {strides = array<i32>} : memref<2x1024x16xf32, #tpu.memory_space<vmem>>, vector<16xf32>,
        %mul3A_260 = vector.broadcast %squeeze3A_252 : f32 to vector<16xf32>
        %mul3A_261 = arith.mulf %mul3A_260, %get3A_259 : vector<16xf32>
        %add3A_262 = arith.addf %add3A_243, %mul3A_261 : vector<16xf32>
        %add3A_263 = arith.constant 6 : i32
        %add3A_264 = arith.addi %mul3A_150, %add3A_263 : i32
        %get3A_265 = arith.constant 1 : i32
        %get3A_266 = arith.index_cast %get3A_265 : i32 to index
        %get3A_267 = arith.index_cast %add3A_264 : i32 to index
        %get3A_268 = arith.constant 0 : index
        %get3A_269 = tpu.vector_load %arg9[%get3A_266, %get3A_267, %get3A_268] {strides = array<i32>} : memref<2x1024x16xf32, #tpu.memory_space<vmem>>, vector<16xf32>,
        %slice3A_270 = vector.extract_strided_slice %get3A_269 {offsets = [6], sizes = [1], strides = [1]} : vector<16xf32> to vector<1xf32>
        %squeeze3A_271 = vector.extract %slice3A_270[0] : f32 from vector<1xf32>
        %add3A_272 = arith.constant 6 : i32
        %add3A_273 = arith.addi %mul3A_150, %add3A_272 : i32
        %get3A_274 = arith.constant 1 : i32
        %get3A_275 = arith.index_cast %get3A_274 : i32 to index
        %get3A_276 = arith.index_cast %add3A_273 : i32 to index
        %get3A_277 = arith.constant 0 : index
        %get3A_278 = tpu.vector_load %arg8[%get3A_275, %get3A_276, %get3A_277] {strides = array<i32>} : memref<2x1024x16xf32, #tpu.memory_space<vmem>>, vector<16xf32>,
        %mul3A_279 = vector.broadcast %squeeze3A_271 : f32 to vector<16xf32>
        %mul3A_280 = arith.mulf %mul3A_279, %get3A_278 : vector<16xf32>
        %add3A_281 = arith.addf %add3A_262, %mul3A_280 : vector<16xf32>
        %add3A_282 = arith.constant 7 : i32
        %add3A_283 = arith.addi %mul3A_150, %add3A_282 : i32
        %get3A_284 = arith.constant 1 : i32
        %get3A_285 = arith.index_cast %get3A_284 : i32 to index
        %get3A_286 = arith.index_cast %add3A_283 : i32 to index
        %get3A_287 = arith.constant 0 : index
        %get3A_288 = tpu.vector_load %arg9[%get3A_285, %get3A_286, %get3A_287] {strides = array<i32>} : memref<2x1024x16xf32, #tpu.memory_space<vmem>>, vector<16xf32>,
        %slice3A_289 = vector.extract_strided_slice %get3A_288 {offsets = [7], sizes = [1], strides = [1]} : vector<16xf32> to vector<1xf32>
        %squeeze3A_290 = vector.extract %slice3A_289[0] : f32 from vector<1xf32>
        %add3A_291 = arith.constant 7 : i32
        %add3A_292 = arith.addi %mul3A_150, %add3A_291 : i32
        %get3A_293 = arith.constant 1 : i32
        %get3A_294 = arith.index_cast %get3A_293 : i32 to index
        %get3A_295 = arith.index_cast %add3A_292 : i32 to index
        %get3A_296 = arith.constant 0 : index
        %get3A_297 = tpu.vector_load %arg8[%get3A_294, %get3A_295, %get3A_296] {strides = array<i32>} : memref<2x1024x16xf32, #tpu.memory_space<vmem>>, vector<16xf32>,
        %mul3A_298 = vector.broadcast %squeeze3A_290 : f32 to vector<16xf32>
        %mul3A_299 = arith.mulf %mul3A_298, %get3A_297 : vector<16xf32>
        %add3A_300 = arith.addf %add3A_281, %mul3A_299 : vector<16xf32>
        %add3A_301 = arith.constant 8 : i32
        %add3A_302 = arith.addi %mul3A_150, %add3A_301 : i32
        %get3A_303 = arith.constant 1 : i32
        %get3A_304 = arith.index_cast %get3A_303 : i32 to index
        %get3A_305 = arith.index_cast %add3A_302 : i32 to index
        %get3A_306 = arith.constant 0 : index
        %get3A_307 = tpu.vector_load %arg9[%get3A_304, %get3A_305, %get3A_306] {strides = array<i32>} : memref<2x1024x16xf32, #tpu.memory_space<vmem>>, vector<16xf32>,
        %slice3A_308 = vector.extract_strided_slice %get3A_307 {offsets = [8], sizes = [1], strides = [1]} : vector<16xf32> to vector<1xf32>
        %squeeze3A_309 = vector.extract %slice3A_308[0] : f32 from vector<1xf32>
        %add3A_310 = arith.constant 8 : i32
        %add3A_311 = arith.addi %mul3A_150, %add3A_310 : i32
        %get3A_312 = arith.constant 1 : i32
        %get3A_313 = arith.index_cast %get3A_312 : i32 to index
        %get3A_314 = arith.index_cast %add3A_311 : i32 to index
        %get3A_315 = arith.constant 0 : index
        %get3A_316 = tpu.vector_load %arg8[%get3A_313, %get3A_314, %get3A_315] {strides = array<i32>} : memref<2x1024x16xf32, #tpu.memory_space<vmem>>, vector<16xf32>,
        %mul3A_317 = vector.broadcast %squeeze3A_309 : f32 to vector<16xf32>
        %mul3A_318 = arith.mulf %mul3A_317, %get3A_316 : vector<16xf32>
        %add3A_319 = arith.addf %add3A_300, %mul3A_318 : vector<16xf32>
        %add3A_320 = arith.constant 9 : i32
        %add3A_321 = arith.addi %mul3A_150, %add3A_320 : i32
        %get3A_322 = arith.constant 1 : i32
        %get3A_323 = arith.index_cast %get3A_322 : i32 to index
        %get3A_324 = arith.index_cast %add3A_321 : i32 to index
        %get3A_325 = arith.constant 0 : index
        %get3A_326 = tpu.vector_load %arg9[%get3A_323, %get3A_324, %get3A_325] {strides = array<i32>} : memref<2x1024x16xf32, #tpu.memory_space<vmem>>, vector<16xf32>,
        %slice3A_327 = vector.extract_strided_slice %get3A_326 {offsets = [9], sizes = [1], strides = [1]} : vector<16xf32> to vector<1xf32>
        %squeeze3A_328 = vector.extract %slice3A_327[0] : f32 from vector<1xf32>
        %add3A_329 = arith.constant 9 : i32
        %add3A_330 = arith.addi %mul3A_150, %add3A_329 : i32
        %get3A_331 = arith.constant 1 : i32
        %get3A_332 = arith.index_cast %get3A_331 : i32 to index
        %get3A_333 = arith.index_cast %add3A_330 : i32 to index
        %get3A_334 = arith.constant 0 : index
        %get3A_335 = tpu.vector_load %arg8[%get3A_332, %get3A_333, %get3A_334] {strides = array<i32>} : memref<2x1024x16xf32, #tpu.memory_space<vmem>>, vector<16xf32>,
        %mul3A_336 = vector.broadcast %squeeze3A_328 : f32 to vector<16xf32>
        %mul3A_337 = arith.mulf %mul3A_336, %get3A_335 : vector<16xf32>
        %add3A_338 = arith.addf %add3A_319, %mul3A_337 : vector<16xf32>
        %add3A_339 = arith.constant 10 : i32
        %add3A_340 = arith.addi %mul3A_150, %add3A_339 : i32
        %get3A_341 = arith.constant 1 : i32
        %get3A_342 = arith.index_cast %get3A_341 : i32 to index
        %get3A_343 = arith.index_cast %add3A_340 : i32 to index
        %get3A_344 = arith.constant 0 : index
        %get3A_345 = tpu.vector_load %arg9[%get3A_342, %get3A_343, %get3A_344] {strides = array<i32>} : memref<2x1024x16xf32, #tpu.memory_space<vmem>>, vector<16xf32>,
        %slice3A_346 = vector.extract_strided_slice %get3A_345 {offsets = [10], sizes = [1], strides = [1]} : vector<16xf32> to vector<1xf32>
        %squeeze3A_347 = vector.extract %slice3A_346[0] : f32 from vector<1xf32>
        %add3A_348 = arith.constant 10 : i32
        %add3A_349 = arith.addi %mul3A_150, %add3A_348 : i32
        %get3A_350 = arith.constant 1 : i32
        %get3A_351 = arith.index_cast %get3A_350 : i32 to index
        %get3A_352 = arith.index_cast %add3A_349 : i32 to index
        %get3A_353 = arith.constant 0 : index
        %get3A_354 = tpu.vector_load %arg8[%get3A_351, %get3A_352, %get3A_353] {strides = array<i32>} : memref<2x1024x16xf32, #tpu.memory_space<vmem>>, vector<16xf32>,
        %mul3A_355 = vector.broadcast %squeeze3A_347 : f32 to vector<16xf32>
        %mul3A_356 = arith.mulf %mul3A_355, %get3A_354 : vector<16xf32>
        %add3A_357 = arith.addf %add3A_338, %mul3A_356 : vector<16xf32>
        %add3A_358 = arith.constant 11 : i32
        %add3A_359 = arith.addi %mul3A_150, %add3A_358 : i32
        %get3A_360 = arith.constant 1 : i32
        %get3A_361 = arith.index_cast %get3A_360 : i32 to index
        %get3A_362 = arith.index_cast %add3A_359 : i32 to index
        %get3A_363 = arith.constant 0 : index
        %get3A_364 = tpu.vector_load %arg9[%get3A_361, %get3A_362, %get3A_363] {strides = array<i32>} : memref<2x1024x16xf32, #tpu.memory_space<vmem>>, vector<16xf32>,
        %slice3A_365 = vector.extract_strided_slice %get3A_364 {offsets = [11], sizes = [1], strides = [1]} : vector<16xf32> to vector<1xf32>
        %squeeze3A_366 = vector.extract %slice3A_365[0] : f32 from vector<1xf32>
        %add3A_367 = arith.constant 11 : i32
        %add3A_368 = arith.addi %mul3A_150, %add3A_367 : i32
        %get3A_369 = arith.constant 1 : i32
        %get3A_370 = arith.index_cast %get3A_369 : i32 to index
        %get3A_371 = arith.index_cast %add3A_368 : i32 to index
        %get3A_372 = arith.constant 0 : index
        %get3A_373 = tpu.vector_load %arg8[%get3A_370, %get3A_371, %get3A_372] {strides = array<i32>} : memref<2x1024x16xf32, #tpu.memory_space<vmem>>, vector<16xf32>,
        %mul3A_374 = vector.broadcast %squeeze3A_366 : f32 to vector<16xf32>
        %mul3A_375 = arith.mulf %mul3A_374, %get3A_373 : vector<16xf32>
        %add3A_376 = arith.addf %add3A_357, %mul3A_375 : vector<16xf32>
        %add3A_377 = arith.constant 12 : i32
        %add3A_378 = arith.addi %mul3A_150, %add3A_377 : i32
        %get3A_379 = arith.constant 1 : i32
        %get3A_380 = arith.index_cast %get3A_379 : i32 to index
        %get3A_381 = arith.index_cast %add3A_378 : i32 to index
        %get3A_382 = arith.constant 0 : index
        %get3A_383 = tpu.vector_load %arg9[%get3A_380, %get3A_381, %get3A_382] {strides = array<i32>} : memref<2x1024x16xf32, #tpu.memory_space<vmem>>, vector<16xf32>,
        %slice3A_384 = vector.extract_strided_slice %get3A_383 {offsets = [12], sizes = [1], strides = [1]} : vector<16xf32> to vector<1xf32>
        %squeeze3A_385 = vector.extract %slice3A_384[0] : f32 from vector<1xf32>
        %add3A_386 = arith.constant 12 : i32
        %add3A_387 = arith.addi %mul3A_150, %add3A_386 : i32
        %get3A_388 = arith.constant 1 : i32
        %get3A_389 = arith.index_cast %get3A_388 : i32 to index
        %get3A_390 = arith.index_cast %add3A_387 : i32 to index
        %get3A_391 = arith.constant 0 : index
        %get3A_392 = tpu.vector_load %arg8[%get3A_389, %get3A_390, %get3A_391] {strides = array<i32>} : memref<2x1024x16xf32, #tpu.memory_space<vmem>>, vector<16xf32>,
        %mul3A_393 = vector.broadcast %squeeze3A_385 : f32 to vector<16xf32>
        %mul3A_394 = arith.mulf %mul3A_393, %get3A_392 : vector<16xf32>
        %add3A_395 = arith.addf %add3A_376, %mul3A_394 : vector<16xf32>
        %add3A_396 = arith.constant 13 : i32
        %add3A_397 = arith.addi %mul3A_150, %add3A_396 : i32
        %get3A_398 = arith.constant 1 : i32
        %get3A_399 = arith.index_cast %get3A_398 : i32 to index
        %get3A_400 = arith.index_cast %add3A_397 : i32 to index
        %get3A_401 = arith.constant 0 : index
        %get3A_402 = tpu.vector_load %arg9[%get3A_399, %get3A_400, %get3A_401] {strides = array<i32>} : memref<2x1024x16xf32, #tpu.memory_space<vmem>>, vector<16xf32>,
        %slice3A_403 = vector.extract_strided_slice %get3A_402 {offsets = [13], sizes = [1], strides = [1]} : vector<16xf32> to vector<1xf32>
        %squeeze3A_404 = vector.extract %slice3A_403[0] : f32 from vector<1xf32>
        %add3A_405 = arith.constant 13 : i32
        %add3A_406 = arith.addi %mul3A_150, %add3A_405 : i32
        %get3A_407 = arith.constant 1 : i32
        %get3A_408 = arith.index_cast %get3A_407 : i32 to index
        %get3A_409 = arith.index_cast %add3A_406 : i32 to index
        %get3A_410 = arith.constant 0 : index
        %get3A_411 = tpu.vector_load %arg8[%get3A_408, %get3A_409, %get3A_410] {strides = array<i32>} : memref<2x1024x16xf32, #tpu.memory_space<vmem>>, vector<16xf32>,
        %mul3A_412 = vector.broadcast %squeeze3A_404 : f32 to vector<16xf32>
        %mul3A_413 = arith.mulf %mul3A_412, %get3A_411 : vector<16xf32>
        %add3A_414 = arith.addf %add3A_395, %mul3A_413 : vector<16xf32>
        %add3A_415 = arith.constant 14 : i32
        %add3A_416 = arith.addi %mul3A_150, %add3A_415 : i32
        %get3A_417 = arith.constant 1 : i32
        %get3A_418 = arith.index_cast %get3A_417 : i32 to index
        %get3A_419 = arith.index_cast %add3A_416 : i32 to index
        %get3A_420 = arith.constant 0 : index
        %get3A_421 = tpu.vector_load %arg9[%get3A_418, %get3A_419, %get3A_420] {strides = array<i32>} : memref<2x1024x16xf32, #tpu.memory_space<vmem>>, vector<16xf32>,
        %slice3A_422 = vector.extract_strided_slice %get3A_421 {offsets = [14], sizes = [1], strides = [1]} : vector<16xf32> to vector<1xf32>
        %squeeze3A_423 = vector.extract %slice3A_422[0] : f32 from vector<1xf32>
        %add3A_424 = arith.constant 14 : i32
        %add3A_425 = arith.addi %mul3A_150, %add3A_424 : i32
        %get3A_426 = arith.constant 1 : i32
        %get3A_427 = arith.index_cast %get3A_426 : i32 to index
        %get3A_428 = arith.index_cast %add3A_425 : i32 to index
        %get3A_429 = arith.constant 0 : index
        %get3A_430 = tpu.vector_load %arg8[%get3A_427, %get3A_428, %get3A_429] {strides = array<i32>} : memref<2x1024x16xf32, #tpu.memory_space<vmem>>, vector<16xf32>,
        %mul3A_431 = vector.broadcast %squeeze3A_423 : f32 to vector<16xf32>
        %mul3A_432 = arith.mulf %mul3A_431, %get3A_430 : vector<16xf32>
        %add3A_433 = arith.addf %add3A_414, %mul3A_432 : vector<16xf32>
        %add3A_434 = arith.constant 15 : i32
        %add3A_435 = arith.addi %mul3A_150, %add3A_434 : i32
        %get3A_436 = arith.constant 1 : i32
        %get3A_437 = arith.index_cast %get3A_436 : i32 to index
        %get3A_438 = arith.index_cast %add3A_435 : i32 to index
        %get3A_439 = arith.constant 0 : index
        %get3A_440 = tpu.vector_load %arg9[%get3A_437, %get3A_438, %get3A_439] {strides = array<i32>} : memref<2x1024x16xf32, #tpu.memory_space<vmem>>, vector<16xf32>,
        %slice3A_441 = vector.extract_strided_slice %get3A_440 {offsets = [15], sizes = [1], strides = [1]} : vector<16xf32> to vector<1xf32>
        %squeeze3A_442 = vector.extract %slice3A_441[0] : f32 from vector<1xf32>
        %add3A_443 = arith.constant 15 : i32
        %add3A_444 = arith.addi %mul3A_150, %add3A_443 : i32
        %get3A_445 = arith.constant 1 : i32
        %get3A_446 = arith.index_cast %get3A_445 : i32 to index
        %get3A_447 = arith.index_cast %add3A_444 : i32 to index
        %get3A_448 = arith.constant 0 : index
        %get3A_449 = tpu.vector_load %arg8[%get3A_446, %get3A_447, %get3A_448] {strides = array<i32>} : memref<2x1024x16xf32, #tpu.memory_space<vmem>>, vector<16xf32>,
        %mul3A_450 = vector.broadcast %squeeze3A_442 : f32 to vector<16xf32>
        %mul3A_451 = arith.mulf %mul3A_450, %get3A_449 : vector<16xf32>
        %add3A_452 = arith.addf %add3A_433, %mul3A_451 : vector<16xf32>
        %add3A_453 = arith.constant 64 : i32
        %add3A_454 = arith.addi %add3A_453, %add3A_148 : i32
        %broadcast_in_dim3A_455 = vector.broadcast %add3A_454 : i32 to vector<16xi32>
        tpu.vector_store_idx %arg10[%iota3A, %broadcast_in_dim3A_455], %add3A_452 : memref<16x128xf32, #tpu.memory_space<vmem>>[vector<16xi32>, vector<16xi32>], vector<16xf32>,
      }
      %scan3A_140 = arith.constant 64 : i32
      %mul3A_141 = arith.constant 128 : i32
      %mul3A_142 = arith.muli %add3A_52, %mul3A_141 : i32
      %add3A_143 = arith.addi %mul3A_2, %mul3A_142 : i32
      "tpu.region"() ({
        %run_scoped3A = tpu.sem_alloc : memref<!tpu.dma_semaphore, #tpu.memory_space<semaphore_mem>>
        %dma_start3A_144 = arith.constant 0 : i32
        %dma_start3A_145 = tpu.memref_slice %arg5[%dma_start3A_144, %add3A_143] : memref<16x65536xf32, #tpu.memory_space<hbm>> -> memref<16x128xf32, #tpu.memory_space<hbm>>
        %dma_start3A_146 = arith.constant 0 : i32
        %dma_start3A_147 = tpu.memref_slice %arg5[%dma_start3A_146, %add3A_143] : memref<16x65536xf32, #tpu.memory_space<hbm>> -> memref<16x128xf32, #tpu.memory_space<hbm>>
        tpu.enqueue_dma source(%arg10 : memref<16x128xf32, #tpu.memory_space<vmem>>) target(%dma_start3A_147 : memref<16x128xf32, #tpu.memory_space<hbm>>) target_semaphore(%run_scoped3A : memref<!tpu.dma_semaphore, #tpu.memory_space<semaphore_mem>>)
        %dma_wait3A_148 = arith.constant 0 : i32
        %dma_wait3A_149 = tpu.memref_slice %arg5[%dma_wait3A_148, %add3A_143] : memref<16x65536xf32, #tpu.memory_space<hbm>> -> memref<16x128xf32, #tpu.memory_space<hbm>>
        %dma_wait3A_150 = arith.constant 0 : i32
        %dma_wait3A_151 = tpu.memref_slice %arg5[%dma_wait3A_150, %add3A_143] : memref<16x65536xf32, #tpu.memory_space<hbm>> -> memref<16x128xf32, #tpu.memory_space<hbm>>
        tpu.wait_dma2 semaphore(%run_scoped3A : memref<!tpu.dma_semaphore, #tpu.memory_space<semaphore_mem>>) src(%arg10 : memref<16x128xf32, #tpu.memory_space<vmem>>) dst(%dma_wait3A_151 : memref<16x128xf32, #tpu.memory_space<hbm>>)
        tpu.yield
      }) : () -> ()
    }
    %scan3A_47 = arith.constant 16 : i32
    return
  }
}

</mosaic_0001>

<sc_bundles>
// kernel: _densparse_sc.3.cloned.1.call-start
scs
__scs_entry_jumppad:
0x0: {  	(pc) =	sbr.rel $0x88, $3  }
0x1: {  	(tag) =	ssettag $0x0;
	lr =	simm.s32 $0x1  }
0x2: {  	[smem:$0x3F9E] =	sst lr;
	_ =	strace $0xD0000000  }
0x3: {  	_ = 	snop  }
0x4: {  	_ = 	snop  }
0x5: {  	_ = 	snop  }
0x6: {  	_ = 	snop  }
0x7: {  	_ = 	snop  }
__scs_overlays_trampoline_lowered:
0x8: {  	[smem:$0x3FAD] =	sst s0  }
0x9: {  	[smem:$0x3FAE] =	sst s1  }
0xa: {  	[smem:$0x3FAF] =	sst s2  }
0xb: {  	[smem:$0x3FB0] =	sst s3  }
0xc: {  	[smem:$0x3FB1] =	sst s4  }
0xd: {  	[smem:$0x3FB2] =	sst s5  }
0xe: {  	[smem:$0x3FB3] =	sst s6  }
0xf: {  	[smem:$0x3FB4] =	sst s7  }
0x10: {  	[smem:$0x3FB5] =	sst s8  }
0x11: {  	[smem:$0x3FB6] =	sst s9;
	s0 =	simm.s32 @!p0 $0x0  }
0x12: {  	s1 =	sld [smem:$0x3F9C];
	s0 =	simm.s32 @p0 $0x1  }
0x13: {  	[smem:$0x3FB7] =	sst s0;
	s0 =	simm.s32 @!p1 $0x0  }
0x14: {  	s2 =	sld [smem:$0x3F9B];
	s0 =	simm.s32 @p1 $0x1  }
0x15: {  	[smem:$0x3FB8] =	sst s0;
	s0 =	simm.s32 @!p2 $0x0  }
0x16: {  	s3 =	sld [smem:$0x3FDB];
	s0 =	simm.s32 @p2 $0x1  }
0x17: {  	s4 =	simm.s32 $0x1BF5;
	[smem:$0x3FBA] =	sst s0  }
0x18: {  	s0 =	sld [smem:$0x3F9D];
	_ =	swait.ge [sflag:s4], $0x0  }
0x19: {  	s7 =	sld [smem:$0x3F9E]  }
0x1a: {  	s8 =	sadd.s32 $0xFFFFE003, lr  }
0x1b: {  	s9 =	sadd.s32 $0xFFFFFEF7, lr;
	s5 =	simm.s32 $0xFFFFFFFF;
	p2 =	slt.u32 s8, $0xFFFFF086  }
0x1c: {  	p1 =	slt.u32 s9, $0xF7A;
	s5 =	simm.s32 @!p2 $0x0  }
0x1d: {  	s5 =	simm.s32 @p1 $0x1;
	p0 =	seq.s32 s7, s2  }
0x1e: {  	s7 =	smul.u32 @!p0 $0xF7A, s2;
	p2 =	seq.s32 @!p0 s5, $0x0  }
0x1f: {  	s9 =	smul.u32 $0xF7A, s1;
	s8 =	simm.s32 @!p0 $0x1BF5;
	p2 =	por !p2, p0  }
0x20: {  	[sflag:s8] =	ssyncset.s32 @!p0 $0xFFFFF086;
	s6 =	sadd.s32 @!p0 s3, s7;
	s7 =	simm.s32 @!p0 $0x108  }
0x21: {  	s3 =	sadd.s32 s3, s9;
	s6 =	sadd.s32 @!p0 $0x88, s6;
	s7 =	simm.s32 @p2 $0x1082  }
0x22: {  	[simem:s7], [sflag:s8] =	dma.local @!p0 [hbm:s6], $0xF7A  }
0x23: {  	s9 =	sor.u32 $0xD0000000, s2;
	s6 =	simm.s32 $0x108;
	_ =	swait.ge @!p0 [sflag:s8], $0x0  }
0x24: {  	s3 =	sadd.s32 $0x88, s3;
	s6 =	simm.s32 @!p1 $0x1082;
	[sflag:s4] =	ssyncset.s32 $0xFFFFF086  }
0x25: {  	[simem:s6], [sflag:s4] =	dma.local [hbm:s3], $0xF7A  }
0x26: {  	[smem:$0x3F9E] =	sst s1;
	(tag) =	ssettag s2;
	_ =	strace s9  }
0x27: {  	s1 =	sld [smem:$0x3FAE]  }
0x28: {  	s2 =	sld [smem:$0x3FAF]  }
0x29: {  	s4 =	sld [smem:$0x3FB1]  }
0x2a: {  	p0 =	seq.s32 s5, $0x0;
	s5 =	sld [smem:$0x3FB2]  }
0x2b: {  	s6 =	sld [smem:$0x3FB3]  }
0x2c: {  	s7 =	sld [smem:$0x3FB4]  }
0x2d: {  	s3 =	simm.s32 $0x108;
	s8 =	sld [smem:$0x3FB5]  }
0x2e: {  	s3 =	simm.s32 @!p0 $0x1082;
	s9 =	sld [smem:$0x3FB6]  }
0x2f: {  	lr =	sadd.s32 s0, s3;
	s0 =	sld [smem:$0x3FAD]  }
0x30: {  	s3 =	sld [smem:$0x3FB0]  }
0x31: {  	[smem:$0x3FB9] =	sst s10  }
0x32: {  	s10 =	sld [smem:$0x3FB7];
	_ =	sdelay $0x3  }
0x33: {  	p0 =	seq.s32 s10, $0x1;
	s10 =	sld [smem:$0x3FB9];
	_ =	sdelay $0x3  }
0x34: {  	[smem:$0x3FB9] =	sst s10  }
0x35: {  	s10 =	sld [smem:$0x3FB8];
	_ =	sdelay $0x3  }
0x36: {  	p1 =	seq.s32 s10, $0x1;
	s10 =	sld [smem:$0x3FB9];
	_ =	sdelay $0x3  }
0x37: {  	[smem:$0x3FB9] =	sst s10  }
0x38: {  	s10 =	sld [smem:$0x3FBA]  }
0x39: {  	_ = 	snop;
	(pc) =	sbr.ind lr, $3  }
0x3a: {  	_ = 	snop  }
0x3b: {  	_ = 	snop  }
0x3c: {  	p2 =	seq.s32 s10, $0x1;
	s10 =	sld [smem:$0x3FB9]  }
0x3d: {  	_ =	shalt  }
0x3e: {  	_ =	shalt  }
0x3f: {  	_ =	shalt  }
0x40: {  	_ =	shalt  }
0x41: {  	_ =	shalt  }
0x42: {  	_ =	shalt  }
0x43: {  	_ =	shalt  }
0x44: {  	_ =	shalt  }
0x45: {  	_ =	shalt  }
0x46: {  	_ =	shalt  }
0x47: {  	_ =	shalt  }
0x48: {  	_ =	shalt  }
0x49: {  	_ =	shalt  }
0x4a: {  	_ =	shalt  }
0x4b: {  	_ =	shalt  }
0x4c: {  	_ =	shalt  }
0x4d: {  	_ =	shalt  }
0x4e: {  	_ =	shalt  }
0x4f: {  	_ =	shalt  }
0x50: {  	_ =	shalt  }
0x51: {  	_ =	shalt  }
0x52: {  	_ =	shalt  }
0x53: {  	_ =	shalt  }
0x54: {  	_ =	shalt  }
0x55: {  	_ =	shalt  }
0x56: {  	_ =	shalt  }
0x57: {  	_ =	shalt  }
0x58: {  	_ =	shalt  }
0x59: {  	_ =	shalt  }
0x5a: {  	_ =	shalt  }
0x5b: {  	_ =	shalt  }
0x5c: {  	_ =	shalt  }
0x5d: {  	_ =	shalt  }
0x5e: {  	_ =	shalt  }
0x5f: {  	_ =	shalt  }
0x60: {  	_ =	shalt  }
0x61: {  	_ =	shalt  }
0x62: {  	_ =	shalt  }
0x63: {  	_ =	shalt  }
0x64: {  	_ =	shalt  }
0x65: {  	_ =	shalt  }
0x66: {  	_ =	shalt  }
0x67: {  	_ =	shalt  }
0x68: {  	_ =	shalt  }
0x69: {  	_ =	shalt  }
0x6a: {  	_ =	shalt  }
0x6b: {  	_ =	shalt  }
0x6c: {  	_ =	shalt  }
0x6d: {  	_ =	shalt  }
0x6e: {  	_ =	shalt  }
0x6f: {  	_ =	shalt  }
0x70: {  	_ =	shalt  }
0x71: {  	_ =	shalt  }
0x72: {  	_ =	shalt  }
0x73: {  	_ =	shalt  }
0x74: {  	_ =	shalt  }
0x75: {  	_ =	shalt  }
0x76: {  	_ =	shalt  }
0x77: {  	_ =	shalt  }
0x78: {  	_ =	shalt  }
0x79: {  	_ =	shalt  }
0x7a: {  	_ =	shalt  }
0x7b: {  	_ =	shalt  }
0x7c: {  	_ =	shalt  }
0x7d: {  	_ =	shalt  }
0x7e: {  	_ =	shalt  }
0x7f: {  	_ =	shalt  }
0x80: {  	_ =	shalt  }
0x81: {  	_ =	shalt  }
0x82: {  	_ =	shalt  }
0x83: {  	_ =	shalt  }
0x84: {  	_ =	shalt  }
0x85: {  	_ =	shalt  }
0x86: {  	_ =	shalt  }
0x87: {  	_ =	shalt  }
.Lfunc_end0:
.L_simem_size_0:
called_computation_lowered:
.L_overlay_start_0:
0x88: {  	s2 =	sld [smem:$0x3FD9]  }
0x89: {  	s3 =	sld [smem:$0x3FFE];
	_ =	sdelay $0x1  }
0x8a: {  	s1 =	srdreg.scid  }
0x8b: {  	s0 =	sand.u32 $0x1, s1  }
0x8c: {  	s17 =	sshll.u32 s0, $0xA;
	s2 =	sadd.s32 s3, s2  }
0x8d: {  	s2 =	sadd.s32 s2, s17  }
0x8e: {  	[smem:$0x3FC5] =	sst s2  }
0x8f: {  	_ = 	snop  }
0x90: {  	s2 =	sld [smem:$0x3FD0];
	(tm) =	ssettm $0x1  }
0x91: {  	s18 =	sld [smem:$0x3FFB];
	_ =	sdelay $0x3  }
0x92: {  	_ =	strace s18  }
0x93: {  	s3 =	sld [smem:$0x3FFC];
	_ =	sdelay $0x3  }
0x94: {  	_ =	strace s3  }
0x95: {  	s3 =	sld [smem:$0x3FFD];
	_ =	sdelay $0x3  }
0x96: {  	_ =	strace s3  }
0x97: {  	_ =	strace $0x8FFFFFFF  }
0x98: {  	s19 =	sld [smem:$0x3FDB];
	_ =	sdelay $0x1  }
0x99: {  	s4 =	simm.s32 $_scs_section_size  }
0x9a: {  	s5 =	simm.s32 $_size__tile_overlayer_lowered;
	s6 =	simm.s32 $_tile_overlayer_lowered  }
0x9b: {  	s22 =	simm.s32 $0x1BFF;
	s21 =	sshll.u32 s6, $0x1;
	s3 =	sadd.s32 s4, s19  }
0x9c: {  	s7 =	simm.s32 $0x0;
	s20 =	sshll.u32 s5, $0x1;
	s5 =	sadd.s32 s21, s3  }
0x9d: {  	[timem:s7], [sflag:s22] =	dma.local [hbm:s5], s20  }
0x9e: {  	_ =	swait.ge [sflag:s22], s20  }
0x9f: {  	s4 =	ssub.s32 $0x0, s20;
	[sflag:s22] =	ssyncset.done $0x0  }
0xa0: {  	[sflag:s22] =	ssyncadd.s32 s4;
	_ =	sdelay $0x1  }
0xa1: {  	s23 =	simm.s32 $0x1B8B  }
0xa2: {  	_ =	swait.ge [sflag:s23], $0x1  }
0xa3: {  	[sflag:s23] =	ssyncset.done $0x0  }
0xa4: {  	s25 =	simm.s32 $0x1B8E;
	s24 =	sld [smem:$0x3FFE];
	[sflag:s23] =	ssyncadd.s32 $0xFFFFFFFF  }
0xa5: {  	s26 =	simm.s32 $execute0_lowered;
	[smem:$0x3FD2] =	sst s25  }
0xa6: {  	s5 =	sshll.u32 s26, $0x1;
	_ =	strace $0x80000046;
	[dreg:$0x1] =	wrdreg $0xFFFFFFFF  }
0xa7: {  	s28 =	simm.s32 $_size_execute0_lowered;
	s3 =	sadd.s32 s3, s5;
	[dreg:$0x0] =	wrdreg $0x0  }
0xa8: {  	s5 =	sshll.u32 s28, $0x1;
	[dreg:$0x2] =	wrdreg s3  }
0xa9: {  	[dreg:$0x3] =	wrdreg s5  }
0xaa: {  	[dreg:$0x4] =	wrdreg $0xC0  }
0xab: {  	_ =	task [dreg:s7], $0x5FFFF  }
0xac: {  	[dreg:$0x1] =	wrdreg $0xFFFFFFFF  }
0xad: {  	[dreg:$0x0] =	wrdreg $0x60  }
0xae: {  	[dreg:$0x2] =	wrdreg s2  }
0xaf: {  	[dreg:$0x3] =	wrdreg s24  }
0xb0: {  	[dreg:$0x4] =	wrdreg $0x9  }
0xb1: {  	_ =	task.clear_ibuf [dreg:s7], $0x5FFFF;
	_ =	strace $0x90000046  }
0xb2: {  	s29 =	simm.s32 $0x9;
	_ =	strace $0x80000048  }
0xb3: {  	_ =	swait.ge [sflag:s29], $0x1  }
0xb4: {  	[sflag:s29] =	ssyncadd.s32 $0xFFFFFFFF  }
0xb5: {  	_ =	strace $0x90000048  }
0xb6: {  	_ =	sfence  }
0xb7: {  	s30 =	sld [smem:$0x0];
	_ =	sdelay $0x2  }
0xb8: {  	s31 =	sshll.u32 s1, $0xD;
	s1 =	sshrl.u32 s1, $0x2  }
0xb9: {  	s3 =	sand.u32 $0x4000, s31;
	s1 =	sadd.s32 s1, s30  }
0xba: {  	s0 =	sor.u32 s3, s0;
	s1 =	sshll.u32 s1, $0x11  }
0xbb: {  	s0 =	sor.u32 s1, s0  }
0xbc: {  	s0 =	sadd.s32 $0x8F2B, s0  }
0xbd: {  	[sflag:s0] =	ssyncadd.remote.s32 $0x1  }
0xbe: {  	_ =	sfence.sel $0xFFFF  }
0xbf: {  	[dreg:$0x0] =	wrdreg $0xFFFFFFFF;
	(pc) =	sbr.abs _section_cstart, $3  }
0xc0: {  	[dreg:$0x1] =	wrdreg $0xFFFFFFFF  }
0xc1: {  	_ =	task.clear_ibuf [dreg:s7], $0x2FFFF;
	_ =	strace $0x9FFFFFFF  }
0xc2: {  	(tm) =	ssettm $0x7FFFFFFF  }
0xc3: {  	_ =	shalt  }
tec
execute0_lowered:
.L_overlay_start_1:
0x0: {  	(tag) =	ssettag $0x1  }
0x1: {  	s5 =	rddreg [dreg:$0x0]  }
0x2: {  	s6 =	rddreg [dreg:$0x1]  }
0x3: {  	s0 =	rddreg [dreg:$0x2]  }
0x4: {  	s2 =	simm.s32 $0x0;
	s3 =	srdreg.scid;
	s1 =	stileid.u32  }
0x5: {  	s11 =	simm.s32 $0x10000;
	s12 =	simm.s32 $0x8000;
	s13 =	simm.s32 $0x5  }
0x6: {  	s14 =	simm.s32 $0xC000;
	s15 =	simm.s32 $0x14000;
	s16 =	simm.s32 $0x1  }
0x7: {  	s17 =	simm.s32 $0x2;
	s18 =	simm.s32 $0x18000;
	s19 =	simm.s32 $0x1C000  }
0x8: {  	s20 =	simm.s32 $0x3;
	s21 =	simm.s32 $0x4;
	s22 =	simm.s32 $0x80  }
0x9: {  	v0 =	vlaneseq.u32;
	s23 =	simm.s32 $0x0;
	s9 =	sand.u32 $0x1, s3;
	s3 =	sadd.s32 $0x129800, s6  }
0xa: {  	[smem:$0x7FF] =	sst s2;
	s7 =	sshll.u32 s1, $0x9;
	s4 =	sadd.s32 $0x108800, s6;
	v1 =	vmul.u32 $0x10, v0  }
0xb: {  	s31 =	sshll.u32 s1, $0x7;
	v2 =	vadd.s32 $0x1, v0;
	v3 =	vadd.s32 $0x2, v0;
	v4 =	vadd.s32 $0x3, v0;
	_ =	strace $0x80000047;
	s8 =	sshll.u32 s9, $0x8  }
0xc: {  	v5 =	vadd.s32 $0x4, v0;
	v6 =	vadd.s32 $0x5, v0;
	v7 =	vadd.s32 $0x6, v0;
	s29 =	ssub.s32 $0x2, s9;
	s9 =	sshll.u32 s9, $0x6;
	s7 =	sor.u32 s8, s7  }
0xd: {  	v8 =	vadd.s32 $0x7, v0;
	v9 =	vadd.s32 $0x8, v0;
	v10 =	vadd.s32 $0x9, v0;
	s30 =	sshrl.u32 s29, $0x1;
	s9 =	sor.u32 s9, s31;
	s5 =	sadd.s32 s5, s7  }
0xe: {  	v11 =	vadd.s32 $0xA, v0;
	v12 =	vadd.s32 $0xB, v0;
	v13 =	vadd.s32 $0xC, v0;
	s10 =	sadd.s32 s7, s6;
	s8 =	ssub.s32 s29, s30;
	s6 =	sadd.s32 $0x80, s5  }
0xf: {  	v14 =	vadd.s32 $0xD, v0;
	v15 =	vadd.s32 $0xE, v0;
	v16 =	vadd.s32 $0xF, v0;
	s7 =	sadd.s32 $0x800, s10;
	s8 =	smax.u32 s8, $0x1;
	s10 =	simm.s32 $0x400  }
.LBB2_1:
0x10: {  	[tilespmem:s12], [sflag:$0x5] =	stream.strided.gather [hbm4b:s5+s10], $0x4000, s11, s10, $0x38;
	[tilespmem:$0x1C800] =	vst v63  }
0x11: {  	_ =	swait.ge [sflag:s13], $0x4000  }
0x12: {  	s24 =	simm.s32 $0xFFFFFFFC;
	[sflag:s13] =	ssyncset.done $0x0  }
0x13: {  	s25 =	simm.s32 $0x30;
	s26 =	simm.s32 $0xA000;
	[sflag:s13] =	ssyncadd.s32 $0xFFFFC000  }
.LBB2_2:
0x14: {  	v18 =	vld [tilespmem:s26+$0xFFFFE000];
	_ =	sdelay $0x1  }
0x15: {  	s28 =	sadd.s32 $0xFFFFFFD0, s25  }
0x16: {  	v17 =	vmov s28  }
0x17: {  	s28 =	sadd.s32 s25, s9;
	v17 =	vshll.u32 v17, $0x4  }
0x18: {  	s29 =	sadd.s32 $0xFFFFFFD0, s28;
	v17 =	vor.u32 v1, v17;
	v19 =	vtrunc.f32 v18  }
0x19: {  	v20 =	vor.u32 s29, v0;
	v19 =	vcvt.f32.s32 v19  }
0x1a: {  	v20 =	vand.u32 $0x7CF, v20  }
0x1b: {  	v20 =	vor.u32 $0x10000, v20;
	vm0 =	veq.f32 v18, $0.0e+00;
	v19 =	vadd.s32 $0xFFFFFFFF, v19  }
0x1c: {  	v18 =	vsel vm0, v20, v19  }
0x1d: {  	[tilespmem:v17+s2+$0x0] =	vst.idx.msk $0xffff, v18  }
0x1e: {  	v18 =	vld [tilespmem:s26+$0xFFFFE400];
	_ =	sdelay $0x4  }
0x1f: {  	v26 =	vor.u32 $0x1, v17;
	v19 =	vtrunc.f32 v18  }
0x20: {  	v21 =	vor.u32 s29, v2;
	v19 =	vcvt.f32.s32 v19  }
0x21: {  	v21 =	vand.u32 $0x7DF, v21  }
0x22: {  	v21 =	vor.u32 $0x10000, v21;
	vm13 =	veq.f32 v18, $0.0e+00;
	v19 =	vadd.s32 $0xFFFFFFFF, v19  }
0x23: {  	v18 =	vsel vm13, v21, v19  }
0x24: {  	[tilespmem:v26+s2+$0x0] =	vst.idx.msk $0xffff, v18  }
0x25: {  	v18 =	vld [tilespmem:s26+$0xFFFFE800];
	_ =	sdelay $0x4  }
0x26: {  	v27 =	vor.u32 $0x2, v17;
	v19 =	vtrunc.f32 v18  }
0x27: {  	v28 =	vor.u32 s29, v3;
	v19 =	vcvt.f32.s32 v19  }
0x28: {  	v21 =	vand.u32 $0x7DF, v28  }
0x29: {  	v21 =	vor.u32 $0x10000, v21;
	vm14 =	veq.f32 v18, $0.0e+00;
	v19 =	vadd.s32 $0xFFFFFFFF, v19  }
0x2a: {  	v18 =	vsel vm14, v21, v19  }
0x2b: {  	[tilespmem:v27+s2+$0x0] =	vst.idx.msk $0xffff, v18  }
0x2c: {  	v18 =	vld [tilespmem:s26+$0xFFFFEC00];
	_ =	sdelay $0x4  }
0x2d: {  	v29 =	vor.u32 $0x3, v17;
	v19 =	vtrunc.f32 v18  }
0x2e: {  	v30 =	vor.u32 s29, v4;
	v19 =	vcvt.f32.s32 v19  }
0x2f: {  	v21 =	vand.u32 $0x7DF, v30  }
0x30: {  	v21 =	vor.u32 $0x10000, v21;
	vm15 =	veq.f32 v18, $0.0e+00;
	v19 =	vadd.s32 $0xFFFFFFFF, v19  }
0x31: {  	v18 =	vsel vm15, v21, v19  }
0x32: {  	[tilespmem:v29+s2+$0x0] =	vst.idx.msk $0xffff, v18  }
0x33: {  	v18 =	vld [tilespmem:s26+$0xFFFFF000];
	_ =	sdelay $0x4  }
0x34: {  	v31 =	vor.u32 $0x4, v17;
	v19 =	vtrunc.f32 v18  }
0x35: {  	v32 =	vor.u32 s29, v5;
	v19 =	vcvt.f32.s32 v19  }
0x36: {  	v21 =	vand.u32 $0x7DF, v32  }
0x37: {  	v21 =	vor.u32 $0x10000, v21;
	vm4 =	veq.f32 v18, $0.0e+00;
	v19 =	vadd.s32 $0xFFFFFFFF, v19  }
0x38: {  	v18 =	vsel vm4, v21, v19  }
0x39: {  	[tilespmem:v31+s2+$0x0] =	vst.idx.msk $0xffff, v18  }
0x3a: {  	v18 =	vld [tilespmem:s26+$0xFFFFF400];
	_ =	sdelay $0x4  }
0x3b: {  	v33 =	vor.u32 $0x5, v17;
	v19 =	vtrunc.f32 v18  }
0x3c: {  	v34 =	vor.u32 s29, v6;
	v19 =	vcvt.f32.s32 v19  }
0x3d: {  	v21 =	vand.u32 $0x7DF, v34  }
0x3e: {  	v21 =	vor.u32 $0x10000, v21;
	vm5 =	veq.f32 v18, $0.0e+00;
	v19 =	vadd.s32 $0xFFFFFFFF, v19  }
0x3f: {  	v18 =	vsel vm5, v21, v19  }
0x40: {  	[tilespmem:v33+s2+$0x0] =	vst.idx.msk $0xffff, v18  }
0x41: {  	v18 =	vld [tilespmem:s26+$0xFFFFF800];
	_ =	sdelay $0x4  }
0x42: {  	v35 =	vor.u32 $0x6, v17;
	v19 =	vtrunc.f32 v18  }
0x43: {  	v36 =	vor.u32 s29, v7;
	v19 =	vcvt.f32.s32 v19  }
0x44: {  	v21 =	vand.u32 $0x7DF, v36  }
0x45: {  	v21 =	vor.u32 $0x10000, v21;
	vm6 =	veq.f32 v18, $0.0e+00;
	v19 =	vadd.s32 $0xFFFFFFFF, v19  }
0x46: {  	v18 =	vsel vm6, v21, v19  }
0x47: {  	[tilespmem:v35+s2+$0x0] =	vst.idx.msk $0xffff, v18  }
0x48: {  	v18 =	vld [tilespmem:s26+$0xFFFFFC00];
	_ =	sdelay $0x4  }
0x49: {  	v37 =	vor.u32 $0x7, v17;
	v19 =	vtrunc.f32 v18  }
0x4a: {  	v38 =	vor.u32 s29, v8;
	v19 =	vcvt.f32.s32 v19  }
0x4b: {  	v21 =	vand.u32 $0x7DF, v38  }
0x4c: {  	v21 =	vor.u32 $0x10000, v21;
	vm7 =	veq.f32 v18, $0.0e+00;
	v19 =	vadd.s32 $0xFFFFFFFF, v19  }
0x4d: {  	v18 =	vsel vm7, v21, v19  }
0x4e: {  	[tilespmem:v37+s2+$0x0] =	vst.idx.msk $0xffff, v18  }
0x4f: {  	v18 =	vld [tilespmem:s26+$0x0];
	_ =	sdelay $0x4  }
0x50: {  	v39 =	vor.u32 $0x8, v17;
	v19 =	vtrunc.f32 v18  }
0x51: {  	v40 =	vor.u32 s29, v9;
	v19 =	vcvt.f32.s32 v19  }
0x52: {  	v21 =	vand.u32 $0x7DF, v40  }
0x53: {  	v21 =	vor.u32 $0x10000, v21;
	vm8 =	veq.f32 v18, $0.0e+00;
	v19 =	vadd.s32 $0xFFFFFFFF, v19  }
0x54: {  	v18 =	vsel vm8, v21, v19  }
0x55: {  	[tilespmem:v39+s2+$0x0] =	vst.idx.msk $0xffff, v18  }
0x56: {  	v18 =	vld [tilespmem:s26+$0x400];
	_ =	sdelay $0x4  }
0x57: {  	v41 =	vor.u32 $0x9, v17;
	v19 =	vtrunc.f32 v18  }
0x58: {  	v42 =	vor.u32 s29, v10;
	v19 =	vcvt.f32.s32 v19  }
0x59: {  	v21 =	vand.u32 $0x7DF, v42  }
0x5a: {  	v21 =	vor.u32 $0x10000, v21;
	vm9 =	veq.f32 v18, $0.0e+00;
	v19 =	vadd.s32 $0xFFFFFFFF, v19  }
0x5b: {  	v18 =	vsel vm9, v21, v19  }
0x5c: {  	[tilespmem:v41+s2+$0x0] =	vst.idx.msk $0xffff, v18  }
0x5d: {  	v18 =	vld [tilespmem:s26+$0x800];
	_ =	sdelay $0x4  }
0x5e: {  	v43 =	vor.u32 $0xA, v17;
	v19 =	vtrunc.f32 v18  }
0x5f: {  	v44 =	vor.u32 s29, v11;
	v19 =	vcvt.f32.s32 v19  }
0x60: {  	v21 =	vand.u32 $0x7DF, v44  }
0x61: {  	v21 =	vor.u32 $0x10000, v21;
	vm10 =	veq.f32 v18, $0.0e+00;
	v19 =	vadd.s32 $0xFFFFFFFF, v19  }
0x62: {  	v18 =	vsel vm10, v21, v19  }
0x63: {  	[tilespmem:v43+s2+$0x0] =	vst.idx.msk $0xffff, v18  }
0x64: {  	v18 =	vld [tilespmem:s26+$0xC00];
	_ =	sdelay $0x4  }
0x65: {  	v45 =	vor.u32 $0xB, v17;
	v19 =	vtrunc.f32 v18  }
0x66: {  	v46 =	vor.u32 s29, v12;
	v19 =	vcvt.f32.s32 v19  }
0x67: {  	v21 =	vand.u32 $0x7DF, v46  }
0x68: {  	v21 =	vor.u32 $0x10000, v21;
	vm11 =	veq.f32 v18, $0.0e+00;
	v19 =	vadd.s32 $0xFFFFFFFF, v19  }
0x69: {  	v18 =	vsel vm11, v21, v19  }
0x6a: {  	[tilespmem:v45+s2+$0x0] =	vst.idx.msk $0xffff, v18  }
0x6b: {  	v18 =	vld [tilespmem:s26+$0x1000];
	_ =	sdelay $0x4  }
0x6c: {  	v47 =	vor.u32 $0xC, v17;
	v19 =	vtrunc.f32 v18  }
0x6d: {  	v48 =	vor.u32 s29, v13;
	v19 =	vcvt.f32.s32 v19  }
0x6e: {  	v21 =	vand.u32 $0x7DF, v48  }
0x6f: {  	v21 =	vor.u32 $0x10000, v21;
	vm12 =	veq.f32 v18, $0.0e+00;
	v19 =	vadd.s32 $0xFFFFFFFF, v19  }
0x70: {  	v18 =	vsel vm12, v21, v19  }
0x71: {  	[tilespmem:v47+s2+$0x0] =	vst.idx.msk $0xffff, v18  }
0x72: {  	v18 =	vld [tilespmem:s26+$0x1400];
	_ =	sdelay $0x4  }
0x73: {  	v49 =	vor.u32 $0xD, v17;
	v19 =	vtrunc.f32 v18  }
0x74: {  	v50 =	vor.u32 s29, v14;
	v19 =	vcvt.f32.s32 v19  }
0x75: {  	v21 =	vand.u32 $0x7DF, v50  }
0x76: {  	v21 =	vor.u32 $0x10000, v21;
	vm13 =	veq.f32 v18, $0.0e+00;
	v19 =	vadd.s32 $0xFFFFFFFF, v19  }
0x77: {  	v18 =	vsel vm13, v21, v19  }
0x78: {  	[tilespmem:v49+s2+$0x0] =	vst.idx.msk $0xffff, v18  }
0x79: {  	v18 =	vld [tilespmem:s26+$0x1800];
	_ =	sdelay $0x4  }
0x7a: {  	v51 =	vor.u32 $0xE, v17;
	v19 =	vtrunc.f32 v18  }
0x7b: {  	v52 =	vor.u32 s29, v15;
	v19 =	vcvt.f32.s32 v19  }
0x7c: {  	v21 =	vand.u32 $0x7DF, v52  }
0x7d: {  	v21 =	vor.u32 $0x10000, v21;
	vm14 =	veq.f32 v18, $0.0e+00;
	v19 =	vadd.s32 $0xFFFFFFFF, v19  }
0x7e: {  	v18 =	vsel vm14, v21, v19  }
0x7f: {  	[tilespmem:v51+s2+$0x0] =	vst.idx.msk $0xffff, v18  }
0x80: {  	v18 =	vld [tilespmem:s26+$0x1C00];
	_ =	sdelay $0x4  }
0x81: {  	v17 =	vor.u32 $0xF, v17;
	v19 =	vtrunc.f32 v18  }
0x82: {  	v53 =	vor.u32 s29, v16;
	v19 =	vcvt.f32.s32 v19  }
0x83: {  	v20 =	vand.u32 $0x7DF, v53  }
0x84: {  	v20 =	vor.u32 $0x10000, v20;
	vm15 =	veq.f32 v18, $0.0e+00;
	v19 =	vadd.s32 $0xFFFFFFFF, v19  }
0x85: {  	v18 =	vsel vm15, v20, v19  }
0x86: {  	[tilespmem:v17+s2+$0x0] =	vst.idx.msk $0xffff, v18  }
0x87: {  	v18 =	vld [tilespmem:s26+$0xFFFFE010];
	_ =	sdelay $0x1  }
0x88: {  	s30 =	sadd.s32 $0xFFFFFFE0, s25  }
0x89: {  	v17 =	vmov s30  }
0x8a: {  	v17 =	vshll.u32 v17, $0x4  }
0x8b: {  	s31 =	sadd.s32 $0xFFFFFFE0, s28;
	v17 =	vor.u32 v1, v17;
	v19 =	vtrunc.f32 v18  }
0x8c: {  	v54 =	vor.u32 s31, v0;
	v19 =	vcvt.f32.s32 v19  }
0x8d: {  	v20 =	vand.u32 $0x7FF, v54  }
0x8e: {  	v20 =	vor.u32 $0x10000, v20;
	vm4 =	veq.f32 v18, $0.0e+00;
	v19 =	vadd.s32 $0xFFFFFFFF, v19  }
0x8f: {  	v18 =	vsel vm4, v20, v19  }
0x90: {  	[tilespmem:v17+s2+$0x0] =	vst.idx.msk $0xffff, v18  }
0x91: {  	v18 =	vld [tilespmem:s26+$0xFFFFE410];
	_ =	sdelay $0x4  }
0x92: {  	v55 =	vor.u32 $0x1, v17;
	v19 =	vtrunc.f32 v18  }
0x93: {  	v56 =	vadd.s32 s31, v2;
	v19 =	vcvt.f32.s32 v19  }
0x94: {  	v21 =	vand.u32 $0x7FF, v56  }
0x95: {  	v21 =	vor.u32 $0x10000, v21;
	vm5 =	veq.f32 v18, $0.0e+00;
	v19 =	vadd.s32 $0xFFFFFFFF, v19  }
0x96: {  	v18 =	vsel vm5, v21, v19  }
0x97: {  	[tilespmem:v55+s2+$0x0] =	vst.idx.msk $0xffff, v18  }
0x98: {  	v18 =	vld [tilespmem:s26+$0xFFFFE810];
	_ =	sdelay $0x4  }
0x99: {  	v57 =	vor.u32 $0x2, v17;
	v19 =	vtrunc.f32 v18  }
0x9a: {  	v58 =	vadd.s32 s31, v3;
	v19 =	vcvt.f32.s32 v19  }
0x9b: {  	v21 =	vand.u32 $0x7FF, v58  }
0x9c: {  	v21 =	vor.u32 $0x10000, v21;
	vm6 =	veq.f32 v18, $0.0e+00;
	v19 =	vadd.s32 $0xFFFFFFFF, v19  }
0x9d: {  	v18 =	vsel vm6, v21, v19  }
0x9e: {  	[tilespmem:v57+s2+$0x0] =	vst.idx.msk $0xffff, v18  }
0x9f: {  	v18 =	vld [tilespmem:s26+$0xFFFFEC10];
	_ =	sdelay $0x4  }
0xa0: {  	v59 =	vor.u32 $0x3, v17;
	v19 =	vtrunc.f32 v18  }
0xa1: {  	v60 =	vadd.s32 s31, v4;
	v19 =	vcvt.f32.s32 v19  }
0xa2: {  	v21 =	vand.u32 $0x7FF, v60  }
0xa3: {  	v21 =	vor.u32 $0x10000, v21;
	vm7 =	veq.f32 v18, $0.0e+00;
	v19 =	vadd.s32 $0xFFFFFFFF, v19  }
0xa4: {  	v18 =	vsel vm7, v21, v19  }
0xa5: {  	[tilespmem:v59+s2+$0x0] =	vst.idx.msk $0xffff, v18  }
0xa6: {  	v18 =	vld [tilespmem:s26+$0xFFFFF010];
	_ =	sdelay $0x4  }
0xa7: {  	v61 =	vor.u32 $0x4, v17;
	v19 =	vtrunc.f32 v18  }
0xa8: {  	v62 =	vadd.s32 s31, v5;
	v19 =	vcvt.f32.s32 v19  }
0xa9: {  	v21 =	vand.u32 $0x7FF, v62  }
0xaa: {  	v21 =	vor.u32 $0x10000, v21;
	vm8 =	veq.f32 v18, $0.0e+00;
	v19 =	vadd.s32 $0xFFFFFFFF, v19  }
0xab: {  	v18 =	vsel vm8, v21, v19  }
0xac: {  	[tilespmem:v61+s2+$0x0] =	vst.idx.msk $0xffff, v18  }
0xad: {  	v18 =	vld [tilespmem:s26+$0xFFFFF410];
	_ =	sdelay $0x4  }
0xae: {  	v63 =	vor.u32 $0x5, v17;
	v19 =	vtrunc.f32 v18  }
0xaf: {  	v24 =	vadd.s32 s31, v6;
	v19 =	vcvt.f32.s32 v19  }
0xb0: {  	v21 =	vand.u32 $0x7FF, v24  }
0xb1: {  	v21 =	vor.u32 $0x10000, v21;
	vm9 =	veq.f32 v18, $0.0e+00;
	v19 =	vadd.s32 $0xFFFFFFFF, v19  }
0xb2: {  	v18 =	vsel vm9, v21, v19  }
0xb3: {  	[tilespmem:v63+s2+$0x0] =	vst.idx.msk $0xffff, v18  }
0xb4: {  	v18 =	vld [tilespmem:s26+$0xFFFFF810];
	_ =	sdelay $0x4  }
0xb5: {  	v25 =	vor.u32 $0x6, v17;
	v19 =	vtrunc.f32 v18  }
0xb6: {  	v26 =	vadd.s32 s31, v7;
	v19 =	vcvt.f32.s32 v19  }
0xb7: {  	v21 =	vand.u32 $0x7FF, v26  }
0xb8: {  	v21 =	vor.u32 $0x10000, v21;
	vm10 =	veq.f32 v18, $0.0e+00;
	v19 =	vadd.s32 $0xFFFFFFFF, v19  }
0xb9: {  	v18 =	vsel vm10, v21, v19  }
0xba: {  	[tilespmem:v25+s2+$0x0] =	vst.idx.msk $0xffff, v18  }
0xbb: {  	v18 =	vld [tilespmem:s26+$0xFFFFFC10];
	_ =	sdelay $0x4  }
0xbc: {  	v27 =	vor.u32 $0x7, v17;
	v19 =	vtrunc.f32 v18  }
0xbd: {  	v28 =	vadd.s32 s31, v8;
	v19 =	vcvt.f32.s32 v19  }
0xbe: {  	v21 =	vand.u32 $0x7FF, v28  }
0xbf: {  	v21 =	vor.u32 $0x10000, v21;
	vm11 =	veq.f32 v18, $0.0e+00;
	v19 =	vadd.s32 $0xFFFFFFFF, v19  }
0xc0: {  	v18 =	vsel vm11, v21, v19  }
0xc1: {  	[tilespmem:v27+s2+$0x0] =	vst.idx.msk $0xffff, v18  }
0xc2: {  	v18 =	vld [tilespmem:s26+$0x10];
	_ =	sdelay $0x4  }
0xc3: {  	v29 =	vor.u32 $0x8, v17;
	v19 =	vtrunc.f32 v18  }
0xc4: {  	v30 =	vadd.s32 s31, v9;
	v19 =	vcvt.f32.s32 v19  }
0xc5: {  	v21 =	vand.u32 $0x7FF, v30  }
0xc6: {  	v21 =	vor.u32 $0x10000, v21;
	vm12 =	veq.f32 v18, $0.0e+00;
	v19 =	vadd.s32 $0xFFFFFFFF, v19  }
0xc7: {  	v18 =	vsel vm12, v21, v19  }
0xc8: {  	[tilespmem:v29+s2+$0x0] =	vst.idx.msk $0xffff, v18  }
0xc9: {  	v18 =	vld [tilespmem:s26+$0x410];
	_ =	sdelay $0x4  }
0xca: {  	v31 =	vor.u32 $0x9, v17;
	v19 =	vtrunc.f32 v18  }
0xcb: {  	v32 =	vadd.s32 s31, v10;
	v19 =	vcvt.f32.s32 v19  }
0xcc: {  	v21 =	vand.u32 $0x7FF, v32  }
0xcd: {  	v21 =	vor.u32 $0x10000, v21;
	vm13 =	veq.f32 v18, $0.0e+00;
	v19 =	vadd.s32 $0xFFFFFFFF, v19  }
0xce: {  	v18 =	vsel vm13, v21, v19  }
0xcf: {  	[tilespmem:v31+s2+$0x0] =	vst.idx.msk $0xffff, v18  }
0xd0: {  	v18 =	vld [tilespmem:s26+$0x810];
	_ =	sdelay $0x4  }
0xd1: {  	v33 =	vor.u32 $0xA, v17;
	v19 =	vtrunc.f32 v18  }
0xd2: {  	v34 =	vadd.s32 s31, v11;
	v19 =	vcvt.f32.s32 v19  }
0xd3: {  	v21 =	vand.u32 $0x7FF, v34  }
0xd4: {  	v21 =	vor.u32 $0x10000, v21;
	vm14 =	veq.f32 v18, $0.0e+00;
	v19 =	vadd.s32 $0xFFFFFFFF, v19  }
0xd5: {  	v18 =	vsel vm14, v21, v19  }
0xd6: {  	[tilespmem:v33+s2+$0x0] =	vst.idx.msk $0xffff, v18  }
0xd7: {  	v18 =	vld [tilespmem:s26+$0xC10];
	_ =	sdelay $0x4  }
0xd8: {  	v35 =	vor.u32 $0xB, v17;
	v19 =	vtrunc.f32 v18  }
0xd9: {  	v36 =	vadd.s32 s31, v12;
	v19 =	vcvt.f32.s32 v19  }
0xda: {  	v21 =	vand.u32 $0x7FF, v36  }
0xdb: {  	v21 =	vor.u32 $0x10000, v21;
	vm15 =	veq.f32 v18, $0.0e+00;
	v19 =	vadd.s32 $0xFFFFFFFF, v19  }
0xdc: {  	v18 =	vsel vm15, v21, v19  }
0xdd: {  	[tilespmem:v35+s2+$0x0] =	vst.idx.msk $0xffff, v18  }
0xde: {  	v18 =	vld [tilespmem:s26+$0x1010];
	_ =	sdelay $0x4  }
0xdf: {  	v37 =	vor.u32 $0xC, v17;
	v19 =	vtrunc.f32 v18  }
0xe0: {  	v38 =	vadd.s32 s31, v13;
	v19 =	vcvt.f32.s32 v19  }
0xe1: {  	v21 =	vand.u32 $0x7FF, v38  }
0xe2: {  	v21 =	vor.u32 $0x10000, v21;
	vm4 =	veq.f32 v18, $0.0e+00;
	v19 =	vadd.s32 $0xFFFFFFFF, v19  }
0xe3: {  	v18 =	vsel vm4, v21, v19  }
0xe4: {  	[tilespmem:v37+s2+$0x0] =	vst.idx.msk $0xffff, v18  }
0xe5: {  	v18 =	vld [tilespmem:s26+$0x1410];
	_ =	sdelay $0x4  }
0xe6: {  	v39 =	vor.u32 $0xD, v17;
	v19 =	vtrunc.f32 v18  }
0xe7: {  	v40 =	vadd.s32 s31, v14;
	v19 =	vcvt.f32.s32 v19  }
0xe8: {  	v21 =	vand.u32 $0x7FF, v40  }
0xe9: {  	v21 =	vor.u32 $0x10000, v21;
	vm5 =	veq.f32 v18, $0.0e+00;
	v19 =	vadd.s32 $0xFFFFFFFF, v19  }
0xea: {  	v18 =	vsel vm5, v21, v19  }
0xeb: {  	[tilespmem:v39+s2+$0x0] =	vst.idx.msk $0xffff, v18  }
0xec: {  	v18 =	vld [tilespmem:s26+$0x1810];
	_ =	sdelay $0x4  }
0xed: {  	v41 =	vor.u32 $0xE, v17;
	v19 =	vtrunc.f32 v18  }
0xee: {  	v42 =	vadd.s32 s31, v15;
	v19 =	vcvt.f32.s32 v19  }
0xef: {  	v21 =	vand.u32 $0x7FF, v42  }
0xf0: {  	v21 =	vor.u32 $0x10000, v21;
	vm6 =	veq.f32 v18, $0.0e+00;
	v19 =	vadd.s32 $0xFFFFFFFF, v19  }
0xf1: {  	v18 =	vsel vm6, v21, v19  }
0xf2: {  	[tilespmem:v41+s2+$0x0] =	vst.idx.msk $0xffff, v18  }
0xf3: {  	v18 =	vld [tilespmem:s26+$0x1C10];
	_ =	sdelay $0x4  }
0xf4: {  	v17 =	vor.u32 $0xF, v17;
	v19 =	vtrunc.f32 v18  }
0xf5: {  	v43 =	vadd.s32 s31, v16;
	v19 =	vcvt.f32.s32 v19  }
0xf6: {  	v20 =	vand.u32 $0x7FF, v43  }
0xf7: {  	v20 =	vor.u32 $0x10000, v20;
	vm7 =	veq.f32 v18, $0.0e+00;
	v19 =	vadd.s32 $0xFFFFFFFF, v19  }
0xf8: {  	v18 =	vsel vm7, v20, v19  }
0xf9: {  	[tilespmem:v17+s2+$0x0] =	vst.idx.msk $0xffff, v18  }
0xfa: {  	v18 =	vld [tilespmem:s26+$0xFFFFE020];
	_ =	sdelay $0x1  }
0xfb: {  	s30 =	sadd.s32 $0xFFFFFFF0, s25  }
0xfc: {  	v17 =	vmov s30  }
0xfd: {  	v17 =	vshll.u32 v17, $0x4  }
0xfe: {  	s31 =	sadd.s32 $0xFFFFFFF0, s28;
	v17 =	vor.u32 v1, v17;
	v19 =	vtrunc.f32 v18  }
0xff: {  	v44 =	vor.u32 s31, v0;
	v19 =	vcvt.f32.s32 v19  }
0x100: {  	v20 =	vand.u32 $0x7FF, v44  }
0x101: {  	v20 =	vor.u32 $0x10000, v20;
	vm8 =	veq.f32 v18, $0.0e+00;
	v19 =	vadd.s32 $0xFFFFFFFF, v19  }
0x102: {  	v18 =	vsel vm8, v20, v19  }
0x103: {  	[tilespmem:v17+s2+$0x0] =	vst.idx.msk $0xffff, v18  }
0x104: {  	v18 =	vld [tilespmem:s26+$0xFFFFE420];
	_ =	sdelay $0x4  }
0x105: {  	v45 =	vor.u32 $0x1, v17;
	v19 =	vtrunc.f32 v18  }
0x106: {  	v46 =	vor.u32 s31, v2;
	v19 =	vcvt.f32.s32 v19  }
0x107: {  	v21 =	vand.u32 $0x7FF, v46  }
0x108: {  	v21 =	vor.u32 $0x10000, v21;
	vm9 =	veq.f32 v18, $0.0e+00;
	v19 =	vadd.s32 $0xFFFFFFFF, v19  }
0x109: {  	v18 =	vsel vm9, v21, v19  }
0x10a: {  	[tilespmem:v45+s2+$0x0] =	vst.idx.msk $0xffff, v18  }
0x10b: {  	v18 =	vld [tilespmem:s26+$0xFFFFE820];
	_ =	sdelay $0x4  }
0x10c: {  	v47 =	vor.u32 $0x2, v17;
	v19 =	vtrunc.f32 v18  }
0x10d: {  	v48 =	vor.u32 s31, v3;
	v19 =	vcvt.f32.s32 v19  }
0x10e: {  	v21 =	vand.u32 $0x7FF, v48  }
0x10f: {  	v21 =	vor.u32 $0x10000, v21;
	vm10 =	veq.f32 v18, $0.0e+00;
	v19 =	vadd.s32 $0xFFFFFFFF, v19  }
0x110: {  	v18 =	vsel vm10, v21, v19  }
0x111: {  	[tilespmem:v47+s2+$0x0] =	vst.idx.msk $0xffff, v18  }
0x112: {  	v18 =	vld [tilespmem:s26+$0xFFFFEC20];
	_ =	sdelay $0x4  }
0x113: {  	v49 =	vor.u32 $0x3, v17;
	v19 =	vtrunc.f32 v18  }
0x114: {  	v50 =	vor.u32 s31, v4;
	v19 =	vcvt.f32.s32 v19  }
0x115: {  	v21 =	vand.u32 $0x7FF, v50  }
0x116: {  	v21 =	vor.u32 $0x10000, v21;
	vm11 =	veq.f32 v18, $0.0e+00;
	v19 =	vadd.s32 $0xFFFFFFFF, v19  }
0x117: {  	v18 =	vsel vm11, v21, v19  }
0x118: {  	[tilespmem:v49+s2+$0x0] =	vst.idx.msk $0xffff, v18  }
0x119: {  	v18 =	vld [tilespmem:s26+$0xFFFFF020];
	_ =	sdelay $0x4  }
0x11a: {  	v51 =	vor.u32 $0x4, v17;
	v19 =	vtrunc.f32 v18  }
0x11b: {  	v52 =	vor.u32 s31, v5;
	v19 =	vcvt.f32.s32 v19  }
0x11c: {  	v21 =	vand.u32 $0x7FF, v52  }
0x11d: {  	v21 =	vor.u32 $0x10000, v21;
	vm12 =	veq.f32 v18, $0.0e+00;
	v19 =	vadd.s32 $0xFFFFFFFF, v19  }
0x11e: {  	v18 =	vsel vm12, v21, v19  }
0x11f: {  	[tilespmem:v51+s2+$0x0] =	vst.idx.msk $0xffff, v18  }
0x120: {  	v18 =	vld [tilespmem:s26+$0xFFFFF420];
	_ =	sdelay $0x4  }
0x121: {  	v53 =	vor.u32 $0x5, v17;
	v19 =	vtrunc.f32 v18  }
0x122: {  	v54 =	vor.u32 s31, v6;
	v19 =	vcvt.f32.s32 v19  }
0x123: {  	v21 =	vand.u32 $0x7FF, v54  }
0x124: {  	v21 =	vor.u32 $0x10000, v21;
	vm13 =	veq.f32 v18, $0.0e+00;
	v19 =	vadd.s32 $0xFFFFFFFF, v19  }
0x125: {  	v18 =	vsel vm13, v21, v19  }
0x126: {  	[tilespmem:v53+s2+$0x0] =	vst.idx.msk $0xffff, v18  }
0x127: {  	v18 =	vld [tilespmem:s26+$0xFFFFF820];
	_ =	sdelay $0x4  }
0x128: {  	v55 =	vor.u32 $0x6, v17;
	v19 =	vtrunc.f32 v18  }
0x129: {  	v56 =	vor.u32 s31, v7;
	v19 =	vcvt.f32.s32 v19  }
0x12a: {  	v21 =	vand.u32 $0x7FF, v56  }
0x12b: {  	v21 =	vor.u32 $0x10000, v21;
	vm14 =	veq.f32 v18, $0.0e+00;
	v19 =	vadd.s32 $0xFFFFFFFF, v19  }
0x12c: {  	v18 =	vsel vm14, v21, v19  }
0x12d: {  	[tilespmem:v55+s2+$0x0] =	vst.idx.msk $0xffff, v18  }
0x12e: {  	v18 =	vld [tilespmem:s26+$0xFFFFFC20];
	_ =	sdelay $0x4  }
0x12f: {  	v57 =	vor.u32 $0x7, v17;
	v19 =	vtrunc.f32 v18  }
0x130: {  	v58 =	vor.u32 s31, v8;
	v19 =	vcvt.f32.s32 v19  }
0x131: {  	v21 =	vand.u32 $0x7FF, v58  }
0x132: {  	v21 =	vor.u32 $0x10000, v21;
	vm15 =	veq.f32 v18, $0.0e+00;
	v19 =	vadd.s32 $0xFFFFFFFF, v19  }
0x133: {  	v18 =	vsel vm15, v21, v19  }
0x134: {  	[tilespmem:v57+s2+$0x0] =	vst.idx.msk $0xffff, v18  }
0x135: {  	v18 =	vld [tilespmem:s26+$0x20];
	_ =	sdelay $0x4  }
0x136: {  	v59 =	vor.u32 $0x8, v17;
	v19 =	vtrunc.f32 v18  }
0x137: {  	v60 =	vor.u32 s31, v9;
	v19 =	vcvt.f32.s32 v19  }
0x138: {  	v21 =	vand.u32 $0x7FF, v60  }
0x139: {  	v21 =	vor.u32 $0x10000, v21;
	vm4 =	veq.f32 v18, $0.0e+00;
	v19 =	vadd.s32 $0xFFFFFFFF, v19  }
0x13a: {  	v18 =	vsel vm4, v21, v19  }
0x13b: {  	[tilespmem:v59+s2+$0x0] =	vst.idx.msk $0xffff, v18  }
0x13c: {  	v18 =	vld [tilespmem:s26+$0x420];
	_ =	sdelay $0x4  }
0x13d: {  	v61 =	vor.u32 $0x9, v17;
	v19 =	vtrunc.f32 v18  }
0x13e: {  	v62 =	vor.u32 s31, v10;
	v19 =	vcvt.f32.s32 v19  }
0x13f: {  	v21 =	vand.u32 $0x7FF, v62  }
0x140: {  	v21 =	vor.u32 $0x10000, v21;
	vm5 =	veq.f32 v18, $0.0e+00;
	v19 =	vadd.s32 $0xFFFFFFFF, v19  }
0x141: {  	v18 =	vsel vm5, v21, v19  }
0x142: {  	[tilespmem:v61+s2+$0x0] =	vst.idx.msk $0xffff, v18  }
0x143: {  	v18 =	vld [tilespmem:s26+$0x820];
	_ =	sdelay $0x4  }
0x144: {  	v63 =	vor.u32 $0xA, v17;
	v19 =	vtrunc.f32 v18  }
0x145: {  	v24 =	vor.u32 s31, v11;
	v19 =	vcvt.f32.s32 v19  }
0x146: {  	v21 =	vand.u32 $0x7FF, v24  }
0x147: {  	v21 =	vor.u32 $0x10000, v21;
	vm6 =	veq.f32 v18, $0.0e+00;
	v19 =	vadd.s32 $0xFFFFFFFF, v19  }
0x148: {  	v18 =	vsel vm6, v21, v19  }
0x149: {  	[tilespmem:v63+s2+$0x0] =	vst.idx.msk $0xffff, v18  }
0x14a: {  	v18 =	vld [tilespmem:s26+$0xC20];
	_ =	sdelay $0x4  }
0x14b: {  	v25 =	vor.u32 $0xB, v17;
	v19 =	vtrunc.f32 v18  }
0x14c: {  	v26 =	vor.u32 s31, v12;
	v19 =	vcvt.f32.s32 v19  }
0x14d: {  	v21 =	vand.u32 $0x7FF, v26  }
0x14e: {  	v21 =	vor.u32 $0x10000, v21;
	vm7 =	veq.f32 v18, $0.0e+00;
	v19 =	vadd.s32 $0xFFFFFFFF, v19  }
0x14f: {  	v18 =	vsel vm7, v21, v19  }
0x150: {  	[tilespmem:v25+s2+$0x0] =	vst.idx.msk $0xffff, v18  }
0x151: {  	v18 =	vld [tilespmem:s26+$0x1020];
	_ =	sdelay $0x4  }
0x152: {  	v27 =	vor.u32 $0xC, v17;
	v19 =	vtrunc.f32 v18  }
0x153: {  	v28 =	vor.u32 s31, v13;
	v19 =	vcvt.f32.s32 v19  }
0x154: {  	v21 =	vand.u32 $0x7FF, v28  }
0x155: {  	v21 =	vor.u32 $0x10000, v21;
	vm8 =	veq.f32 v18, $0.0e+00;
	v19 =	vadd.s32 $0xFFFFFFFF, v19  }
0x156: {  	v18 =	vsel vm8, v21, v19  }
0x157: {  	[tilespmem:v27+s2+$0x0] =	vst.idx.msk $0xffff, v18  }
0x158: {  	v18 =	vld [tilespmem:s26+$0x1420];
	_ =	sdelay $0x4  }
0x159: {  	v29 =	vor.u32 $0xD, v17;
	v19 =	vtrunc.f32 v18  }
0x15a: {  	v30 =	vor.u32 s31, v14;
	v19 =	vcvt.f32.s32 v19  }
0x15b: {  	v21 =	vand.u32 $0x7FF, v30  }
0x15c: {  	v21 =	vor.u32 $0x10000, v21;
	vm9 =	veq.f32 v18, $0.0e+00;
	v19 =	vadd.s32 $0xFFFFFFFF, v19  }
0x15d: {  	v18 =	vsel vm9, v21, v19  }
0x15e: {  	[tilespmem:v29+s2+$0x0] =	vst.idx.msk $0xffff, v18  }
0x15f: {  	v18 =	vld [tilespmem:s26+$0x1820];
	_ =	sdelay $0x4  }
0x160: {  	v31 =	vor.u32 $0xE, v17;
	v19 =	vtrunc.f32 v18  }
0x161: {  	v32 =	vor.u32 s31, v15;
	v19 =	vcvt.f32.s32 v19  }
0x162: {  	v21 =	vand.u32 $0x7FF, v32  }
0x163: {  	v21 =	vor.u32 $0x10000, v21;
	vm10 =	veq.f32 v18, $0.0e+00;
	v19 =	vadd.s32 $0xFFFFFFFF, v19  }
0x164: {  	v18 =	vsel vm10, v21, v19  }
0x165: {  	[tilespmem:v31+s2+$0x0] =	vst.idx.msk $0xffff, v18  }
0x166: {  	v18 =	vld [tilespmem:s26+$0x1C20];
	_ =	sdelay $0x4  }
0x167: {  	v17 =	vor.u32 $0xF, v17;
	v19 =	vtrunc.f32 v18  }
0x168: {  	v33 =	vor.u32 s31, v16;
	v19 =	vcvt.f32.s32 v19  }
0x169: {  	v20 =	vand.u32 $0x7FF, v33  }
0x16a: {  	v20 =	vor.u32 $0x10000, v20;
	vm11 =	veq.f32 v18, $0.0e+00;
	v19 =	vadd.s32 $0xFFFFFFFF, v19  }
0x16b: {  	v18 =	vsel vm11, v20, v19  }
0x16c: {  	[tilespmem:v17+s2+$0x0] =	vst.idx.msk $0xffff, v18  }
0x16d: {  	v18 =	vld [tilespmem:s26+$0xFFFFE030];
	_ =	sdelay $0x2  }
0x16e: {  	v17 =	vmov s25  }
0x16f: {  	v17 =	vshll.u32 v17, $0x4  }
0x170: {  	v17 =	vor.u32 v1, v17;
	v19 =	vtrunc.f32 v18  }
0x171: {  	v34 =	vor.u32 s28, v0;
	v19 =	vcvt.f32.s32 v19  }
0x172: {  	v20 =	vand.u32 $0x7FF, v34  }
0x173: {  	v20 =	vor.u32 $0x10000, v20;
	vm12 =	veq.f32 v18, $0.0e+00;
	v19 =	vadd.s32 $0xFFFFFFFF, v19  }
0x174: {  	v18 =	vsel vm12, v20, v19  }
0x175: {  	[tilespmem:v17+s2+$0x0] =	vst.idx.msk $0xffff, v18  }
0x176: {  	v18 =	vld [tilespmem:s26+$0xFFFFE430];
	_ =	sdelay $0x4  }
0x177: {  	v35 =	vor.u32 $0x1, v17;
	v19 =	vtrunc.f32 v18  }
0x178: {  	v36 =	vadd.s32 s28, v2;
	v19 =	vcvt.f32.s32 v19  }
0x179: {  	v21 =	vand.u32 $0x7FF, v36  }
0x17a: {  	v21 =	vor.u32 $0x10000, v21;
	vm13 =	veq.f32 v18, $0.0e+00;
	v19 =	vadd.s32 $0xFFFFFFFF, v19  }
0x17b: {  	v18 =	vsel vm13, v21, v19  }
0x17c: {  	[tilespmem:v35+s2+$0x0] =	vst.idx.msk $0xffff, v18  }
0x17d: {  	v18 =	vld [tilespmem:s26+$0xFFFFE830];
	_ =	sdelay $0x4  }
0x17e: {  	v37 =	vor.u32 $0x2, v17;
	v19 =	vtrunc.f32 v18  }
0x17f: {  	v38 =	vadd.s32 s28, v3;
	v19 =	vcvt.f32.s32 v19  }
0x180: {  	v21 =	vand.u32 $0x7FF, v38  }
0x181: {  	v21 =	vor.u32 $0x10000, v21;
	vm14 =	veq.f32 v18, $0.0e+00;
	v19 =	vadd.s32 $0xFFFFFFFF, v19  }
0x182: {  	v18 =	vsel vm14, v21, v19  }
0x183: {  	[tilespmem:v37+s2+$0x0] =	vst.idx.msk $0xffff, v18  }
0x184: {  	v18 =	vld [tilespmem:s26+$0xFFFFEC30];
	_ =	sdelay $0x4  }
0x185: {  	v39 =	vor.u32 $0x3, v17;
	v19 =	vtrunc.f32 v18  }
0x186: {  	v40 =	vadd.s32 s28, v4;
	v19 =	vcvt.f32.s32 v19  }
0x187: {  	v21 =	vand.u32 $0x7FF, v40  }
0x188: {  	v21 =	vor.u32 $0x10000, v21;
	vm15 =	veq.f32 v18, $0.0e+00;
	v19 =	vadd.s32 $0xFFFFFFFF, v19  }
0x189: {  	v18 =	vsel vm15, v21, v19  }
0x18a: {  	[tilespmem:v39+s2+$0x0] =	vst.idx.msk $0xffff, v18  }
0x18b: {  	v18 =	vld [tilespmem:s26+$0xFFFFF030];
	_ =	sdelay $0x4  }
0x18c: {  	v41 =	vor.u32 $0x4, v17;
	v19 =	vtrunc.f32 v18  }
0x18d: {  	v42 =	vadd.s32 s28, v5;
	v19 =	vcvt.f32.s32 v19  }
0x18e: {  	v21 =	vand.u32 $0x7FF, v42  }
0x18f: {  	v21 =	vor.u32 $0x10000, v21;
	vm4 =	veq.f32 v18, $0.0e+00;
	v19 =	vadd.s32 $0xFFFFFFFF, v19  }
0x190: {  	v18 =	vsel vm4, v21, v19  }
0x191: {  	[tilespmem:v41+s2+$0x0] =	vst.idx.msk $0xffff, v18  }
0x192: {  	v18 =	vld [tilespmem:s26+$0xFFFFF430];
	_ =	sdelay $0x4  }
0x193: {  	v43 =	vor.u32 $0x5, v17;
	v19 =	vtrunc.f32 v18  }
0x194: {  	v44 =	vadd.s32 s28, v6;
	v19 =	vcvt.f32.s32 v19  }
0x195: {  	v21 =	vand.u32 $0x7FF, v44  }
0x196: {  	v21 =	vor.u32 $0x10000, v21;
	vm5 =	veq.f32 v18, $0.0e+00;
	v19 =	vadd.s32 $0xFFFFFFFF, v19  }
0x197: {  	v18 =	vsel vm5, v21, v19  }
0x198: {  	[tilespmem:v43+s2+$0x0] =	vst.idx.msk $0xffff, v18  }
0x199: {  	v18 =	vld [tilespmem:s26+$0xFFFFF830];
	_ =	sdelay $0x4  }
0x19a: {  	v45 =	vor.u32 $0x6, v17;
	v19 =	vtrunc.f32 v18  }
0x19b: {  	v46 =	vadd.s32 s28, v7;
	v19 =	vcvt.f32.s32 v19  }
0x19c: {  	v21 =	vand.u32 $0x7FF, v46  }
0x19d: {  	v21 =	vor.u32 $0x10000, v21;
	vm6 =	veq.f32 v18, $0.0e+00;
	v19 =	vadd.s32 $0xFFFFFFFF, v19  }
0x19e: {  	v18 =	vsel vm6, v21, v19  }
0x19f: {  	[tilespmem:v45+s2+$0x0] =	vst.idx.msk $0xffff, v18  }
0x1a0: {  	v18 =	vld [tilespmem:s26+$0xFFFFFC30];
	_ =	sdelay $0x4  }
0x1a1: {  	v47 =	vor.u32 $0x7, v17;
	v19 =	vtrunc.f32 v18  }
0x1a2: {  	v48 =	vadd.s32 s28, v8;
	v19 =	vcvt.f32.s32 v19  }
0x1a3: {  	v21 =	vand.u32 $0x7FF, v48  }
0x1a4: {  	v21 =	vor.u32 $0x10000, v21;
	vm7 =	veq.f32 v18, $0.0e+00;
	v19 =	vadd.s32 $0xFFFFFFFF, v19  }
0x1a5: {  	v18 =	vsel vm7, v21, v19  }
0x1a6: {  	[tilespmem:v47+s2+$0x0] =	vst.idx.msk $0xffff, v18  }
0x1a7: {  	v18 =	vld [tilespmem:s26+$0x30];
	_ =	sdelay $0x4  }
0x1a8: {  	v49 =	vor.u32 $0x8, v17;
	v19 =	vtrunc.f32 v18  }
0x1a9: {  	v50 =	vadd.s32 s28, v9;
	v19 =	vcvt.f32.s32 v19  }
0x1aa: {  	v21 =	vand.u32 $0x7FF, v50  }
0x1ab: {  	v21 =	vor.u32 $0x10000, v21;
	vm8 =	veq.f32 v18, $0.0e+00;
	v19 =	vadd.s32 $0xFFFFFFFF, v19  }
0x1ac: {  	v18 =	vsel vm8, v21, v19  }
0x1ad: {  	[tilespmem:v49+s2+$0x0] =	vst.idx.msk $0xffff, v18  }
0x1ae: {  	v18 =	vld [tilespmem:s26+$0x430];
	_ =	sdelay $0x4  }
0x1af: {  	v51 =	vor.u32 $0x9, v17;
	v19 =	vtrunc.f32 v18  }
0x1b0: {  	v52 =	vadd.s32 s28, v10;
	v19 =	vcvt.f32.s32 v19  }
0x1b1: {  	v21 =	vand.u32 $0x7FF, v52  }
0x1b2: {  	v21 =	vor.u32 $0x10000, v21;
	vm9 =	veq.f32 v18, $0.0e+00;
	v19 =	vadd.s32 $0xFFFFFFFF, v19  }
0x1b3: {  	v18 =	vsel vm9, v21, v19  }
0x1b4: {  	[tilespmem:v51+s2+$0x0] =	vst.idx.msk $0xffff, v18  }
0x1b5: {  	v18 =	vld [tilespmem:s26+$0x830];
	_ =	sdelay $0x4  }
0x1b6: {  	v53 =	vor.u32 $0xA, v17;
	v19 =	vtrunc.f32 v18  }
0x1b7: {  	v54 =	vadd.s32 s28, v11;
	v19 =	vcvt.f32.s32 v19  }
0x1b8: {  	v21 =	vand.u32 $0x7FF, v54  }
0x1b9: {  	v21 =	vor.u32 $0x10000, v21;
	vm10 =	veq.f32 v18, $0.0e+00;
	v19 =	vadd.s32 $0xFFFFFFFF, v19  }
0x1ba: {  	v18 =	vsel vm10, v21, v19  }
0x1bb: {  	[tilespmem:v53+s2+$0x0] =	vst.idx.msk $0xffff, v18  }
0x1bc: {  	v18 =	vld [tilespmem:s26+$0xC30];
	_ =	sdelay $0x4  }
0x1bd: {  	v55 =	vor.u32 $0xB, v17;
	v19 =	vtrunc.f32 v18  }
0x1be: {  	v56 =	vadd.s32 s28, v12;
	v19 =	vcvt.f32.s32 v19  }
0x1bf: {  	v21 =	vand.u32 $0x7FF, v56  }
0x1c0: {  	v21 =	vor.u32 $0x10000, v21;
	vm11 =	veq.f32 v18, $0.0e+00;
	v19 =	vadd.s32 $0xFFFFFFFF, v19  }
0x1c1: {  	v18 =	vsel vm11, v21, v19  }
0x1c2: {  	[tilespmem:v55+s2+$0x0] =	vst.idx.msk $0xffff, v18  }
0x1c3: {  	v18 =	vld [tilespmem:s26+$0x1030];
	_ =	sdelay $0x4  }
0x1c4: {  	v57 =	vor.u32 $0xC, v17;
	v19 =	vtrunc.f32 v18  }
0x1c5: {  	v58 =	vadd.s32 s28, v13;
	v19 =	vcvt.f32.s32 v19  }
0x1c6: {  	v21 =	vand.u32 $0x7FF, v58  }
0x1c7: {  	v21 =	vor.u32 $0x10000, v21;
	vm12 =	veq.f32 v18, $0.0e+00;
	v19 =	vadd.s32 $0xFFFFFFFF, v19  }
0x1c8: {  	v18 =	vsel vm12, v21, v19  }
0x1c9: {  	[tilespmem:v57+s2+$0x0] =	vst.idx.msk $0xffff, v18  }
0x1ca: {  	v18 =	vld [tilespmem:s26+$0x1430];
	_ =	sdelay $0x4  }
0x1cb: {  	v59 =	vor.u32 $0xD, v17;
	v19 =	vtrunc.f32 v18  }
0x1cc: {  	v60 =	vadd.s32 s28, v14;
	v19 =	vcvt.f32.s32 v19  }
0x1cd: {  	v21 =	vand.u32 $0x7FF, v60  }
0x1ce: {  	v21 =	vor.u32 $0x10000, v21;
	vm13 =	veq.f32 v18, $0.0e+00;
	v19 =	vadd.s32 $0xFFFFFFFF, v19  }
0x1cf: {  	v18 =	vsel vm13, v21, v19  }
0x1d0: {  	[tilespmem:v59+s2+$0x0] =	vst.idx.msk $0xffff, v18  }
0x1d1: {  	v18 =	vld [tilespmem:s26+$0x1830];
	_ =	sdelay $0x4  }
0x1d2: {  	v61 =	vor.u32 $0xE, v17;
	v19 =	vtrunc.f32 v18  }
0x1d3: {  	v62 =	vadd.s32 s28, v15;
	v19 =	vcvt.f32.s32 v19  }
0x1d4: {  	v21 =	vand.u32 $0x7FF, v62  }
0x1d5: {  	vm14 =	veq.f32 v18, $0.0e+00;
	v18 =	vadd.s32 $0xFFFFFFFF, v19;
	v19 =	vor.u32 $0x10000, v21  }
0x1d6: {  	v18 =	vsel vm14, v19, v18  }
0x1d7: {  	[tilespmem:v61+s2+$0x0] =	vst.idx.msk $0xffff, v18  }
0x1d8: {  	v18 =	vld [tilespmem:s26+$0x1C30];
	_ =	sdelay $0x3  }
0x1d9: {  	s24 =	sadd.s32 $0x4, s24  }
0x1da: {  	p0 =	slt.u32 s24, $0x3C;
	v17 =	vor.u32 $0xF, v17;
	v19 =	vtrunc.f32 v18  }
.Ltmp0:
0x1db: {  	v63 =	vadd.s32 s28, v16;
	v19 =	vcvt.f32.s32 v19;
	(pc) =	sbr.rel @p0 .LBB2_2-.Ltmp0, $4  }
0x1dc: {  	v20 =	vand.u32 $0x7FF, v63  }
0x1dd: {  	v20 =	vor.u32 $0x10000, v20;
	vm15 =	veq.f32 v18, $0.0e+00;
	v19 =	vadd.s32 $0xFFFFFFFF, v19  }
0x1de: {  	v18 =	vsel vm15, v20, v19  }
0x1df: {  	s25 =	sadd.s32 $0x40, s25;
	s26 =	sadd.s32 $0x40, s26;
	[tilespmem:v17+s2+$0x0] =	vst.idx.msk $0xffff, v18  }
0x1e0: {  	[tilespmem:s12], [sflag:$0x5] =	stream.strided.gather [hbm4b:s6+s10], $0x4000, s11, s10, $0x38;
	[tilespmem:$0x1C800] =	vst v63  }
0x1e1: {  	_ =	swait.ge [sflag:s13], $0x4000  }
0x1e2: {  	s24 =	simm.s32 $0xFFFFFFFC;
	[sflag:s13] =	ssyncset.done $0x0  }
0x1e3: {  	s25 =	simm.s32 $0x430;
	s26 =	simm.s32 $0xA000;
	[sflag:s13] =	ssyncadd.s32 $0xFFFFC000  }
.LBB2_4:
0x1e4: {  	v18 =	vld [tilespmem:s26+$0xFFFFE000];
	_ =	sdelay $0x1  }
0x1e5: {  	s28 =	sadd.s32 $0xFFFFFFD0, s25  }
0x1e6: {  	v17 =	vmov s28  }
0x1e7: {  	s28 =	sadd.s32 s25, s9;
	v17 =	vshll.u32 v17, $0x4  }
0x1e8: {  	s29 =	sadd.s32 $0xFFFFFBD0, s28;
	v17 =	vor.u32 v1, v17;
	v19 =	vtrunc.f32 v18  }
0x1e9: {  	v20 =	vor.u32 s29, v0;
	v19 =	vcvt.f32.s32 v19  }
0x1ea: {  	v20 =	vand.u32 $0x7CF, v20  }
0x1eb: {  	v20 =	vor.u32 $0x10000, v20;
	vm0 =	veq.f32 v18, $0.0e+00;
	v19 =	vadd.s32 $0xFFFFFFFF, v19  }
0x1ec: {  	v18 =	vsel vm0, v20, v19  }
0x1ed: {  	[tilespmem:v17+s2+$0x0] =	vst.idx.msk $0xffff, v18  }
0x1ee: {  	v18 =	vld [tilespmem:s26+$0xFFFFE400];
	_ =	sdelay $0x4  }
0x1ef: {  	v26 =	vor.u32 $0x1, v17;
	v19 =	vtrunc.f32 v18  }
0x1f0: {  	v21 =	vor.u32 s29, v2;
	v19 =	vcvt.f32.s32 v19  }
0x1f1: {  	v21 =	vand.u32 $0x7DF, v21  }
0x1f2: {  	v21 =	vor.u32 $0x10000, v21;
	vm13 =	veq.f32 v18, $0.0e+00;
	v19 =	vadd.s32 $0xFFFFFFFF, v19  }
0x1f3: {  	v18 =	vsel vm13, v21, v19  }
0x1f4: {  	[tilespmem:v26+s2+$0x0] =	vst.idx.msk $0xffff, v18  }
0x1f5: {  	v18 =	vld [tilespmem:s26+$0xFFFFE800];
	_ =	sdelay $0x4  }
0x1f6: {  	v27 =	vor.u32 $0x2, v17;
	v19 =	vtrunc.f32 v18  }
0x1f7: {  	v28 =	vor.u32 s29, v3;
	v19 =	vcvt.f32.s32 v19  }
0x1f8: {  	v21 =	vand.u32 $0x7DF, v28  }
0x1f9: {  	v21 =	vor.u32 $0x10000, v21;
	vm14 =	veq.f32 v18, $0.0e+00;
	v19 =	vadd.s32 $0xFFFFFFFF, v19  }
0x1fa: {  	v18 =	vsel vm14, v21, v19  }
0x1fb: {  	[tilespmem:v27+s2+$0x0] =	vst.idx.msk $0xffff, v18  }
0x1fc: {  	v18 =	vld [tilespmem:s26+$0xFFFFEC00];
	_ =	sdelay $0x4  }
0x1fd: {  	v29 =	vor.u32 $0x3, v17;
	v19 =	vtrunc.f32 v18  }
0x1fe: {  	v30 =	vor.u32 s29, v4;
	v19 =	vcvt.f32.s32 v19  }
0x1ff: {  	v21 =	vand.u32 $0x7DF, v30  }
0x200: {  	v21 =	vor.u32 $0x10000, v21;
	vm15 =	veq.f32 v18, $0.0e+00;
	v19 =	vadd.s32 $0xFFFFFFFF, v19  }
0x201: {  	v18 =	vsel vm15, v21, v19  }
0x202: {  	[tilespmem:v29+s2+$0x0] =	vst.idx.msk $0xffff, v18  }
0x203: {  	v18 =	vld [tilespmem:s26+$0xFFFFF000];
	_ =	sdelay $0x4  }
0x204: {  	v31 =	vor.u32 $0x4, v17;
	v19 =	vtrunc.f32 v18  }
0x205: {  	v32 =	vor.u32 s29, v5;
	v19 =	vcvt.f32.s32 v19  }
0x206: {  	v21 =	vand.u32 $0x7DF, v32  }
0x207: {  	v21 =	vor.u32 $0x10000, v21;
	vm4 =	veq.f32 v18, $0.0e+00;
	v19 =	vadd.s32 $0xFFFFFFFF, v19  }
0x208: {  	v18 =	vsel vm4, v21, v19  }
0x209: {  	[tilespmem:v31+s2+$0x0] =	vst.idx.msk $0xffff, v18  }
0x20a: {  	v18 =	vld [tilespmem:s26+$0xFFFFF400];
	_ =	sdelay $0x4  }
0x20b: {  	v33 =	vor.u32 $0x5, v17;
	v19 =	vtrunc.f32 v18  }
0x20c: {  	v34 =	vor.u32 s29, v6;
	v19 =	vcvt.f32.s32 v19  }
0x20d: {  	v21 =	vand.u32 $0x7DF, v34  }
0x20e: {  	v21 =	vor.u32 $0x10000, v21;
	vm5 =	veq.f32 v18, $0.0e+00;
	v19 =	vadd.s32 $0xFFFFFFFF, v19  }
0x20f: {  	v18 =	vsel vm5, v21, v19  }
0x210: {  	[tilespmem:v33+s2+$0x0] =	vst.idx.msk $0xffff, v18  }
0x211: {  	v18 =	vld [tilespmem:s26+$0xFFFFF800];
	_ =	sdelay $0x4  }
0x212: {  	v35 =	vor.u32 $0x6, v17;
	v19 =	vtrunc.f32 v18  }
0x213: {  	v36 =	vor.u32 s29, v7;
	v19 =	vcvt.f32.s32 v19  }
0x214: {  	v21 =	vand.u32 $0x7DF, v36  }
0x215: {  	v21 =	vor.u32 $0x10000, v21;
	vm6 =	veq.f32 v18, $0.0e+00;
	v19 =	vadd.s32 $0xFFFFFFFF, v19  }
0x216: {  	v18 =	vsel vm6, v21, v19  }
0x217: {  	[tilespmem:v35+s2+$0x0] =	vst.idx.msk $0xffff, v18  }
0x218: {  	v18 =	vld [tilespmem:s26+$0xFFFFFC00];
	_ =	sdelay $0x4  }
0x219: {  	v37 =	vor.u32 $0x7, v17;
	v19 =	vtrunc.f32 v18  }
0x21a: {  	v38 =	vor.u32 s29, v8;
	v19 =	vcvt.f32.s32 v19  }
0x21b: {  	v21 =	vand.u32 $0x7DF, v38  }
0x21c: {  	v21 =	vor.u32 $0x10000, v21;
	vm7 =	veq.f32 v18, $0.0e+00;
	v19 =	vadd.s32 $0xFFFFFFFF, v19  }
0x21d: {  	v18 =	vsel vm7, v21, v19  }
0x21e: {  	[tilespmem:v37+s2+$0x0] =	vst.idx.msk $0xffff, v18  }
0x21f: {  	v18 =	vld [tilespmem:s26+$0x0];
	_ =	sdelay $0x4  }
0x220: {  	v39 =	vor.u32 $0x8, v17;
	v19 =	vtrunc.f32 v18  }
0x221: {  	v40 =	vor.u32 s29, v9;
	v19 =	vcvt.f32.s32 v19  }
0x222: {  	v21 =	vand.u32 $0x7DF, v40  }
0x223: {  	v21 =	vor.u32 $0x10000, v21;
	vm8 =	veq.f32 v18, $0.0e+00;
	v19 =	vadd.s32 $0xFFFFFFFF, v19  }
0x224: {  	v18 =	vsel vm8, v21, v19  }
0x225: {  	[tilespmem:v39+s2+$0x0] =	vst.idx.msk $0xffff, v18  }
0x226: {  	v18 =	vld [tilespmem:s26+$0x400];
	_ =	sdelay $0x4  }
0x227: {  	v41 =	vor.u32 $0x9, v17;
	v19 =	vtrunc.f32 v18  }
0x228: {  	v42 =	vor.u32 s29, v10;
	v19 =	vcvt.f32.s32 v19  }
0x229: {  	v21 =	vand.u32 $0x7DF, v42  }
0x22a: {  	v21 =	vor.u32 $0x10000, v21;
	vm9 =	veq.f32 v18, $0.0e+00;
	v19 =	vadd.s32 $0xFFFFFFFF, v19  }
0x22b: {  	v18 =	vsel vm9, v21, v19  }
0x22c: {  	[tilespmem:v41+s2+$0x0] =	vst.idx.msk $0xffff, v18  }
0x22d: {  	v18 =	vld [tilespmem:s26+$0x800];
	_ =	sdelay $0x4  }
0x22e: {  	v43 =	vor.u32 $0xA, v17;
	v19 =	vtrunc.f32 v18  }
0x22f: {  	v44 =	vor.u32 s29, v11;
	v19 =	vcvt.f32.s32 v19  }
0x230: {  	v21 =	vand.u32 $0x7DF, v44  }
0x231: {  	v21 =	vor.u32 $0x10000, v21;
	vm10 =	veq.f32 v18, $0.0e+00;
	v19 =	vadd.s32 $0xFFFFFFFF, v19  }
0x232: {  	v18 =	vsel vm10, v21, v19  }
0x233: {  	[tilespmem:v43+s2+$0x0] =	vst.idx.msk $0xffff, v18  }
0x234: {  	v18 =	vld [tilespmem:s26+$0xC00];
	_ =	sdelay $0x4  }
0x235: {  	v45 =	vor.u32 $0xB, v17;
	v19 =	vtrunc.f32 v18  }
0x236: {  	v46 =	vor.u32 s29, v12;
	v19 =	vcvt.f32.s32 v19  }
0x237: {  	v21 =	vand.u32 $0x7DF, v46  }
0x238: {  	v21 =	vor.u32 $0x10000, v21;
	vm11 =	veq.f32 v18, $0.0e+00;
	v19 =	vadd.s32 $0xFFFFFFFF, v19  }
0x239: {  	v18 =	vsel vm11, v21, v19  }
0x23a: {  	[tilespmem:v45+s2+$0x0] =	vst.idx.msk $0xffff, v18  }
0x23b: {  	v18 =	vld [tilespmem:s26+$0x1000];
	_ =	sdelay $0x4  }
0x23c: {  	v47 =	vor.u32 $0xC, v17;
	v19 =	vtrunc.f32 v18  }
0x23d: {  	v48 =	vor.u32 s29, v13;
	v19 =	vcvt.f32.s32 v19  }
0x23e: {  	v21 =	vand.u32 $0x7DF, v48  }
0x23f: {  	v21 =	vor.u32 $0x10000, v21;
	vm12 =	veq.f32 v18, $0.0e+00;
	v19 =	vadd.s32 $0xFFFFFFFF, v19  }
0x240: {  	v18 =	vsel vm12, v21, v19  }
0x241: {  	[tilespmem:v47+s2+$0x0] =	vst.idx.msk $0xffff, v18  }
0x242: {  	v18 =	vld [tilespmem:s26+$0x1400];
	_ =	sdelay $0x4  }
0x243: {  	v49 =	vor.u32 $0xD, v17;
	v19 =	vtrunc.f32 v18  }
0x244: {  	v50 =	vor.u32 s29, v14;
	v19 =	vcvt.f32.s32 v19  }
0x245: {  	v21 =	vand.u32 $0x7DF, v50  }
0x246: {  	v21 =	vor.u32 $0x10000, v21;
	vm13 =	veq.f32 v18, $0.0e+00;
	v19 =	vadd.s32 $0xFFFFFFFF, v19  }
0x247: {  	v18 =	vsel vm13, v21, v19  }
0x248: {  	[tilespmem:v49+s2+$0x0] =	vst.idx.msk $0xffff, v18  }
0x249: {  	v18 =	vld [tilespmem:s26+$0x1800];
	_ =	sdelay $0x4  }
0x24a: {  	v51 =	vor.u32 $0xE, v17;
	v19 =	vtrunc.f32 v18  }
0x24b: {  	v52 =	vor.u32 s29, v15;
	v19 =	vcvt.f32.s32 v19  }
0x24c: {  	v21 =	vand.u32 $0x7DF, v52  }
0x24d: {  	v21 =	vor.u32 $0x10000, v21;
	vm14 =	veq.f32 v18, $0.0e+00;
	v19 =	vadd.s32 $0xFFFFFFFF, v19  }
0x24e: {  	v18 =	vsel vm14, v21, v19  }
0x24f: {  	[tilespmem:v51+s2+$0x0] =	vst.idx.msk $0xffff, v18  }
0x250: {  	v18 =	vld [tilespmem:s26+$0x1C00];
	_ =	sdelay $0x4  }
0x251: {  	v17 =	vor.u32 $0xF, v17;
	v19 =	vtrunc.f32 v18  }
0x252: {  	v53 =	vor.u32 s29, v16;
	v19 =	vcvt.f32.s32 v19  }
0x253: {  	v20 =	vand.u32 $0x7DF, v53  }
0x254: {  	v20 =	vor.u32 $0x10000, v20;
	vm15 =	veq.f32 v18, $0.0e+00;
	v19 =	vadd.s32 $0xFFFFFFFF, v19  }
0x255: {  	v18 =	vsel vm15, v20, v19  }
0x256: {  	[tilespmem:v17+s2+$0x0] =	vst.idx.msk $0xffff, v18  }
0x257: {  	v18 =	vld [tilespmem:s26+$0xFFFFE010];
	_ =	sdelay $0x1  }
0x258: {  	s30 =	sadd.s32 $0xFFFFFFE0, s25  }
0x259: {  	v17 =	vmov s30  }
0x25a: {  	v17 =	vshll.u32 v17, $0x4  }
0x25b: {  	s31 =	sadd.s32 $0xFFFFFBE0, s28;
	v17 =	vor.u32 v1, v17;
	v19 =	vtrunc.f32 v18  }
0x25c: {  	v54 =	vor.u32 s31, v0;
	v19 =	vcvt.f32.s32 v19  }
0x25d: {  	v20 =	vand.u32 $0x7FF, v54  }
0x25e: {  	v20 =	vor.u32 $0x10000, v20;
	vm4 =	veq.f32 v18, $0.0e+00;
	v19 =	vadd.s32 $0xFFFFFFFF, v19  }
0x25f: {  	v18 =	vsel vm4, v20, v19  }
0x260: {  	[tilespmem:v17+s2+$0x0] =	vst.idx.msk $0xffff, v18  }
0x261: {  	v18 =	vld [tilespmem:s26+$0xFFFFE410];
	_ =	sdelay $0x4  }
0x262: {  	v55 =	vor.u32 $0x1, v17;
	v19 =	vtrunc.f32 v18  }
0x263: {  	v56 =	vadd.s32 s31, v2;
	v19 =	vcvt.f32.s32 v19  }
0x264: {  	v21 =	vand.u32 $0x7FF, v56  }
0x265: {  	v21 =	vor.u32 $0x10000, v21;
	vm5 =	veq.f32 v18, $0.0e+00;
	v19 =	vadd.s32 $0xFFFFFFFF, v19  }
0x266: {  	v18 =	vsel vm5, v21, v19  }
0x267: {  	[tilespmem:v55+s2+$0x0] =	vst.idx.msk $0xffff, v18  }
0x268: {  	v18 =	vld [tilespmem:s26+$0xFFFFE810];
	_ =	sdelay $0x4  }
0x269: {  	v57 =	vor.u32 $0x2, v17;
	v19 =	vtrunc.f32 v18  }
0x26a: {  	v58 =	vadd.s32 s31, v3;
	v19 =	vcvt.f32.s32 v19  }
0x26b: {  	v21 =	vand.u32 $0x7FF, v58  }
0x26c: {  	v21 =	vor.u32 $0x10000, v21;
	vm6 =	veq.f32 v18, $0.0e+00;
	v19 =	vadd.s32 $0xFFFFFFFF, v19  }
0x26d: {  	v18 =	vsel vm6, v21, v19  }
0x26e: {  	[tilespmem:v57+s2+$0x0] =	vst.idx.msk $0xffff, v18  }
0x26f: {  	v18 =	vld [tilespmem:s26+$0xFFFFEC10];
	_ =	sdelay $0x4  }
0x270: {  	v59 =	vor.u32 $0x3, v17;
	v19 =	vtrunc.f32 v18  }
0x271: {  	v60 =	vadd.s32 s31, v4;
	v19 =	vcvt.f32.s32 v19  }
0x272: {  	v21 =	vand.u32 $0x7FF, v60  }
0x273: {  	v21 =	vor.u32 $0x10000, v21;
	vm7 =	veq.f32 v18, $0.0e+00;
	v19 =	vadd.s32 $0xFFFFFFFF, v19  }
0x274: {  	v18 =	vsel vm7, v21, v19  }
0x275: {  	[tilespmem:v59+s2+$0x0] =	vst.idx.msk $0xffff, v18  }
0x276: {  	v18 =	vld [tilespmem:s26+$0xFFFFF010];
	_ =	sdelay $0x4  }
0x277: {  	v61 =	vor.u32 $0x4, v17;
	v19 =	vtrunc.f32 v18  }
0x278: {  	v62 =	vadd.s32 s31, v5;
	v19 =	vcvt.f32.s32 v19  }
0x279: {  	v21 =	vand.u32 $0x7FF, v62  }
0x27a: {  	v21 =	vor.u32 $0x10000, v21;
	vm8 =	veq.f32 v18, $0.0e+00;
	v19 =	vadd.s32 $0xFFFFFFFF, v19  }
0x27b: {  	v18 =	vsel vm8, v21, v19  }
0x27c: {  	[tilespmem:v61+s2+$0x0] =	vst.idx.msk $0xffff, v18  }
0x27d: {  	v18 =	vld [tilespmem:s26+$0xFFFFF410];
	_ =	sdelay $0x4  }
0x27e: {  	v63 =	vor.u32 $0x5, v17;
	v19 =	vtrunc.f32 v18  }
0x27f: {  	v24 =	vadd.s32 s31, v6;
	v19 =	vcvt.f32.s32 v19  }
0x280: {  	v21 =	vand.u32 $0x7FF, v24  }
0x281: {  	v21 =	vor.u32 $0x10000, v21;
	vm9 =	veq.f32 v18, $0.0e+00;
	v19 =	vadd.s32 $0xFFFFFFFF, v19  }
0x282: {  	v18 =	vsel vm9, v21, v19  }
0x283: {  	[tilespmem:v63+s2+$0x0] =	vst.idx.msk $0xffff, v18  }
0x284: {  	v18 =	vld [tilespmem:s26+$0xFFFFF810];
	_ =	sdelay $0x4  }
0x285: {  	v25 =	vor.u32 $0x6, v17;
	v19 =	vtrunc.f32 v18  }
0x286: {  	v26 =	vadd.s32 s31, v7;
	v19 =	vcvt.f32.s32 v19  }
0x287: {  	v21 =	vand.u32 $0x7FF, v26  }
0x288: {  	v21 =	vor.u32 $0x10000, v21;
	vm10 =	veq.f32 v18, $0.0e+00;
	v19 =	vadd.s32 $0xFFFFFFFF, v19  }
0x289: {  	v18 =	vsel vm10, v21, v19  }
0x28a: {  	[tilespmem:v25+s2+$0x0] =	vst.idx.msk $0xffff, v18  }
0x28b: {  	v18 =	vld [tilespmem:s26+$0xFFFFFC10];
	_ =	sdelay $0x4  }
0x28c: {  	v27 =	vor.u32 $0x7, v17;
	v19 =	vtrunc.f32 v18  }
0x28d: {  	v28 =	vadd.s32 s31, v8;
	v19 =	vcvt.f32.s32 v19  }
0x28e: {  	v21 =	vand.u32 $0x7FF, v28  }
0x28f: {  	v21 =	vor.u32 $0x10000, v21;
	vm11 =	veq.f32 v18, $0.0e+00;
	v19 =	vadd.s32 $0xFFFFFFFF, v19  }
0x290: {  	v18 =	vsel vm11, v21, v19  }
0x291: {  	[tilespmem:v27+s2+$0x0] =	vst.idx.msk $0xffff, v18  }
0x292: {  	v18 =	vld [tilespmem:s26+$0x10];
	_ =	sdelay $0x4  }
0x293: {  	v29 =	vor.u32 $0x8, v17;
	v19 =	vtrunc.f32 v18  }
0x294: {  	v30 =	vadd.s32 s31, v9;
	v19 =	vcvt.f32.s32 v19  }
0x295: {  	v21 =	vand.u32 $0x7FF, v30  }
0x296: {  	v21 =	vor.u32 $0x10000, v21;
	vm12 =	veq.f32 v18, $0.0e+00;
	v19 =	vadd.s32 $0xFFFFFFFF, v19  }
0x297: {  	v18 =	vsel vm12, v21, v19  }
0x298: {  	[tilespmem:v29+s2+$0x0] =	vst.idx.msk $0xffff, v18  }
0x299: {  	v18 =	vld [tilespmem:s26+$0x410];
	_ =	sdelay $0x4  }
0x29a: {  	v31 =	vor.u32 $0x9, v17;
	v19 =	vtrunc.f32 v18  }
0x29b: {  	v32 =	vadd.s32 s31, v10;
	v19 =	vcvt.f32.s32 v19  }
0x29c: {  	v21 =	vand.u32 $0x7FF, v32  }
0x29d: {  	v21 =	vor.u32 $0x10000, v21;
	vm13 =	veq.f32 v18, $0.0e+00;
	v19 =	vadd.s32 $0xFFFFFFFF, v19  }
0x29e: {  	v18 =	vsel vm13, v21, v19  }
0x29f: {  	[tilespmem:v31+s2+$0x0] =	vst.idx.msk $0xffff, v18  }
0x2a0: {  	v18 =	vld [tilespmem:s26+$0x810];
	_ =	sdelay $0x4  }
0x2a1: {  	v33 =	vor.u32 $0xA, v17;
	v19 =	vtrunc.f32 v18  }
0x2a2: {  	v34 =	vadd.s32 s31, v11;
	v19 =	vcvt.f32.s32 v19  }
0x2a3: {  	v21 =	vand.u32 $0x7FF, v34  }
0x2a4: {  	v21 =	vor.u32 $0x10000, v21;
	vm14 =	veq.f32 v18, $0.0e+00;
	v19 =	vadd.s32 $0xFFFFFFFF, v19  }
0x2a5: {  	v18 =	vsel vm14, v21, v19  }
0x2a6: {  	[tilespmem:v33+s2+$0x0] =	vst.idx.msk $0xffff, v18  }
0x2a7: {  	v18 =	vld [tilespmem:s26+$0xC10];
	_ =	sdelay $0x4  }
0x2a8: {  	v35 =	vor.u32 $0xB, v17;
	v19 =	vtrunc.f32 v18  }
0x2a9: {  	v36 =	vadd.s32 s31, v12;
	v19 =	vcvt.f32.s32 v19  }
0x2aa: {  	v21 =	vand.u32 $0x7FF, v36  }
0x2ab: {  	v21 =	vor.u32 $0x10000, v21;
	vm15 =	veq.f32 v18, $0.0e+00;
	v19 =	vadd.s32 $0xFFFFFFFF, v19  }
0x2ac: {  	v18 =	vsel vm15, v21, v19  }
0x2ad: {  	[tilespmem:v35+s2+$0x0] =	vst.idx.msk $0xffff, v18  }
0x2ae: {  	v18 =	vld [tilespmem:s26+$0x1010];
	_ =	sdelay $0x4  }
0x2af: {  	v37 =	vor.u32 $0xC, v17;
	v19 =	vtrunc.f32 v18  }
0x2b0: {  	v38 =	vadd.s32 s31, v13;
	v19 =	vcvt.f32.s32 v19  }
0x2b1: {  	v21 =	vand.u32 $0x7FF, v38  }
0x2b2: {  	v21 =	vor.u32 $0x10000, v21;
	vm4 =	veq.f32 v18, $0.0e+00;
	v19 =	vadd.s32 $0xFFFFFFFF, v19  }
0x2b3: {  	v18 =	vsel vm4, v21, v19  }
0x2b4: {  	[tilespmem:v37+s2+$0x0] =	vst.idx.msk $0xffff, v18  }
0x2b5: {  	v18 =	vld [tilespmem:s26+$0x1410];
	_ =	sdelay $0x4  }
0x2b6: {  	v39 =	vor.u32 $0xD, v17;
	v19 =	vtrunc.f32 v18  }
0x2b7: {  	v40 =	vadd.s32 s31, v14;
	v19 =	vcvt.f32.s32 v19  }
0x2b8: {  	v21 =	vand.u32 $0x7FF, v40  }
0x2b9: {  	v21 =	vor.u32 $0x10000, v21;
	vm5 =	veq.f32 v18, $0.0e+00;
	v19 =	vadd.s32 $0xFFFFFFFF, v19  }
0x2ba: {  	v18 =	vsel vm5, v21, v19  }
0x2bb: {  	[tilespmem:v39+s2+$0x0] =	vst.idx.msk $0xffff, v18  }
0x2bc: {  	v18 =	vld [tilespmem:s26+$0x1810];
	_ =	sdelay $0x4  }
0x2bd: {  	v41 =	vor.u32 $0xE, v17;
	v19 =	vtrunc.f32 v18  }
0x2be: {  	v42 =	vadd.s32 s31, v15;
	v19 =	vcvt.f32.s32 v19  }
0x2bf: {  	v21 =	vand.u32 $0x7FF, v42  }
0x2c0: {  	v21 =	vor.u32 $0x10000, v21;
	vm6 =	veq.f32 v18, $0.0e+00;
	v19 =	vadd.s32 $0xFFFFFFFF, v19  }
0x2c1: {  	v18 =	vsel vm6, v21, v19  }
0x2c2: {  	[tilespmem:v41+s2+$0x0] =	vst.idx.msk $0xffff, v18  }
0x2c3: {  	v18 =	vld [tilespmem:s26+$0x1C10];
	_ =	sdelay $0x4  }
0x2c4: {  	v17 =	vor.u32 $0xF, v17;
	v19 =	vtrunc.f32 v18  }
0x2c5: {  	v43 =	vadd.s32 s31, v16;
	v19 =	vcvt.f32.s32 v19  }
0x2c6: {  	v20 =	vand.u32 $0x7FF, v43  }
0x2c7: {  	v20 =	vor.u32 $0x10000, v20;
	vm7 =	veq.f32 v18, $0.0e+00;
	v19 =	vadd.s32 $0xFFFFFFFF, v19  }
0x2c8: {  	v18 =	vsel vm7, v20, v19  }
0x2c9: {  	[tilespmem:v17+s2+$0x0] =	vst.idx.msk $0xffff, v18  }
0x2ca: {  	v18 =	vld [tilespmem:s26+$0xFFFFE020];
	_ =	sdelay $0x1  }
0x2cb: {  	s30 =	sadd.s32 $0xFFFFFFF0, s25  }
0x2cc: {  	v17 =	vmov s30  }
0x2cd: {  	v17 =	vshll.u32 v17, $0x4  }
0x2ce: {  	s31 =	sadd.s32 $0xFFFFFBF0, s28;
	v17 =	vor.u32 v1, v17;
	v19 =	vtrunc.f32 v18  }
0x2cf: {  	v44 =	vor.u32 s31, v0;
	v19 =	vcvt.f32.s32 v19  }
0x2d0: {  	v20 =	vand.u32 $0x7FF, v44  }
0x2d1: {  	v20 =	vor.u32 $0x10000, v20;
	vm8 =	veq.f32 v18, $0.0e+00;
	v19 =	vadd.s32 $0xFFFFFFFF, v19  }
0x2d2: {  	v18 =	vsel vm8, v20, v19  }
0x2d3: {  	[tilespmem:v17+s2+$0x0] =	vst.idx.msk $0xffff, v18  }
0x2d4: {  	v18 =	vld [tilespmem:s26+$0xFFFFE420];
	_ =	sdelay $0x4  }
0x2d5: {  	v45 =	vor.u32 $0x1, v17;
	v19 =	vtrunc.f32 v18  }
0x2d6: {  	v46 =	vor.u32 s31, v2;
	v19 =	vcvt.f32.s32 v19  }
0x2d7: {  	v21 =	vand.u32 $0x7FF, v46  }
0x2d8: {  	v21 =	vor.u32 $0x10000, v21;
	vm9 =	veq.f32 v18, $0.0e+00;
	v19 =	vadd.s32 $0xFFFFFFFF, v19  }
0x2d9: {  	v18 =	vsel vm9, v21, v19  }
0x2da: {  	[tilespmem:v45+s2+$0x0] =	vst.idx.msk $0xffff, v18  }
0x2db: {  	v18 =	vld [tilespmem:s26+$0xFFFFE820];
	_ =	sdelay $0x4  }
0x2dc: {  	v47 =	vor.u32 $0x2, v17;
	v19 =	vtrunc.f32 v18  }
0x2dd: {  	v48 =	vor.u32 s31, v3;
	v19 =	vcvt.f32.s32 v19  }
0x2de: {  	v21 =	vand.u32 $0x7FF, v48  }
0x2df: {  	v21 =	vor.u32 $0x10000, v21;
	vm10 =	veq.f32 v18, $0.0e+00;
	v19 =	vadd.s32 $0xFFFFFFFF, v19  }
0x2e0: {  	v18 =	vsel vm10, v21, v19  }
0x2e1: {  	[tilespmem:v47+s2+$0x0] =	vst.idx.msk $0xffff, v18  }
0x2e2: {  	v18 =	vld [tilespmem:s26+$0xFFFFEC20];
	_ =	sdelay $0x4  }
0x2e3: {  	v49 =	vor.u32 $0x3, v17;
	v19 =	vtrunc.f32 v18  }
0x2e4: {  	v50 =	vor.u32 s31, v4;
	v19 =	vcvt.f32.s32 v19  }
0x2e5: {  	v21 =	vand.u32 $0x7FF, v50  }
0x2e6: {  	v21 =	vor.u32 $0x10000, v21;
	vm11 =	veq.f32 v18, $0.0e+00;
	v19 =	vadd.s32 $0xFFFFFFFF, v19  }
0x2e7: {  	v18 =	vsel vm11, v21, v19  }
0x2e8: {  	[tilespmem:v49+s2+$0x0] =	vst.idx.msk $0xffff, v18  }
0x2e9: {  	v18 =	vld [tilespmem:s26+$0xFFFFF020];
	_ =	sdelay $0x4  }
0x2ea: {  	v51 =	vor.u32 $0x4, v17;
	v19 =	vtrunc.f32 v18  }
0x2eb: {  	v52 =	vor.u32 s31, v5;
	v19 =	vcvt.f32.s32 v19  }
0x2ec: {  	v21 =	vand.u32 $0x7FF, v52  }
0x2ed: {  	v21 =	vor.u32 $0x10000, v21;
	vm12 =	veq.f32 v18, $0.0e+00;
	v19 =	vadd.s32 $0xFFFFFFFF, v19  }
0x2ee: {  	v18 =	vsel vm12, v21, v19  }
0x2ef: {  	[tilespmem:v51+s2+$0x0] =	vst.idx.msk $0xffff, v18  }
0x2f0: {  	v18 =	vld [tilespmem:s26+$0xFFFFF420];
	_ =	sdelay $0x4  }
0x2f1: {  	v53 =	vor.u32 $0x5, v17;
	v19 =	vtrunc.f32 v18  }
0x2f2: {  	v54 =	vor.u32 s31, v6;
	v19 =	vcvt.f32.s32 v19  }
0x2f3: {  	v21 =	vand.u32 $0x7FF, v54  }
0x2f4: {  	v21 =	vor.u32 $0x10000, v21;
	vm13 =	veq.f32 v18, $0.0e+00;
	v19 =	vadd.s32 $0xFFFFFFFF, v19  }
0x2f5: {  	v18 =	vsel vm13, v21, v19  }
0x2f6: {  	[tilespmem:v53+s2+$0x0] =	vst.idx.msk $0xffff, v18  }
0x2f7: {  	v18 =	vld [tilespmem:s26+$0xFFFFF820];
	_ =	sdelay $0x4  }
0x2f8: {  	v55 =	vor.u32 $0x6, v17;
	v19 =	vtrunc.f32 v18  }
0x2f9: {  	v56 =	vor.u32 s31, v7;
	v19 =	vcvt.f32.s32 v19  }
0x2fa: {  	v21 =	vand.u32 $0x7FF, v56  }
0x2fb: {  	v21 =	vor.u32 $0x10000, v21;
	vm14 =	veq.f32 v18, $0.0e+00;
	v19 =	vadd.s32 $0xFFFFFFFF, v19  }
0x2fc: {  	v18 =	vsel vm14, v21, v19  }
0x2fd: {  	[tilespmem:v55+s2+$0x0] =	vst.idx.msk $0xffff, v18  }
0x2fe: {  	v18 =	vld [tilespmem:s26+$0xFFFFFC20];
	_ =	sdelay $0x4  }
0x2ff: {  	v57 =	vor.u32 $0x7, v17;
	v19 =	vtrunc.f32 v18  }
0x300: {  	v58 =	vor.u32 s31, v8;
	v19 =	vcvt.f32.s32 v19  }
0x301: {  	v21 =	vand.u32 $0x7FF, v58  }
0x302: {  	v21 =	vor.u32 $0x10000, v21;
	vm15 =	veq.f32 v18, $0.0e+00;
	v19 =	vadd.s32 $0xFFFFFFFF, v19  }
0x303: {  	v18 =	vsel vm15, v21, v19  }
0x304: {  	[tilespmem:v57+s2+$0x0] =	vst.idx.msk $0xffff, v18  }
0x305: {  	v18 =	vld [tilespmem:s26+$0x20];
	_ =	sdelay $0x4  }
0x306: {  	v59 =	vor.u32 $0x8, v17;
	v19 =	vtrunc.f32 v18  }
0x307: {  	v60 =	vor.u32 s31, v9;
	v19 =	vcvt.f32.s32 v19  }
0x308: {  	v21 =	vand.u32 $0x7FF, v60  }
0x309: {  	v21 =	vor.u32 $0x10000, v21;
	vm4 =	veq.f32 v18, $0.0e+00;
	v19 =	vadd.s32 $0xFFFFFFFF, v19  }
0x30a: {  	v18 =	vsel vm4, v21, v19  }
0x30b: {  	[tilespmem:v59+s2+$0x0] =	vst.idx.msk $0xffff, v18  }
0x30c: {  	v18 =	vld [tilespmem:s26+$0x420];
	_ =	sdelay $0x4  }
0x30d: {  	v61 =	vor.u32 $0x9, v17;
	v19 =	vtrunc.f32 v18  }
0x30e: {  	v62 =	vor.u32 s31, v10;
	v19 =	vcvt.f32.s32 v19  }
0x30f: {  	v21 =	vand.u32 $0x7FF, v62  }
0x310: {  	v21 =	vor.u32 $0x10000, v21;
	vm5 =	veq.f32 v18, $0.0e+00;
	v19 =	vadd.s32 $0xFFFFFFFF, v19  }
0x311: {  	v18 =	vsel vm5, v21, v19  }
0x312: {  	[tilespmem:v61+s2+$0x0] =	vst.idx.msk $0xffff, v18  }
0x313: {  	v18 =	vld [tilespmem:s26+$0x820];
	_ =	sdelay $0x4  }
0x314: {  	v63 =	vor.u32 $0xA, v17;
	v19 =	vtrunc.f32 v18  }
0x315: {  	v24 =	vor.u32 s31, v11;
	v19 =	vcvt.f32.s32 v19  }
0x316: {  	v21 =	vand.u32 $0x7FF, v24  }
0x317: {  	v21 =	vor.u32 $0x10000, v21;
	vm6 =	veq.f32 v18, $0.0e+00;
	v19 =	vadd.s32 $0xFFFFFFFF, v19  }
0x318: {  	v18 =	vsel vm6, v21, v19  }
0x319: {  	[tilespmem:v63+s2+$0x0] =	vst.idx.msk $0xffff, v18  }
0x31a: {  	v18 =	vld [tilespmem:s26+$0xC20];
	_ =	sdelay $0x4  }
0x31b: {  	v25 =	vor.u32 $0xB, v17;
	v19 =	vtrunc.f32 v18  }
0x31c: {  	v26 =	vor.u32 s31, v12;
	v19 =	vcvt.f32.s32 v19  }
0x31d: {  	v21 =	vand.u32 $0x7FF, v26  }
0x31e: {  	v21 =	vor.u32 $0x10000, v21;
	vm7 =	veq.f32 v18, $0.0e+00;
	v19 =	vadd.s32 $0xFFFFFFFF, v19  }
0x31f: {  	v18 =	vsel vm7, v21, v19  }
0x320: {  	[tilespmem:v25+s2+$0x0] =	vst.idx.msk $0xffff, v18  }
0x321: {  	v18 =	vld [tilespmem:s26+$0x1020];
	_ =	sdelay $0x4  }
0x322: {  	v27 =	vor.u32 $0xC, v17;
	v19 =	vtrunc.f32 v18  }
0x323: {  	v28 =	vor.u32 s31, v13;
	v19 =	vcvt.f32.s32 v19  }
0x324: {  	v21 =	vand.u32 $0x7FF, v28  }
0x325: {  	v21 =	vor.u32 $0x10000, v21;
	vm8 =	veq.f32 v18, $0.0e+00;
	v19 =	vadd.s32 $0xFFFFFFFF, v19  }
0x326: {  	v18 =	vsel vm8, v21, v19  }
0x327: {  	[tilespmem:v27+s2+$0x0] =	vst.idx.msk $0xffff, v18  }
0x328: {  	v18 =	vld [tilespmem:s26+$0x1420];
	_ =	sdelay $0x4  }
0x329: {  	v29 =	vor.u32 $0xD, v17;
	v19 =	vtrunc.f32 v18  }
0x32a: {  	v30 =	vor.u32 s31, v14;
	v19 =	vcvt.f32.s32 v19  }
0x32b: {  	v21 =	vand.u32 $0x7FF, v30  }
0x32c: {  	v21 =	vor.u32 $0x10000, v21;
	vm9 =	veq.f32 v18, $0.0e+00;
	v19 =	vadd.s32 $0xFFFFFFFF, v19  }
0x32d: {  	v18 =	vsel vm9, v21, v19  }
0x32e: {  	[tilespmem:v29+s2+$0x0] =	vst.idx.msk $0xffff, v18  }
0x32f: {  	v18 =	vld [tilespmem:s26+$0x1820];
	_ =	sdelay $0x4  }
0x330: {  	v31 =	vor.u32 $0xE, v17;
	v19 =	vtrunc.f32 v18  }
0x331: {  	v32 =	vor.u32 s31, v15;
	v19 =	vcvt.f32.s32 v19  }
0x332: {  	v21 =	vand.u32 $0x7FF, v32  }
0x333: {  	v21 =	vor.u32 $0x10000, v21;
	vm10 =	veq.f32 v18, $0.0e+00;
	v19 =	vadd.s32 $0xFFFFFFFF, v19  }
0x334: {  	v18 =	vsel vm10, v21, v19  }
0x335: {  	[tilespmem:v31+s2+$0x0] =	vst.idx.msk $0xffff, v18  }
0x336: {  	v18 =	vld [tilespmem:s26+$0x1C20];
	_ =	sdelay $0x4  }
0x337: {  	v17 =	vor.u32 $0xF, v17;
	v19 =	vtrunc.f32 v18  }
0x338: {  	v33 =	vor.u32 s31, v16;
	v19 =	vcvt.f32.s32 v19  }
0x339: {  	v20 =	vand.u32 $0x7FF, v33  }
0x33a: {  	v20 =	vor.u32 $0x10000, v20;
	vm11 =	veq.f32 v18, $0.0e+00;
	v19 =	vadd.s32 $0xFFFFFFFF, v19  }
0x33b: {  	v18 =	vsel vm11, v20, v19  }
0x33c: {  	[tilespmem:v17+s2+$0x0] =	vst.idx.msk $0xffff, v18  }
0x33d: {  	v18 =	vld [tilespmem:s26+$0xFFFFE030];
	_ =	sdelay $0x2  }
0x33e: {  	v17 =	vmov s25  }
0x33f: {  	v17 =	vshll.u32 v17, $0x4  }
0x340: {  	s28 =	sadd.s32 $0xFFFFFC00, s28;
	v17 =	vor.u32 v1, v17;
	v19 =	vtrunc.f32 v18  }
0x341: {  	v34 =	vor.u32 s28, v0;
	v19 =	vcvt.f32.s32 v19  }
0x342: {  	v20 =	vand.u32 $0x7FF, v34  }
0x343: {  	v20 =	vor.u32 $0x10000, v20;
	vm12 =	veq.f32 v18, $0.0e+00;
	v19 =	vadd.s32 $0xFFFFFFFF, v19  }
0x344: {  	v18 =	vsel vm12, v20, v19  }
0x345: {  	[tilespmem:v17+s2+$0x0] =	vst.idx.msk $0xffff, v18  }
0x346: {  	v18 =	vld [tilespmem:s26+$0xFFFFE430];
	_ =	sdelay $0x4  }
0x347: {  	v35 =	vor.u32 $0x1, v17;
	v19 =	vtrunc.f32 v18  }
0x348: {  	v36 =	vadd.s32 s28, v2;
	v19 =	vcvt.f32.s32 v19  }
0x349: {  	v21 =	vand.u32 $0x7FF, v36  }
0x34a: {  	v21 =	vor.u32 $0x10000, v21;
	vm13 =	veq.f32 v18, $0.0e+00;
	v19 =	vadd.s32 $0xFFFFFFFF, v19  }
0x34b: {  	v18 =	vsel vm13, v21, v19  }
0x34c: {  	[tilespmem:v35+s2+$0x0] =	vst.idx.msk $0xffff, v18  }
0x34d: {  	v18 =	vld [tilespmem:s26+$0xFFFFE830];
	_ =	sdelay $0x4  }
0x34e: {  	v37 =	vor.u32 $0x2, v17;
	v19 =	vtrunc.f32 v18  }
0x34f: {  	v38 =	vadd.s32 s28, v3;
	v19 =	vcvt.f32.s32 v19  }
0x350: {  	v21 =	vand.u32 $0x7FF, v38  }
0x351: {  	v21 =	vor.u32 $0x10000, v21;
	vm14 =	veq.f32 v18, $0.0e+00;
	v19 =	vadd.s32 $0xFFFFFFFF, v19  }
0x352: {  	v18 =	vsel vm14, v21, v19  }
0x353: {  	[tilespmem:v37+s2+$0x0] =	vst.idx.msk $0xffff, v18  }
0x354: {  	v18 =	vld [tilespmem:s26+$0xFFFFEC30];
	_ =	sdelay $0x4  }
0x355: {  	v39 =	vor.u32 $0x3, v17;
	v19 =	vtrunc.f32 v18  }
0x356: {  	v40 =	vadd.s32 s28, v4;
	v19 =	vcvt.f32.s32 v19  }
0x357: {  	v21 =	vand.u32 $0x7FF, v40  }
0x358: {  	v21 =	vor.u32 $0x10000, v21;
	vm15 =	veq.f32 v18, $0.0e+00;
	v19 =	vadd.s32 $0xFFFFFFFF, v19  }
0x359: {  	v18 =	vsel vm15, v21, v19  }
0x35a: {  	[tilespmem:v39+s2+$0x0] =	vst.idx.msk $0xffff, v18  }
0x35b: {  	v18 =	vld [tilespmem:s26+$0xFFFFF030];
	_ =	sdelay $0x4  }
0x35c: {  	v41 =	vor.u32 $0x4, v17;
	v19 =	vtrunc.f32 v18  }
0x35d: {  	v42 =	vadd.s32 s28, v5;
	v19 =	vcvt.f32.s32 v19  }
0x35e: {  	v21 =	vand.u32 $0x7FF, v42  }
0x35f: {  	v21 =	vor.u32 $0x10000, v21;
	vm4 =	veq.f32 v18, $0.0e+00;
	v19 =	vadd.s32 $0xFFFFFFFF, v19  }
0x360: {  	v18 =	vsel vm4, v21, v19  }
0x361: {  	[tilespmem:v41+s2+$0x0] =	vst.idx.msk $0xffff, v18  }
0x362: {  	v18 =	vld [tilespmem:s26+$0xFFFFF430];
	_ =	sdelay $0x4  }
0x363: {  	v43 =	vor.u32 $0x5, v17;
	v19 =	vtrunc.f32 v18  }
0x364: {  	v44 =	vadd.s32 s28, v6;
	v19 =	vcvt.f32.s32 v19  }
0x365: {  	v21 =	vand.u32 $0x7FF, v44  }
0x366: {  	v21 =	vor.u32 $0x10000, v21;
	vm5 =	veq.f32 v18, $0.0e+00;
	v19 =	vadd.s32 $0xFFFFFFFF, v19  }
0x367: {  	v18 =	vsel vm5, v21, v19  }
0x368: {  	[tilespmem:v43+s2+$0x0] =	vst.idx.msk $0xffff, v18  }
0x369: {  	v18 =	vld [tilespmem:s26+$0xFFFFF830];
	_ =	sdelay $0x4  }
0x36a: {  	v45 =	vor.u32 $0x6, v17;
	v19 =	vtrunc.f32 v18  }
0x36b: {  	v46 =	vadd.s32 s28, v7;
	v19 =	vcvt.f32.s32 v19  }
0x36c: {  	v21 =	vand.u32 $0x7FF, v46  }
0x36d: {  	v21 =	vor.u32 $0x10000, v21;
	vm6 =	veq.f32 v18, $0.0e+00;
	v19 =	vadd.s32 $0xFFFFFFFF, v19  }
0x36e: {  	v18 =	vsel vm6, v21, v19  }
0x36f: {  	[tilespmem:v45+s2+$0x0] =	vst.idx.msk $0xffff, v18  }
0x370: {  	v18 =	vld [tilespmem:s26+$0xFFFFFC30];
	_ =	sdelay $0x4  }
0x371: {  	v47 =	vor.u32 $0x7, v17;
	v19 =	vtrunc.f32 v18  }
0x372: {  	v48 =	vadd.s32 s28, v8;
	v19 =	vcvt.f32.s32 v19  }
0x373: {  	v21 =	vand.u32 $0x7FF, v48  }
0x374: {  	v21 =	vor.u32 $0x10000, v21;
	vm7 =	veq.f32 v18, $0.0e+00;
	v19 =	vadd.s32 $0xFFFFFFFF, v19  }
0x375: {  	v18 =	vsel vm7, v21, v19  }
0x376: {  	[tilespmem:v47+s2+$0x0] =	vst.idx.msk $0xffff, v18  }
0x377: {  	v18 =	vld [tilespmem:s26+$0x30];
	_ =	sdelay $0x4  }
0x378: {  	v49 =	vor.u32 $0x8, v17;
	v19 =	vtrunc.f32 v18  }
0x379: {  	v50 =	vadd.s32 s28, v9;
	v19 =	vcvt.f32.s32 v19  }
0x37a: {  	v21 =	vand.u32 $0x7FF, v50  }
0x37b: {  	v21 =	vor.u32 $0x10000, v21;
	vm8 =	veq.f32 v18, $0.0e+00;
	v19 =	vadd.s32 $0xFFFFFFFF, v19  }
0x37c: {  	v18 =	vsel vm8, v21, v19  }
0x37d: {  	[tilespmem:v49+s2+$0x0] =	vst.idx.msk $0xffff, v18  }
0x37e: {  	v18 =	vld [tilespmem:s26+$0x430];
	_ =	sdelay $0x4  }
0x37f: {  	v51 =	vor.u32 $0x9, v17;
	v19 =	vtrunc.f32 v18  }
0x380: {  	v52 =	vadd.s32 s28, v10;
	v19 =	vcvt.f32.s32 v19  }
0x381: {  	v21 =	vand.u32 $0x7FF, v52  }
0x382: {  	v21 =	vor.u32 $0x10000, v21;
	vm9 =	veq.f32 v18, $0.0e+00;
	v19 =	vadd.s32 $0xFFFFFFFF, v19  }
0x383: {  	v18 =	vsel vm9, v21, v19  }
0x384: {  	[tilespmem:v51+s2+$0x0] =	vst.idx.msk $0xffff, v18  }
0x385: {  	v18 =	vld [tilespmem:s26+$0x830];
	_ =	sdelay $0x4  }
0x386: {  	v53 =	vor.u32 $0xA, v17;
	v19 =	vtrunc.f32 v18  }
0x387: {  	v54 =	vadd.s32 s28, v11;
	v19 =	vcvt.f32.s32 v19  }
0x388: {  	v21 =	vand.u32 $0x7FF, v54  }
0x389: {  	v21 =	vor.u32 $0x10000, v21;
	vm10 =	veq.f32 v18, $0.0e+00;
	v19 =	vadd.s32 $0xFFFFFFFF, v19  }
0x38a: {  	v18 =	vsel vm10, v21, v19  }
0x38b: {  	[tilespmem:v53+s2+$0x0] =	vst.idx.msk $0xffff, v18  }
0x38c: {  	v18 =	vld [tilespmem:s26+$0xC30];
	_ =	sdelay $0x4  }
0x38d: {  	v55 =	vor.u32 $0xB, v17;
	v19 =	vtrunc.f32 v18  }
0x38e: {  	v56 =	vadd.s32 s28, v12;
	v19 =	vcvt.f32.s32 v19  }
0x38f: {  	v21 =	vand.u32 $0x7FF, v56  }
0x390: {  	v21 =	vor.u32 $0x10000, v21;
	vm11 =	veq.f32 v18, $0.0e+00;
	v19 =	vadd.s32 $0xFFFFFFFF, v19  }
0x391: {  	v18 =	vsel vm11, v21, v19  }
0x392: {  	[tilespmem:v55+s2+$0x0] =	vst.idx.msk $0xffff, v18  }
0x393: {  	v18 =	vld [tilespmem:s26+$0x1030];
	_ =	sdelay $0x4  }
0x394: {  	v57 =	vor.u32 $0xC, v17;
	v19 =	vtrunc.f32 v18  }
0x395: {  	v58 =	vadd.s32 s28, v13;
	v19 =	vcvt.f32.s32 v19  }
0x396: {  	v21 =	vand.u32 $0x7FF, v58  }
0x397: {  	v21 =	vor.u32 $0x10000, v21;
	vm12 =	veq.f32 v18, $0.0e+00;
	v19 =	vadd.s32 $0xFFFFFFFF, v19  }
0x398: {  	v18 =	vsel vm12, v21, v19  }
0x399: {  	[tilespmem:v57+s2+$0x0] =	vst.idx.msk $0xffff, v18  }
0x39a: {  	v18 =	vld [tilespmem:s26+$0x1430];
	_ =	sdelay $0x4  }
0x39b: {  	v59 =	vor.u32 $0xD, v17;
	v19 =	vtrunc.f32 v18  }
0x39c: {  	v60 =	vadd.s32 s28, v14;
	v19 =	vcvt.f32.s32 v19  }
0x39d: {  	v21 =	vand.u32 $0x7FF, v60  }
0x39e: {  	v21 =	vor.u32 $0x10000, v21;
	vm13 =	veq.f32 v18, $0.0e+00;
	v19 =	vadd.s32 $0xFFFFFFFF, v19  }
0x39f: {  	v18 =	vsel vm13, v21, v19  }
0x3a0: {  	[tilespmem:v59+s2+$0x0] =	vst.idx.msk $0xffff, v18  }
0x3a1: {  	v18 =	vld [tilespmem:s26+$0x1830];
	_ =	sdelay $0x4  }
0x3a2: {  	v61 =	vor.u32 $0xE, v17;
	v19 =	vtrunc.f32 v18  }
0x3a3: {  	v62 =	vadd.s32 s28, v15;
	v19 =	vcvt.f32.s32 v19  }
0x3a4: {  	v21 =	vand.u32 $0x7FF, v62  }
0x3a5: {  	vm14 =	veq.f32 v18, $0.0e+00;
	v18 =	vadd.s32 $0xFFFFFFFF, v19;
	v19 =	vor.u32 $0x10000, v21  }
0x3a6: {  	v18 =	vsel vm14, v19, v18  }
0x3a7: {  	[tilespmem:v61+s2+$0x0] =	vst.idx.msk $0xffff, v18  }
0x3a8: {  	v18 =	vld [tilespmem:s26+$0x1C30];
	_ =	sdelay $0x3  }
0x3a9: {  	s24 =	sadd.s32 $0x4, s24  }
0x3aa: {  	p0 =	slt.u32 s24, $0x3C;
	v17 =	vor.u32 $0xF, v17;
	v19 =	vtrunc.f32 v18  }
.Ltmp1:
0x3ab: {  	v63 =	vadd.s32 s28, v16;
	v19 =	vcvt.f32.s32 v19;
	(pc) =	sbr.rel @p0 .LBB2_4-.Ltmp1, $4  }
0x3ac: {  	v20 =	vand.u32 $0x7FF, v63  }
0x3ad: {  	v20 =	vor.u32 $0x10000, v20;
	vm15 =	veq.f32 v18, $0.0e+00;
	v19 =	vadd.s32 $0xFFFFFFFF, v19  }
0x3ae: {  	v18 =	vsel vm15, v20, v19  }
0x3af: {  	s25 =	sadd.s32 $0x40, s25;
	s26 =	sadd.s32 $0x40, s26;
	[tilespmem:v17+s2+$0x0] =	vst.idx.msk $0xffff, v18  }
0x3b0: {  	s24 =	simm.s32 $0x0  }
0x3b1: {  	[tilespmem:s14], [sflag:$0x1] =	stream.indirect.gather [hbm4b:s3+s10], $0x10, s24, s10, $0xb8;
	[tilespmem:$0x1C800] =	vst v63  }
0x3b2: {  	_ = 	snop  }
0x3b3: {  	[tilespmem:s15], [sflag:$0x2] =	stream.indirect.gather [hbm4b:s4+s10], $0x10, s24, s10, $0xb8;
	[tilespmem:$0x1C800] =	vst v63  }
.LBB2_6:
0x3b4: {  	_ =	swait.ge [sflag:s16], $0x4000  }
0x3b5: {  	[sflag:s16] =	ssyncset.done $0x0  }
0x3b6: {  	[sflag:s16] =	ssyncadd.s32 $0xFFFFC000  }
0x3b7: {  	s25 =	sshll.u32 s24, $0xB;
	_ =	swait.ge [sflag:s17], $0x4000  }
0x3b8: {  	s25 =	sand.u32 $0x3FFFF800, s25;
	[sflag:s17] =	ssyncset.done $0x0  }
0x3b9: {  	s26 =	sor.u32 $0x400, s25;
	[sflag:s17] =	ssyncadd.s32 $0xFFFFC000  }
0x3ba: {  	[tilespmem:s11], [sflag:$0x3] =	stream.indirect.gather [hbm4b:s3+s10], $0x10, s26, s10, $0xb8;
	[tilespmem:$0x1C800] =	vst v63  }
0x3bb: {  	s28 =	simm.s32 $0x14080  }
0x3bc: {  	[tilespmem:s18], [sflag:$0x4] =	stream.indirect.gather [hbm4b:s4+s10], $0x10, s26, s10, $0xb8;
	[tilespmem:$0x1C800] =	vst v63  }
0x3bd: {  	s26 =	simm.s32 $0xC080;
	v18 =	vld.msk [tilespmem:s28+$0xFFFFFF80 ss:$0x0], $0xffff  }
0x3be: {  	s30 =	simm.s32 $0x1;
	s29 =	simm.s32 $0x0;
	v19 =	vld [tilespmem:s26+$0xFFFFFF80]  }
.LBB2_7:
0x3bf: {  	p0 =	sne.s32 s30, $0x3F;
	v17 =	vld [tilespmem:s28+$0xFFFFFF90]  }
0x3c0: {  	v20 =	vld [tilespmem:s26+$0xFFFFFF90]  }
0x3c1: {  	v21 =	vld [tilespmem:s28+$0xFFFFFFA0]  }
0x3c2: {  	v22 =	vld [tilespmem:s26+$0xFFFFFFA0]  }
0x3c3: {  	v23 =	vld [tilespmem:s28+$0xFFFFFFB0]  }
0x3c4: {  	v18 =	vmul.f32 v19, v18;
	v17 =	vbroadcast v17, $0x1;
	v19 =	vld [tilespmem:s26+$0xFFFFFFB0]  }
0x3c5: {  	v24 =	vld [tilespmem:s28+$0xFFFFFFC0]  }
0x3c6: {  	v18 =	vadd.f32 $0.0e+00, v18;
	v17 =	vmul.f32 v20, v17;
	v20 =	vbroadcast v21, $0x2;
	v21 =	vld [tilespmem:s26+$0xFFFFFFC0]  }
0x3c7: {  	v25 =	vld [tilespmem:s28+$0xFFFFFFD0]  }
0x3c8: {  	v17 =	vadd.f32 v17, v18;
	v18 =	vmul.f32 v22, v20;
	v20 =	vbroadcast v23, $0x3;
	v22 =	vld [tilespmem:s26+$0xFFFFFFD0]  }
0x3c9: {  	v23 =	vld [tilespmem:s28+$0xFFFFFFE0]  }
0x3ca: {  	v17 =	vadd.f32 v18, v17;
	v18 =	vmul.f32 v19, v20;
	v19 =	vbroadcast v24, $0x4;
	v20 =	vld [tilespmem:s26+$0xFFFFFFE0]  }
0x3cb: {  	v24 =	vld [tilespmem:s28+$0xFFFFFFF0]  }
0x3cc: {  	v17 =	vadd.f32 v18, v17;
	v18 =	vmul.f32 v21, v19;
	v19 =	vbroadcast v25, $0x5;
	v21 =	vld [tilespmem:s26+$0xFFFFFFF0]  }
0x3cd: {  	v25 =	vld [tilespmem:s28+$0x0]  }
0x3ce: {  	v17 =	vadd.f32 v18, v17;
	v18 =	vmul.f32 v22, v19;
	v19 =	vbroadcast v23, $0x6;
	v22 =	vld [tilespmem:s26+$0x0]  }
0x3cf: {  	v23 =	vld [tilespmem:s28+$0x10]  }
0x3d0: {  	v17 =	vadd.f32 v18, v17;
	v18 =	vmul.f32 v20, v19;
	v19 =	vbroadcast v24, $0x7;
	v20 =	vld [tilespmem:s26+$0x10]  }
0x3d1: {  	v24 =	vld [tilespmem:s28+$0x20]  }
0x3d2: {  	v17 =	vadd.f32 v18, v17;
	v18 =	vmul.f32 v21, v19;
	v19 =	vbroadcast v25, $0x8;
	v21 =	vld [tilespmem:s26+$0x20]  }
0x3d3: {  	v25 =	vld [tilespmem:s28+$0x30]  }
0x3d4: {  	v17 =	vadd.f32 v18, v17;
	v18 =	vmul.f32 v22, v19;
	v19 =	vbroadcast v23, $0x9;
	v22 =	vld [tilespmem:s26+$0x30]  }
0x3d5: {  	v23 =	vld [tilespmem:s28+$0x40]  }
0x3d6: {  	v17 =	vadd.f32 v18, v17;
	v18 =	vmul.f32 v20, v19;
	v19 =	vbroadcast v24, $0xA;
	v20 =	vld [tilespmem:s26+$0x40]  }
0x3d7: {  	v24 =	vld [tilespmem:s28+$0x50]  }
0x3d8: {  	v17 =	vadd.f32 v18, v17;
	v18 =	vmul.f32 v21, v19;
	v19 =	vbroadcast v25, $0xB;
	v21 =	vld [tilespmem:s26+$0x50]  }
0x3d9: {  	v25 =	vld [tilespmem:s28+$0x60]  }
0x3da: {  	v17 =	vadd.f32 v18, v17;
	v18 =	vmul.f32 v22, v19;
	v19 =	vbroadcast v23, $0xC;
	v22 =	vld [tilespmem:s26+$0x60]  }
0x3db: {  	v26 =	vmov s29;
	s29 =	smov.u32 s30;
	v23 =	vld [tilespmem:s28+$0x70]  }
0x3dc: {  	v17 =	vadd.f32 v18, v17;
	v18 =	vmul.f32 v20, v19;
	v19 =	vbroadcast v24, $0xD  }
0x3dd: {  	v24 =	vand.u32 $0x3F, v26;
	v20 =	vld [tilespmem:s26+$0x70]  }
0x3de: {  	v18 =	vadd.f32 v18, v17;
	v19 =	vmul.f32 v21, v19;
	v21 =	vbroadcast v25, $0xE  }
0x3df: {  	v24 =	vbroadcast v24, $0x0;
	v17 =	vmul.u32 $0x80, v0  }
0x3e0: {  	v18 =	vadd.f32 v19, v18;
	v19 =	vmul.f32 v22, v21;
	v21 =	vbroadcast v23, $0xF  }
0x3e1: {  	v22 =	vor.u32 v17, v24  }
0x3e2: {  	v18 =	vadd.f32 v19, v18;
	v19 =	vmul.f32 v20, v21;
	_ =	sdelay $0x1  }
.Ltmp2:
0x3e3: {  	v18 =	vadd.f32 v19, v18;
	(pc) =	sbr.rel @p0 .LBB2_7-.Ltmp2, $4  }
0x3e4: {  	_ = 	snop  }
0x3e5: {  	s28 =	sadd.s32 $0x100, s28;
	[tilespmem:v22+s19+$0x0] =	vst.idx.msk $0xffff, v18  }
0x3e6: {  	s26 =	sadd.s32 $0x100, s26;
	v18 =	vld.msk [tilespmem:s28+$0xFFFFFF80 ss:$0x0], $0xffff  }
0x3e7: {  	s30 =	sadd.s32 $0x1, s30;
	v19 =	vld [tilespmem:s26+$0xFFFFFF80]  }
0x3e8: {  	v20 =	vld [tilespmem:s28+$0xFFFFFF90]  }
0x3e9: {  	v21 =	vld [tilespmem:s26+$0xFFFFFF90]  }
0x3ea: {  	v22 =	vld [tilespmem:s28+$0xFFFFFFA0]  }
0x3eb: {  	v23 =	vld [tilespmem:s26+$0xFFFFFFA0]  }
0x3ec: {  	v24 =	vld [tilespmem:s28+$0xFFFFFFB0]  }
0x3ed: {  	v25 =	vld [tilespmem:s28+$0xFFFFFFC0];
	v18 =	vmul.f32 v19, v18;
	v19 =	vbroadcast v20, $0x1  }
0x3ee: {  	v20 =	vld [tilespmem:s26+$0xFFFFFFB0]  }
0x3ef: {  	v42 =	vld [tilespmem:s26+$0xFFFFFFC0];
	v41 =	vbroadcast v22, $0x2;
	v18 =	vadd.f32 $0.0e+00, v18;
	v19 =	vmul.f32 v21, v19  }
0x3f0: {  	v26 =	vld [tilespmem:s28+$0xFFFFFFD0]  }
0x3f1: {  	v44 =	vld [tilespmem:s26+$0xFFFFFFD0];
	v43 =	vbroadcast v24, $0x3;
	v18 =	vadd.f32 v19, v18;
	v19 =	vmul.f32 v23, v41  }
0x3f2: {  	v45 =	vld [tilespmem:s28+$0xFFFFFFE0]  }
0x3f3: {  	v46 =	vld [tilespmem:s26+$0xFFFFFFE0];
	v18 =	vadd.f32 v19, v18;
	v19 =	vmul.f32 v20, v43;
	v20 =	vbroadcast v25, $0x4  }
0x3f4: {  	v47 =	vld [tilespmem:s28+$0xFFFFFFF0]  }
0x3f5: {  	v48 =	vld [tilespmem:s26+$0xFFFFFFF0];
	v18 =	vadd.f32 v19, v18;
	v19 =	vmul.f32 v42, v20;
	v20 =	vbroadcast v26, $0x5  }
0x3f6: {  	v49 =	vld [tilespmem:s28+$0x0]  }
0x3f7: {  	v50 =	vld [tilespmem:s26+$0x0];
	v18 =	vadd.f32 v19, v18;
	v19 =	vmul.f32 v44, v20;
	v20 =	vbroadcast v45, $0x6  }
0x3f8: {  	v51 =	vld [tilespmem:s28+$0x10]  }
0x3f9: {  	v52 =	vld [tilespmem:s26+$0x10];
	v18 =	vadd.f32 v19, v18;
	v19 =	vmul.f32 v46, v20;
	v20 =	vbroadcast v47, $0x7  }
0x3fa: {  	v53 =	vld [tilespmem:s28+$0x20]  }
0x3fb: {  	v54 =	vld [tilespmem:s26+$0x20];
	v18 =	vadd.f32 v19, v18;
	v19 =	vmul.f32 v48, v20;
	v20 =	vbroadcast v49, $0x8  }
0x3fc: {  	v55 =	vld [tilespmem:s28+$0x30]  }
0x3fd: {  	v56 =	vld [tilespmem:s26+$0x30];
	v18 =	vadd.f32 v19, v18;
	v19 =	vmul.f32 v50, v20;
	v20 =	vbroadcast v51, $0x9  }
0x3fe: {  	v57 =	vld [tilespmem:s28+$0x40]  }
0x3ff: {  	v58 =	vld [tilespmem:s26+$0x40];
	v18 =	vadd.f32 v19, v18;
	v19 =	vmul.f32 v52, v20;
	v20 =	vbroadcast v53, $0xA  }
0x400: {  	v59 =	vld [tilespmem:s28+$0x50]  }
0x401: {  	v60 =	vld [tilespmem:s26+$0x50];
	v18 =	vadd.f32 v19, v18;
	v19 =	vmul.f32 v54, v20;
	v20 =	vbroadcast v55, $0xB  }
0x402: {  	v61 =	vld [tilespmem:s28+$0x60]  }
0x403: {  	v62 =	vld [tilespmem:s26+$0x60];
	v18 =	vadd.f32 v19, v18;
	v19 =	vmul.f32 v56, v20;
	v20 =	vbroadcast v57, $0xC  }
0x404: {  	v63 =	vld [tilespmem:s28+$0x70];
	v27 =	vmov s29  }
0x405: {  	v18 =	vadd.f32 v19, v18;
	v19 =	vmul.f32 v58, v20;
	v20 =	vbroadcast v59, $0xD  }
0x406: {  	v28 =	vld [tilespmem:s26+$0x70];
	v29 =	vand.u32 $0x3F, v27  }
0x407: {  	v18 =	vadd.f32 v19, v18;
	v19 =	vmul.f32 v60, v20;
	v20 =	vbroadcast v61, $0xE  }
0x408: {  	v30 =	vbroadcast v29, $0x0  }
0x409: {  	v18 =	vadd.f32 v19, v18;
	v19 =	vmul.f32 v62, v20;
	v20 =	vbroadcast v63, $0xF  }
0x40a: {  	v22 =	vor.u32 v17, v30  }
0x40b: {  	v18 =	vadd.f32 v19, v18;
	v19 =	vmul.f32 v28, v20;
	_ =	sdelay $0x1  }
0x40c: {  	v18 =	vadd.f32 v19, v18;
	_ =	sdelay $0x1  }
0x40d: {  	[tilespmem:v22+s19+$0x0] =	vst.idx.msk $0xffff, v18  }
0x40e: {  	_ =	swait.ge [sflag:s20], $0x4000  }
0x40f: {  	[sflag:s20] =	ssyncset.done $0x0  }
0x410: {  	[sflag:s20] =	ssyncadd.s32 $0xFFFFC000  }
0x411: {  	p0 =	seq.s32 s24, $0xF;
	_ =	swait.ge [sflag:s21], $0x4000  }
0x412: {  	s25 =	sadd.s32 @!p0 $0x800, s25;
	[sflag:s21] =	ssyncset.done $0x0  }
0x413: {  	s28 =	simm.s32 @!p0 $0xC000;
	s26 =	simm.s32 @!p0 $0x400;
	[sflag:s21] =	ssyncadd.s32 $0xFFFFC000  }
0x414: {  	[tilespmem:s28], [sflag:$0x1] =	stream.indirect.gather @!p0 [hbm4b:s3+s26], $0x10, s25, s26, $0xb8;
	[tilespmem:$0x1C800] =	vst v63  }
0x415: {  	s31 =	simm.s32 $0x0;
	s28 =	simm.s32 @!p0 $0x14000  }
0x416: {  	[tilespmem:s28], [sflag:$0x2] =	stream.indirect.gather @!p0 [hbm4b:s4+s26], $0x10, s25, s26, $0xb8;
	[tilespmem:$0x1C800] =	vst v63  }
0x417: {  	v18 =	vld.msk [tilespmem:s31+$0x18000 ss:$0x0], $0xffff  }
0x418: {  	v19 =	vld [tilespmem:s31+$0x10000]  }
0x419: {  	v20 =	vld [tilespmem:s31+$0x18010]  }
0x41a: {  	v31 =	vld [tilespmem:s31+$0x10010]  }
0x41b: {  	v32 =	vld [tilespmem:s31+$0x18020]  }
0x41c: {  	v33 =	vld [tilespmem:s31+$0x10020]  }
0x41d: {  	v34 =	vld [tilespmem:s31+$0x18030]  }
0x41e: {  	v35 =	vld [tilespmem:s31+$0x18040];
	v18 =	vmul.f32 v19, v18;
	v19 =	vbroadcast v20, $0x1  }
0x41f: {  	v20 =	vld [tilespmem:s31+$0x10030]  }
0x420: {  	v37 =	vld [tilespmem:s31+$0x10040];
	v36 =	vbroadcast v32, $0x2;
	v18 =	vadd.f32 $0.0e+00, v18;
	v19 =	vmul.f32 v31, v19  }
0x421: {  	v38 =	vld [tilespmem:s31+$0x18050]  }
0x422: {  	v40 =	vld [tilespmem:s31+$0x10050];
	v39 =	vbroadcast v34, $0x3;
	v18 =	vadd.f32 v19, v18;
	v19 =	vmul.f32 v33, v36  }
0x423: {  	v41 =	vld [tilespmem:s31+$0x18060]  }
0x424: {  	v42 =	vld [tilespmem:s31+$0x10060];
	v18 =	vadd.f32 v19, v18;
	v19 =	vmul.f32 v20, v39;
	v20 =	vbroadcast v35, $0x4  }
0x425: {  	v43 =	vld [tilespmem:s31+$0x18070]  }
0x426: {  	v44 =	vld [tilespmem:s31+$0x10070];
	v18 =	vadd.f32 v19, v18;
	v19 =	vmul.f32 v37, v20;
	v20 =	vbroadcast v38, $0x5  }
0x427: {  	v45 =	vld [tilespmem:s31+$0x18080]  }
0x428: {  	v46 =	vld [tilespmem:s31+$0x10080];
	v18 =	vadd.f32 v19, v18;
	v19 =	vmul.f32 v40, v20;
	v20 =	vbroadcast v41, $0x6  }
0x429: {  	v47 =	vld [tilespmem:s31+$0x18090]  }
0x42a: {  	v48 =	vld [tilespmem:s31+$0x10090];
	v18 =	vadd.f32 v19, v18;
	v19 =	vmul.f32 v42, v20;
	v20 =	vbroadcast v43, $0x7  }
0x42b: {  	v49 =	vld [tilespmem:s31+$0x180A0]  }
0x42c: {  	v50 =	vld [tilespmem:s31+$0x100A0];
	v18 =	vadd.f32 v19, v18;
	v19 =	vmul.f32 v44, v20;
	v20 =	vbroadcast v45, $0x8  }
0x42d: {  	v51 =	vld [tilespmem:s31+$0x180B0]  }
0x42e: {  	v52 =	vld [tilespmem:s31+$0x100B0];
	v18 =	vadd.f32 v19, v18;
	v19 =	vmul.f32 v46, v20;
	v20 =	vbroadcast v47, $0x9  }
0x42f: {  	v53 =	vld [tilespmem:s31+$0x180C0]  }
0x430: {  	v54 =	vld [tilespmem:s31+$0x100C0];
	v18 =	vadd.f32 v19, v18;
	v19 =	vmul.f32 v48, v20;
	v20 =	vbroadcast v49, $0xA  }
0x431: {  	v55 =	vld [tilespmem:s31+$0x180D0]  }
0x432: {  	v56 =	vld [tilespmem:s31+$0x100D0];
	v18 =	vadd.f32 v19, v18;
	v19 =	vmul.f32 v50, v20;
	v20 =	vbroadcast v51, $0xB  }
0x433: {  	v57 =	vld [tilespmem:s31+$0x180E0]  }
0x434: {  	s25 =	simm.s32 $0x40;
	v58 =	vld [tilespmem:s31+$0x100E0];
	v18 =	vadd.f32 v19, v18;
	v19 =	vmul.f32 v52, v20;
	v20 =	vbroadcast v53, $0xC  }
0x435: {  	v59 =	vld [tilespmem:s31+$0x180F0];
	v60 =	vmov s25  }
0x436: {  	v18 =	vadd.f32 v19, v18;
	v19 =	vmul.f32 v54, v20;
	v20 =	vbroadcast v55, $0xD  }
0x437: {  	v61 =	vld [tilespmem:s31+$0x100F0];
	v62 =	vand.u32 $0x7F, v60  }
0x438: {  	v18 =	vadd.f32 v19, v18;
	v19 =	vmul.f32 v56, v20;
	v20 =	vbroadcast v57, $0xE  }
0x439: {  	v63 =	vbroadcast v62, $0x0  }
0x43a: {  	v18 =	vadd.f32 v19, v18;
	v19 =	vmul.f32 v58, v20;
	v20 =	vbroadcast v59, $0xF  }
0x43b: {  	v22 =	vor.u32 v17, v63  }
0x43c: {  	v18 =	vadd.f32 v19, v18;
	v19 =	vmul.f32 v61, v20;
	_ =	sdelay $0x1  }
0x43d: {  	v18 =	vadd.f32 v19, v18;
	_ =	sdelay $0x1  }
0x43e: {  	s26 =	simm.s32 $0x100;
	[tilespmem:v22+s19+$0x0] =	vst.idx.msk $0xffff, v18  }
0x43f: {  	s28 =	simm.s32 $0x800;
	v18 =	vld.msk [tilespmem:s26+$0x18000 ss:$0x0], $0xffff  }
.LBB2_9:
0x440: {  	p0 =	sne.s32 s28, $0xFC00;
	v19 =	vld [tilespmem:s26+$0x10000]  }
0x441: {  	v20 =	vld [tilespmem:s26+$0x18010]  }
0x442: {  	v21 =	vld [tilespmem:s26+$0x10010]  }
0x443: {  	v22 =	vld [tilespmem:s26+$0x18020]  }
0x444: {  	v23 =	vld [tilespmem:s26+$0x10020]  }
0x445: {  	v24 =	vld [tilespmem:s26+$0x18030]  }
0x446: {  	v18 =	vmul.f32 v19, v18;
	v19 =	vbroadcast v20, $0x1;
	v20 =	vld [tilespmem:s26+$0x10030]  }
0x447: {  	v25 =	vld [tilespmem:s26+$0x18040]  }
0x448: {  	v18 =	vadd.f32 $0.0e+00, v18;
	v19 =	vmul.f32 v21, v19;
	v21 =	vbroadcast v22, $0x2;
	v22 =	vld [tilespmem:s26+$0x10040]  }
0x449: {  	v26 =	vld [tilespmem:s26+$0x18050]  }
0x44a: {  	v18 =	vadd.f32 v19, v18;
	v19 =	vmul.f32 v23, v21;
	v21 =	vbroadcast v24, $0x3;
	v23 =	vld [tilespmem:s26+$0x10050]  }
0x44b: {  	v24 =	vld [tilespmem:s26+$0x18060]  }
0x44c: {  	v18 =	vadd.f32 v19, v18;
	v19 =	vmul.f32 v20, v21;
	v20 =	vbroadcast v25, $0x4;
	v21 =	vld [tilespmem:s26+$0x10060]  }
0x44d: {  	v25 =	vld [tilespmem:s26+$0x18070]  }
0x44e: {  	v18 =	vadd.f32 v19, v18;
	v19 =	vmul.f32 v22, v20;
	v20 =	vbroadcast v26, $0x5;
	v22 =	vld [tilespmem:s26+$0x10070]  }
0x44f: {  	v26 =	vld [tilespmem:s26+$0x18080]  }
0x450: {  	v18 =	vadd.f32 v19, v18;
	v19 =	vmul.f32 v23, v20;
	v20 =	vbroadcast v24, $0x6;
	v23 =	vld [tilespmem:s26+$0x10080]  }
0x451: {  	v24 =	vld [tilespmem:s26+$0x18090]  }
0x452: {  	v18 =	vadd.f32 v19, v18;
	v19 =	vmul.f32 v21, v20;
	v20 =	vbroadcast v25, $0x7;
	v21 =	vld [tilespmem:s26+$0x10090]  }
0x453: {  	v25 =	vld [tilespmem:s26+$0x180A0]  }
0x454: {  	v18 =	vadd.f32 v19, v18;
	v19 =	vmul.f32 v22, v20;
	v20 =	vbroadcast v26, $0x8;
	v22 =	vld [tilespmem:s26+$0x100A0]  }
0x455: {  	v26 =	vld [tilespmem:s26+$0x180B0]  }
0x456: {  	v18 =	vadd.f32 v19, v18;
	v19 =	vmul.f32 v23, v20;
	v20 =	vbroadcast v24, $0x9;
	v23 =	vld [tilespmem:s26+$0x100B0]  }
0x457: {  	v24 =	vld [tilespmem:s26+$0x180C0]  }
0x458: {  	v18 =	vadd.f32 v19, v18;
	v19 =	vmul.f32 v21, v20;
	v20 =	vbroadcast v25, $0xA;
	v21 =	vld [tilespmem:s26+$0x100C0]  }
0x459: {  	v25 =	vld [tilespmem:s26+$0x180D0]  }
0x45a: {  	v18 =	vadd.f32 v19, v18;
	v19 =	vmul.f32 v22, v20;
	v20 =	vbroadcast v26, $0xB;
	v22 =	vld [tilespmem:s26+$0x100D0]  }
0x45b: {  	v26 =	vld [tilespmem:s26+$0x180E0]  }
0x45c: {  	s25 =	sadd.s32 $0x1, s25;
	v18 =	vadd.f32 v19, v18;
	v19 =	vmul.f32 v23, v20;
	v20 =	vbroadcast v24, $0xC;
	v23 =	vld [tilespmem:s26+$0x100E0]  }
0x45d: {  	v27 =	vmov s25;
	v24 =	vld [tilespmem:s26+$0x180F0]  }
0x45e: {  	v18 =	vadd.f32 v19, v18;
	v19 =	vmul.f32 v21, v20;
	v20 =	vbroadcast v25, $0xD  }
0x45f: {  	v25 =	vand.u32 $0x7F, v27;
	v21 =	vld [tilespmem:s26+$0x100F0]  }
0x460: {  	v18 =	vadd.f32 v19, v18;
	v19 =	vmul.f32 v22, v20;
	v20 =	vbroadcast v26, $0xE  }
0x461: {  	v22 =	vbroadcast v25, $0x0  }
0x462: {  	v18 =	vadd.f32 v19, v18;
	v19 =	vmul.f32 v23, v20;
	v20 =	vbroadcast v24, $0xF  }
0x463: {  	v22 =	vor.u32 v17, v22  }
0x464: {  	v18 =	vadd.f32 v19, v18;
	v19 =	vmul.f32 v21, v20  }
.Ltmp3:
0x465: {  	(pc) =	sbr.rel @p0 .LBB2_9-.Ltmp3, $3  }
0x466: {  	v18 =	vadd.f32 v19, v18;
	_ =	sdelay $0x1  }
0x467: {  	s26 =	sshra.s32 s28, $0x2;
	[tilespmem:v22+s19+$0x0] =	vst.idx.msk $0xffff, v18  }
0x468: {  	s28 =	sadd.s32 $0x400, s28;
	v18 =	vld.msk [tilespmem:s26+$0x18000 ss:$0x0], $0xffff  }
0x469: {  	v19 =	vld [tilespmem:s26+$0x10000]  }
0x46a: {  	v20 =	vld [tilespmem:s26+$0x18010]  }
0x46b: {  	v21 =	vld [tilespmem:s26+$0x10010]  }
0x46c: {  	v22 =	vld [tilespmem:s26+$0x18020]  }
0x46d: {  	v23 =	vld [tilespmem:s26+$0x10020]  }
0x46e: {  	v24 =	vld [tilespmem:s26+$0x18030]  }
0x46f: {  	v61 =	vld [tilespmem:s26+$0x10030];
	v18 =	vmul.f32 v19, v18;
	v19 =	vbroadcast v20, $0x1  }
0x470: {  	v25 =	vld [tilespmem:s26+$0x18040]  }
0x471: {  	v63 =	vld [tilespmem:s26+$0x10040];
	v62 =	vbroadcast v22, $0x2;
	v18 =	vadd.f32 $0.0e+00, v18;
	v19 =	vmul.f32 v21, v19  }
0x472: {  	v26 =	vld [tilespmem:s26+$0x18050]  }
0x473: {  	v29 =	vld [tilespmem:s26+$0x10050];
	v28 =	vbroadcast v24, $0x3;
	v18 =	vadd.f32 v19, v18;
	v19 =	vmul.f32 v23, v62  }
0x474: {  	v30 =	vld [tilespmem:s26+$0x18060]  }
0x475: {  	v32 =	vld [tilespmem:s26+$0x10060];
	v31 =	vbroadcast v25, $0x4;
	v18 =	vadd.f32 v19, v18;
	v19 =	vmul.f32 v61, v28  }
0x476: {  	v33 =	vld [tilespmem:s26+$0x18070]  }
0x477: {  	v35 =	vld [tilespmem:s26+$0x10070];
	v34 =	vbroadcast v26, $0x5;
	v18 =	vadd.f32 v19, v18;
	v19 =	vmul.f32 v63, v31  }
0x478: {  	v36 =	vld [tilespmem:s26+$0x18080]  }
0x479: {  	v38 =	vld [tilespmem:s26+$0x10080];
	v37 =	vbroadcast v30, $0x6;
	v18 =	vadd.f32 v19, v18;
	v19 =	vmul.f32 v29, v34  }
0x47a: {  	v39 =	vld [tilespmem:s26+$0x18090]  }
0x47b: {  	v41 =	vld [tilespmem:s26+$0x10090];
	v40 =	vbroadcast v33, $0x7;
	v18 =	vadd.f32 v19, v18;
	v19 =	vmul.f32 v32, v37  }
0x47c: {  	v42 =	vld [tilespmem:s26+$0x180A0]  }
0x47d: {  	v44 =	vld [tilespmem:s26+$0x100A0];
	v43 =	vbroadcast v36, $0x8;
	v18 =	vadd.f32 v19, v18;
	v19 =	vmul.f32 v35, v40  }
0x47e: {  	v45 =	vld [tilespmem:s26+$0x180B0]  }
0x47f: {  	v47 =	vld [tilespmem:s26+$0x100B0];
	v46 =	vbroadcast v39, $0x9;
	v18 =	vadd.f32 v19, v18;
	v19 =	vmul.f32 v38, v43  }
0x480: {  	v48 =	vld [tilespmem:s26+$0x180C0]  }
0x481: {  	v50 =	vld [tilespmem:s26+$0x100C0];
	v49 =	vbroadcast v42, $0xA;
	v18 =	vadd.f32 v19, v18;
	v19 =	vmul.f32 v41, v46  }
0x482: {  	v51 =	vld [tilespmem:s26+$0x180D0]  }
0x483: {  	v53 =	vld [tilespmem:s26+$0x100D0];
	v52 =	vbroadcast v45, $0xB;
	v18 =	vadd.f32 v19, v18;
	v19 =	vmul.f32 v44, v49  }
0x484: {  	v54 =	vld [tilespmem:s26+$0x180E0]  }
0x485: {  	v56 =	vld [tilespmem:s26+$0x100E0];
	s25 =	sadd.s32 $0x1, s25;
	v55 =	vbroadcast v48, $0xC;
	v18 =	vadd.f32 v19, v18;
	v19 =	vmul.f32 v47, v52  }
0x486: {  	v57 =	vld [tilespmem:s26+$0x180F0];
	v27 =	vmov s25  }
0x487: {  	v58 =	vbroadcast v51, $0xD;
	v18 =	vadd.f32 v19, v18;
	v19 =	vmul.f32 v50, v55  }
0x488: {  	v59 =	vld [tilespmem:s26+$0x100F0];
	v60 =	vand.u32 $0x7F, v27  }
0x489: {  	v61 =	vbroadcast v54, $0xE;
	v18 =	vadd.f32 v19, v18;
	v19 =	vmul.f32 v53, v58  }
0x48a: {  	v62 =	vbroadcast v60, $0x0  }
0x48b: {  	v63 =	vbroadcast v57, $0xF;
	v18 =	vadd.f32 v19, v18;
	v19 =	vmul.f32 v56, v61  }
0x48c: {  	v17 =	vor.u32 v17, v62  }
0x48d: {  	v18 =	vadd.f32 v19, v18;
	v19 =	vmul.f32 v59, v63;
	_ =	sdelay $0x1  }
0x48e: {  	s31 =	sshll.u32 s24, $0x4;
	s24 =	sadd.s32 $0x1, s24;
	v18 =	vadd.f32 v19, v18  }
0x48f: {  	p0 =	sne.s32 s24, $0x10  }
.Ltmp4:
0x490: {  	s25 =	sadd.s32 s31, s7;
	[tilespmem:v17+s19+$0x0] =	vst.idx.msk $0xffff, v18;
	(pc) =	sbr.rel @p0 .LBB2_6-.Ltmp4, $4  }
0x491: {  	[hbm4b:s25+s22] =	stream.strided.scatter [tilespmem:s19], [sflag:$0x5], $0x800, s11, s22, $0x38;
	[tilespmem:$0x1C800] =	vst v63  }
0x492: {  	_ =	swait.ge [sflag:s13], $0x800  }
0x493: {  	[sflag:s13] =	ssyncset.done $0x0  }
0x494: {  	[sflag:s13] =	ssyncadd.s32 $0xFFFFF800  }
0x495: {  	s23 =	sadd.s32 $0x1, s23  }
0x496: {  	p0 =	sne.s32 s23, s8  }
.Ltmp5:
0x497: {  	_ = 	snop;
	(pc) =	sbr.rel @p0 .LBB2_1-.Ltmp5, $1  }
0x498: {  	_ =	sdelay $0x3  }
0x499: {  	_ =	sfence.sel $0x180000  }
0x49a: {  	[bflag:$0x0] =	sbarrier.arrive $0xFFFF  }
0x49b: {  	p0 =	sne.s32 s1, $0x0;
	_ =	strace $0x90000047  }
0x49c: {  	s0 =	sadd.s32 @!p0 $0x100000, s0;
	[bflag:$0x2] =	sbarrier.arrive $0xFFFF  }
0x49d: {  	[sflag:s0] =	ssyncadd.tile.s32 @!p0 $0x1;
	_ =	shalt  }
.Lfunc_end2:
_tile_overlayer_lowered:
.L_overlay_start_2:
0x49e: {  	(tag) =	ssettag $0x2  }
0x49f: {  	s0 =	rddreg [dreg:$0x0];
	s2 =	stileid.u32  }
0x4a0: {  	s1 =	rddreg [dreg:$0x1];
	p0 =	sne.s32 s2, $0x0  }
0x4a1: {  	s3 =	rddreg [dreg:$0x2];
	[bflag:$0x3] =	sbarrier.arrive $0xFFFF;
	s2 =	simm.s32 @!p0 $0x1C05  }
0x4a2: {  	[timem:s3], [sflag:s2] =	dma.local @!p0 [hbm:s0], s1  }
0x4a3: {  	s0 =	simm.s32 @!p0 $0x5  }
0x4a4: {  	_ =	swait.ge @!p0 [sflag:s0], s1  }
0x4a5: {  	s1 =	ssub.s32 @!p0 $0x0, s1;
	[sflag:s0] =	ssyncset.done @!p0 $0x0  }
0x4a6: {  	[sflag:s0] =	ssyncadd.s32 @!p0 s1  }
0x4a7: {  	[bflag:$0x3] =	sbarrier.arrive $0xFFFF  }
0x4a8: {  	_ =	shalt  }

</sc_bundles>
